<compile_context>
chip_gen: v7x
topology: tpu7x:2x2x1
jax: 0.10.2.dev20260603
libtpu: 0.0.44.dev20260713+nightly
codegen_flags: <defaults>
</compile_context>

<pallas_src>
import functools

import jax
import jax.numpy as jnp
from jax import lax
from jax.experimental import pallas as pl
from jax.experimental.pallas import tpu as pltpu
from jax.experimental.pallas import tpu_sc as plsc

N = 10000
E = 320000
D = 128

NSC = 2
NTILE = 16
NW = NSC * NTILE
LANES = 16

C = 128
B = 8
NBLK = 10
CHUNKS = NBLK * B
PER_TILE = CHUNKS * C
E_PAD = PER_TILE * NW
PER_SC_BLKS = NBLK

N_PAD = 10240
ROWS_OUT = N_PAD // NTILE

_mesh = plsc.VectorSubcoreMesh(core_axis_name="c", subcore_axis_name="s")


@functools.partial(
    pl.kernel,
    out_type=jax.ShapeDtypeStruct((NSC, N_PAD, D), jnp.float32),
    mesh=_mesh,
    scratch_types=[
        pltpu.VMEM((CHUNKS, C), jnp.int32),
        pltpu.VMEM((C, D), jnp.float32),
        pltpu.VMEM((LANES, D), jnp.float32),
        pltpu.VMEM_SHARED((N_PAD, D), jnp.float32),
    ],
)
def _deg_kernel(dst_hbm, out_hbm, dstv, ones_v, zbuf, deg_sp):
    c = lax.axis_index("c")
    s = lax.axis_index("s")
    w = c * NTILE + s

    pltpu.sync_copy(dst_hbm.at[w], dstv)

    one = jnp.ones((LANES,), jnp.float32)
    zero = jnp.zeros((LANES,), jnp.float32)

    def fill(i, _):
        for j in range(D // LANES):
            ones_v[i, pl.ds(j * LANES, LANES)] = one
        return 0

    lax.fori_loop(0, C, fill, 0)

    def zfill(i, _):
        for j in range(D // LANES):
            zbuf[i, pl.ds(j * LANES, LANES)] = zero
        return 0

    lax.fori_loop(0, LANES, zfill, 0)

    base = s * ROWS_OUT

    def zrow(j, _):
        pltpu.sync_copy(zbuf, deg_sp.at[pl.ds(base + j * LANES, LANES)])
        return 0

    lax.fori_loop(0, ROWS_OUT // LANES, zrow, 0)

    plsc.subcore_barrier()

    def body(k, _):
        pltpu.sync_copy(ones_v, deg_sp.at[dstv.at[k]], add=True)
        return 0

    lax.fori_loop(0, CHUNKS, body, 0)

    plsc.subcore_barrier()

    pltpu.sync_copy(deg_sp.at[pl.ds(base, ROWS_OUT)],
                    out_hbm.at[c, pl.ds(base, ROWS_OUT)])


@functools.partial(
    pl.kernel,
    out_type=jax.ShapeDtypeStruct((NSC, N_PAD, D), jnp.float32),
    mesh=_mesh,
    scratch_types=[
        pltpu.VMEM((B, C), jnp.int32),
        pltpu.VMEM((B, C), jnp.int32),
        pltpu.VMEM((B, C), jnp.int32),
        pltpu.VMEM((B, C), jnp.int32),
        pltpu.VMEM((C, D), jnp.float32),
        pltpu.VMEM((C, D), jnp.float32),
        pltpu.VMEM((LANES, D), jnp.float32),
        pltpu.SemaphoreType.DMA,
        pltpu.SemaphoreType.DMA,
        pltpu.SemaphoreType.DMA,
        pltpu.SemaphoreType.DMA,
        pltpu.VMEM_SHARED((N_PAD, D), jnp.float32),
    ],
)
def _agg_kernel(hs_hbm, src_hbm, dst_hbm, out_hbm,
                sblk0, sblk1, dblk0, dblk1, buf0, buf1, zbuf,
                semb0, semb1, semg0, semg1, acc_sp):
    c = lax.axis_index("c")
    s = lax.axis_index("s")

    sblk = (sblk0, sblk1)
    dblk = (dblk0, dblk1)
    semb = (semb0, semb1)
    bufs = (buf0, buf1)
    semg = (semg0, semg1)

    zero = jnp.zeros((LANES,), jnp.float32)

    def zfill(i, _):
        for j in range(D // LANES):
            zbuf[i, pl.ds(j * LANES, LANES)] = zero
        return 0

    lax.fori_loop(0, LANES, zfill, 0)

    base = s * ROWS_OUT

    def zrow(j, _):
        pltpu.sync_copy(zbuf, acc_sp.at[pl.ds(base + j * LANES, LANES)])
        return 0

    lax.fori_loop(0, ROWS_OUT // LANES, zrow, 0)

    plsc.subcore_barrier()

    w = c * NTILE + s

    def run(src_hbm, dst_hbm, nblk):
        def stage(blk, p):
            pltpu.async_copy(src_hbm.at[w, pl.ds(blk * B, B)], sblk[p],
                             semb[p])
            pltpu.async_copy(dst_hbm.at[w, pl.ds(blk * B, B)], dblk[p],
                             semb[p])

        def stage_wait(blk, p):
            pltpu.make_async_copy(src_hbm.at[w, pl.ds(blk * B, B)],
                                  sblk[p], semb[p]).wait()
            pltpu.make_async_copy(dst_hbm.at[w, pl.ds(blk * B, B)],
                                  dblk[p], semb[p]).wait()

        stage(0, 0)
        stage(1, 1)

        def outer(p, _):
            for off in (0, 1):
                blk = 2 * p + off
                sb, db = sblk[off], dblk[off]
                stage_wait(blk, off)
                pltpu.async_copy(hs_hbm.at[sb.at[0]], bufs[0], semg[0])
                for j in range(B):
                    if j + 1 < B:
                        pltpu.async_copy(hs_hbm.at[sb.at[j + 1]],
                                         bufs[(j + 1) % 2],
                                         semg[(j + 1) % 2])
                    pltpu.make_async_copy(hs_hbm.at[sb.at[j]], bufs[j % 2],
                                          semg[j % 2]).wait()
                    pltpu.sync_copy(bufs[j % 2], acc_sp.at[db.at[j]],
                                    add=True)

                @pl.when(blk + 2 < nblk)
                def _():
                    stage(blk + 2, off)
            return 0

        lax.fori_loop(0, nblk // 2, outer, 0)

    run(src_hbm, dst_hbm, NBLK)

    plsc.subcore_barrier()

    pltpu.sync_copy(acc_sp.at[pl.ds(base, ROWS_OUT)],
                    out_hbm.at[c, pl.ds(base, ROWS_OUT)])


def _pre_body(x_ref, w_ref, degp_ref, hs_ref, dinv_ref):
    deg = degp_ref[0][:N, 0:1] + degp_ref[1][:N, 0:1] + 1.0
    dinv = lax.rsqrt(deg)
    h = jnp.dot(x_ref[...], w_ref[...], preferred_element_type=jnp.float32)
    hs_ref[...] = h * dinv
    dinv_ref[...] = dinv


def _combine(accp_ref, hs_ref, dinv_ref, b_ref, g_ref, be_ref):
    acc = accp_ref[0][:N] + accp_ref[1][:N]
    z = dinv_ref[...] * (acc + hs_ref[...]) + b_ref[...]
    mu = jnp.mean(z, axis=-1, keepdims=True)
    zc = z - mu
    var = jnp.mean(zc * zc, axis=-1, keepdims=True)
    return zc * lax.rsqrt(var + 1e-5) * g_ref[...] + be_ref[...]


def _mid_body(accp_ref, hs_ref, dinv_ref, b_ref, g_ref, be_ref, w_ref,
              out_ref):
    z = jnp.maximum(_combine(accp_ref, hs_ref, dinv_ref, b_ref, g_ref,
                             be_ref), 0.0)
    h = jnp.dot(z, w_ref[...], preferred_element_type=jnp.float32)
    out_ref[...] = h * dinv_ref[...]


def _fin_body(accp_ref, hs_ref, dinv_ref, b_ref, g_ref, be_ref, out_ref):
    out_ref[...] = _combine(accp_ref, hs_ref, dinv_ref, b_ref, g_ref, be_ref)


_pre_call = pl.pallas_call(
    _pre_body,
    out_shape=[
        jax.ShapeDtypeStruct((N, D), jnp.float32),
        jax.ShapeDtypeStruct((N, 1), jnp.float32),
    ],
)

_mid_call = pl.pallas_call(
    _mid_body,
    out_shape=jax.ShapeDtypeStruct((N, D), jnp.float32),
)

_fin_call = pl.pallas_call(
    _fin_body,
    out_shape=jax.ShapeDtypeStruct((N, D), jnp.float32),
)


def kernel(x, edge_index, W1, b1, g1, beta1, W2, b2, g2, beta2,
           W3, b3, g3, beta3):
    src = edge_index[0]
    dst = edge_index[1]

    pad = E_PAD - E
    ar = jnp.arange(pad, dtype=jnp.int32)
    src_p = jnp.concatenate([src, ar % N])
    dst_p = jnp.concatenate([dst, N + ar % (N_PAD - N)])
    src_w = src_p.reshape(NW, CHUNKS, C)
    dst_w = dst_p.reshape(NW, CHUNKS, C)

    b1r, g1r, be1 = b1.reshape(1, D), g1.reshape(1, D), beta1.reshape(1, D)
    b2r, g2r, be2 = b2.reshape(1, D), g2.reshape(1, D), beta2.reshape(1, D)
    b3r, g3r, be3 = b3.reshape(1, D), g3.reshape(1, D), beta3.reshape(1, D)

    degp = _deg_kernel(dst_w)
    hs, dinv = _pre_call(x, W1, degp)
    accp = _agg_kernel(hs, src_w, dst_w)
    hs = _mid_call(accp, hs, dinv, b1r, g1r, be1, W2)
    accp = _agg_kernel(hs, src_w, dst_w)
    hs = _mid_call(accp, hs, dinv, b2r, g2r, be2, W3)
    accp = _agg_kernel(hs, src_w, dst_w)
    return _fin_call(accp, hs, dinv, b3r, g3r, be3)

# --- scband reference (transcript-rebuilt; emitter-appended) ---
"""Pipeline reference for scband-gcnencoder-37263136260510 (READ-ONLY COPY).

The authoritative reference and input builder live on the scoring server;
editing this copy changes nothing except your own understanding.
"""

import jax, jax.numpy as jnp
import numpy as np

N = 10000
E = 320000
D = 128


def setup_inputs(seed: int = 0) -> dict:
    key = jax.random.key(seed)
    ks = jax.random.split(key, 8)
    inp = {}
    inp["x"] = jax.random.normal(ks[0], (N, D), dtype=jnp.float32)
    inp["edge_index"] = jax.random.randint(ks[1], (2, E), 0, N, dtype=jnp.int32)
    for i in range(3):
        inp[f"W{i+1}"] = jax.random.normal(ks[2 + i], (D, D), dtype=jnp.float32) * 0.05
        inp[f"b{i+1}"] = jnp.zeros((D,), dtype=jnp.float32)
        inp[f"g{i+1}"] = jnp.ones((D,), dtype=jnp.float32)
        inp[f"beta{i+1}"] = jnp.zeros((D,), dtype=jnp.float32)
    return inp


def _gcn_conv(x, src, dst, W, b, n):
    # GCNConv: h = D^{-1/2} (A + I) D^{-1/2} (x W) + b  (self loops added by caller)
    h = x @ W
    ones = jnp.ones((src.shape[0],), dtype=x.dtype)
    deg = jax.ops.segment_sum(ones, dst, num_segments=n)
    dinv = jnp.where(deg > 0, jax.lax.rsqrt(jnp.maximum(deg, 1e-12)), 0.0)
    norm = dinv[src] * dinv[dst]
    msg = h[src] * norm[:, None]
    out = jax.ops.segment_sum(msg, dst, num_segments=n)
    return out + b


def _layer_norm(x, g, b, eps=1e-5):
    mu = jnp.mean(x, axis=-1, keepdims=True)
    var = jnp.var(x, axis=-1, keepdims=True)
    return (x - mu) * jax.lax.rsqrt(var + eps) * g + b


def reference(x, edge_index, W1, b1, g1, beta1, W2, b2, g2, beta2, W3, b3, g3, beta3):
    n = x.shape[0]
    loop = jnp.arange(n, dtype=edge_index.dtype)
    src = jnp.concatenate([edge_index[0], loop])
    dst = jnp.concatenate([edge_index[1], loop])
    h = _gcn_conv(x, src, dst, W1, b1, n)
    h = _layer_norm(h, g1, beta1)
    h = jax.nn.relu(h)  # dropout is identity in eval mode
    h = _gcn_conv(h, src, dst, W2, b2, n)
    h = _layer_norm(h, g2, beta2)
    h = jax.nn.relu(h)
    h = _gcn_conv(h, src, dst, W3, b3, n)
    h = _layer_norm(h, g3, beta3)
    return h

if __name__ == "__main__":
    import jax
    _d = setup_inputs()
    print(jax.jit(kernel)(*tuple(_d.values())))

</pallas_src>

<mosaic_0001>
#map = affine_map<(d0, d1) -> (0, 0)>
#map1 = affine_map<(d0, d1) -> (0, 0, 0)>
module attributes {stable_mosaic.version = 14 : i64} {
  func.func @_agg_kernel(%arg0: i32, %arg1: i32, %arg2: memref<10000x128xf32, #tpu.memory_space<hbm>>, %arg3: memref<32x80x128xi32, #tpu.memory_space<hbm>>, %arg4: memref<32x80x128xi32, #tpu.memory_space<hbm>>, %arg5: memref<2x10240x128xf32, #tpu.memory_space<hbm>>, %arg6: memref<8x128xi32, #tpu.memory_space<vmem>>, %arg7: memref<8x128xi32, #tpu.memory_space<vmem>>, %arg8: memref<8x128xi32, #tpu.memory_space<vmem>>, %arg9: memref<8x128xi32, #tpu.memory_space<vmem>>, %arg10: memref<128x128xf32, #tpu.memory_space<vmem>>, %arg11: memref<128x128xf32, #tpu.memory_space<vmem>>, %arg12: memref<16x128xf32, #tpu.memory_space<vmem>>, %arg13: memref<!tpu.dma_semaphore, #tpu.memory_space<semaphore_mem>>, %arg14: memref<!tpu.dma_semaphore, #tpu.memory_space<semaphore_mem>>, %arg15: memref<!tpu.dma_semaphore, #tpu.memory_space<semaphore_mem>>, %arg16: memref<!tpu.dma_semaphore, #tpu.memory_space<semaphore_mem>>, %arg17: memref<10240x128xf32, #tpu.memory_space<vmem_shared>>) attributes {dimension_semantics = [#tpu.dimension_semantics<core_parallel>, #tpu.dimension_semantics<subcore_parallel>], iteration_bounds = array<i64: 2, 16>, scalar_prefetch = 0 : i64, scratch_operands = 12 : i64, tpu.core_type = #tpu.core_type<sc_vector_subcore>, window_params = [{transform_indices = #map}, {transform_indices = #map1}, {transform_indices = #map1}, {transform_indices = #map1}]} {
    %broadcast_in_dim3A = arith.constant 0.000000e+00 : f32
    %broadcast_in_dim3A_0 = vector.broadcast %broadcast_in_dim3A : f32 to vector<16xf32>
    %scan3A = arith.constant 0 : i32
    %scan3A_1 = arith.constant 0 : i32
    %scan3A_2 = arith.constant 16 : i32
    %scan3A_3 = arith.addi %scan3A_1, %scan3A_2 : i32
    %scan3A_4 = arith.constant 1 : i32
    %scan3A_5 = scf.for %scan3A_56 = %scan3A_1 to %scan3A_3 step %scan3A_4 iter_args(%scan3A_57 = %scan3A) -> (i32)  : i32 {
      %swap3A = arith.index_cast %scan3A_56 : i32 to index
      %swap3A_58 = arith.constant 0 : index
      %swap3A_59 = tpu.vector_load %arg12[%swap3A, %swap3A_58] {strides = array<i32>} : memref<16x128xf32, #tpu.memory_space<vmem>>, vector<1x16xf32>,
      %swap3A_60 = vector.shape_cast %swap3A_59 : vector<1x16xf32> to vector<16xf32>
      %swap3A_61 = vector.shape_cast %broadcast_in_dim3A_0 : vector<16xf32> to vector<1x16xf32>
      tpu.vector_store %arg12[%swap3A, %swap3A_58], %swap3A_61 {strides = array<i32>} : memref<16x128xf32, #tpu.memory_space<vmem>>, vector<1x16xf32>,
      %swap3A_62 = arith.index_cast %scan3A_56 : i32 to index
      %swap3A_63 = arith.constant 16 : index
      %swap3A_64 = tpu.vector_load %arg12[%swap3A_62, %swap3A_63] {strides = array<i32>} : memref<16x128xf32, #tpu.memory_space<vmem>>, vector<1x16xf32>,
      %swap3A_65 = vector.shape_cast %swap3A_64 : vector<1x16xf32> to vector<16xf32>
      %swap3A_66 = vector.shape_cast %broadcast_in_dim3A_0 : vector<16xf32> to vector<1x16xf32>
      tpu.vector_store %arg12[%swap3A_62, %swap3A_63], %swap3A_66 {strides = array<i32>} : memref<16x128xf32, #tpu.memory_space<vmem>>, vector<1x16xf32>,
      %swap3A_67 = arith.index_cast %scan3A_56 : i32 to index
      %swap3A_68 = arith.constant 32 : index
      %swap3A_69 = tpu.vector_load %arg12[%swap3A_67, %swap3A_68] {strides = array<i32>} : memref<16x128xf32, #tpu.memory_space<vmem>>, vector<1x16xf32>,
      %swap3A_70 = vector.shape_cast %swap3A_69 : vector<1x16xf32> to vector<16xf32>
      %swap3A_71 = vector.shape_cast %broadcast_in_dim3A_0 : vector<16xf32> to vector<1x16xf32>
      tpu.vector_store %arg12[%swap3A_67, %swap3A_68], %swap3A_71 {strides = array<i32>} : memref<16x128xf32, #tpu.memory_space<vmem>>, vector<1x16xf32>,
      %swap3A_72 = arith.index_cast %scan3A_56 : i32 to index
      %swap3A_73 = arith.constant 48 : index
      %swap3A_74 = tpu.vector_load %arg12[%swap3A_72, %swap3A_73] {strides = array<i32>} : memref<16x128xf32, #tpu.memory_space<vmem>>, vector<1x16xf32>,
      %swap3A_75 = vector.shape_cast %swap3A_74 : vector<1x16xf32> to vector<16xf32>
      %swap3A_76 = vector.shape_cast %broadcast_in_dim3A_0 : vector<16xf32> to vector<1x16xf32>
      tpu.vector_store %arg12[%swap3A_72, %swap3A_73], %swap3A_76 {strides = array<i32>} : memref<16x128xf32, #tpu.memory_space<vmem>>, vector<1x16xf32>,
      %swap3A_77 = arith.index_cast %scan3A_56 : i32 to index
      %swap3A_78 = arith.constant 64 : index
      %swap3A_79 = tpu.vector_load %arg12[%swap3A_77, %swap3A_78] {strides = array<i32>} : memref<16x128xf32, #tpu.memory_space<vmem>>, vector<1x16xf32>,
      %swap3A_80 = vector.shape_cast %swap3A_79 : vector<1x16xf32> to vector<16xf32>
      %swap3A_81 = vector.shape_cast %broadcast_in_dim3A_0 : vector<16xf32> to vector<1x16xf32>
      tpu.vector_store %arg12[%swap3A_77, %swap3A_78], %swap3A_81 {strides = array<i32>} : memref<16x128xf32, #tpu.memory_space<vmem>>, vector<1x16xf32>,
      %swap3A_82 = arith.index_cast %scan3A_56 : i32 to index
      %swap3A_83 = arith.constant 80 : index
      %swap3A_84 = tpu.vector_load %arg12[%swap3A_82, %swap3A_83] {strides = array<i32>} : memref<16x128xf32, #tpu.memory_space<vmem>>, vector<1x16xf32>,
      %swap3A_85 = vector.shape_cast %swap3A_84 : vector<1x16xf32> to vector<16xf32>
      %swap3A_86 = vector.shape_cast %broadcast_in_dim3A_0 : vector<16xf32> to vector<1x16xf32>
      tpu.vector_store %arg12[%swap3A_82, %swap3A_83], %swap3A_86 {strides = array<i32>} : memref<16x128xf32, #tpu.memory_space<vmem>>, vector<1x16xf32>,
      %swap3A_87 = arith.index_cast %scan3A_56 : i32 to index
      %swap3A_88 = arith.constant 96 : index
      %swap3A_89 = tpu.vector_load %arg12[%swap3A_87, %swap3A_88] {strides = array<i32>} : memref<16x128xf32, #tpu.memory_space<vmem>>, vector<1x16xf32>,
      %swap3A_90 = vector.shape_cast %swap3A_89 : vector<1x16xf32> to vector<16xf32>
      %swap3A_91 = vector.shape_cast %broadcast_in_dim3A_0 : vector<16xf32> to vector<1x16xf32>
      tpu.vector_store %arg12[%swap3A_87, %swap3A_88], %swap3A_91 {strides = array<i32>} : memref<16x128xf32, #tpu.memory_space<vmem>>, vector<1x16xf32>,
      %swap3A_92 = arith.index_cast %scan3A_56 : i32 to index
      %swap3A_93 = arith.constant 112 : index
      %swap3A_94 = tpu.vector_load %arg12[%swap3A_92, %swap3A_93] {strides = array<i32>} : memref<16x128xf32, #tpu.memory_space<vmem>>, vector<1x16xf32>,
      %swap3A_95 = vector.shape_cast %swap3A_94 : vector<1x16xf32> to vector<16xf32>
      %swap3A_96 = vector.shape_cast %broadcast_in_dim3A_0 : vector<16xf32> to vector<1x16xf32>
      tpu.vector_store %arg12[%swap3A_92, %swap3A_93], %swap3A_96 {strides = array<i32>} : memref<16x128xf32, #tpu.memory_space<vmem>>, vector<1x16xf32>,
      %scan3A_97 = arith.constant 0 : i32
      scf.yield %scan3A_97 : i32
    }
    %scan3A_6 = arith.constant 16 : i32
    %mul3A = arith.constant 640 : i32
    %mul3A_7 = arith.muli %arg1, %mul3A : i32
    %scan3A_8 = arith.constant 0 : i32
    %scan3A_9 = arith.constant 0 : i32
    %scan3A_10 = arith.constant 40 : i32
    %scan3A_11 = arith.addi %scan3A_9, %scan3A_10 : i32
    %scan3A_12 = arith.constant 1 : i32
    %scan3A_13 = scf.for %scan3A_56 = %scan3A_9 to %scan3A_11 step %scan3A_12 iter_args(%scan3A_57 = %scan3A_8) -> (i32)  : i32 {
      %mul3A_58 = arith.constant 16 : i32
      %mul3A_59 = arith.muli %scan3A_56, %mul3A_58 : i32
      %add3A_60 = arith.addi %mul3A_7, %mul3A_59 : i32
      "tpu.region"() ({
        %run_scoped3A = tpu.sem_alloc : memref<!tpu.dma_semaphore, #tpu.memory_space<semaphore_mem>>
        %dma_start3A_62 = arith.constant 0 : i32
        %dma_start3A_63 = tpu.memref_slice %arg17[%add3A_60, %dma_start3A_62] : memref<10240x128xf32, #tpu.memory_space<vmem_shared>> -> memref<16x128xf32, #tpu.memory_space<vmem_shared>>
        %dma_start3A_64 = arith.constant 0 : i32
        %dma_start3A_65 = tpu.memref_slice %arg17[%add3A_60, %dma_start3A_64] : memref<10240x128xf32, #tpu.memory_space<vmem_shared>> -> memref<16x128xf32, #tpu.memory_space<vmem_shared>>
        tpu.enqueue_dma source(%arg12 : memref<16x128xf32, #tpu.memory_space<vmem>>) target(%dma_start3A_65 : memref<16x128xf32, #tpu.memory_space<vmem_shared>>) target_semaphore(%run_scoped3A : memref<!tpu.dma_semaphore, #tpu.memory_space<semaphore_mem>>)
        %dma_wait3A = arith.constant 0 : i32
        %dma_wait3A_66 = tpu.memref_slice %arg17[%add3A_60, %dma_wait3A] : memref<10240x128xf32, #tpu.memory_space<vmem_shared>> -> memref<16x128xf32, #tpu.memory_space<vmem_shared>>
        %dma_wait3A_67 = arith.constant 0 : i32
        %dma_wait3A_68 = tpu.memref_slice %arg17[%add3A_60, %dma_wait3A_67] : memref<10240x128xf32, #tpu.memory_space<vmem_shared>> -> memref<16x128xf32, #tpu.memory_space<vmem_shared>>
        tpu.wait_dma2 semaphore(%run_scoped3A : memref<!tpu.dma_semaphore, #tpu.memory_space<semaphore_mem>>) src(%arg12 : memref<16x128xf32, #tpu.memory_space<vmem>>) dst(%dma_wait3A_68 : memref<16x128xf32, #tpu.memory_space<vmem_shared>>)
        tpu.yield
      }) : () -> ()
      %scan3A_61 = arith.constant 0 : i32
      scf.yield %scan3A_61 : i32
    }
    %scan3A_14 = arith.constant 40 : i32
    %barrier3A = arith.constant 0 : index
    tpu.barrier barrier_id(%barrier3A)
    %mul3A_15 = arith.constant 16 : i32
    %mul3A_16 = arith.muli %arg0, %mul3A_15 : i32
    %add3A = arith.addi %mul3A_16, %arg1 : i32
    %dma_start3A = arith.constant 0 : i32
    %dma_start3A_17 = arith.constant 0 : i32
    %dma_start3A_18 = tpu.memref_slice %arg3[%add3A, %dma_start3A, %dma_start3A_17] : memref<32x80x128xi32, #tpu.memory_space<hbm>> -> memref<1x8x128xi32, #tpu.memory_space<hbm>>
    %dma_start3A_19 = tpu.memref_squeeze %dma_start3A_18 : memref<1x8x128xi32, #tpu.memory_space<hbm>> -> memref<8x128xi32, #tpu.memory_space<hbm>>
    %dma_start3A_20 = arith.constant 0 : i32
    %dma_start3A_21 = arith.constant 0 : i32
    %dma_start3A_22 = tpu.memref_slice %arg3[%add3A, %dma_start3A_20, %dma_start3A_21] : memref<32x80x128xi32, #tpu.memory_space<hbm>> -> memref<1x8x128xi32, #tpu.memory_space<hbm>>
    %dma_start3A_23 = tpu.memref_squeeze %dma_start3A_22 : memref<1x8x128xi32, #tpu.memory_space<hbm>> -> memref<8x128xi32, #tpu.memory_space<hbm>>
    tpu.enqueue_dma source(%dma_start3A_23 : memref<8x128xi32, #tpu.memory_space<hbm>>) target(%arg6 : memref<8x128xi32, #tpu.memory_space<vmem>>) target_semaphore(%arg13 : memref<!tpu.dma_semaphore, #tpu.memory_space<semaphore_mem>>)
    %dma_start3A_24 = arith.constant 0 : i32
    %dma_start3A_25 = arith.constant 0 : i32
    %dma_start3A_26 = tpu.memref_slice %arg4[%add3A, %dma_start3A_24, %dma_start3A_25] : memref<32x80x128xi32, #tpu.memory_space<hbm>> -> memref<1x8x128xi32, #tpu.memory_space<hbm>>
    %dma_start3A_27 = tpu.memref_squeeze %dma_start3A_26 : memref<1x8x128xi32, #tpu.memory_space<hbm>> -> memref<8x128xi32, #tpu.memory_space<hbm>>
    %dma_start3A_28 = arith.constant 0 : i32
    %dma_start3A_29 = arith.constant 0 : i32
    %dma_start3A_30 = tpu.memref_slice %arg4[%add3A, %dma_start3A_28, %dma_start3A_29] : memref<32x80x128xi32, #tpu.memory_space<hbm>> -> memref<1x8x128xi32, #tpu.memory_space<hbm>>
    %dma_start3A_31 = tpu.memref_squeeze %dma_start3A_30 : memref<1x8x128xi32, #tpu.memory_space<hbm>> -> memref<8x128xi32, #tpu.memory_space<hbm>>
    tpu.enqueue_dma source(%dma_start3A_31 : memref<8x128xi32, #tpu.memory_space<hbm>>) target(%arg8 : memref<8x128xi32, #tpu.memory_space<vmem>>) target_semaphore(%arg13 : memref<!tpu.dma_semaphore, #tpu.memory_space<semaphore_mem>>)
    %dma_start3A_32 = arith.constant 8 : i32
    %dma_start3A_33 = arith.constant 0 : i32
    %dma_start3A_34 = tpu.memref_slice %arg3[%add3A, %dma_start3A_32, %dma_start3A_33] : memref<32x80x128xi32, #tpu.memory_space<hbm>> -> memref<1x8x128xi32, #tpu.memory_space<hbm>>
    %dma_start3A_35 = tpu.memref_squeeze %dma_start3A_34 : memref<1x8x128xi32, #tpu.memory_space<hbm>> -> memref<8x128xi32, #tpu.memory_space<hbm>>
    %dma_start3A_36 = arith.constant 8 : i32
    %dma_start3A_37 = arith.constant 0 : i32
    %dma_start3A_38 = tpu.memref_slice %arg3[%add3A, %dma_start3A_36, %dma_start3A_37] : memref<32x80x128xi32, #tpu.memory_space<hbm>> -> memref<1x8x128xi32, #tpu.memory_space<hbm>>
    %dma_start3A_39 = tpu.memref_squeeze %dma_start3A_38 : memref<1x8x128xi32, #tpu.memory_space<hbm>> -> memref<8x128xi32, #tpu.memory_space<hbm>>
    tpu.enqueue_dma source(%dma_start3A_39 : memref<8x128xi32, #tpu.memory_space<hbm>>) target(%arg7 : memref<8x128xi32, #tpu.memory_space<vmem>>) target_semaphore(%arg14 : memref<!tpu.dma_semaphore, #tpu.memory_space<semaphore_mem>>)
    %dma_start3A_40 = arith.constant 8 : i32
    %dma_start3A_41 = arith.constant 0 : i32
    %dma_start3A_42 = tpu.memref_slice %arg4[%add3A, %dma_start3A_40, %dma_start3A_41] : memref<32x80x128xi32, #tpu.memory_space<hbm>> -> memref<1x8x128xi32, #tpu.memory_space<hbm>>
    %dma_start3A_43 = tpu.memref_squeeze %dma_start3A_42 : memref<1x8x128xi32, #tpu.memory_space<hbm>> -> memref<8x128xi32, #tpu.memory_space<hbm>>
    %dma_start3A_44 = arith.constant 8 : i32
    %dma_start3A_45 = arith.constant 0 : i32
    %dma_start3A_46 = tpu.memref_slice %arg4[%add3A, %dma_start3A_44, %dma_start3A_45] : memref<32x80x128xi32, #tpu.memory_space<hbm>> -> memref<1x8x128xi32, #tpu.memory_space<hbm>>
    %dma_start3A_47 = tpu.memref_squeeze %dma_start3A_46 : memref<1x8x128xi32, #tpu.memory_space<hbm>> -> memref<8x128xi32, #tpu.memory_space<hbm>>
    tpu.enqueue_dma source(%dma_start3A_47 : memref<8x128xi32, #tpu.memory_space<hbm>>) target(%arg9 : memref<8x128xi32, #tpu.memory_space<vmem>>) target_semaphore(%arg14 : memref<!tpu.dma_semaphore, #tpu.memory_space<semaphore_mem>>)
    %scan3A_48 = arith.constant 0 : i32
    %scan3A_49 = arith.constant 0 : i32
    %scan3A_50 = arith.constant 5 : i32
    %scan3A_51 = arith.addi %scan3A_49, %scan3A_50 : i32
    %scan3A_52 = arith.constant 1 : i32
    %scan3A_53 = scf.for %scan3A_56 = %scan3A_49 to %scan3A_51 step %scan3A_52 iter_args(%scan3A_57 = %scan3A_48) -> (i32)  : i32 {
      %mul3A_58 = arith.constant 2 : i32
      %mul3A_59 = arith.muli %mul3A_58, %scan3A_56 : i32
      %add3A_60 = arith.constant 0 : i32
      %add3A_61 = arith.addi %mul3A_59, %add3A_60 : i32
      %mul3A_62 = arith.constant 8 : i32
      %mul3A_63 = arith.muli %add3A_61, %mul3A_62 : i32
      %dma_wait3A = arith.constant 0 : i32
      %dma_wait3A_64 = tpu.memref_slice %arg3[%add3A, %mul3A_63, %dma_wait3A] : memref<32x80x128xi32, #tpu.memory_space<hbm>> -> memref<1x8x128xi32, #tpu.memory_space<hbm>>
      %dma_wait3A_65 = tpu.memref_squeeze %dma_wait3A_64 : memref<1x8x128xi32, #tpu.memory_space<hbm>> -> memref<8x128xi32, #tpu.memory_space<hbm>>
      %dma_wait3A_66 = arith.constant 0 : i32
      %dma_wait3A_67 = tpu.memref_slice %arg3[%add3A, %mul3A_63, %dma_wait3A_66] : memref<32x80x128xi32, #tpu.memory_space<hbm>> -> memref<1x8x128xi32, #tpu.memory_space<hbm>>
      %dma_wait3A_68 = tpu.memref_squeeze %dma_wait3A_67 : memref<1x8x128xi32, #tpu.memory_space<hbm>> -> memref<8x128xi32, #tpu.memory_space<hbm>>
      tpu.wait_dma2 semaphore(%arg13 : memref<!tpu.dma_semaphore, #tpu.memory_space<semaphore_mem>>) src(%dma_wait3A_68 : memref<8x128xi32, #tpu.memory_space<hbm>>) dst(%arg6 : memref<8x128xi32, #tpu.memory_space<vmem>>)
      %mul3A_69 = arith.constant 8 : i32
      %mul3A_70 = arith.muli %add3A_61, %mul3A_69 : i32
      %dma_wait3A_71 = arith.constant 0 : i32
      %dma_wait3A_72 = tpu.memref_slice %arg4[%add3A, %mul3A_70, %dma_wait3A_71] : memref<32x80x128xi32, #tpu.memory_space<hbm>> -> memref<1x8x128xi32, #tpu.memory_space<hbm>>
      %dma_wait3A_73 = tpu.memref_squeeze %dma_wait3A_72 : memref<1x8x128xi32, #tpu.memory_space<hbm>> -> memref<8x128xi32, #tpu.memory_space<hbm>>
      %dma_wait3A_74 = arith.constant 0 : i32
      %dma_wait3A_75 = tpu.memref_slice %arg4[%add3A, %mul3A_70, %dma_wait3A_74] : memref<32x80x128xi32, #tpu.memory_space<hbm>> -> memref<1x8x128xi32, #tpu.memory_space<hbm>>
      %dma_wait3A_76 = tpu.memref_squeeze %dma_wait3A_75 : memref<1x8x128xi32, #tpu.memory_space<hbm>> -> memref<8x128xi32, #tpu.memory_space<hbm>>
      tpu.wait_dma2 semaphore(%arg13 : memref<!tpu.dma_semaphore, #tpu.memory_space<semaphore_mem>>) src(%dma_wait3A_76 : memref<8x128xi32, #tpu.memory_space<hbm>>) dst(%arg8 : memref<8x128xi32, #tpu.memory_space<vmem>>)
      %dma_start3A_77 = arith.constant 0 : i32
      %dma_start3A_78 = arith.constant 0 : i32
      %dma_start3A_79 = tpu.memref_slice %arg6[%dma_start3A_77, %dma_start3A_78] : memref<8x128xi32, #tpu.memory_space<vmem>> -> memref<1x128xi32, #tpu.memory_space<vmem>>
      %dma_start3A_80 = tpu.memref_squeeze %dma_start3A_79 : memref<1x128xi32, #tpu.memory_space<vmem>> -> memref<128xi32, #tpu.memory_space<vmem>>
      %dma_start3A_81 = arith.constant 0 : i32
      %dma_start3A_82 = arith.constant 0 : i32
      %dma_start3A_83 = tpu.memref_slice %arg2[%dma_start3A_81, %dma_start3A_82] : memref<10000x128xf32, #tpu.memory_space<hbm>> -> memref<10000x128xf32, #tpu.memory_space<hbm>>
      tpu.enqueue_indirect_dma source(%dma_start3A_83 : memref<10000x128xf32, #tpu.memory_space<hbm>>) target(%arg10 : memref<128x128xf32, #tpu.memory_space<vmem>>) offsets(%dma_start3A_80 : memref<128xi32, #tpu.memory_space<vmem>>) semaphore(%arg15 : memref<!tpu.dma_semaphore, #tpu.memory_space<semaphore_mem>>)
      %dma_start3A_84 = arith.constant 1 : i32
      %dma_start3A_85 = arith.constant 0 : i32
      %dma_start3A_86 = tpu.memref_slice %arg6[%dma_start3A_84, %dma_start3A_85] : memref<8x128xi32, #tpu.memory_space<vmem>> -> memref<1x128xi32, #tpu.memory_space<vmem>>
      %dma_start3A_87 = tpu.memref_squeeze %dma_start3A_86 : memref<1x128xi32, #tpu.memory_space<vmem>> -> memref<128xi32, #tpu.memory_space<vmem>>
      %dma_start3A_88 = arith.constant 0 : i32
      %dma_start3A_89 = arith.constant 0 : i32
      %dma_start3A_90 = tpu.memref_slice %arg2[%dma_start3A_88, %dma_start3A_89] : memref<10000x128xf32, #tpu.memory_space<hbm>> -> memref<10000x128xf32, #tpu.memory_space<hbm>>
      tpu.enqueue_indirect_dma source(%dma_start3A_90 : memref<10000x128xf32, #tpu.memory_space<hbm>>) target(%arg11 : memref<128x128xf32, #tpu.memory_space<vmem>>) offsets(%dma_start3A_87 : memref<128xi32, #tpu.memory_space<vmem>>) semaphore(%arg16 : memref<!tpu.dma_semaphore, #tpu.memory_space<semaphore_mem>>)
      %dma_wait3A_91 = arith.constant 0 : i32
      %dma_wait3A_92 = arith.constant 0 : i32
      %dma_wait3A_93 = tpu.memref_slice %arg6[%dma_wait3A_91, %dma_wait3A_92] : memref<8x128xi32, #tpu.memory_space<vmem>> -> memref<1x128xi32, #tpu.memory_space<vmem>>
      %dma_wait3A_94 = tpu.memref_squeeze %dma_wait3A_93 : memref<1x128xi32, #tpu.memory_space<vmem>> -> memref<128xi32, #tpu.memory_space<vmem>>
      %dma_wait3A_95 = arith.constant 0 : i32
      %dma_wait3A_96 = arith.constant 0 : i32
      %dma_wait3A_97 = tpu.memref_slice %arg2[%dma_wait3A_95, %dma_wait3A_96] : memref<10000x128xf32, #tpu.memory_space<hbm>> -> memref<10000x128xf32, #tpu.memory_space<hbm>>
      tpu.wait_indirect_dma semaphore(%arg15 : memref<!tpu.dma_semaphore, #tpu.memory_space<semaphore_mem>>) src(%dma_wait3A_97 : memref<10000x128xf32, #tpu.memory_space<hbm>>) dst(%arg10 : memref<128x128xf32, #tpu.memory_space<vmem>>)
      %run_scoped3A = arith.constant 0 : i32
      "tpu.region"() ({
        %run_scoped3A_348 = tpu.sem_alloc : memref<!tpu.dma_semaphore, #tpu.memory_space<semaphore_mem>>
        %dma_start3A_349 = arith.constant 0 : i32
        %dma_start3A_350 = tpu.memref_slice %arg8[%run_scoped3A, %dma_start3A_349] : memref<8x128xi32, #tpu.memory_space<vmem>> -> memref<1x128xi32, #tpu.memory_space<vmem>>
        %dma_start3A_351 = tpu.memref_squeeze %dma_start3A_350 : memref<1x128xi32, #tpu.memory_space<vmem>> -> memref<128xi32, #tpu.memory_space<vmem>>
        %dma_start3A_352 = arith.constant 0 : i32
        %dma_start3A_353 = arith.constant 0 : i32
        %dma_start3A_354 = tpu.memref_slice %arg17[%dma_start3A_352, %dma_start3A_353] : memref<10240x128xf32, #tpu.memory_space<vmem_shared>> -> memref<10240x128xf32, #tpu.memory_space<vmem_shared>>
        tpu.enqueue_indirect_dma source(%arg10 : memref<128x128xf32, #tpu.memory_space<vmem>>) target(%dma_start3A_354 : memref<10240x128xf32, #tpu.memory_space<vmem_shared>>) offsets(%dma_start3A_351 : memref<128xi32, #tpu.memory_space<vmem>>) semaphore(%run_scoped3A_348 : memref<!tpu.dma_semaphore, #tpu.memory_space<semaphore_mem>>) {add = true}
        %dma_wait3A_355 = arith.constant 0 : i32
        %dma_wait3A_356 = tpu.memref_slice %arg8[%run_scoped3A, %dma_wait3A_355] : memref<8x128xi32, #tpu.memory_space<vmem>> -> memref<1x128xi32, #tpu.memory_space<vmem>>
        %dma_wait3A_357 = tpu.memref_squeeze %dma_wait3A_356 : memref<1x128xi32, #tpu.memory_space<vmem>> -> memref<128xi32, #tpu.memory_space<vmem>>
        %dma_wait3A_358 = arith.constant 0 : i32
        %dma_wait3A_359 = arith.constant 0 : i32
        %dma_wait3A_360 = tpu.memref_slice %arg17[%dma_wait3A_358, %dma_wait3A_359] : memref<10240x128xf32, #tpu.memory_space<vmem_shared>> -> memref<10240x128xf32, #tpu.memory_space<vmem_shared>>
        tpu.wait_indirect_dma semaphore(%run_scoped3A_348 : memref<!tpu.dma_semaphore, #tpu.memory_space<semaphore_mem>>) src(%arg10 : memref<128x128xf32, #tpu.memory_space<vmem>>) dst(%dma_wait3A_360 : memref<10240x128xf32, #tpu.memory_space<vmem_shared>>)
        tpu.yield
      }) : () -> ()
      %dma_start3A_98 = arith.constant 2 : i32
      %dma_start3A_99 = arith.constant 0 : i32
      %dma_start3A_100 = tpu.memref_slice %arg6[%dma_start3A_98, %dma_start3A_99] : memref<8x128xi32, #tpu.memory_space<vmem>> -> memref<1x128xi32, #tpu.memory_space<vmem>>
      %dma_start3A_101 = tpu.memref_squeeze %dma_start3A_100 : memref<1x128xi32, #tpu.memory_space<vmem>> -> memref<128xi32, #tpu.memory_space<vmem>>
      %dma_start3A_102 = arith.constant 0 : i32
      %dma_start3A_103 = arith.constant 0 : i32
      %dma_start3A_104 = tpu.memref_slice %arg2[%dma_start3A_102, %dma_start3A_103] : memref<10000x128xf32, #tpu.memory_space<hbm>> -> memref<10000x128xf32, #tpu.memory_space<hbm>>
      tpu.enqueue_indirect_dma source(%dma_start3A_104 : memref<10000x128xf32, #tpu.memory_space<hbm>>) target(%arg10 : memref<128x128xf32, #tpu.memory_space<vmem>>) offsets(%dma_start3A_101 : memref<128xi32, #tpu.memory_space<vmem>>) semaphore(%arg15 : memref<!tpu.dma_semaphore, #tpu.memory_space<semaphore_mem>>)
      %dma_wait3A_105 = arith.constant 1 : i32
      %dma_wait3A_106 = arith.constant 0 : i32
      %dma_wait3A_107 = tpu.memref_slice %arg6[%dma_wait3A_105, %dma_wait3A_106] : memref<8x128xi32, #tpu.memory_space<vmem>> -> memref<1x128xi32, #tpu.memory_space<vmem>>
      %dma_wait3A_108 = tpu.memref_squeeze %dma_wait3A_107 : memref<1x128xi32, #tpu.memory_space<vmem>> -> memref<128xi32, #tpu.memory_space<vmem>>
      %dma_wait3A_109 = arith.constant 0 : i32
      %dma_wait3A_110 = arith.constant 0 : i32
      %dma_wait3A_111 = tpu.memref_slice %arg2[%dma_wait3A_109, %dma_wait3A_110] : memref<10000x128xf32, #tpu.memory_space<hbm>> -> memref<10000x128xf32, #tpu.memory_space<hbm>>
      tpu.wait_indirect_dma semaphore(%arg16 : memref<!tpu.dma_semaphore, #tpu.memory_space<semaphore_mem>>) src(%dma_wait3A_111 : memref<10000x128xf32, #tpu.memory_space<hbm>>) dst(%arg11 : memref<128x128xf32, #tpu.memory_space<vmem>>)
      %run_scoped3A_112 = arith.constant 1 : i32
      "tpu.region"() ({
        %run_scoped3A_348 = tpu.sem_alloc : memref<!tpu.dma_semaphore, #tpu.memory_space<semaphore_mem>>
        %dma_start3A_349 = arith.constant 0 : i32
        %dma_start3A_350 = tpu.memref_slice %arg8[%run_scoped3A_112, %dma_start3A_349] : memref<8x128xi32, #tpu.memory_space<vmem>> -> memref<1x128xi32, #tpu.memory_space<vmem>>
        %dma_start3A_351 = tpu.memref_squeeze %dma_start3A_350 : memref<1x128xi32, #tpu.memory_space<vmem>> -> memref<128xi32, #tpu.memory_space<vmem>>
        %dma_start3A_352 = arith.constant 0 : i32
        %dma_start3A_353 = arith.constant 0 : i32
        %dma_start3A_354 = tpu.memref_slice %arg17[%dma_start3A_352, %dma_start3A_353] : memref<10240x128xf32, #tpu.memory_space<vmem_shared>> -> memref<10240x128xf32, #tpu.memory_space<vmem_shared>>
        tpu.enqueue_indirect_dma source(%arg11 : memref<128x128xf32, #tpu.memory_space<vmem>>) target(%dma_start3A_354 : memref<10240x128xf32, #tpu.memory_space<vmem_shared>>) offsets(%dma_start3A_351 : memref<128xi32, #tpu.memory_space<vmem>>) semaphore(%run_scoped3A_348 : memref<!tpu.dma_semaphore, #tpu.memory_space<semaphore_mem>>) {add = true}
        %dma_wait3A_355 = arith.constant 0 : i32
        %dma_wait3A_356 = tpu.memref_slice %arg8[%run_scoped3A_112, %dma_wait3A_355] : memref<8x128xi32, #tpu.memory_space<vmem>> -> memref<1x128xi32, #tpu.memory_space<vmem>>
        %dma_wait3A_357 = tpu.memref_squeeze %dma_wait3A_356 : memref<1x128xi32, #tpu.memory_space<vmem>> -> memref<128xi32, #tpu.memory_space<vmem>>
        %dma_wait3A_358 = arith.constant 0 : i32
        %dma_wait3A_359 = arith.constant 0 : i32
        %dma_wait3A_360 = tpu.memref_slice %arg17[%dma_wait3A_358, %dma_wait3A_359] : memref<10240x128xf32, #tpu.memory_space<vmem_shared>> -> memref<10240x128xf32, #tpu.memory_space<vmem_shared>>
        tpu.wait_indirect_dma semaphore(%run_scoped3A_348 : memref<!tpu.dma_semaphore, #tpu.memory_space<semaphore_mem>>) src(%arg11 : memref<128x128xf32, #tpu.memory_space<vmem>>) dst(%dma_wait3A_360 : memref<10240x128xf32, #tpu.memory_space<vmem_shared>>)
        tpu.yield
      }) : () -> ()
      %dma_start3A_113 = arith.constant 3 : i32
      %dma_start3A_114 = arith.constant 0 : i32
      %dma_start3A_115 = tpu.memref_slice %arg6[%dma_start3A_113, %dma_start3A_114] : memref<8x128xi32, #tpu.memory_space<vmem>> -> memref<1x128xi32, #tpu.memory_space<vmem>>
      %dma_start3A_116 = tpu.memref_squeeze %dma_start3A_115 : memref<1x128xi32, #tpu.memory_space<vmem>> -> memref<128xi32, #tpu.memory_space<vmem>>
      %dma_start3A_117 = arith.constant 0 : i32
      %dma_start3A_118 = arith.constant 0 : i32
      %dma_start3A_119 = tpu.memref_slice %arg2[%dma_start3A_117, %dma_start3A_118] : memref<10000x128xf32, #tpu.memory_space<hbm>> -> memref<10000x128xf32, #tpu.memory_space<hbm>>
      tpu.enqueue_indirect_dma source(%dma_start3A_119 : memref<10000x128xf32, #tpu.memory_space<hbm>>) target(%arg11 : memref<128x128xf32, #tpu.memory_space<vmem>>) offsets(%dma_start3A_116 : memref<128xi32, #tpu.memory_space<vmem>>) semaphore(%arg16 : memref<!tpu.dma_semaphore, #tpu.memory_space<semaphore_mem>>)
      %dma_wait3A_120 = arith.constant 2 : i32
      %dma_wait3A_121 = arith.constant 0 : i32
      %dma_wait3A_122 = tpu.memref_slice %arg6[%dma_wait3A_120, %dma_wait3A_121] : memref<8x128xi32, #tpu.memory_space<vmem>> -> memref<1x128xi32, #tpu.memory_space<vmem>>
      %dma_wait3A_123 = tpu.memref_squeeze %dma_wait3A_122 : memref<1x128xi32, #tpu.memory_space<vmem>> -> memref<128xi32, #tpu.memory_space<vmem>>
      %dma_wait3A_124 = arith.constant 0 : i32
      %dma_wait3A_125 = arith.constant 0 : i32
      %dma_wait3A_126 = tpu.memref_slice %arg2[%dma_wait3A_124, %dma_wait3A_125] : memref<10000x128xf32, #tpu.memory_space<hbm>> -> memref<10000x128xf32, #tpu.memory_space<hbm>>
      tpu.wait_indirect_dma semaphore(%arg15 : memref<!tpu.dma_semaphore, #tpu.memory_space<semaphore_mem>>) src(%dma_wait3A_126 : memref<10000x128xf32, #tpu.memory_space<hbm>>) dst(%arg10 : memref<128x128xf32, #tpu.memory_space<vmem>>)
      %run_scoped3A_127 = arith.constant 2 : i32
      "tpu.region"() ({
        %run_scoped3A_348 = tpu.sem_alloc : memref<!tpu.dma_semaphore, #tpu.memory_space<semaphore_mem>>
        %dma_start3A_349 = arith.constant 0 : i32
        %dma_start3A_350 = tpu.memref_slice %arg8[%run_scoped3A_127, %dma_start3A_349] : memref<8x128xi32, #tpu.memory_space<vmem>> -> memref<1x128xi32, #tpu.memory_space<vmem>>
        %dma_start3A_351 = tpu.memref_squeeze %dma_start3A_350 : memref<1x128xi32, #tpu.memory_space<vmem>> -> memref<128xi32, #tpu.memory_space<vmem>>
        %dma_start3A_352 = arith.constant 0 : i32
        %dma_start3A_353 = arith.constant 0 : i32
        %dma_start3A_354 = tpu.memref_slice %arg17[%dma_start3A_352, %dma_start3A_353] : memref<10240x128xf32, #tpu.memory_space<vmem_shared>> -> memref<10240x128xf32, #tpu.memory_space<vmem_shared>>
        tpu.enqueue_indirect_dma source(%arg10 : memref<128x128xf32, #tpu.memory_space<vmem>>) target(%dma_start3A_354 : memref<10240x128xf32, #tpu.memory_space<vmem_shared>>) offsets(%dma_start3A_351 : memref<128xi32, #tpu.memory_space<vmem>>) semaphore(%run_scoped3A_348 : memref<!tpu.dma_semaphore, #tpu.memory_space<semaphore_mem>>) {add = true}
        %dma_wait3A_355 = arith.constant 0 : i32
        %dma_wait3A_356 = tpu.memref_slice %arg8[%run_scoped3A_127, %dma_wait3A_355] : memref<8x128xi32, #tpu.memory_space<vmem>> -> memref<1x128xi32, #tpu.memory_space<vmem>>
        %dma_wait3A_357 = tpu.memref_squeeze %dma_wait3A_356 : memref<1x128xi32, #tpu.memory_space<vmem>> -> memref<128xi32, #tpu.memory_space<vmem>>
        %dma_wait3A_358 = arith.constant 0 : i32
        %dma_wait3A_359 = arith.constant 0 : i32
        %dma_wait3A_360 = tpu.memref_slice %arg17[%dma_wait3A_358, %dma_wait3A_359] : memref<10240x128xf32, #tpu.memory_space<vmem_shared>> -> memref<10240x128xf32, #tpu.memory_space<vmem_shared>>
        tpu.wait_indirect_dma semaphore(%run_scoped3A_348 : memref<!tpu.dma_semaphore, #tpu.memory_space<semaphore_mem>>) src(%arg10 : memref<128x128xf32, #tpu.memory_space<vmem>>) dst(%dma_wait3A_360 : memref<10240x128xf32, #tpu.memory_space<vmem_shared>>)
        tpu.yield
      }) : () -> ()
      %dma_start3A_128 = arith.constant 4 : i32
      %dma_start3A_129 = arith.constant 0 : i32
      %dma_start3A_130 = tpu.memref_slice %arg6[%dma_start3A_128, %dma_start3A_129] : memref<8x128xi32, #tpu.memory_space<vmem>> -> memref<1x128xi32, #tpu.memory_space<vmem>>
      %dma_start3A_131 = tpu.memref_squeeze %dma_start3A_130 : memref<1x128xi32, #tpu.memory_space<vmem>> -> memref<128xi32, #tpu.memory_space<vmem>>
      %dma_start3A_132 = arith.constant 0 : i32
      %dma_start3A_133 = arith.constant 0 : i32
      %dma_start3A_134 = tpu.memref_slice %arg2[%dma_start3A_132, %dma_start3A_133] : memref<10000x128xf32, #tpu.memory_space<hbm>> -> memref<10000x128xf32, #tpu.memory_space<hbm>>
      tpu.enqueue_indirect_dma source(%dma_start3A_134 : memref<10000x128xf32, #tpu.memory_space<hbm>>) target(%arg10 : memref<128x128xf32, #tpu.memory_space<vmem>>) offsets(%dma_start3A_131 : memref<128xi32, #tpu.memory_space<vmem>>) semaphore(%arg15 : memref<!tpu.dma_semaphore, #tpu.memory_space<semaphore_mem>>)
      %dma_wait3A_135 = arith.constant 3 : i32
      %dma_wait3A_136 = arith.constant 0 : i32
      %dma_wait3A_137 = tpu.memref_slice %arg6[%dma_wait3A_135, %dma_wait3A_136] : memref<8x128xi32, #tpu.memory_space<vmem>> -> memref<1x128xi32, #tpu.memory_space<vmem>>
      %dma_wait3A_138 = tpu.memref_squeeze %dma_wait3A_137 : memref<1x128xi32, #tpu.memory_space<vmem>> -> memref<128xi32, #tpu.memory_space<vmem>>
      %dma_wait3A_139 = arith.constant 0 : i32
      %dma_wait3A_140 = arith.constant 0 : i32
      %dma_wait3A_141 = tpu.memref_slice %arg2[%dma_wait3A_139, %dma_wait3A_140] : memref<10000x128xf32, #tpu.memory_space<hbm>> -> memref<10000x128xf32, #tpu.memory_space<hbm>>
      tpu.wait_indirect_dma semaphore(%arg16 : memref<!tpu.dma_semaphore, #tpu.memory_space<semaphore_mem>>) src(%dma_wait3A_141 : memref<10000x128xf32, #tpu.memory_space<hbm>>) dst(%arg11 : memref<128x128xf32, #tpu.memory_space<vmem>>)
      %run_scoped3A_142 = arith.constant 3 : i32
      "tpu.region"() ({
        %run_scoped3A_348 = tpu.sem_alloc : memref<!tpu.dma_semaphore, #tpu.memory_space<semaphore_mem>>
        %dma_start3A_349 = arith.constant 0 : i32
        %dma_start3A_350 = tpu.memref_slice %arg8[%run_scoped3A_142, %dma_start3A_349] : memref<8x128xi32, #tpu.memory_space<vmem>> -> memref<1x128xi32, #tpu.memory_space<vmem>>
        %dma_start3A_351 = tpu.memref_squeeze %dma_start3A_350 : memref<1x128xi32, #tpu.memory_space<vmem>> -> memref<128xi32, #tpu.memory_space<vmem>>
        %dma_start3A_352 = arith.constant 0 : i32
        %dma_start3A_353 = arith.constant 0 : i32
        %dma_start3A_354 = tpu.memref_slice %arg17[%dma_start3A_352, %dma_start3A_353] : memref<10240x128xf32, #tpu.memory_space<vmem_shared>> -> memref<10240x128xf32, #tpu.memory_space<vmem_shared>>
        tpu.enqueue_indirect_dma source(%arg11 : memref<128x128xf32, #tpu.memory_space<vmem>>) target(%dma_start3A_354 : memref<10240x128xf32, #tpu.memory_space<vmem_shared>>) offsets(%dma_start3A_351 : memref<128xi32, #tpu.memory_space<vmem>>) semaphore(%run_scoped3A_348 : memref<!tpu.dma_semaphore, #tpu.memory_space<semaphore_mem>>) {add = true}
        %dma_wait3A_355 = arith.constant 0 : i32
        %dma_wait3A_356 = tpu.memref_slice %arg8[%run_scoped3A_142, %dma_wait3A_355] : memref<8x128xi32, #tpu.memory_space<vmem>> -> memref<1x128xi32, #tpu.memory_space<vmem>>
        %dma_wait3A_357 = tpu.memref_squeeze %dma_wait3A_356 : memref<1x128xi32, #tpu.memory_space<vmem>> -> memref<128xi32, #tpu.memory_space<vmem>>
        %dma_wait3A_358 = arith.constant 0 : i32
        %dma_wait3A_359 = arith.constant 0 : i32
        %dma_wait3A_360 = tpu.memref_slice %arg17[%dma_wait3A_358, %dma_wait3A_359] : memref<10240x128xf32, #tpu.memory_space<vmem_shared>> -> memref<10240x128xf32, #tpu.memory_space<vmem_shared>>
        tpu.wait_indirect_dma semaphore(%run_scoped3A_348 : memref<!tpu.dma_semaphore, #tpu.memory_space<semaphore_mem>>) src(%arg11 : memref<128x128xf32, #tpu.memory_space<vmem>>) dst(%dma_wait3A_360 : memref<10240x128xf32, #tpu.memory_space<vmem_shared>>)
        tpu.yield
      }) : () -> ()
      %dma_start3A_143 = arith.constant 5 : i32
      %dma_start3A_144 = arith.constant 0 : i32
      %dma_start3A_145 = tpu.memref_slice %arg6[%dma_start3A_143, %dma_start3A_144] : memref<8x128xi32, #tpu.memory_space<vmem>> -> memref<1x128xi32, #tpu.memory_space<vmem>>
      %dma_start3A_146 = tpu.memref_squeeze %dma_start3A_145 : memref<1x128xi32, #tpu.memory_space<vmem>> -> memref<128xi32, #tpu.memory_space<vmem>>
      %dma_start3A_147 = arith.constant 0 : i32
      %dma_start3A_148 = arith.constant 0 : i32
      %dma_start3A_149 = tpu.memref_slice %arg2[%dma_start3A_147, %dma_start3A_148] : memref<10000x128xf32, #tpu.memory_space<hbm>> -> memref<10000x128xf32, #tpu.memory_space<hbm>>
      tpu.enqueue_indirect_dma source(%dma_start3A_149 : memref<10000x128xf32, #tpu.memory_space<hbm>>) target(%arg11 : memref<128x128xf32, #tpu.memory_space<vmem>>) offsets(%dma_start3A_146 : memref<128xi32, #tpu.memory_space<vmem>>) semaphore(%arg16 : memref<!tpu.dma_semaphore, #tpu.memory_space<semaphore_mem>>)
      %dma_wait3A_150 = arith.constant 4 : i32
      %dma_wait3A_151 = arith.constant 0 : i32
      %dma_wait3A_152 = tpu.memref_slice %arg6[%dma_wait3A_150, %dma_wait3A_151] : memref<8x128xi32, #tpu.memory_space<vmem>> -> memref<1x128xi32, #tpu.memory_space<vmem>>
      %dma_wait3A_153 = tpu.memref_squeeze %dma_wait3A_152 : memref<1x128xi32, #tpu.memory_space<vmem>> -> memref<128xi32, #tpu.memory_space<vmem>>
      %dma_wait3A_154 = arith.constant 0 : i32
      %dma_wait3A_155 = arith.constant 0 : i32
      %dma_wait3A_156 = tpu.memref_slice %arg2[%dma_wait3A_154, %dma_wait3A_155] : memref<10000x128xf32, #tpu.memory_space<hbm>> -> memref<10000x128xf32, #tpu.memory_space<hbm>>
      tpu.wait_indirect_dma semaphore(%arg15 : memref<!tpu.dma_semaphore, #tpu.memory_space<semaphore_mem>>) src(%dma_wait3A_156 : memref<10000x128xf32, #tpu.memory_space<hbm>>) dst(%arg10 : memref<128x128xf32, #tpu.memory_space<vmem>>)
      %run_scoped3A_157 = arith.constant 4 : i32
      "tpu.region"() ({
        %run_scoped3A_348 = tpu.sem_alloc : memref<!tpu.dma_semaphore, #tpu.memory_space<semaphore_mem>>
        %dma_start3A_349 = arith.constant 0 : i32
        %dma_start3A_350 = tpu.memref_slice %arg8[%run_scoped3A_157, %dma_start3A_349] : memref<8x128xi32, #tpu.memory_space<vmem>> -> memref<1x128xi32, #tpu.memory_space<vmem>>
        %dma_start3A_351 = tpu.memref_squeeze %dma_start3A_350 : memref<1x128xi32, #tpu.memory_space<vmem>> -> memref<128xi32, #tpu.memory_space<vmem>>
        %dma_start3A_352 = arith.constant 0 : i32
        %dma_start3A_353 = arith.constant 0 : i32
        %dma_start3A_354 = tpu.memref_slice %arg17[%dma_start3A_352, %dma_start3A_353] : memref<10240x128xf32, #tpu.memory_space<vmem_shared>> -> memref<10240x128xf32, #tpu.memory_space<vmem_shared>>
        tpu.enqueue_indirect_dma source(%arg10 : memref<128x128xf32, #tpu.memory_space<vmem>>) target(%dma_start3A_354 : memref<10240x128xf32, #tpu.memory_space<vmem_shared>>) offsets(%dma_start3A_351 : memref<128xi32, #tpu.memory_space<vmem>>) semaphore(%run_scoped3A_348 : memref<!tpu.dma_semaphore, #tpu.memory_space<semaphore_mem>>) {add = true}
        %dma_wait3A_355 = arith.constant 0 : i32
        %dma_wait3A_356 = tpu.memref_slice %arg8[%run_scoped3A_157, %dma_wait3A_355] : memref<8x128xi32, #tpu.memory_space<vmem>> -> memref<1x128xi32, #tpu.memory_space<vmem>>
        %dma_wait3A_357 = tpu.memref_squeeze %dma_wait3A_356 : memref<1x128xi32, #tpu.memory_space<vmem>> -> memref<128xi32, #tpu.memory_space<vmem>>
        %dma_wait3A_358 = arith.constant 0 : i32
        %dma_wait3A_359 = arith.constant 0 : i32
        %dma_wait3A_360 = tpu.memref_slice %arg17[%dma_wait3A_358, %dma_wait3A_359] : memref<10240x128xf32, #tpu.memory_space<vmem_shared>> -> memref<10240x128xf32, #tpu.memory_space<vmem_shared>>
        tpu.wait_indirect_dma semaphore(%run_scoped3A_348 : memref<!tpu.dma_semaphore, #tpu.memory_space<semaphore_mem>>) src(%arg10 : memref<128x128xf32, #tpu.memory_space<vmem>>) dst(%dma_wait3A_360 : memref<10240x128xf32, #tpu.memory_space<vmem_shared>>)
        tpu.yield
      }) : () -> ()
      %dma_start3A_158 = arith.constant 6 : i32
      %dma_start3A_159 = arith.constant 0 : i32
      %dma_start3A_160 = tpu.memref_slice %arg6[%dma_start3A_158, %dma_start3A_159] : memref<8x128xi32, #tpu.memory_space<vmem>> -> memref<1x128xi32, #tpu.memory_space<vmem>>
      %dma_start3A_161 = tpu.memref_squeeze %dma_start3A_160 : memref<1x128xi32, #tpu.memory_space<vmem>> -> memref<128xi32, #tpu.memory_space<vmem>>
      %dma_start3A_162 = arith.constant 0 : i32
      %dma_start3A_163 = arith.constant 0 : i32
      %dma_start3A_164 = tpu.memref_slice %arg2[%dma_start3A_162, %dma_start3A_163] : memref<10000x128xf32, #tpu.memory_space<hbm>> -> memref<10000x128xf32, #tpu.memory_space<hbm>>
      tpu.enqueue_indirect_dma source(%dma_start3A_164 : memref<10000x128xf32, #tpu.memory_space<hbm>>) target(%arg10 : memref<128x128xf32, #tpu.memory_space<vmem>>) offsets(%dma_start3A_161 : memref<128xi32, #tpu.memory_space<vmem>>) semaphore(%arg15 : memref<!tpu.dma_semaphore, #tpu.memory_space<semaphore_mem>>)
      %dma_wait3A_165 = arith.constant 5 : i32
      %dma_wait3A_166 = arith.constant 0 : i32
      %dma_wait3A_167 = tpu.memref_slice %arg6[%dma_wait3A_165, %dma_wait3A_166] : memref<8x128xi32, #tpu.memory_space<vmem>> -> memref<1x128xi32, #tpu.memory_space<vmem>>
      %dma_wait3A_168 = tpu.memref_squeeze %dma_wait3A_167 : memref<1x128xi32, #tpu.memory_space<vmem>> -> memref<128xi32, #tpu.memory_space<vmem>>
      %dma_wait3A_169 = arith.constant 0 : i32
      %dma_wait3A_170 = arith.constant 0 : i32
      %dma_wait3A_171 = tpu.memref_slice %arg2[%dma_wait3A_169, %dma_wait3A_170] : memref<10000x128xf32, #tpu.memory_space<hbm>> -> memref<10000x128xf32, #tpu.memory_space<hbm>>
      tpu.wait_indirect_dma semaphore(%arg16 : memref<!tpu.dma_semaphore, #tpu.memory_space<semaphore_mem>>) src(%dma_wait3A_171 : memref<10000x128xf32, #tpu.memory_space<hbm>>) dst(%arg11 : memref<128x128xf32, #tpu.memory_space<vmem>>)
      %run_scoped3A_172 = arith.constant 5 : i32
      "tpu.region"() ({
        %run_scoped3A_348 = tpu.sem_alloc : memref<!tpu.dma_semaphore, #tpu.memory_space<semaphore_mem>>
        %dma_start3A_349 = arith.constant 0 : i32
        %dma_start3A_350 = tpu.memref_slice %arg8[%run_scoped3A_172, %dma_start3A_349] : memref<8x128xi32, #tpu.memory_space<vmem>> -> memref<1x128xi32, #tpu.memory_space<vmem>>
        %dma_start3A_351 = tpu.memref_squeeze %dma_start3A_350 : memref<1x128xi32, #tpu.memory_space<vmem>> -> memref<128xi32, #tpu.memory_space<vmem>>
        %dma_start3A_352 = arith.constant 0 : i32
        %dma_start3A_353 = arith.constant 0 : i32
        %dma_start3A_354 = tpu.memref_slice %arg17[%dma_start3A_352, %dma_start3A_353] : memref<10240x128xf32, #tpu.memory_space<vmem_shared>> -> memref<10240x128xf32, #tpu.memory_space<vmem_shared>>
        tpu.enqueue_indirect_dma source(%arg11 : memref<128x128xf32, #tpu.memory_space<vmem>>) target(%dma_start3A_354 : memref<10240x128xf32, #tpu.memory_space<vmem_shared>>) offsets(%dma_start3A_351 : memref<128xi32, #tpu.memory_space<vmem>>) semaphore(%run_scoped3A_348 : memref<!tpu.dma_semaphore, #tpu.memory_space<semaphore_mem>>) {add = true}
        %dma_wait3A_355 = arith.constant 0 : i32
        %dma_wait3A_356 = tpu.memref_slice %arg8[%run_scoped3A_172, %dma_wait3A_355] : memref<8x128xi32, #tpu.memory_space<vmem>> -> memref<1x128xi32, #tpu.memory_space<vmem>>
        %dma_wait3A_357 = tpu.memref_squeeze %dma_wait3A_356 : memref<1x128xi32, #tpu.memory_space<vmem>> -> memref<128xi32, #tpu.memory_space<vmem>>
        %dma_wait3A_358 = arith.constant 0 : i32
        %dma_wait3A_359 = arith.constant 0 : i32
        %dma_wait3A_360 = tpu.memref_slice %arg17[%dma_wait3A_358, %dma_wait3A_359] : memref<10240x128xf32, #tpu.memory_space<vmem_shared>> -> memref<10240x128xf32, #tpu.memory_space<vmem_shared>>
        tpu.wait_indirect_dma semaphore(%run_scoped3A_348 : memref<!tpu.dma_semaphore, #tpu.memory_space<semaphore_mem>>) src(%arg11 : memref<128x128xf32, #tpu.memory_space<vmem>>) dst(%dma_wait3A_360 : memref<10240x128xf32, #tpu.memory_space<vmem_shared>>)
        tpu.yield
      }) : () -> ()
      %dma_start3A_173 = arith.constant 7 : i32
      %dma_start3A_174 = arith.constant 0 : i32
      %dma_start3A_175 = tpu.memref_slice %arg6[%dma_start3A_173, %dma_start3A_174] : memref<8x128xi32, #tpu.memory_space<vmem>> -> memref<1x128xi32, #tpu.memory_space<vmem>>
      %dma_start3A_176 = tpu.memref_squeeze %dma_start3A_175 : memref<1x128xi32, #tpu.memory_space<vmem>> -> memref<128xi32, #tpu.memory_space<vmem>>
      %dma_start3A_177 = arith.constant 0 : i32
      %dma_start3A_178 = arith.constant 0 : i32
      %dma_start3A_179 = tpu.memref_slice %arg2[%dma_start3A_177, %dma_start3A_178] : memref<10000x128xf32, #tpu.memory_space<hbm>> -> memref<10000x128xf32, #tpu.memory_space<hbm>>
      tpu.enqueue_indirect_dma source(%dma_start3A_179 : memref<10000x128xf32, #tpu.memory_space<hbm>>) target(%arg11 : memref<128x128xf32, #tpu.memory_space<vmem>>) offsets(%dma_start3A_176 : memref<128xi32, #tpu.memory_space<vmem>>) semaphore(%arg16 : memref<!tpu.dma_semaphore, #tpu.memory_space<semaphore_mem>>)
      %dma_wait3A_180 = arith.constant 6 : i32
      %dma_wait3A_181 = arith.constant 0 : i32
      %dma_wait3A_182 = tpu.memref_slice %arg6[%dma_wait3A_180, %dma_wait3A_181] : memref<8x128xi32, #tpu.memory_space<vmem>> -> memref<1x128xi32, #tpu.memory_space<vmem>>
      %dma_wait3A_183 = tpu.memref_squeeze %dma_wait3A_182 : memref<1x128xi32, #tpu.memory_space<vmem>> -> memref<128xi32, #tpu.memory_space<vmem>>
      %dma_wait3A_184 = arith.constant 0 : i32
      %dma_wait3A_185 = arith.constant 0 : i32
      %dma_wait3A_186 = tpu.memref_slice %arg2[%dma_wait3A_184, %dma_wait3A_185] : memref<10000x128xf32, #tpu.memory_space<hbm>> -> memref<10000x128xf32, #tpu.memory_space<hbm>>
      tpu.wait_indirect_dma semaphore(%arg15 : memref<!tpu.dma_semaphore, #tpu.memory_space<semaphore_mem>>) src(%dma_wait3A_186 : memref<10000x128xf32, #tpu.memory_space<hbm>>) dst(%arg10 : memref<128x128xf32, #tpu.memory_space<vmem>>)
      %run_scoped3A_187 = arith.constant 6 : i32
      "tpu.region"() ({
        %run_scoped3A_348 = tpu.sem_alloc : memref<!tpu.dma_semaphore, #tpu.memory_space<semaphore_mem>>
        %dma_start3A_349 = arith.constant 0 : i32
        %dma_start3A_350 = tpu.memref_slice %arg8[%run_scoped3A_187, %dma_start3A_349] : memref<8x128xi32, #tpu.memory_space<vmem>> -> memref<1x128xi32, #tpu.memory_space<vmem>>
        %dma_start3A_351 = tpu.memref_squeeze %dma_start3A_350 : memref<1x128xi32, #tpu.memory_space<vmem>> -> memref<128xi32, #tpu.memory_space<vmem>>
        %dma_start3A_352 = arith.constant 0 : i32
        %dma_start3A_353 = arith.constant 0 : i32
        %dma_start3A_354 = tpu.memref_slice %arg17[%dma_start3A_352, %dma_start3A_353] : memref<10240x128xf32, #tpu.memory_space<vmem_shared>> -> memref<10240x128xf32, #tpu.memory_space<vmem_shared>>
        tpu.enqueue_indirect_dma source(%arg10 : memref<128x128xf32, #tpu.memory_space<vmem>>) target(%dma_start3A_354 : memref<10240x128xf32, #tpu.memory_space<vmem_shared>>) offsets(%dma_start3A_351 : memref<128xi32, #tpu.memory_space<vmem>>) semaphore(%run_scoped3A_348 : memref<!tpu.dma_semaphore, #tpu.memory_space<semaphore_mem>>) {add = true}
        %dma_wait3A_355 = arith.constant 0 : i32
        %dma_wait3A_356 = tpu.memref_slice %arg8[%run_scoped3A_187, %dma_wait3A_355] : memref<8x128xi32, #tpu.memory_space<vmem>> -> memref<1x128xi32, #tpu.memory_space<vmem>>
        %dma_wait3A_357 = tpu.memref_squeeze %dma_wait3A_356 : memref<1x128xi32, #tpu.memory_space<vmem>> -> memref<128xi32, #tpu.memory_space<vmem>>
        %dma_wait3A_358 = arith.constant 0 : i32
        %dma_wait3A_359 = arith.constant 0 : i32
        %dma_wait3A_360 = tpu.memref_slice %arg17[%dma_wait3A_358, %dma_wait3A_359] : memref<10240x128xf32, #tpu.memory_space<vmem_shared>> -> memref<10240x128xf32, #tpu.memory_space<vmem_shared>>
        tpu.wait_indirect_dma semaphore(%run_scoped3A_348 : memref<!tpu.dma_semaphore, #tpu.memory_space<semaphore_mem>>) src(%arg10 : memref<128x128xf32, #tpu.memory_space<vmem>>) dst(%dma_wait3A_360 : memref<10240x128xf32, #tpu.memory_space<vmem_shared>>)
        tpu.yield
      }) : () -> ()
      %dma_wait3A_188 = arith.constant 7 : i32
      %dma_wait3A_189 = arith.constant 0 : i32
      %dma_wait3A_190 = tpu.memref_slice %arg6[%dma_wait3A_188, %dma_wait3A_189] : memref<8x128xi32, #tpu.memory_space<vmem>> -> memref<1x128xi32, #tpu.memory_space<vmem>>
      %dma_wait3A_191 = tpu.memref_squeeze %dma_wait3A_190 : memref<1x128xi32, #tpu.memory_space<vmem>> -> memref<128xi32, #tpu.memory_space<vmem>>
      %dma_wait3A_192 = arith.constant 0 : i32
      %dma_wait3A_193 = arith.constant 0 : i32
      %dma_wait3A_194 = tpu.memref_slice %arg2[%dma_wait3A_192, %dma_wait3A_193] : memref<10000x128xf32, #tpu.memory_space<hbm>> -> memref<10000x128xf32, #tpu.memory_space<hbm>>
      tpu.wait_indirect_dma semaphore(%arg16 : memref<!tpu.dma_semaphore, #tpu.memory_space<semaphore_mem>>) src(%dma_wait3A_194 : memref<10000x128xf32, #tpu.memory_space<hbm>>) dst(%arg11 : memref<128x128xf32, #tpu.memory_space<vmem>>)
      %run_scoped3A_195 = arith.constant 7 : i32
      "tpu.region"() ({
        %run_scoped3A_348 = tpu.sem_alloc : memref<!tpu.dma_semaphore, #tpu.memory_space<semaphore_mem>>
        %dma_start3A_349 = arith.constant 0 : i32
        %dma_start3A_350 = tpu.memref_slice %arg8[%run_scoped3A_195, %dma_start3A_349] : memref<8x128xi32, #tpu.memory_space<vmem>> -> memref<1x128xi32, #tpu.memory_space<vmem>>
        %dma_start3A_351 = tpu.memref_squeeze %dma_start3A_350 : memref<1x128xi32, #tpu.memory_space<vmem>> -> memref<128xi32, #tpu.memory_space<vmem>>
        %dma_start3A_352 = arith.constant 0 : i32
        %dma_start3A_353 = arith.constant 0 : i32
        %dma_start3A_354 = tpu.memref_slice %arg17[%dma_start3A_352, %dma_start3A_353] : memref<10240x128xf32, #tpu.memory_space<vmem_shared>> -> memref<10240x128xf32, #tpu.memory_space<vmem_shared>>
        tpu.enqueue_indirect_dma source(%arg11 : memref<128x128xf32, #tpu.memory_space<vmem>>) target(%dma_start3A_354 : memref<10240x128xf32, #tpu.memory_space<vmem_shared>>) offsets(%dma_start3A_351 : memref<128xi32, #tpu.memory_space<vmem>>) semaphore(%run_scoped3A_348 : memref<!tpu.dma_semaphore, #tpu.memory_space<semaphore_mem>>) {add = true}
        %dma_wait3A_355 = arith.constant 0 : i32
        %dma_wait3A_356 = tpu.memref_slice %arg8[%run_scoped3A_195, %dma_wait3A_355] : memref<8x128xi32, #tpu.memory_space<vmem>> -> memref<1x128xi32, #tpu.memory_space<vmem>>
        %dma_wait3A_357 = tpu.memref_squeeze %dma_wait3A_356 : memref<1x128xi32, #tpu.memory_space<vmem>> -> memref<128xi32, #tpu.memory_space<vmem>>
        %dma_wait3A_358 = arith.constant 0 : i32
        %dma_wait3A_359 = arith.constant 0 : i32
        %dma_wait3A_360 = tpu.memref_slice %arg17[%dma_wait3A_358, %dma_wait3A_359] : memref<10240x128xf32, #tpu.memory_space<vmem_shared>> -> memref<10240x128xf32, #tpu.memory_space<vmem_shared>>
        tpu.wait_indirect_dma semaphore(%run_scoped3A_348 : memref<!tpu.dma_semaphore, #tpu.memory_space<semaphore_mem>>) src(%arg11 : memref<128x128xf32, #tpu.memory_space<vmem>>) dst(%dma_wait3A_360 : memref<10240x128xf32, #tpu.memory_space<vmem_shared>>)
        tpu.yield
      }) : () -> ()
      %add3A_196 = arith.constant 2 : i32
      %add3A_197 = arith.addi %add3A_61, %add3A_196 : i32
      %lt3A = arith.constant 10 : i32
      %lt3A_198 = arith.cmpi slt, %add3A_197, %lt3A : i32
      %convert_element_type3A = arith.extui %lt3A_198 : i1 to i32
      %cond3A = arith.constant 0 : i32
      %cond3A_199 = arith.cmpi ne, %convert_element_type3A, %cond3A : i32
      scf.if %cond3A_199 {
        %add3A_348 = arith.constant 2 : i32
        %add3A_349 = arith.addi %add3A_61, %add3A_348 : i32
        %mul3A_350 = arith.constant 8 : i32
        %mul3A_351 = arith.muli %add3A_349, %mul3A_350 : i32
        %dma_start3A_352 = arith.constant 0 : i32
        %dma_start3A_353 = tpu.memref_slice %arg3[%add3A, %mul3A_351, %dma_start3A_352] : memref<32x80x128xi32, #tpu.memory_space<hbm>> -> memref<1x8x128xi32, #tpu.memory_space<hbm>>
        %dma_start3A_354 = tpu.memref_squeeze %dma_start3A_353 : memref<1x8x128xi32, #tpu.memory_space<hbm>> -> memref<8x128xi32, #tpu.memory_space<hbm>>
        %dma_start3A_355 = arith.constant 0 : i32
        %dma_start3A_356 = tpu.memref_slice %arg3[%add3A, %mul3A_351, %dma_start3A_355] : memref<32x80x128xi32, #tpu.memory_space<hbm>> -> memref<1x8x128xi32, #tpu.memory_space<hbm>>
        %dma_start3A_357 = tpu.memref_squeeze %dma_start3A_356 : memref<1x8x128xi32, #tpu.memory_space<hbm>> -> memref<8x128xi32, #tpu.memory_space<hbm>>
        tpu.enqueue_dma source(%dma_start3A_357 : memref<8x128xi32, #tpu.memory_space<hbm>>) target(%arg6 : memref<8x128xi32, #tpu.memory_space<vmem>>) target_semaphore(%arg13 : memref<!tpu.dma_semaphore, #tpu.memory_space<semaphore_mem>>)
        %mul3A_358 = arith.constant 8 : i32
        %mul3A_359 = arith.muli %add3A_349, %mul3A_358 : i32
        %dma_start3A_360 = arith.constant 0 : i32
        %dma_start3A_361 = tpu.memref_slice %arg4[%add3A, %mul3A_359, %dma_start3A_360] : memref<32x80x128xi32, #tpu.memory_space<hbm>> -> memref<1x8x128xi32, #tpu.memory_space<hbm>>
        %dma_start3A_362 = tpu.memref_squeeze %dma_start3A_361 : memref<1x8x128xi32, #tpu.memory_space<hbm>> -> memref<8x128xi32, #tpu.memory_space<hbm>>
        %dma_start3A_363 = arith.constant 0 : i32
        %dma_start3A_364 = tpu.memref_slice %arg4[%add3A, %mul3A_359, %dma_start3A_363] : memref<32x80x128xi32, #tpu.memory_space<hbm>> -> memref<1x8x128xi32, #tpu.memory_space<hbm>>
        %dma_start3A_365 = tpu.memref_squeeze %dma_start3A_364 : memref<1x8x128xi32, #tpu.memory_space<hbm>> -> memref<8x128xi32, #tpu.memory_space<hbm>>
        tpu.enqueue_dma source(%dma_start3A_365 : memref<8x128xi32, #tpu.memory_space<hbm>>) target(%arg8 : memref<8x128xi32, #tpu.memory_space<vmem>>) target_semaphore(%arg13 : memref<!tpu.dma_semaphore, #tpu.memory_space<semaphore_mem>>)
      } else {
      }
      %mul3A_200 = arith.constant 2 : i32
      %mul3A_201 = arith.muli %mul3A_200, %scan3A_56 : i32
      %add3A_202 = arith.constant 1 : i32
      %add3A_203 = arith.addi %mul3A_201, %add3A_202 : i32
      %mul3A_204 = arith.constant 8 : i32
      %mul3A_205 = arith.muli %add3A_203, %mul3A_204 : i32
      %dma_wait3A_206 = arith.constant 0 : i32
      %dma_wait3A_207 = tpu.memref_slice %arg3[%add3A, %mul3A_205, %dma_wait3A_206] : memref<32x80x128xi32, #tpu.memory_space<hbm>> -> memref<1x8x128xi32, #tpu.memory_space<hbm>>
      %dma_wait3A_208 = tpu.memref_squeeze %dma_wait3A_207 : memref<1x8x128xi32, #tpu.memory_space<hbm>> -> memref<8x128xi32, #tpu.memory_space<hbm>>
      %dma_wait3A_209 = arith.constant 0 : i32
      %dma_wait3A_210 = tpu.memref_slice %arg3[%add3A, %mul3A_205, %dma_wait3A_209] : memref<32x80x128xi32, #tpu.memory_space<hbm>> -> memref<1x8x128xi32, #tpu.memory_space<hbm>>
      %dma_wait3A_211 = tpu.memref_squeeze %dma_wait3A_210 : memref<1x8x128xi32, #tpu.memory_space<hbm>> -> memref<8x128xi32, #tpu.memory_space<hbm>>
      tpu.wait_dma2 semaphore(%arg14 : memref<!tpu.dma_semaphore, #tpu.memory_space<semaphore_mem>>) src(%dma_wait3A_211 : memref<8x128xi32, #tpu.memory_space<hbm>>) dst(%arg7 : memref<8x128xi32, #tpu.memory_space<vmem>>)
      %mul3A_212 = arith.constant 8 : i32
      %mul3A_213 = arith.muli %add3A_203, %mul3A_212 : i32
      %dma_wait3A_214 = arith.constant 0 : i32
      %dma_wait3A_215 = tpu.memref_slice %arg4[%add3A, %mul3A_213, %dma_wait3A_214] : memref<32x80x128xi32, #tpu.memory_space<hbm>> -> memref<1x8x128xi32, #tpu.memory_space<hbm>>
      %dma_wait3A_216 = tpu.memref_squeeze %dma_wait3A_215 : memref<1x8x128xi32, #tpu.memory_space<hbm>> -> memref<8x128xi32, #tpu.memory_space<hbm>>
      %dma_wait3A_217 = arith.constant 0 : i32
      %dma_wait3A_218 = tpu.memref_slice %arg4[%add3A, %mul3A_213, %dma_wait3A_217] : memref<32x80x128xi32, #tpu.memory_space<hbm>> -> memref<1x8x128xi32, #tpu.memory_space<hbm>>
      %dma_wait3A_219 = tpu.memref_squeeze %dma_wait3A_218 : memref<1x8x128xi32, #tpu.memory_space<hbm>> -> memref<8x128xi32, #tpu.memory_space<hbm>>
      tpu.wait_dma2 semaphore(%arg14 : memref<!tpu.dma_semaphore, #tpu.memory_space<semaphore_mem>>) src(%dma_wait3A_219 : memref<8x128xi32, #tpu.memory_space<hbm>>) dst(%arg9 : memref<8x128xi32, #tpu.memory_space<vmem>>)
      %dma_start3A_220 = arith.constant 0 : i32
      %dma_start3A_221 = arith.constant 0 : i32
      %dma_start3A_222 = tpu.memref_slice %arg7[%dma_start3A_220, %dma_start3A_221] : memref<8x128xi32, #tpu.memory_space<vmem>> -> memref<1x128xi32, #tpu.memory_space<vmem>>
      %dma_start3A_223 = tpu.memref_squeeze %dma_start3A_222 : memref<1x128xi32, #tpu.memory_space<vmem>> -> memref<128xi32, #tpu.memory_space<vmem>>
      %dma_start3A_224 = arith.constant 0 : i32
      %dma_start3A_225 = arith.constant 0 : i32
      %dma_start3A_226 = tpu.memref_slice %arg2[%dma_start3A_224, %dma_start3A_225] : memref<10000x128xf32, #tpu.memory_space<hbm>> -> memref<10000x128xf32, #tpu.memory_space<hbm>>
      tpu.enqueue_indirect_dma source(%dma_start3A_226 : memref<10000x128xf32, #tpu.memory_space<hbm>>) target(%arg10 : memref<128x128xf32, #tpu.memory_space<vmem>>) offsets(%dma_start3A_223 : memref<128xi32, #tpu.memory_space<vmem>>) semaphore(%arg15 : memref<!tpu.dma_semaphore, #tpu.memory_space<semaphore_mem>>)
      %dma_start3A_227 = arith.constant 1 : i32
      %dma_start3A_228 = arith.constant 0 : i32
      %dma_start3A_229 = tpu.memref_slice %arg7[%dma_start3A_227, %dma_start3A_228] : memref<8x128xi32, #tpu.memory_space<vmem>> -> memref<1x128xi32, #tpu.memory_space<vmem>>
      %dma_start3A_230 = tpu.memref_squeeze %dma_start3A_229 : memref<1x128xi32, #tpu.memory_space<vmem>> -> memref<128xi32, #tpu.memory_space<vmem>>
      %dma_start3A_231 = arith.constant 0 : i32
      %dma_start3A_232 = arith.constant 0 : i32
      %dma_start3A_233 = tpu.memref_slice %arg2[%dma_start3A_231, %dma_start3A_232] : memref<10000x128xf32, #tpu.memory_space<hbm>> -> memref<10000x128xf32, #tpu.memory_space<hbm>>
      tpu.enqueue_indirect_dma source(%dma_start3A_233 : memref<10000x128xf32, #tpu.memory_space<hbm>>) target(%arg11 : memref<128x128xf32, #tpu.memory_space<vmem>>) offsets(%dma_start3A_230 : memref<128xi32, #tpu.memory_space<vmem>>) semaphore(%arg16 : memref<!tpu.dma_semaphore, #tpu.memory_space<semaphore_mem>>)
      %dma_wait3A_234 = arith.constant 0 : i32
      %dma_wait3A_235 = arith.constant 0 : i32
      %dma_wait3A_236 = tpu.memref_slice %arg7[%dma_wait3A_234, %dma_wait3A_235] : memref<8x128xi32, #tpu.memory_space<vmem>> -> memref<1x128xi32, #tpu.memory_space<vmem>>
      %dma_wait3A_237 = tpu.memref_squeeze %dma_wait3A_236 : memref<1x128xi32, #tpu.memory_space<vmem>> -> memref<128xi32, #tpu.memory_space<vmem>>
      %dma_wait3A_238 = arith.constant 0 : i32
      %dma_wait3A_239 = arith.constant 0 : i32
      %dma_wait3A_240 = tpu.memref_slice %arg2[%dma_wait3A_238, %dma_wait3A_239] : memref<10000x128xf32, #tpu.memory_space<hbm>> -> memref<10000x128xf32, #tpu.memory_space<hbm>>
      tpu.wait_indirect_dma semaphore(%arg15 : memref<!tpu.dma_semaphore, #tpu.memory_space<semaphore_mem>>) src(%dma_wait3A_240 : memref<10000x128xf32, #tpu.memory_space<hbm>>) dst(%arg10 : memref<128x128xf32, #tpu.memory_space<vmem>>)
      %run_scoped3A_241 = arith.constant 0 : i32
      "tpu.region"() ({
        %run_scoped3A_348 = tpu.sem_alloc : memref<!tpu.dma_semaphore, #tpu.memory_space<semaphore_mem>>
        %dma_start3A_349 = arith.constant 0 : i32
        %dma_start3A_350 = tpu.memref_slice %arg9[%run_scoped3A_241, %dma_start3A_349] : memref<8x128xi32, #tpu.memory_space<vmem>> -> memref<1x128xi32, #tpu.memory_space<vmem>>
        %dma_start3A_351 = tpu.memref_squeeze %dma_start3A_350 : memref<1x128xi32, #tpu.memory_space<vmem>> -> memref<128xi32, #tpu.memory_space<vmem>>
        %dma_start3A_352 = arith.constant 0 : i32
        %dma_start3A_353 = arith.constant 0 : i32
        %dma_start3A_354 = tpu.memref_slice %arg17[%dma_start3A_352, %dma_start3A_353] : memref<10240x128xf32, #tpu.memory_space<vmem_shared>> -> memref<10240x128xf32, #tpu.memory_space<vmem_shared>>
        tpu.enqueue_indirect_dma source(%arg10 : memref<128x128xf32, #tpu.memory_space<vmem>>) target(%dma_start3A_354 : memref<10240x128xf32, #tpu.memory_space<vmem_shared>>) offsets(%dma_start3A_351 : memref<128xi32, #tpu.memory_space<vmem>>) semaphore(%run_scoped3A_348 : memref<!tpu.dma_semaphore, #tpu.memory_space<semaphore_mem>>) {add = true}
        %dma_wait3A_355 = arith.constant 0 : i32
        %dma_wait3A_356 = tpu.memref_slice %arg9[%run_scoped3A_241, %dma_wait3A_355] : memref<8x128xi32, #tpu.memory_space<vmem>> -> memref<1x128xi32, #tpu.memory_space<vmem>>
        %dma_wait3A_357 = tpu.memref_squeeze %dma_wait3A_356 : memref<1x128xi32, #tpu.memory_space<vmem>> -> memref<128xi32, #tpu.memory_space<vmem>>
        %dma_wait3A_358 = arith.constant 0 : i32
        %dma_wait3A_359 = arith.constant 0 : i32
        %dma_wait3A_360 = tpu.memref_slice %arg17[%dma_wait3A_358, %dma_wait3A_359] : memref<10240x128xf32, #tpu.memory_space<vmem_shared>> -> memref<10240x128xf32, #tpu.memory_space<vmem_shared>>
        tpu.wait_indirect_dma semaphore(%run_scoped3A_348 : memref<!tpu.dma_semaphore, #tpu.memory_space<semaphore_mem>>) src(%arg10 : memref<128x128xf32, #tpu.memory_space<vmem>>) dst(%dma_wait3A_360 : memref<10240x128xf32, #tpu.memory_space<vmem_shared>>)
        tpu.yield
      }) : () -> ()
      %dma_start3A_242 = arith.constant 2 : i32
      %dma_start3A_243 = arith.constant 0 : i32
      %dma_start3A_244 = tpu.memref_slice %arg7[%dma_start3A_242, %dma_start3A_243] : memref<8x128xi32, #tpu.memory_space<vmem>> -> memref<1x128xi32, #tpu.memory_space<vmem>>
      %dma_start3A_245 = tpu.memref_squeeze %dma_start3A_244 : memref<1x128xi32, #tpu.memory_space<vmem>> -> memref<128xi32, #tpu.memory_space<vmem>>
      %dma_start3A_246 = arith.constant 0 : i32
      %dma_start3A_247 = arith.constant 0 : i32
      %dma_start3A_248 = tpu.memref_slice %arg2[%dma_start3A_246, %dma_start3A_247] : memref<10000x128xf32, #tpu.memory_space<hbm>> -> memref<10000x128xf32, #tpu.memory_space<hbm>>
      tpu.enqueue_indirect_dma source(%dma_start3A_248 : memref<10000x128xf32, #tpu.memory_space<hbm>>) target(%arg10 : memref<128x128xf32, #tpu.memory_space<vmem>>) offsets(%dma_start3A_245 : memref<128xi32, #tpu.memory_space<vmem>>) semaphore(%arg15 : memref<!tpu.dma_semaphore, #tpu.memory_space<semaphore_mem>>)
      %dma_wait3A_249 = arith.constant 1 : i32
      %dma_wait3A_250 = arith.constant 0 : i32
      %dma_wait3A_251 = tpu.memref_slice %arg7[%dma_wait3A_249, %dma_wait3A_250] : memref<8x128xi32, #tpu.memory_space<vmem>> -> memref<1x128xi32, #tpu.memory_space<vmem>>
      %dma_wait3A_252 = tpu.memref_squeeze %dma_wait3A_251 : memref<1x128xi32, #tpu.memory_space<vmem>> -> memref<128xi32, #tpu.memory_space<vmem>>
      %dma_wait3A_253 = arith.constant 0 : i32
      %dma_wait3A_254 = arith.constant 0 : i32
      %dma_wait3A_255 = tpu.memref_slice %arg2[%dma_wait3A_253, %dma_wait3A_254] : memref<10000x128xf32, #tpu.memory_space<hbm>> -> memref<10000x128xf32, #tpu.memory_space<hbm>>
      tpu.wait_indirect_dma semaphore(%arg16 : memref<!tpu.dma_semaphore, #tpu.memory_space<semaphore_mem>>) src(%dma_wait3A_255 : memref<10000x128xf32, #tpu.memory_space<hbm>>) dst(%arg11 : memref<128x128xf32, #tpu.memory_space<vmem>>)
      %run_scoped3A_256 = arith.constant 1 : i32
      "tpu.region"() ({
        %run_scoped3A_348 = tpu.sem_alloc : memref<!tpu.dma_semaphore, #tpu.memory_space<semaphore_mem>>
        %dma_start3A_349 = arith.constant 0 : i32
        %dma_start3A_350 = tpu.memref_slice %arg9[%run_scoped3A_256, %dma_start3A_349] : memref<8x128xi32, #tpu.memory_space<vmem>> -> memref<1x128xi32, #tpu.memory_space<vmem>>
        %dma_start3A_351 = tpu.memref_squeeze %dma_start3A_350 : memref<1x128xi32, #tpu.memory_space<vmem>> -> memref<128xi32, #tpu.memory_space<vmem>>
        %dma_start3A_352 = arith.constant 0 : i32
        %dma_start3A_353 = arith.constant 0 : i32
        %dma_start3A_354 = tpu.memref_slice %arg17[%dma_start3A_352, %dma_start3A_353] : memref<10240x128xf32, #tpu.memory_space<vmem_shared>> -> memref<10240x128xf32, #tpu.memory_space<vmem_shared>>
        tpu.enqueue_indirect_dma source(%arg11 : memref<128x128xf32, #tpu.memory_space<vmem>>) target(%dma_start3A_354 : memref<10240x128xf32, #tpu.memory_space<vmem_shared>>) offsets(%dma_start3A_351 : memref<128xi32, #tpu.memory_space<vmem>>) semaphore(%run_scoped3A_348 : memref<!tpu.dma_semaphore, #tpu.memory_space<semaphore_mem>>) {add = true}
        %dma_wait3A_355 = arith.constant 0 : i32
        %dma_wait3A_356 = tpu.memref_slice %arg9[%run_scoped3A_256, %dma_wait3A_355] : memref<8x128xi32, #tpu.memory_space<vmem>> -> memref<1x128xi32, #tpu.memory_space<vmem>>
        %dma_wait3A_357 = tpu.memref_squeeze %dma_wait3A_356 : memref<1x128xi32, #tpu.memory_space<vmem>> -> memref<128xi32, #tpu.memory_space<vmem>>
        %dma_wait3A_358 = arith.constant 0 : i32
        %dma_wait3A_359 = arith.constant 0 : i32
        %dma_wait3A_360 = tpu.memref_slice %arg17[%dma_wait3A_358, %dma_wait3A_359] : memref<10240x128xf32, #tpu.memory_space<vmem_shared>> -> memref<10240x128xf32, #tpu.memory_space<vmem_shared>>
        tpu.wait_indirect_dma semaphore(%run_scoped3A_348 : memref<!tpu.dma_semaphore, #tpu.memory_space<semaphore_mem>>) src(%arg11 : memref<128x128xf32, #tpu.memory_space<vmem>>) dst(%dma_wait3A_360 : memref<10240x128xf32, #tpu.memory_space<vmem_shared>>)
        tpu.yield
      }) : () -> ()
      %dma_start3A_257 = arith.constant 3 : i32
      %dma_start3A_258 = arith.constant 0 : i32
      %dma_start3A_259 = tpu.memref_slice %arg7[%dma_start3A_257, %dma_start3A_258] : memref<8x128xi32, #tpu.memory_space<vmem>> -> memref<1x128xi32, #tpu.memory_space<vmem>>
      %dma_start3A_260 = tpu.memref_squeeze %dma_start3A_259 : memref<1x128xi32, #tpu.memory_space<vmem>> -> memref<128xi32, #tpu.memory_space<vmem>>
      %dma_start3A_261 = arith.constant 0 : i32
      %dma_start3A_262 = arith.constant 0 : i32
      %dma_start3A_263 = tpu.memref_slice %arg2[%dma_start3A_261, %dma_start3A_262] : memref<10000x128xf32, #tpu.memory_space<hbm>> -> memref<10000x128xf32, #tpu.memory_space<hbm>>
      tpu.enqueue_indirect_dma source(%dma_start3A_263 : memref<10000x128xf32, #tpu.memory_space<hbm>>) target(%arg11 : memref<128x128xf32, #tpu.memory_space<vmem>>) offsets(%dma_start3A_260 : memref<128xi32, #tpu.memory_space<vmem>>) semaphore(%arg16 : memref<!tpu.dma_semaphore, #tpu.memory_space<semaphore_mem>>)
      %dma_wait3A_264 = arith.constant 2 : i32
      %dma_wait3A_265 = arith.constant 0 : i32
      %dma_wait3A_266 = tpu.memref_slice %arg7[%dma_wait3A_264, %dma_wait3A_265] : memref<8x128xi32, #tpu.memory_space<vmem>> -> memref<1x128xi32, #tpu.memory_space<vmem>>
      %dma_wait3A_267 = tpu.memref_squeeze %dma_wait3A_266 : memref<1x128xi32, #tpu.memory_space<vmem>> -> memref<128xi32, #tpu.memory_space<vmem>>
      %dma_wait3A_268 = arith.constant 0 : i32
      %dma_wait3A_269 = arith.constant 0 : i32
      %dma_wait3A_270 = tpu.memref_slice %arg2[%dma_wait3A_268, %dma_wait3A_269] : memref<10000x128xf32, #tpu.memory_space<hbm>> -> memref<10000x128xf32, #tpu.memory_space<hbm>>
      tpu.wait_indirect_dma semaphore(%arg15 : memref<!tpu.dma_semaphore, #tpu.memory_space<semaphore_mem>>) src(%dma_wait3A_270 : memref<10000x128xf32, #tpu.memory_space<hbm>>) dst(%arg10 : memref<128x128xf32, #tpu.memory_space<vmem>>)
      %run_scoped3A_271 = arith.constant 2 : i32
      "tpu.region"() ({
        %run_scoped3A_348 = tpu.sem_alloc : memref<!tpu.dma_semaphore, #tpu.memory_space<semaphore_mem>>
        %dma_start3A_349 = arith.constant 0 : i32
        %dma_start3A_350 = tpu.memref_slice %arg9[%run_scoped3A_271, %dma_start3A_349] : memref<8x128xi32, #tpu.memory_space<vmem>> -> memref<1x128xi32, #tpu.memory_space<vmem>>
        %dma_start3A_351 = tpu.memref_squeeze %dma_start3A_350 : memref<1x128xi32, #tpu.memory_space<vmem>> -> memref<128xi32, #tpu.memory_space<vmem>>
        %dma_start3A_352 = arith.constant 0 : i32
        %dma_start3A_353 = arith.constant 0 : i32
        %dma_start3A_354 = tpu.memref_slice %arg17[%dma_start3A_352, %dma_start3A_353] : memref<10240x128xf32, #tpu.memory_space<vmem_shared>> -> memref<10240x128xf32, #tpu.memory_space<vmem_shared>>
        tpu.enqueue_indirect_dma source(%arg10 : memref<128x128xf32, #tpu.memory_space<vmem>>) target(%dma_start3A_354 : memref<10240x128xf32, #tpu.memory_space<vmem_shared>>) offsets(%dma_start3A_351 : memref<128xi32, #tpu.memory_space<vmem>>) semaphore(%run_scoped3A_348 : memref<!tpu.dma_semaphore, #tpu.memory_space<semaphore_mem>>) {add = true}
        %dma_wait3A_355 = arith.constant 0 : i32
        %dma_wait3A_356 = tpu.memref_slice %arg9[%run_scoped3A_271, %dma_wait3A_355] : memref<8x128xi32, #tpu.memory_space<vmem>> -> memref<1x128xi32, #tpu.memory_space<vmem>>
        %dma_wait3A_357 = tpu.memref_squeeze %dma_wait3A_356 : memref<1x128xi32, #tpu.memory_space<vmem>> -> memref<128xi32, #tpu.memory_space<vmem>>
        %dma_wait3A_358 = arith.constant 0 : i32
        %dma_wait3A_359 = arith.constant 0 : i32
        %dma_wait3A_360 = tpu.memref_slice %arg17[%dma_wait3A_358, %dma_wait3A_359] : memref<10240x128xf32, #tpu.memory_space<vmem_shared>> -> memref<10240x128xf32, #tpu.memory_space<vmem_shared>>
        tpu.wait_indirect_dma semaphore(%run_scoped3A_348 : memref<!tpu.dma_semaphore, #tpu.memory_space<semaphore_mem>>) src(%arg10 : memref<128x128xf32, #tpu.memory_space<vmem>>) dst(%dma_wait3A_360 : memref<10240x128xf32, #tpu.memory_space<vmem_shared>>)
        tpu.yield
      }) : () -> ()
      %dma_start3A_272 = arith.constant 4 : i32
      %dma_start3A_273 = arith.constant 0 : i32
      %dma_start3A_274 = tpu.memref_slice %arg7[%dma_start3A_272, %dma_start3A_273] : memref<8x128xi32, #tpu.memory_space<vmem>> -> memref<1x128xi32, #tpu.memory_space<vmem>>
      %dma_start3A_275 = tpu.memref_squeeze %dma_start3A_274 : memref<1x128xi32, #tpu.memory_space<vmem>> -> memref<128xi32, #tpu.memory_space<vmem>>
      %dma_start3A_276 = arith.constant 0 : i32
      %dma_start3A_277 = arith.constant 0 : i32
      %dma_start3A_278 = tpu.memref_slice %arg2[%dma_start3A_276, %dma_start3A_277] : memref<10000x128xf32, #tpu.memory_space<hbm>> -> memref<10000x128xf32, #tpu.memory_space<hbm>>
      tpu.enqueue_indirect_dma source(%dma_start3A_278 : memref<10000x128xf32, #tpu.memory_space<hbm>>) target(%arg10 : memref<128x128xf32, #tpu.memory_space<vmem>>) offsets(%dma_start3A_275 : memref<128xi32, #tpu.memory_space<vmem>>) semaphore(%arg15 : memref<!tpu.dma_semaphore, #tpu.memory_space<semaphore_mem>>)
      %dma_wait3A_279 = arith.constant 3 : i32
      %dma_wait3A_280 = arith.constant 0 : i32
      %dma_wait3A_281 = tpu.memref_slice %arg7[%dma_wait3A_279, %dma_wait3A_280] : memref<8x128xi32, #tpu.memory_space<vmem>> -> memref<1x128xi32, #tpu.memory_space<vmem>>
      %dma_wait3A_282 = tpu.memref_squeeze %dma_wait3A_281 : memref<1x128xi32, #tpu.memory_space<vmem>> -> memref<128xi32, #tpu.memory_space<vmem>>
      %dma_wait3A_283 = arith.constant 0 : i32
      %dma_wait3A_284 = arith.constant 0 : i32
      %dma_wait3A_285 = tpu.memref_slice %arg2[%dma_wait3A_283, %dma_wait3A_284] : memref<10000x128xf32, #tpu.memory_space<hbm>> -> memref<10000x128xf32, #tpu.memory_space<hbm>>
      tpu.wait_indirect_dma semaphore(%arg16 : memref<!tpu.dma_semaphore, #tpu.memory_space<semaphore_mem>>) src(%dma_wait3A_285 : memref<10000x128xf32, #tpu.memory_space<hbm>>) dst(%arg11 : memref<128x128xf32, #tpu.memory_space<vmem>>)
      %run_scoped3A_286 = arith.constant 3 : i32
      "tpu.region"() ({
        %run_scoped3A_348 = tpu.sem_alloc : memref<!tpu.dma_semaphore, #tpu.memory_space<semaphore_mem>>
        %dma_start3A_349 = arith.constant 0 : i32
        %dma_start3A_350 = tpu.memref_slice %arg9[%run_scoped3A_286, %dma_start3A_349] : memref<8x128xi32, #tpu.memory_space<vmem>> -> memref<1x128xi32, #tpu.memory_space<vmem>>
        %dma_start3A_351 = tpu.memref_squeeze %dma_start3A_350 : memref<1x128xi32, #tpu.memory_space<vmem>> -> memref<128xi32, #tpu.memory_space<vmem>>
        %dma_start3A_352 = arith.constant 0 : i32
        %dma_start3A_353 = arith.constant 0 : i32
        %dma_start3A_354 = tpu.memref_slice %arg17[%dma_start3A_352, %dma_start3A_353] : memref<10240x128xf32, #tpu.memory_space<vmem_shared>> -> memref<10240x128xf32, #tpu.memory_space<vmem_shared>>
        tpu.enqueue_indirect_dma source(%arg11 : memref<128x128xf32, #tpu.memory_space<vmem>>) target(%dma_start3A_354 : memref<10240x128xf32, #tpu.memory_space<vmem_shared>>) offsets(%dma_start3A_351 : memref<128xi32, #tpu.memory_space<vmem>>) semaphore(%run_scoped3A_348 : memref<!tpu.dma_semaphore, #tpu.memory_space<semaphore_mem>>) {add = true}
        %dma_wait3A_355 = arith.constant 0 : i32
        %dma_wait3A_356 = tpu.memref_slice %arg9[%run_scoped3A_286, %dma_wait3A_355] : memref<8x128xi32, #tpu.memory_space<vmem>> -> memref<1x128xi32, #tpu.memory_space<vmem>>
        %dma_wait3A_357 = tpu.memref_squeeze %dma_wait3A_356 : memref<1x128xi32, #tpu.memory_space<vmem>> -> memref<128xi32, #tpu.memory_space<vmem>>
        %dma_wait3A_358 = arith.constant 0 : i32
        %dma_wait3A_359 = arith.constant 0 : i32
        %dma_wait3A_360 = tpu.memref_slice %arg17[%dma_wait3A_358, %dma_wait3A_359] : memref<10240x128xf32, #tpu.memory_space<vmem_shared>> -> memref<10240x128xf32, #tpu.memory_space<vmem_shared>>
        tpu.wait_indirect_dma semaphore(%run_scoped3A_348 : memref<!tpu.dma_semaphore, #tpu.memory_space<semaphore_mem>>) src(%arg11 : memref<128x128xf32, #tpu.memory_space<vmem>>) dst(%dma_wait3A_360 : memref<10240x128xf32, #tpu.memory_space<vmem_shared>>)
        tpu.yield
      }) : () -> ()
      %dma_start3A_287 = arith.constant 5 : i32
      %dma_start3A_288 = arith.constant 0 : i32
      %dma_start3A_289 = tpu.memref_slice %arg7[%dma_start3A_287, %dma_start3A_288] : memref<8x128xi32, #tpu.memory_space<vmem>> -> memref<1x128xi32, #tpu.memory_space<vmem>>
      %dma_start3A_290 = tpu.memref_squeeze %dma_start3A_289 : memref<1x128xi32, #tpu.memory_space<vmem>> -> memref<128xi32, #tpu.memory_space<vmem>>
      %dma_start3A_291 = arith.constant 0 : i32
      %dma_start3A_292 = arith.constant 0 : i32
      %dma_start3A_293 = tpu.memref_slice %arg2[%dma_start3A_291, %dma_start3A_292] : memref<10000x128xf32, #tpu.memory_space<hbm>> -> memref<10000x128xf32, #tpu.memory_space<hbm>>
      tpu.enqueue_indirect_dma source(%dma_start3A_293 : memref<10000x128xf32, #tpu.memory_space<hbm>>) target(%arg11 : memref<128x128xf32, #tpu.memory_space<vmem>>) offsets(%dma_start3A_290 : memref<128xi32, #tpu.memory_space<vmem>>) semaphore(%arg16 : memref<!tpu.dma_semaphore, #tpu.memory_space<semaphore_mem>>)
      %dma_wait3A_294 = arith.constant 4 : i32
      %dma_wait3A_295 = arith.constant 0 : i32
      %dma_wait3A_296 = tpu.memref_slice %arg7[%dma_wait3A_294, %dma_wait3A_295] : memref<8x128xi32, #tpu.memory_space<vmem>> -> memref<1x128xi32, #tpu.memory_space<vmem>>
      %dma_wait3A_297 = tpu.memref_squeeze %dma_wait3A_296 : memref<1x128xi32, #tpu.memory_space<vmem>> -> memref<128xi32, #tpu.memory_space<vmem>>
      %dma_wait3A_298 = arith.constant 0 : i32
      %dma_wait3A_299 = arith.constant 0 : i32
      %dma_wait3A_300 = tpu.memref_slice %arg2[%dma_wait3A_298, %dma_wait3A_299] : memref<10000x128xf32, #tpu.memory_space<hbm>> -> memref<10000x128xf32, #tpu.memory_space<hbm>>
      tpu.wait_indirect_dma semaphore(%arg15 : memref<!tpu.dma_semaphore, #tpu.memory_space<semaphore_mem>>) src(%dma_wait3A_300 : memref<10000x128xf32, #tpu.memory_space<hbm>>) dst(%arg10 : memref<128x128xf32, #tpu.memory_space<vmem>>)
      %run_scoped3A_301 = arith.constant 4 : i32
      "tpu.region"() ({
        %run_scoped3A_348 = tpu.sem_alloc : memref<!tpu.dma_semaphore, #tpu.memory_space<semaphore_mem>>
        %dma_start3A_349 = arith.constant 0 : i32
        %dma_start3A_350 = tpu.memref_slice %arg9[%run_scoped3A_301, %dma_start3A_349] : memref<8x128xi32, #tpu.memory_space<vmem>> -> memref<1x128xi32, #tpu.memory_space<vmem>>
        %dma_start3A_351 = tpu.memref_squeeze %dma_start3A_350 : memref<1x128xi32, #tpu.memory_space<vmem>> -> memref<128xi32, #tpu.memory_space<vmem>>
        %dma_start3A_352 = arith.constant 0 : i32
        %dma_start3A_353 = arith.constant 0 : i32
        %dma_start3A_354 = tpu.memref_slice %arg17[%dma_start3A_352, %dma_start3A_353] : memref<10240x128xf32, #tpu.memory_space<vmem_shared>> -> memref<10240x128xf32, #tpu.memory_space<vmem_shared>>
        tpu.enqueue_indirect_dma source(%arg10 : memref<128x128xf32, #tpu.memory_space<vmem>>) target(%dma_start3A_354 : memref<10240x128xf32, #tpu.memory_space<vmem_shared>>) offsets(%dma_start3A_351 : memref<128xi32, #tpu.memory_space<vmem>>) semaphore(%run_scoped3A_348 : memref<!tpu.dma_semaphore, #tpu.memory_space<semaphore_mem>>) {add = true}
        %dma_wait3A_355 = arith.constant 0 : i32
        %dma_wait3A_356 = tpu.memref_slice %arg9[%run_scoped3A_301, %dma_wait3A_355] : memref<8x128xi32, #tpu.memory_space<vmem>> -> memref<1x128xi32, #tpu.memory_space<vmem>>
        %dma_wait3A_357 = tpu.memref_squeeze %dma_wait3A_356 : memref<1x128xi32, #tpu.memory_space<vmem>> -> memref<128xi32, #tpu.memory_space<vmem>>
        %dma_wait3A_358 = arith.constant 0 : i32
        %dma_wait3A_359 = arith.constant 0 : i32
        %dma_wait3A_360 = tpu.memref_slice %arg17[%dma_wait3A_358, %dma_wait3A_359] : memref<10240x128xf32, #tpu.memory_space<vmem_shared>> -> memref<10240x128xf32, #tpu.memory_space<vmem_shared>>
        tpu.wait_indirect_dma semaphore(%run_scoped3A_348 : memref<!tpu.dma_semaphore, #tpu.memory_space<semaphore_mem>>) src(%arg10 : memref<128x128xf32, #tpu.memory_space<vmem>>) dst(%dma_wait3A_360 : memref<10240x128xf32, #tpu.memory_space<vmem_shared>>)
        tpu.yield
      }) : () -> ()
      %dma_start3A_302 = arith.constant 6 : i32
      %dma_start3A_303 = arith.constant 0 : i32
      %dma_start3A_304 = tpu.memref_slice %arg7[%dma_start3A_302, %dma_start3A_303] : memref<8x128xi32, #tpu.memory_space<vmem>> -> memref<1x128xi32, #tpu.memory_space<vmem>>
      %dma_start3A_305 = tpu.memref_squeeze %dma_start3A_304 : memref<1x128xi32, #tpu.memory_space<vmem>> -> memref<128xi32, #tpu.memory_space<vmem>>
      %dma_start3A_306 = arith.constant 0 : i32
      %dma_start3A_307 = arith.constant 0 : i32
      %dma_start3A_308 = tpu.memref_slice %arg2[%dma_start3A_306, %dma_start3A_307] : memref<10000x128xf32, #tpu.memory_space<hbm>> -> memref<10000x128xf32, #tpu.memory_space<hbm>>
      tpu.enqueue_indirect_dma source(%dma_start3A_308 : memref<10000x128xf32, #tpu.memory_space<hbm>>) target(%arg10 : memref<128x128xf32, #tpu.memory_space<vmem>>) offsets(%dma_start3A_305 : memref<128xi32, #tpu.memory_space<vmem>>) semaphore(%arg15 : memref<!tpu.dma_semaphore, #tpu.memory_space<semaphore_mem>>)
      %dma_wait3A_309 = arith.constant 5 : i32
      %dma_wait3A_310 = arith.constant 0 : i32
      %dma_wait3A_311 = tpu.memref_slice %arg7[%dma_wait3A_309, %dma_wait3A_310] : memref<8x128xi32, #tpu.memory_space<vmem>> -> memref<1x128xi32, #tpu.memory_space<vmem>>
      %dma_wait3A_312 = tpu.memref_squeeze %dma_wait3A_311 : memref<1x128xi32, #tpu.memory_space<vmem>> -> memref<128xi32, #tpu.memory_space<vmem>>
      %dma_wait3A_313 = arith.constant 0 : i32
      %dma_wait3A_314 = arith.constant 0 : i32
      %dma_wait3A_315 = tpu.memref_slice %arg2[%dma_wait3A_313, %dma_wait3A_314] : memref<10000x128xf32, #tpu.memory_space<hbm>> -> memref<10000x128xf32, #tpu.memory_space<hbm>>
      tpu.wait_indirect_dma semaphore(%arg16 : memref<!tpu.dma_semaphore, #tpu.memory_space<semaphore_mem>>) src(%dma_wait3A_315 : memref<10000x128xf32, #tpu.memory_space<hbm>>) dst(%arg11 : memref<128x128xf32, #tpu.memory_space<vmem>>)
      %run_scoped3A_316 = arith.constant 5 : i32
      "tpu.region"() ({
        %run_scoped3A_348 = tpu.sem_alloc : memref<!tpu.dma_semaphore, #tpu.memory_space<semaphore_mem>>
        %dma_start3A_349 = arith.constant 0 : i32
        %dma_start3A_350 = tpu.memref_slice %arg9[%run_scoped3A_316, %dma_start3A_349] : memref<8x128xi32, #tpu.memory_space<vmem>> -> memref<1x128xi32, #tpu.memory_space<vmem>>
        %dma_start3A_351 = tpu.memref_squeeze %dma_start3A_350 : memref<1x128xi32, #tpu.memory_space<vmem>> -> memref<128xi32, #tpu.memory_space<vmem>>
        %dma_start3A_352 = arith.constant 0 : i32
        %dma_start3A_353 = arith.constant 0 : i32
        %dma_start3A_354 = tpu.memref_slice %arg17[%dma_start3A_352, %dma_start3A_353] : memref<10240x128xf32, #tpu.memory_space<vmem_shared>> -> memref<10240x128xf32, #tpu.memory_space<vmem_shared>>
        tpu.enqueue_indirect_dma source(%arg11 : memref<128x128xf32, #tpu.memory_space<vmem>>) target(%dma_start3A_354 : memref<10240x128xf32, #tpu.memory_space<vmem_shared>>) offsets(%dma_start3A_351 : memref<128xi32, #tpu.memory_space<vmem>>) semaphore(%run_scoped3A_348 : memref<!tpu.dma_semaphore, #tpu.memory_space<semaphore_mem>>) {add = true}
        %dma_wait3A_355 = arith.constant 0 : i32
        %dma_wait3A_356 = tpu.memref_slice %arg9[%run_scoped3A_316, %dma_wait3A_355] : memref<8x128xi32, #tpu.memory_space<vmem>> -> memref<1x128xi32, #tpu.memory_space<vmem>>
        %dma_wait3A_357 = tpu.memref_squeeze %dma_wait3A_356 : memref<1x128xi32, #tpu.memory_space<vmem>> -> memref<128xi32, #tpu.memory_space<vmem>>
        %dma_wait3A_358 = arith.constant 0 : i32
        %dma_wait3A_359 = arith.constant 0 : i32
        %dma_wait3A_360 = tpu.memref_slice %arg17[%dma_wait3A_358, %dma_wait3A_359] : memref<10240x128xf32, #tpu.memory_space<vmem_shared>> -> memref<10240x128xf32, #tpu.memory_space<vmem_shared>>
        tpu.wait_indirect_dma semaphore(%run_scoped3A_348 : memref<!tpu.dma_semaphore, #tpu.memory_space<semaphore_mem>>) src(%arg11 : memref<128x128xf32, #tpu.memory_space<vmem>>) dst(%dma_wait3A_360 : memref<10240x128xf32, #tpu.memory_space<vmem_shared>>)
        tpu.yield
      }) : () -> ()
      %dma_start3A_317 = arith.constant 7 : i32
      %dma_start3A_318 = arith.constant 0 : i32
      %dma_start3A_319 = tpu.memref_slice %arg7[%dma_start3A_317, %dma_start3A_318] : memref<8x128xi32, #tpu.memory_space<vmem>> -> memref<1x128xi32, #tpu.memory_space<vmem>>
      %dma_start3A_320 = tpu.memref_squeeze %dma_start3A_319 : memref<1x128xi32, #tpu.memory_space<vmem>> -> memref<128xi32, #tpu.memory_space<vmem>>
      %dma_start3A_321 = arith.constant 0 : i32
      %dma_start3A_322 = arith.constant 0 : i32
      %dma_start3A_323 = tpu.memref_slice %arg2[%dma_start3A_321, %dma_start3A_322] : memref<10000x128xf32, #tpu.memory_space<hbm>> -> memref<10000x128xf32, #tpu.memory_space<hbm>>
      tpu.enqueue_indirect_dma source(%dma_start3A_323 : memref<10000x128xf32, #tpu.memory_space<hbm>>) target(%arg11 : memref<128x128xf32, #tpu.memory_space<vmem>>) offsets(%dma_start3A_320 : memref<128xi32, #tpu.memory_space<vmem>>) semaphore(%arg16 : memref<!tpu.dma_semaphore, #tpu.memory_space<semaphore_mem>>)
      %dma_wait3A_324 = arith.constant 6 : i32
      %dma_wait3A_325 = arith.constant 0 : i32
      %dma_wait3A_326 = tpu.memref_slice %arg7[%dma_wait3A_324, %dma_wait3A_325] : memref<8x128xi32, #tpu.memory_space<vmem>> -> memref<1x128xi32, #tpu.memory_space<vmem>>
      %dma_wait3A_327 = tpu.memref_squeeze %dma_wait3A_326 : memref<1x128xi32, #tpu.memory_space<vmem>> -> memref<128xi32, #tpu.memory_space<vmem>>
      %dma_wait3A_328 = arith.constant 0 : i32
      %dma_wait3A_329 = arith.constant 0 : i32
      %dma_wait3A_330 = tpu.memref_slice %arg2[%dma_wait3A_328, %dma_wait3A_329] : memref<10000x128xf32, #tpu.memory_space<hbm>> -> memref<10000x128xf32, #tpu.memory_space<hbm>>
      tpu.wait_indirect_dma semaphore(%arg15 : memref<!tpu.dma_semaphore, #tpu.memory_space<semaphore_mem>>) src(%dma_wait3A_330 : memref<10000x128xf32, #tpu.memory_space<hbm>>) dst(%arg10 : memref<128x128xf32, #tpu.memory_space<vmem>>)
      %run_scoped3A_331 = arith.constant 6 : i32
      "tpu.region"() ({
        %run_scoped3A_348 = tpu.sem_alloc : memref<!tpu.dma_semaphore, #tpu.memory_space<semaphore_mem>>
        %dma_start3A_349 = arith.constant 0 : i32
        %dma_start3A_350 = tpu.memref_slice %arg9[%run_scoped3A_331, %dma_start3A_349] : memref<8x128xi32, #tpu.memory_space<vmem>> -> memref<1x128xi32, #tpu.memory_space<vmem>>
        %dma_start3A_351 = tpu.memref_squeeze %dma_start3A_350 : memref<1x128xi32, #tpu.memory_space<vmem>> -> memref<128xi32, #tpu.memory_space<vmem>>
        %dma_start3A_352 = arith.constant 0 : i32
        %dma_start3A_353 = arith.constant 0 : i32
        %dma_start3A_354 = tpu.memref_slice %arg17[%dma_start3A_352, %dma_start3A_353] : memref<10240x128xf32, #tpu.memory_space<vmem_shared>> -> memref<10240x128xf32, #tpu.memory_space<vmem_shared>>
        tpu.enqueue_indirect_dma source(%arg10 : memref<128x128xf32, #tpu.memory_space<vmem>>) target(%dma_start3A_354 : memref<10240x128xf32, #tpu.memory_space<vmem_shared>>) offsets(%dma_start3A_351 : memref<128xi32, #tpu.memory_space<vmem>>) semaphore(%run_scoped3A_348 : memref<!tpu.dma_semaphore, #tpu.memory_space<semaphore_mem>>) {add = true}
        %dma_wait3A_355 = arith.constant 0 : i32
        %dma_wait3A_356 = tpu.memref_slice %arg9[%run_scoped3A_331, %dma_wait3A_355] : memref<8x128xi32, #tpu.memory_space<vmem>> -> memref<1x128xi32, #tpu.memory_space<vmem>>
        %dma_wait3A_357 = tpu.memref_squeeze %dma_wait3A_356 : memref<1x128xi32, #tpu.memory_space<vmem>> -> memref<128xi32, #tpu.memory_space<vmem>>
        %dma_wait3A_358 = arith.constant 0 : i32
        %dma_wait3A_359 = arith.constant 0 : i32
        %dma_wait3A_360 = tpu.memref_slice %arg17[%dma_wait3A_358, %dma_wait3A_359] : memref<10240x128xf32, #tpu.memory_space<vmem_shared>> -> memref<10240x128xf32, #tpu.memory_space<vmem_shared>>
        tpu.wait_indirect_dma semaphore(%run_scoped3A_348 : memref<!tpu.dma_semaphore, #tpu.memory_space<semaphore_mem>>) src(%arg10 : memref<128x128xf32, #tpu.memory_space<vmem>>) dst(%dma_wait3A_360 : memref<10240x128xf32, #tpu.memory_space<vmem_shared>>)
        tpu.yield
      }) : () -> ()
      %dma_wait3A_332 = arith.constant 7 : i32
      %dma_wait3A_333 = arith.constant 0 : i32
      %dma_wait3A_334 = tpu.memref_slice %arg7[%dma_wait3A_332, %dma_wait3A_333] : memref<8x128xi32, #tpu.memory_space<vmem>> -> memref<1x128xi32, #tpu.memory_space<vmem>>
      %dma_wait3A_335 = tpu.memref_squeeze %dma_wait3A_334 : memref<1x128xi32, #tpu.memory_space<vmem>> -> memref<128xi32, #tpu.memory_space<vmem>>
      %dma_wait3A_336 = arith.constant 0 : i32
      %dma_wait3A_337 = arith.constant 0 : i32
      %dma_wait3A_338 = tpu.memref_slice %arg2[%dma_wait3A_336, %dma_wait3A_337] : memref<10000x128xf32, #tpu.memory_space<hbm>> -> memref<10000x128xf32, #tpu.memory_space<hbm>>
      tpu.wait_indirect_dma semaphore(%arg16 : memref<!tpu.dma_semaphore, #tpu.memory_space<semaphore_mem>>) src(%dma_wait3A_338 : memref<10000x128xf32, #tpu.memory_space<hbm>>) dst(%arg11 : memref<128x128xf32, #tpu.memory_space<vmem>>)
      %run_scoped3A_339 = arith.constant 7 : i32
      "tpu.region"() ({
        %run_scoped3A_348 = tpu.sem_alloc : memref<!tpu.dma_semaphore, #tpu.memory_space<semaphore_mem>>
        %dma_start3A_349 = arith.constant 0 : i32
        %dma_start3A_350 = tpu.memref_slice %arg9[%run_scoped3A_339, %dma_start3A_349] : memref<8x128xi32, #tpu.memory_space<vmem>> -> memref<1x128xi32, #tpu.memory_space<vmem>>
        %dma_start3A_351 = tpu.memref_squeeze %dma_start3A_350 : memref<1x128xi32, #tpu.memory_space<vmem>> -> memref<128xi32, #tpu.memory_space<vmem>>
        %dma_start3A_352 = arith.constant 0 : i32
        %dma_start3A_353 = arith.constant 0 : i32
        %dma_start3A_354 = tpu.memref_slice %arg17[%dma_start3A_352, %dma_start3A_353] : memref<10240x128xf32, #tpu.memory_space<vmem_shared>> -> memref<10240x128xf32, #tpu.memory_space<vmem_shared>>
        tpu.enqueue_indirect_dma source(%arg11 : memref<128x128xf32, #tpu.memory_space<vmem>>) target(%dma_start3A_354 : memref<10240x128xf32, #tpu.memory_space<vmem_shared>>) offsets(%dma_start3A_351 : memref<128xi32, #tpu.memory_space<vmem>>) semaphore(%run_scoped3A_348 : memref<!tpu.dma_semaphore, #tpu.memory_space<semaphore_mem>>) {add = true}
        %dma_wait3A_355 = arith.constant 0 : i32
        %dma_wait3A_356 = tpu.memref_slice %arg9[%run_scoped3A_339, %dma_wait3A_355] : memref<8x128xi32, #tpu.memory_space<vmem>> -> memref<1x128xi32, #tpu.memory_space<vmem>>
        %dma_wait3A_357 = tpu.memref_squeeze %dma_wait3A_356 : memref<1x128xi32, #tpu.memory_space<vmem>> -> memref<128xi32, #tpu.memory_space<vmem>>
        %dma_wait3A_358 = arith.constant 0 : i32
        %dma_wait3A_359 = arith.constant 0 : i32
        %dma_wait3A_360 = tpu.memref_slice %arg17[%dma_wait3A_358, %dma_wait3A_359] : memref<10240x128xf32, #tpu.memory_space<vmem_shared>> -> memref<10240x128xf32, #tpu.memory_space<vmem_shared>>
        tpu.wait_indirect_dma semaphore(%run_scoped3A_348 : memref<!tpu.dma_semaphore, #tpu.memory_space<semaphore_mem>>) src(%arg11 : memref<128x128xf32, #tpu.memory_space<vmem>>) dst(%dma_wait3A_360 : memref<10240x128xf32, #tpu.memory_space<vmem_shared>>)
        tpu.yield
      }) : () -> ()
      %add3A_340 = arith.constant 2 : i32
      %add3A_341 = arith.addi %add3A_203, %add3A_340 : i32
      %lt3A_342 = arith.constant 10 : i32
      %lt3A_343 = arith.cmpi slt, %add3A_341, %lt3A_342 : i32
      %convert_element_type3A_344 = arith.extui %lt3A_343 : i1 to i32
      %cond3A_345 = arith.constant 0 : i32
      %cond3A_346 = arith.cmpi ne, %convert_element_type3A_344, %cond3A_345 : i32
      scf.if %cond3A_346 {
        %add3A_348 = arith.constant 2 : i32
        %add3A_349 = arith.addi %add3A_203, %add3A_348 : i32
        %mul3A_350 = arith.constant 8 : i32
        %mul3A_351 = arith.muli %add3A_349, %mul3A_350 : i32
        %dma_start3A_352 = arith.constant 0 : i32
        %dma_start3A_353 = tpu.memref_slice %arg3[%add3A, %mul3A_351, %dma_start3A_352] : memref<32x80x128xi32, #tpu.memory_space<hbm>> -> memref<1x8x128xi32, #tpu.memory_space<hbm>>
        %dma_start3A_354 = tpu.memref_squeeze %dma_start3A_353 : memref<1x8x128xi32, #tpu.memory_space<hbm>> -> memref<8x128xi32, #tpu.memory_space<hbm>>
        %dma_start3A_355 = arith.constant 0 : i32
        %dma_start3A_356 = tpu.memref_slice %arg3[%add3A, %mul3A_351, %dma_start3A_355] : memref<32x80x128xi32, #tpu.memory_space<hbm>> -> memref<1x8x128xi32, #tpu.memory_space<hbm>>
        %dma_start3A_357 = tpu.memref_squeeze %dma_start3A_356 : memref<1x8x128xi32, #tpu.memory_space<hbm>> -> memref<8x128xi32, #tpu.memory_space<hbm>>
        tpu.enqueue_dma source(%dma_start3A_357 : memref<8x128xi32, #tpu.memory_space<hbm>>) target(%arg7 : memref<8x128xi32, #tpu.memory_space<vmem>>) target_semaphore(%arg14 : memref<!tpu.dma_semaphore, #tpu.memory_space<semaphore_mem>>)
        %mul3A_358 = arith.constant 8 : i32
        %mul3A_359 = arith.muli %add3A_349, %mul3A_358 : i32
        %dma_start3A_360 = arith.constant 0 : i32
        %dma_start3A_361 = tpu.memref_slice %arg4[%add3A, %mul3A_359, %dma_start3A_360] : memref<32x80x128xi32, #tpu.memory_space<hbm>> -> memref<1x8x128xi32, #tpu.memory_space<hbm>>
        %dma_start3A_362 = tpu.memref_squeeze %dma_start3A_361 : memref<1x8x128xi32, #tpu.memory_space<hbm>> -> memref<8x128xi32, #tpu.memory_space<hbm>>
        %dma_start3A_363 = arith.constant 0 : i32
        %dma_start3A_364 = tpu.memref_slice %arg4[%add3A, %mul3A_359, %dma_start3A_363] : memref<32x80x128xi32, #tpu.memory_space<hbm>> -> memref<1x8x128xi32, #tpu.memory_space<hbm>>
        %dma_start3A_365 = tpu.memref_squeeze %dma_start3A_364 : memref<1x8x128xi32, #tpu.memory_space<hbm>> -> memref<8x128xi32, #tpu.memory_space<hbm>>
        tpu.enqueue_dma source(%dma_start3A_365 : memref<8x128xi32, #tpu.memory_space<hbm>>) target(%arg9 : memref<8x128xi32, #tpu.memory_space<vmem>>) target_semaphore(%arg14 : memref<!tpu.dma_semaphore, #tpu.memory_space<semaphore_mem>>)
      } else {
      }
      %scan3A_347 = arith.constant 0 : i32
      scf.yield %scan3A_347 : i32
    }
    %scan3A_54 = arith.constant 5 : i32
    %barrier3A_55 = arith.constant 0 : index
    tpu.barrier barrier_id(%barrier3A_55)
    "tpu.region"() ({
      %run_scoped3A = tpu.sem_alloc : memref<!tpu.dma_semaphore, #tpu.memory_space<semaphore_mem>>
      %dma_start3A_56 = arith.constant 0 : i32
      %dma_start3A_57 = tpu.memref_slice %arg5[%arg0, %mul3A_7, %dma_start3A_56] : memref<2x10240x128xf32, #tpu.memory_space<hbm>> -> memref<1x640x128xf32, #tpu.memory_space<hbm>>
      %dma_start3A_58 = tpu.memref_squeeze %dma_start3A_57 : memref<1x640x128xf32, #tpu.memory_space<hbm>> -> memref<640x128xf32, #tpu.memory_space<hbm>>
      %dma_start3A_59 = arith.constant 0 : i32
      %dma_start3A_60 = tpu.memref_slice %arg17[%mul3A_7, %dma_start3A_59] : memref<10240x128xf32, #tpu.memory_space<vmem_shared>> -> memref<640x128xf32, #tpu.memory_space<vmem_shared>>
      tpu.enqueue_dma source(%dma_start3A_60 : memref<640x128xf32, #tpu.memory_space<vmem_shared>>) target(%dma_start3A_58 : memref<640x128xf32, #tpu.memory_space<hbm>>) target_semaphore(%run_scoped3A : memref<!tpu.dma_semaphore, #tpu.memory_space<semaphore_mem>>)
      %dma_wait3A = arith.constant 0 : i32
      %dma_wait3A_61 = tpu.memref_slice %arg5[%arg0, %mul3A_7, %dma_wait3A] : memref<2x10240x128xf32, #tpu.memory_space<hbm>> -> memref<1x640x128xf32, #tpu.memory_space<hbm>>
      %dma_wait3A_62 = tpu.memref_squeeze %dma_wait3A_61 : memref<1x640x128xf32, #tpu.memory_space<hbm>> -> memref<640x128xf32, #tpu.memory_space<hbm>>
      %dma_wait3A_63 = arith.constant 0 : i32
      %dma_wait3A_64 = tpu.memref_slice %arg17[%mul3A_7, %dma_wait3A_63] : memref<10240x128xf32, #tpu.memory_space<vmem_shared>> -> memref<640x128xf32, #tpu.memory_space<vmem_shared>>
      tpu.wait_dma2 semaphore(%run_scoped3A : memref<!tpu.dma_semaphore, #tpu.memory_space<semaphore_mem>>) src(%dma_wait3A_64 : memref<640x128xf32, #tpu.memory_space<vmem_shared>>) dst(%dma_wait3A_62 : memref<640x128xf32, #tpu.memory_space<hbm>>)
      tpu.yield
    }) : () -> ()
    return
  }
}

#map = affine_map<(d0, d1) -> (0, 0, 0)>
module attributes {stable_mosaic.version = 14 : i64} {
  func.func @_deg_kernel(%arg0: i32, %arg1: i32, %arg2: memref<32x80x128xi32, #tpu.memory_space<hbm>>, %arg3: memref<2x10240x128xf32, #tpu.memory_space<hbm>>, %arg4: memref<80x128xi32, #tpu.memory_space<vmem>>, %arg5: memref<128x128xf32, #tpu.memory_space<vmem>>, %arg6: memref<16x128xf32, #tpu.memory_space<vmem>>, %arg7: memref<10240x128xf32, #tpu.memory_space<vmem_shared>>) attributes {dimension_semantics = [#tpu.dimension_semantics<core_parallel>, #tpu.dimension_semantics<subcore_parallel>], iteration_bounds = array<i64: 2, 16>, scalar_prefetch = 0 : i64, scratch_operands = 4 : i64, tpu.core_type = #tpu.core_type<sc_vector_subcore>, window_params = [{transform_indices = #map}, {transform_indices = #map}]} {
    %mul3A = arith.constant 16 : i32
    %mul3A_0 = arith.muli %arg0, %mul3A : i32
    %add3A = arith.addi %mul3A_0, %arg1 : i32
    "tpu.region"() ({
      %run_scoped3A = tpu.sem_alloc : memref<!tpu.dma_semaphore, #tpu.memory_space<semaphore_mem>>
      %dma_start3A = arith.constant 0 : i32
      %dma_start3A_34 = arith.constant 0 : i32
      %dma_start3A_35 = tpu.memref_slice %arg2[%add3A, %dma_start3A, %dma_start3A_34] : memref<32x80x128xi32, #tpu.memory_space<hbm>> -> memref<1x80x128xi32, #tpu.memory_space<hbm>>
      %dma_start3A_36 = tpu.memref_squeeze %dma_start3A_35 : memref<1x80x128xi32, #tpu.memory_space<hbm>> -> memref<80x128xi32, #tpu.memory_space<hbm>>
      %dma_start3A_37 = arith.constant 0 : i32
      %dma_start3A_38 = arith.constant 0 : i32
      %dma_start3A_39 = tpu.memref_slice %arg2[%add3A, %dma_start3A_37, %dma_start3A_38] : memref<32x80x128xi32, #tpu.memory_space<hbm>> -> memref<1x80x128xi32, #tpu.memory_space<hbm>>
      %dma_start3A_40 = tpu.memref_squeeze %dma_start3A_39 : memref<1x80x128xi32, #tpu.memory_space<hbm>> -> memref<80x128xi32, #tpu.memory_space<hbm>>
      tpu.enqueue_dma source(%dma_start3A_40 : memref<80x128xi32, #tpu.memory_space<hbm>>) target(%arg4 : memref<80x128xi32, #tpu.memory_space<vmem>>) target_semaphore(%run_scoped3A : memref<!tpu.dma_semaphore, #tpu.memory_space<semaphore_mem>>)
      %dma_wait3A = arith.constant 0 : i32
      %dma_wait3A_41 = arith.constant 0 : i32
      %dma_wait3A_42 = tpu.memref_slice %arg2[%add3A, %dma_wait3A, %dma_wait3A_41] : memref<32x80x128xi32, #tpu.memory_space<hbm>> -> memref<1x80x128xi32, #tpu.memory_space<hbm>>
      %dma_wait3A_43 = tpu.memref_squeeze %dma_wait3A_42 : memref<1x80x128xi32, #tpu.memory_space<hbm>> -> memref<80x128xi32, #tpu.memory_space<hbm>>
      %dma_wait3A_44 = arith.constant 0 : i32
      %dma_wait3A_45 = arith.constant 0 : i32
      %dma_wait3A_46 = tpu.memref_slice %arg2[%add3A, %dma_wait3A_44, %dma_wait3A_45] : memref<32x80x128xi32, #tpu.memory_space<hbm>> -> memref<1x80x128xi32, #tpu.memory_space<hbm>>
      %dma_wait3A_47 = tpu.memref_squeeze %dma_wait3A_46 : memref<1x80x128xi32, #tpu.memory_space<hbm>> -> memref<80x128xi32, #tpu.memory_space<hbm>>
      tpu.wait_dma2 semaphore(%run_scoped3A : memref<!tpu.dma_semaphore, #tpu.memory_space<semaphore_mem>>) src(%dma_wait3A_47 : memref<80x128xi32, #tpu.memory_space<hbm>>) dst(%arg4 : memref<80x128xi32, #tpu.memory_space<vmem>>)
      tpu.yield
    }) : () -> ()
    %broadcast_in_dim3A = arith.constant 1.000000e+00 : f32
    %broadcast_in_dim3A_1 = vector.broadcast %broadcast_in_dim3A : f32 to vector<16xf32>
    %broadcast_in_dim3A_2 = arith.constant 0.000000e+00 : f32
    %broadcast_in_dim3A_3 = vector.broadcast %broadcast_in_dim3A_2 : f32 to vector<16xf32>
    %scan3A = arith.constant 0 : i32
    %scan3A_4 = arith.constant 0 : i32
    %scan3A_5 = arith.constant 128 : i32
    %scan3A_6 = arith.addi %scan3A_4, %scan3A_5 : i32
    %scan3A_7 = arith.constant 1 : i32
    %scan3A_8 = scf.for %scan3A_34 = %scan3A_4 to %scan3A_6 step %scan3A_7 iter_args(%scan3A_35 = %scan3A) -> (i32)  : i32 {
      %swap3A = arith.index_cast %scan3A_34 : i32 to index
      %swap3A_36 = arith.constant 0 : index
      %swap3A_37 = tpu.vector_load %arg5[%swap3A, %swap3A_36] {strides = array<i32>} : memref<128x128xf32, #tpu.memory_space<vmem>>, vector<1x16xf32>,
      %swap3A_38 = vector.shape_cast %swap3A_37 : vector<1x16xf32> to vector<16xf32>
      %swap3A_39 = vector.shape_cast %broadcast_in_dim3A_1 : vector<16xf32> to vector<1x16xf32>
      tpu.vector_store %arg5[%swap3A, %swap3A_36], %swap3A_39 {strides = array<i32>} : memref<128x128xf32, #tpu.memory_space<vmem>>, vector<1x16xf32>,
      %swap3A_40 = arith.index_cast %scan3A_34 : i32 to index
      %swap3A_41 = arith.constant 16 : index
      %swap3A_42 = tpu.vector_load %arg5[%swap3A_40, %swap3A_41] {strides = array<i32>} : memref<128x128xf32, #tpu.memory_space<vmem>>, vector<1x16xf32>,
      %swap3A_43 = vector.shape_cast %swap3A_42 : vector<1x16xf32> to vector<16xf32>
      %swap3A_44 = vector.shape_cast %broadcast_in_dim3A_1 : vector<16xf32> to vector<1x16xf32>
      tpu.vector_store %arg5[%swap3A_40, %swap3A_41], %swap3A_44 {strides = array<i32>} : memref<128x128xf32, #tpu.memory_space<vmem>>, vector<1x16xf32>,
      %swap3A_45 = arith.index_cast %scan3A_34 : i32 to index
      %swap3A_46 = arith.constant 32 : index
      %swap3A_47 = tpu.vector_load %arg5[%swap3A_45, %swap3A_46] {strides = array<i32>} : memref<128x128xf32, #tpu.memory_space<vmem>>, vector<1x16xf32>,
      %swap3A_48 = vector.shape_cast %swap3A_47 : vector<1x16xf32> to vector<16xf32>
      %swap3A_49 = vector.shape_cast %broadcast_in_dim3A_1 : vector<16xf32> to vector<1x16xf32>
      tpu.vector_store %arg5[%swap3A_45, %swap3A_46], %swap3A_49 {strides = array<i32>} : memref<128x128xf32, #tpu.memory_space<vmem>>, vector<1x16xf32>,
      %swap3A_50 = arith.index_cast %scan3A_34 : i32 to index
      %swap3A_51 = arith.constant 48 : index
      %swap3A_52 = tpu.vector_load %arg5[%swap3A_50, %swap3A_51] {strides = array<i32>} : memref<128x128xf32, #tpu.memory_space<vmem>>, vector<1x16xf32>,
      %swap3A_53 = vector.shape_cast %swap3A_52 : vector<1x16xf32> to vector<16xf32>
      %swap3A_54 = vector.shape_cast %broadcast_in_dim3A_1 : vector<16xf32> to vector<1x16xf32>
      tpu.vector_store %arg5[%swap3A_50, %swap3A_51], %swap3A_54 {strides = array<i32>} : memref<128x128xf32, #tpu.memory_space<vmem>>, vector<1x16xf32>,
      %swap3A_55 = arith.index_cast %scan3A_34 : i32 to index
      %swap3A_56 = arith.constant 64 : index
      %swap3A_57 = tpu.vector_load %arg5[%swap3A_55, %swap3A_56] {strides = array<i32>} : memref<128x128xf32, #tpu.memory_space<vmem>>, vector<1x16xf32>,
      %swap3A_58 = vector.shape_cast %swap3A_57 : vector<1x16xf32> to vector<16xf32>
      %swap3A_59 = vector.shape_cast %broadcast_in_dim3A_1 : vector<16xf32> to vector<1x16xf32>
      tpu.vector_store %arg5[%swap3A_55, %swap3A_56], %swap3A_59 {strides = array<i32>} : memref<128x128xf32, #tpu.memory_space<vmem>>, vector<1x16xf32>,
      %swap3A_60 = arith.index_cast %scan3A_34 : i32 to index
      %swap3A_61 = arith.constant 80 : index
      %swap3A_62 = tpu.vector_load %arg5[%swap3A_60, %swap3A_61] {strides = array<i32>} : memref<128x128xf32, #tpu.memory_space<vmem>>, vector<1x16xf32>,
      %swap3A_63 = vector.shape_cast %swap3A_62 : vector<1x16xf32> to vector<16xf32>
      %swap3A_64 = vector.shape_cast %broadcast_in_dim3A_1 : vector<16xf32> to vector<1x16xf32>
      tpu.vector_store %arg5[%swap3A_60, %swap3A_61], %swap3A_64 {strides = array<i32>} : memref<128x128xf32, #tpu.memory_space<vmem>>, vector<1x16xf32>,
      %swap3A_65 = arith.index_cast %scan3A_34 : i32 to index
      %swap3A_66 = arith.constant 96 : index
      %swap3A_67 = tpu.vector_load %arg5[%swap3A_65, %swap3A_66] {strides = array<i32>} : memref<128x128xf32, #tpu.memory_space<vmem>>, vector<1x16xf32>,
      %swap3A_68 = vector.shape_cast %swap3A_67 : vector<1x16xf32> to vector<16xf32>
      %swap3A_69 = vector.shape_cast %broadcast_in_dim3A_1 : vector<16xf32> to vector<1x16xf32>
      tpu.vector_store %arg5[%swap3A_65, %swap3A_66], %swap3A_69 {strides = array<i32>} : memref<128x128xf32, #tpu.memory_space<vmem>>, vector<1x16xf32>,
      %swap3A_70 = arith.index_cast %scan3A_34 : i32 to index
      %swap3A_71 = arith.constant 112 : index
      %swap3A_72 = tpu.vector_load %arg5[%swap3A_70, %swap3A_71] {strides = array<i32>} : memref<128x128xf32, #tpu.memory_space<vmem>>, vector<1x16xf32>,
      %swap3A_73 = vector.shape_cast %swap3A_72 : vector<1x16xf32> to vector<16xf32>
      %swap3A_74 = vector.shape_cast %broadcast_in_dim3A_1 : vector<16xf32> to vector<1x16xf32>
      tpu.vector_store %arg5[%swap3A_70, %swap3A_71], %swap3A_74 {strides = array<i32>} : memref<128x128xf32, #tpu.memory_space<vmem>>, vector<1x16xf32>,
      %scan3A_75 = arith.constant 0 : i32
      scf.yield %scan3A_75 : i32
    }
    %scan3A_9 = arith.constant 128 : i32
    %scan3A_10 = arith.constant 0 : i32
    %scan3A_11 = arith.constant 0 : i32
    %scan3A_12 = arith.constant 16 : i32
    %scan3A_13 = arith.addi %scan3A_11, %scan3A_12 : i32
    %scan3A_14 = arith.constant 1 : i32
    %scan3A_15 = scf.for %scan3A_34 = %scan3A_11 to %scan3A_13 step %scan3A_14 iter_args(%scan3A_35 = %scan3A_10) -> (i32)  : i32 {
      %swap3A = arith.index_cast %scan3A_34 : i32 to index
      %swap3A_36 = arith.constant 0 : index
      %swap3A_37 = tpu.vector_load %arg6[%swap3A, %swap3A_36] {strides = array<i32>} : memref<16x128xf32, #tpu.memory_space<vmem>>, vector<1x16xf32>,
      %swap3A_38 = vector.shape_cast %swap3A_37 : vector<1x16xf32> to vector<16xf32>
      %swap3A_39 = vector.shape_cast %broadcast_in_dim3A_3 : vector<16xf32> to vector<1x16xf32>
      tpu.vector_store %arg6[%swap3A, %swap3A_36], %swap3A_39 {strides = array<i32>} : memref<16x128xf32, #tpu.memory_space<vmem>>, vector<1x16xf32>,
      %swap3A_40 = arith.index_cast %scan3A_34 : i32 to index
      %swap3A_41 = arith.constant 16 : index
      %swap3A_42 = tpu.vector_load %arg6[%swap3A_40, %swap3A_41] {strides = array<i32>} : memref<16x128xf32, #tpu.memory_space<vmem>>, vector<1x16xf32>,
      %swap3A_43 = vector.shape_cast %swap3A_42 : vector<1x16xf32> to vector<16xf32>
      %swap3A_44 = vector.shape_cast %broadcast_in_dim3A_3 : vector<16xf32> to vector<1x16xf32>
      tpu.vector_store %arg6[%swap3A_40, %swap3A_41], %swap3A_44 {strides = array<i32>} : memref<16x128xf32, #tpu.memory_space<vmem>>, vector<1x16xf32>,
      %swap3A_45 = arith.index_cast %scan3A_34 : i32 to index
      %swap3A_46 = arith.constant 32 : index
      %swap3A_47 = tpu.vector_load %arg6[%swap3A_45, %swap3A_46] {strides = array<i32>} : memref<16x128xf32, #tpu.memory_space<vmem>>, vector<1x16xf32>,
      %swap3A_48 = vector.shape_cast %swap3A_47 : vector<1x16xf32> to vector<16xf32>
      %swap3A_49 = vector.shape_cast %broadcast_in_dim3A_3 : vector<16xf32> to vector<1x16xf32>
      tpu.vector_store %arg6[%swap3A_45, %swap3A_46], %swap3A_49 {strides = array<i32>} : memref<16x128xf32, #tpu.memory_space<vmem>>, vector<1x16xf32>,
      %swap3A_50 = arith.index_cast %scan3A_34 : i32 to index
      %swap3A_51 = arith.constant 48 : index
      %swap3A_52 = tpu.vector_load %arg6[%swap3A_50, %swap3A_51] {strides = array<i32>} : memref<16x128xf32, #tpu.memory_space<vmem>>, vector<1x16xf32>,
      %swap3A_53 = vector.shape_cast %swap3A_52 : vector<1x16xf32> to vector<16xf32>
      %swap3A_54 = vector.shape_cast %broadcast_in_dim3A_3 : vector<16xf32> to vector<1x16xf32>
      tpu.vector_store %arg6[%swap3A_50, %swap3A_51], %swap3A_54 {strides = array<i32>} : memref<16x128xf32, #tpu.memory_space<vmem>>, vector<1x16xf32>,
      %swap3A_55 = arith.index_cast %scan3A_34 : i32 to index
      %swap3A_56 = arith.constant 64 : index
      %swap3A_57 = tpu.vector_load %arg6[%swap3A_55, %swap3A_56] {strides = array<i32>} : memref<16x128xf32, #tpu.memory_space<vmem>>, vector<1x16xf32>,
      %swap3A_58 = vector.shape_cast %swap3A_57 : vector<1x16xf32> to vector<16xf32>
      %swap3A_59 = vector.shape_cast %broadcast_in_dim3A_3 : vector<16xf32> to vector<1x16xf32>
      tpu.vector_store %arg6[%swap3A_55, %swap3A_56], %swap3A_59 {strides = array<i32>} : memref<16x128xf32, #tpu.memory_space<vmem>>, vector<1x16xf32>,
      %swap3A_60 = arith.index_cast %scan3A_34 : i32 to index
      %swap3A_61 = arith.constant 80 : index
      %swap3A_62 = tpu.vector_load %arg6[%swap3A_60, %swap3A_61] {strides = array<i32>} : memref<16x128xf32, #tpu.memory_space<vmem>>, vector<1x16xf32>,
      %swap3A_63 = vector.shape_cast %swap3A_62 : vector<1x16xf32> to vector<16xf32>
      %swap3A_64 = vector.shape_cast %broadcast_in_dim3A_3 : vector<16xf32> to vector<1x16xf32>
      tpu.vector_store %arg6[%swap3A_60, %swap3A_61], %swap3A_64 {strides = array<i32>} : memref<16x128xf32, #tpu.memory_space<vmem>>, vector<1x16xf32>,
      %swap3A_65 = arith.index_cast %scan3A_34 : i32 to index
      %swap3A_66 = arith.constant 96 : index
      %swap3A_67 = tpu.vector_load %arg6[%swap3A_65, %swap3A_66] {strides = array<i32>} : memref<16x128xf32, #tpu.memory_space<vmem>>, vector<1x16xf32>,
      %swap3A_68 = vector.shape_cast %swap3A_67 : vector<1x16xf32> to vector<16xf32>
      %swap3A_69 = vector.shape_cast %broadcast_in_dim3A_3 : vector<16xf32> to vector<1x16xf32>
      tpu.vector_store %arg6[%swap3A_65, %swap3A_66], %swap3A_69 {strides = array<i32>} : memref<16x128xf32, #tpu.memory_space<vmem>>, vector<1x16xf32>,
      %swap3A_70 = arith.index_cast %scan3A_34 : i32 to index
      %swap3A_71 = arith.constant 112 : index
      %swap3A_72 = tpu.vector_load %arg6[%swap3A_70, %swap3A_71] {strides = array<i32>} : memref<16x128xf32, #tpu.memory_space<vmem>>, vector<1x16xf32>,
      %swap3A_73 = vector.shape_cast %swap3A_72 : vector<1x16xf32> to vector<16xf32>
      %swap3A_74 = vector.shape_cast %broadcast_in_dim3A_3 : vector<16xf32> to vector<1x16xf32>
      tpu.vector_store %arg6[%swap3A_70, %swap3A_71], %swap3A_74 {strides = array<i32>} : memref<16x128xf32, #tpu.memory_space<vmem>>, vector<1x16xf32>,
      %scan3A_75 = arith.constant 0 : i32
      scf.yield %scan3A_75 : i32
    }
    %scan3A_16 = arith.constant 16 : i32
    %mul3A_17 = arith.constant 640 : i32
    %mul3A_18 = arith.muli %arg1, %mul3A_17 : i32
    %scan3A_19 = arith.constant 0 : i32
    %scan3A_20 = arith.constant 0 : i32
    %scan3A_21 = arith.constant 40 : i32
    %scan3A_22 = arith.addi %scan3A_20, %scan3A_21 : i32
    %scan3A_23 = arith.constant 1 : i32
    %scan3A_24 = scf.for %scan3A_34 = %scan3A_20 to %scan3A_22 step %scan3A_23 iter_args(%scan3A_35 = %scan3A_19) -> (i32)  : i32 {
      %mul3A_36 = arith.constant 16 : i32
      %mul3A_37 = arith.muli %scan3A_34, %mul3A_36 : i32
      %add3A_38 = arith.addi %mul3A_18, %mul3A_37 : i32
      "tpu.region"() ({
        %run_scoped3A = tpu.sem_alloc : memref<!tpu.dma_semaphore, #tpu.memory_space<semaphore_mem>>
        %dma_start3A = arith.constant 0 : i32
        %dma_start3A_40 = tpu.memref_slice %arg7[%add3A_38, %dma_start3A] : memref<10240x128xf32, #tpu.memory_space<vmem_shared>> -> memref<16x128xf32, #tpu.memory_space<vmem_shared>>
        %dma_start3A_41 = arith.constant 0 : i32
        %dma_start3A_42 = tpu.memref_slice %arg7[%add3A_38, %dma_start3A_41] : memref<10240x128xf32, #tpu.memory_space<vmem_shared>> -> memref<16x128xf32, #tpu.memory_space<vmem_shared>>
        tpu.enqueue_dma source(%arg6 : memref<16x128xf32, #tpu.memory_space<vmem>>) target(%dma_start3A_42 : memref<16x128xf32, #tpu.memory_space<vmem_shared>>) target_semaphore(%run_scoped3A : memref<!tpu.dma_semaphore, #tpu.memory_space<semaphore_mem>>)
        %dma_wait3A = arith.constant 0 : i32
        %dma_wait3A_43 = tpu.memref_slice %arg7[%add3A_38, %dma_wait3A] : memref<10240x128xf32, #tpu.memory_space<vmem_shared>> -> memref<16x128xf32, #tpu.memory_space<vmem_shared>>
        %dma_wait3A_44 = arith.constant 0 : i32
        %dma_wait3A_45 = tpu.memref_slice %arg7[%add3A_38, %dma_wait3A_44] : memref<10240x128xf32, #tpu.memory_space<vmem_shared>> -> memref<16x128xf32, #tpu.memory_space<vmem_shared>>
        tpu.wait_dma2 semaphore(%run_scoped3A : memref<!tpu.dma_semaphore, #tpu.memory_space<semaphore_mem>>) src(%arg6 : memref<16x128xf32, #tpu.memory_space<vmem>>) dst(%dma_wait3A_45 : memref<16x128xf32, #tpu.memory_space<vmem_shared>>)
        tpu.yield
      }) : () -> ()
      %scan3A_39 = arith.constant 0 : i32
      scf.yield %scan3A_39 : i32
    }
    %scan3A_25 = arith.constant 40 : i32
    %barrier3A = arith.constant 0 : index
    tpu.barrier barrier_id(%barrier3A)
    %scan3A_26 = arith.constant 0 : i32
    %scan3A_27 = arith.constant 0 : i32
    %scan3A_28 = arith.constant 80 : i32
    %scan3A_29 = arith.addi %scan3A_27, %scan3A_28 : i32
    %scan3A_30 = arith.constant 1 : i32
    %scan3A_31 = scf.for %scan3A_34 = %scan3A_27 to %scan3A_29 step %scan3A_30 iter_args(%scan3A_35 = %scan3A_26) -> (i32)  : i32 {
      "tpu.region"() ({
        %run_scoped3A = tpu.sem_alloc : memref<!tpu.dma_semaphore, #tpu.memory_space<semaphore_mem>>
        %dma_start3A = arith.constant 0 : i32
        %dma_start3A_37 = tpu.memref_slice %arg4[%scan3A_34, %dma_start3A] : memref<80x128xi32, #tpu.memory_space<vmem>> -> memref<1x128xi32, #tpu.memory_space<vmem>>
        %dma_start3A_38 = tpu.memref_squeeze %dma_start3A_37 : memref<1x128xi32, #tpu.memory_space<vmem>> -> memref<128xi32, #tpu.memory_space<vmem>>
        %dma_start3A_39 = arith.constant 0 : i32
        %dma_start3A_40 = arith.constant 0 : i32
        %dma_start3A_41 = tpu.memref_slice %arg7[%dma_start3A_39, %dma_start3A_40] : memref<10240x128xf32, #tpu.memory_space<vmem_shared>> -> memref<10240x128xf32, #tpu.memory_space<vmem_shared>>
        tpu.enqueue_indirect_dma source(%arg5 : memref<128x128xf32, #tpu.memory_space<vmem>>) target(%dma_start3A_41 : memref<10240x128xf32, #tpu.memory_space<vmem_shared>>) offsets(%dma_start3A_38 : memref<128xi32, #tpu.memory_space<vmem>>) semaphore(%run_scoped3A : memref<!tpu.dma_semaphore, #tpu.memory_space<semaphore_mem>>) {add = true}
        %dma_wait3A = arith.constant 0 : i32
        %dma_wait3A_42 = tpu.memref_slice %arg4[%scan3A_34, %dma_wait3A] : memref<80x128xi32, #tpu.memory_space<vmem>> -> memref<1x128xi32, #tpu.memory_space<vmem>>
        %dma_wait3A_43 = tpu.memref_squeeze %dma_wait3A_42 : memref<1x128xi32, #tpu.memory_space<vmem>> -> memref<128xi32, #tpu.memory_space<vmem>>
        %dma_wait3A_44 = arith.constant 0 : i32
        %dma_wait3A_45 = arith.constant 0 : i32
        %dma_wait3A_46 = tpu.memref_slice %arg7[%dma_wait3A_44, %dma_wait3A_45] : memref<10240x128xf32, #tpu.memory_space<vmem_shared>> -> memref<10240x128xf32, #tpu.memory_space<vmem_shared>>
        tpu.wait_indirect_dma semaphore(%run_scoped3A : memref<!tpu.dma_semaphore, #tpu.memory_space<semaphore_mem>>) src(%arg5 : memref<128x128xf32, #tpu.memory_space<vmem>>) dst(%dma_wait3A_46 : memref<10240x128xf32, #tpu.memory_space<vmem_shared>>)
        tpu.yield
      }) : () -> ()
      %scan3A_36 = arith.constant 0 : i32
      scf.yield %scan3A_36 : i32
    }
    %scan3A_32 = arith.constant 80 : i32
    %barrier3A_33 = arith.constant 0 : index
    tpu.barrier barrier_id(%barrier3A_33)
    "tpu.region"() ({
      %run_scoped3A = tpu.sem_alloc : memref<!tpu.dma_semaphore, #tpu.memory_space<semaphore_mem>>
      %dma_start3A = arith.constant 0 : i32
      %dma_start3A_34 = tpu.memref_slice %arg3[%arg0, %mul3A_18, %dma_start3A] : memref<2x10240x128xf32, #tpu.memory_space<hbm>> -> memref<1x640x128xf32, #tpu.memory_space<hbm>>
      %dma_start3A_35 = tpu.memref_squeeze %dma_start3A_34 : memref<1x640x128xf32, #tpu.memory_space<hbm>> -> memref<640x128xf32, #tpu.memory_space<hbm>>
      %dma_start3A_36 = arith.constant 0 : i32
      %dma_start3A_37 = tpu.memref_slice %arg7[%mul3A_18, %dma_start3A_36] : memref<10240x128xf32, #tpu.memory_space<vmem_shared>> -> memref<640x128xf32, #tpu.memory_space<vmem_shared>>
      tpu.enqueue_dma source(%dma_start3A_37 : memref<640x128xf32, #tpu.memory_space<vmem_shared>>) target(%dma_start3A_35 : memref<640x128xf32, #tpu.memory_space<hbm>>) target_semaphore(%run_scoped3A : memref<!tpu.dma_semaphore, #tpu.memory_space<semaphore_mem>>)
      %dma_wait3A = arith.constant 0 : i32
      %dma_wait3A_38 = tpu.memref_slice %arg3[%arg0, %mul3A_18, %dma_wait3A] : memref<2x10240x128xf32, #tpu.memory_space<hbm>> -> memref<1x640x128xf32, #tpu.memory_space<hbm>>
      %dma_wait3A_39 = tpu.memref_squeeze %dma_wait3A_38 : memref<1x640x128xf32, #tpu.memory_space<hbm>> -> memref<640x128xf32, #tpu.memory_space<hbm>>
      %dma_wait3A_40 = arith.constant 0 : i32
      %dma_wait3A_41 = tpu.memref_slice %arg7[%mul3A_18, %dma_wait3A_40] : memref<10240x128xf32, #tpu.memory_space<vmem_shared>> -> memref<640x128xf32, #tpu.memory_space<vmem_shared>>
      tpu.wait_dma2 semaphore(%run_scoped3A : memref<!tpu.dma_semaphore, #tpu.memory_space<semaphore_mem>>) src(%dma_wait3A_41 : memref<640x128xf32, #tpu.memory_space<vmem_shared>>) dst(%dma_wait3A_39 : memref<640x128xf32, #tpu.memory_space<hbm>>)
      tpu.yield
    }) : () -> ()
    return
  }
}

#map = affine_map<(d0, d1) -> (0, 0)>
#map1 = affine_map<(d0, d1) -> (0, 0, 0)>
module attributes {stable_mosaic.version = 14 : i64} {
  func.func @_agg_kernel(%arg0: i32, %arg1: i32, %arg2: memref<10000x128xf32, #tpu.memory_space<hbm>>, %arg3: memref<32x80x128xi32, #tpu.memory_space<hbm>>, %arg4: memref<32x80x128xi32, #tpu.memory_space<hbm>>, %arg5: memref<2x10240x128xf32, #tpu.memory_space<hbm>>, %arg6: memref<8x128xi32, #tpu.memory_space<vmem>>, %arg7: memref<8x128xi32, #tpu.memory_space<vmem>>, %arg8: memref<8x128xi32, #tpu.memory_space<vmem>>, %arg9: memref<8x128xi32, #tpu.memory_space<vmem>>, %arg10: memref<128x128xf32, #tpu.memory_space<vmem>>, %arg11: memref<128x128xf32, #tpu.memory_space<vmem>>, %arg12: memref<16x128xf32, #tpu.memory_space<vmem>>, %arg13: memref<!tpu.dma_semaphore, #tpu.memory_space<semaphore_mem>>, %arg14: memref<!tpu.dma_semaphore, #tpu.memory_space<semaphore_mem>>, %arg15: memref<!tpu.dma_semaphore, #tpu.memory_space<semaphore_mem>>, %arg16: memref<!tpu.dma_semaphore, #tpu.memory_space<semaphore_mem>>, %arg17: memref<10240x128xf32, #tpu.memory_space<vmem_shared>>) attributes {dimension_semantics = [#tpu.dimension_semantics<core_parallel>, #tpu.dimension_semantics<subcore_parallel>], iteration_bounds = array<i64: 2, 16>, scalar_prefetch = 0 : i64, scratch_operands = 12 : i64, tpu.core_type = #tpu.core_type<sc_vector_subcore>, window_params = [{transform_indices = #map}, {transform_indices = #map1}, {transform_indices = #map1}, {transform_indices = #map1}]} {
    %broadcast_in_dim3A = arith.constant 0.000000e+00 : f32
    %broadcast_in_dim3A_0 = vector.broadcast %broadcast_in_dim3A : f32 to vector<16xf32>
    %scan3A = arith.constant 0 : i32
    %scan3A_1 = arith.constant 0 : i32
    %scan3A_2 = arith.constant 16 : i32
    %scan3A_3 = arith.addi %scan3A_1, %scan3A_2 : i32
    %scan3A_4 = arith.constant 1 : i32
    %scan3A_5 = scf.for %scan3A_56 = %scan3A_1 to %scan3A_3 step %scan3A_4 iter_args(%scan3A_57 = %scan3A) -> (i32)  : i32 {
      %swap3A = arith.index_cast %scan3A_56 : i32 to index
      %swap3A_58 = arith.constant 0 : index
      %swap3A_59 = tpu.vector_load %arg12[%swap3A, %swap3A_58] {strides = array<i32>} : memref<16x128xf32, #tpu.memory_space<vmem>>, vector<1x16xf32>,
      %swap3A_60 = vector.shape_cast %swap3A_59 : vector<1x16xf32> to vector<16xf32>
      %swap3A_61 = vector.shape_cast %broadcast_in_dim3A_0 : vector<16xf32> to vector<1x16xf32>
      tpu.vector_store %arg12[%swap3A, %swap3A_58], %swap3A_61 {strides = array<i32>} : memref<16x128xf32, #tpu.memory_space<vmem>>, vector<1x16xf32>,
      %swap3A_62 = arith.index_cast %scan3A_56 : i32 to index
      %swap3A_63 = arith.constant 16 : index
      %swap3A_64 = tpu.vector_load %arg12[%swap3A_62, %swap3A_63] {strides = array<i32>} : memref<16x128xf32, #tpu.memory_space<vmem>>, vector<1x16xf32>,
      %swap3A_65 = vector.shape_cast %swap3A_64 : vector<1x16xf32> to vector<16xf32>
      %swap3A_66 = vector.shape_cast %broadcast_in_dim3A_0 : vector<16xf32> to vector<1x16xf32>
      tpu.vector_store %arg12[%swap3A_62, %swap3A_63], %swap3A_66 {strides = array<i32>} : memref<16x128xf32, #tpu.memory_space<vmem>>, vector<1x16xf32>,
      %swap3A_67 = arith.index_cast %scan3A_56 : i32 to index
      %swap3A_68 = arith.constant 32 : index
      %swap3A_69 = tpu.vector_load %arg12[%swap3A_67, %swap3A_68] {strides = array<i32>} : memref<16x128xf32, #tpu.memory_space<vmem>>, vector<1x16xf32>,
      %swap3A_70 = vector.shape_cast %swap3A_69 : vector<1x16xf32> to vector<16xf32>
      %swap3A_71 = vector.shape_cast %broadcast_in_dim3A_0 : vector<16xf32> to vector<1x16xf32>
      tpu.vector_store %arg12[%swap3A_67, %swap3A_68], %swap3A_71 {strides = array<i32>} : memref<16x128xf32, #tpu.memory_space<vmem>>, vector<1x16xf32>,
      %swap3A_72 = arith.index_cast %scan3A_56 : i32 to index
      %swap3A_73 = arith.constant 48 : index
      %swap3A_74 = tpu.vector_load %arg12[%swap3A_72, %swap3A_73] {strides = array<i32>} : memref<16x128xf32, #tpu.memory_space<vmem>>, vector<1x16xf32>,
      %swap3A_75 = vector.shape_cast %swap3A_74 : vector<1x16xf32> to vector<16xf32>
      %swap3A_76 = vector.shape_cast %broadcast_in_dim3A_0 : vector<16xf32> to vector<1x16xf32>
      tpu.vector_store %arg12[%swap3A_72, %swap3A_73], %swap3A_76 {strides = array<i32>} : memref<16x128xf32, #tpu.memory_space<vmem>>, vector<1x16xf32>,
      %swap3A_77 = arith.index_cast %scan3A_56 : i32 to index
      %swap3A_78 = arith.constant 64 : index
      %swap3A_79 = tpu.vector_load %arg12[%swap3A_77, %swap3A_78] {strides = array<i32>} : memref<16x128xf32, #tpu.memory_space<vmem>>, vector<1x16xf32>,
      %swap3A_80 = vector.shape_cast %swap3A_79 : vector<1x16xf32> to vector<16xf32>
      %swap3A_81 = vector.shape_cast %broadcast_in_dim3A_0 : vector<16xf32> to vector<1x16xf32>
      tpu.vector_store %arg12[%swap3A_77, %swap3A_78], %swap3A_81 {strides = array<i32>} : memref<16x128xf32, #tpu.memory_space<vmem>>, vector<1x16xf32>,
      %swap3A_82 = arith.index_cast %scan3A_56 : i32 to index
      %swap3A_83 = arith.constant 80 : index
      %swap3A_84 = tpu.vector_load %arg12[%swap3A_82, %swap3A_83] {strides = array<i32>} : memref<16x128xf32, #tpu.memory_space<vmem>>, vector<1x16xf32>,
      %swap3A_85 = vector.shape_cast %swap3A_84 : vector<1x16xf32> to vector<16xf32>
      %swap3A_86 = vector.shape_cast %broadcast_in_dim3A_0 : vector<16xf32> to vector<1x16xf32>
      tpu.vector_store %arg12[%swap3A_82, %swap3A_83], %swap3A_86 {strides = array<i32>} : memref<16x128xf32, #tpu.memory_space<vmem>>, vector<1x16xf32>,
      %swap3A_87 = arith.index_cast %scan3A_56 : i32 to index
      %swap3A_88 = arith.constant 96 : index
      %swap3A_89 = tpu.vector_load %arg12[%swap3A_87, %swap3A_88] {strides = array<i32>} : memref<16x128xf32, #tpu.memory_space<vmem>>, vector<1x16xf32>,
      %swap3A_90 = vector.shape_cast %swap3A_89 : vector<1x16xf32> to vector<16xf32>
      %swap3A_91 = vector.shape_cast %broadcast_in_dim3A_0 : vector<16xf32> to vector<1x16xf32>
      tpu.vector_store %arg12[%swap3A_87, %swap3A_88], %swap3A_91 {strides = array<i32>} : memref<16x128xf32, #tpu.memory_space<vmem>>, vector<1x16xf32>,
      %swap3A_92 = arith.index_cast %scan3A_56 : i32 to index
      %swap3A_93 = arith.constant 112 : index
      %swap3A_94 = tpu.vector_load %arg12[%swap3A_92, %swap3A_93] {strides = array<i32>} : memref<16x128xf32, #tpu.memory_space<vmem>>, vector<1x16xf32>,
      %swap3A_95 = vector.shape_cast %swap3A_94 : vector<1x16xf32> to vector<16xf32>
      %swap3A_96 = vector.shape_cast %broadcast_in_dim3A_0 : vector<16xf32> to vector<1x16xf32>
      tpu.vector_store %arg12[%swap3A_92, %swap3A_93], %swap3A_96 {strides = array<i32>} : memref<16x128xf32, #tpu.memory_space<vmem>>, vector<1x16xf32>,
      %scan3A_97 = arith.constant 0 : i32
      scf.yield %scan3A_97 : i32
    }
    %scan3A_6 = arith.constant 16 : i32
    %mul3A = arith.constant 640 : i32
    %mul3A_7 = arith.muli %arg1, %mul3A : i32
    %scan3A_8 = arith.constant 0 : i32
    %scan3A_9 = arith.constant 0 : i32
    %scan3A_10 = arith.constant 40 : i32
    %scan3A_11 = arith.addi %scan3A_9, %scan3A_10 : i32
    %scan3A_12 = arith.constant 1 : i32
    %scan3A_13 = scf.for %scan3A_56 = %scan3A_9 to %scan3A_11 step %scan3A_12 iter_args(%scan3A_57 = %scan3A_8) -> (i32)  : i32 {
      %mul3A_58 = arith.constant 16 : i32
      %mul3A_59 = arith.muli %scan3A_56, %mul3A_58 : i32
      %add3A_60 = arith.addi %mul3A_7, %mul3A_59 : i32
      "tpu.region"() ({
        %run_scoped3A = tpu.sem_alloc : memref<!tpu.dma_semaphore, #tpu.memory_space<semaphore_mem>>
        %dma_start3A_62 = arith.constant 0 : i32
        %dma_start3A_63 = tpu.memref_slice %arg17[%add3A_60, %dma_start3A_62] : memref<10240x128xf32, #tpu.memory_space<vmem_shared>> -> memref<16x128xf32, #tpu.memory_space<vmem_shared>>
        %dma_start3A_64 = arith.constant 0 : i32
        %dma_start3A_65 = tpu.memref_slice %arg17[%add3A_60, %dma_start3A_64] : memref<10240x128xf32, #tpu.memory_space<vmem_shared>> -> memref<16x128xf32, #tpu.memory_space<vmem_shared>>
        tpu.enqueue_dma source(%arg12 : memref<16x128xf32, #tpu.memory_space<vmem>>) target(%dma_start3A_65 : memref<16x128xf32, #tpu.memory_space<vmem_shared>>) target_semaphore(%run_scoped3A : memref<!tpu.dma_semaphore, #tpu.memory_space<semaphore_mem>>)
        %dma_wait3A = arith.constant 0 : i32
        %dma_wait3A_66 = tpu.memref_slice %arg17[%add3A_60, %dma_wait3A] : memref<10240x128xf32, #tpu.memory_space<vmem_shared>> -> memref<16x128xf32, #tpu.memory_space<vmem_shared>>
        %dma_wait3A_67 = arith.constant 0 : i32
        %dma_wait3A_68 = tpu.memref_slice %arg17[%add3A_60, %dma_wait3A_67] : memref<10240x128xf32, #tpu.memory_space<vmem_shared>> -> memref<16x128xf32, #tpu.memory_space<vmem_shared>>
        tpu.wait_dma2 semaphore(%run_scoped3A : memref<!tpu.dma_semaphore, #tpu.memory_space<semaphore_mem>>) src(%arg12 : memref<16x128xf32, #tpu.memory_space<vmem>>) dst(%dma_wait3A_68 : memref<16x128xf32, #tpu.memory_space<vmem_shared>>)
        tpu.yield
      }) : () -> ()
      %scan3A_61 = arith.constant 0 : i32
      scf.yield %scan3A_61 : i32
    }
    %scan3A_14 = arith.constant 40 : i32
    %barrier3A = arith.constant 0 : index
    tpu.barrier barrier_id(%barrier3A)
    %mul3A_15 = arith.constant 16 : i32
    %mul3A_16 = arith.muli %arg0, %mul3A_15 : i32
    %add3A = arith.addi %mul3A_16, %arg1 : i32
    %dma_start3A = arith.constant 0 : i32
    %dma_start3A_17 = arith.constant 0 : i32
    %dma_start3A_18 = tpu.memref_slice %arg3[%add3A, %dma_start3A, %dma_start3A_17] : memref<32x80x128xi32, #tpu.memory_space<hbm>> -> memref<1x8x128xi32, #tpu.memory_space<hbm>>
    %dma_start3A_19 = tpu.memref_squeeze %dma_start3A_18 : memref<1x8x128xi32, #tpu.memory_space<hbm>> -> memref<8x128xi32, #tpu.memory_space<hbm>>
    %dma_start3A_20 = arith.constant 0 : i32
    %dma_start3A_21 = arith.constant 0 : i32
    %dma_start3A_22 = tpu.memref_slice %arg3[%add3A, %dma_start3A_20, %dma_start3A_21] : memref<32x80x128xi32, #tpu.memory_space<hbm>> -> memref<1x8x128xi32, #tpu.memory_space<hbm>>
    %dma_start3A_23 = tpu.memref_squeeze %dma_start3A_22 : memref<1x8x128xi32, #tpu.memory_space<hbm>> -> memref<8x128xi32, #tpu.memory_space<hbm>>
    tpu.enqueue_dma source(%dma_start3A_23 : memref<8x128xi32, #tpu.memory_space<hbm>>) target(%arg6 : memref<8x128xi32, #tpu.memory_space<vmem>>) target_semaphore(%arg13 : memref<!tpu.dma_semaphore, #tpu.memory_space<semaphore_mem>>)
    %dma_start3A_24 = arith.constant 0 : i32
    %dma_start3A_25 = arith.constant 0 : i32
    %dma_start3A_26 = tpu.memref_slice %arg4[%add3A, %dma_start3A_24, %dma_start3A_25] : memref<32x80x128xi32, #tpu.memory_space<hbm>> -> memref<1x8x128xi32, #tpu.memory_space<hbm>>
    %dma_start3A_27 = tpu.memref_squeeze %dma_start3A_26 : memref<1x8x128xi32, #tpu.memory_space<hbm>> -> memref<8x128xi32, #tpu.memory_space<hbm>>
    %dma_start3A_28 = arith.constant 0 : i32
    %dma_start3A_29 = arith.constant 0 : i32
    %dma_start3A_30 = tpu.memref_slice %arg4[%add3A, %dma_start3A_28, %dma_start3A_29] : memref<32x80x128xi32, #tpu.memory_space<hbm>> -> memref<1x8x128xi32, #tpu.memory_space<hbm>>
    %dma_start3A_31 = tpu.memref_squeeze %dma_start3A_30 : memref<1x8x128xi32, #tpu.memory_space<hbm>> -> memref<8x128xi32, #tpu.memory_space<hbm>>
    tpu.enqueue_dma source(%dma_start3A_31 : memref<8x128xi32, #tpu.memory_space<hbm>>) target(%arg8 : memref<8x128xi32, #tpu.memory_space<vmem>>) target_semaphore(%arg13 : memref<!tpu.dma_semaphore, #tpu.memory_space<semaphore_mem>>)
    %dma_start3A_32 = arith.constant 8 : i32
    %dma_start3A_33 = arith.constant 0 : i32
    %dma_start3A_34 = tpu.memref_slice %arg3[%add3A, %dma_start3A_32, %dma_start3A_33] : memref<32x80x128xi32, #tpu.memory_space<hbm>> -> memref<1x8x128xi32, #tpu.memory_space<hbm>>
    %dma_start3A_35 = tpu.memref_squeeze %dma_start3A_34 : memref<1x8x128xi32, #tpu.memory_space<hbm>> -> memref<8x128xi32, #tpu.memory_space<hbm>>
    %dma_start3A_36 = arith.constant 8 : i32
    %dma_start3A_37 = arith.constant 0 : i32
    %dma_start3A_38 = tpu.memref_slice %arg3[%add3A, %dma_start3A_36, %dma_start3A_37] : memref<32x80x128xi32, #tpu.memory_space<hbm>> -> memref<1x8x128xi32, #tpu.memory_space<hbm>>
    %dma_start3A_39 = tpu.memref_squeeze %dma_start3A_38 : memref<1x8x128xi32, #tpu.memory_space<hbm>> -> memref<8x128xi32, #tpu.memory_space<hbm>>
    tpu.enqueue_dma source(%dma_start3A_39 : memref<8x128xi32, #tpu.memory_space<hbm>>) target(%arg7 : memref<8x128xi32, #tpu.memory_space<vmem>>) target_semaphore(%arg14 : memref<!tpu.dma_semaphore, #tpu.memory_space<semaphore_mem>>)
    %dma_start3A_40 = arith.constant 8 : i32
    %dma_start3A_41 = arith.constant 0 : i32
    %dma_start3A_42 = tpu.memref_slice %arg4[%add3A, %dma_start3A_40, %dma_start3A_41] : memref<32x80x128xi32, #tpu.memory_space<hbm>> -> memref<1x8x128xi32, #tpu.memory_space<hbm>>
    %dma_start3A_43 = tpu.memref_squeeze %dma_start3A_42 : memref<1x8x128xi32, #tpu.memory_space<hbm>> -> memref<8x128xi32, #tpu.memory_space<hbm>>
    %dma_start3A_44 = arith.constant 8 : i32
    %dma_start3A_45 = arith.constant 0 : i32
    %dma_start3A_46 = tpu.memref_slice %arg4[%add3A, %dma_start3A_44, %dma_start3A_45] : memref<32x80x128xi32, #tpu.memory_space<hbm>> -> memref<1x8x128xi32, #tpu.memory_space<hbm>>
    %dma_start3A_47 = tpu.memref_squeeze %dma_start3A_46 : memref<1x8x128xi32, #tpu.memory_space<hbm>> -> memref<8x128xi32, #tpu.memory_space<hbm>>
    tpu.enqueue_dma source(%dma_start3A_47 : memref<8x128xi32, #tpu.memory_space<hbm>>) target(%arg9 : memref<8x128xi32, #tpu.memory_space<vmem>>) target_semaphore(%arg14 : memref<!tpu.dma_semaphore, #tpu.memory_space<semaphore_mem>>)
    %scan3A_48 = arith.constant 0 : i32
    %scan3A_49 = arith.constant 0 : i32
    %scan3A_50 = arith.constant 5 : i32
    %scan3A_51 = arith.addi %scan3A_49, %scan3A_50 : i32
    %scan3A_52 = arith.constant 1 : i32
    %scan3A_53 = scf.for %scan3A_56 = %scan3A_49 to %scan3A_51 step %scan3A_52 iter_args(%scan3A_57 = %scan3A_48) -> (i32)  : i32 {
      %mul3A_58 = arith.constant 2 : i32
      %mul3A_59 = arith.muli %mul3A_58, %scan3A_56 : i32
      %add3A_60 = arith.constant 0 : i32
      %add3A_61 = arith.addi %mul3A_59, %add3A_60 : i32
      %mul3A_62 = arith.constant 8 : i32
      %mul3A_63 = arith.muli %add3A_61, %mul3A_62 : i32
      %dma_wait3A = arith.constant 0 : i32
      %dma_wait3A_64 = tpu.memref_slice %arg3[%add3A, %mul3A_63, %dma_wait3A] : memref<32x80x128xi32, #tpu.memory_space<hbm>> -> memref<1x8x128xi32, #tpu.memory_space<hbm>>
      %dma_wait3A_65 = tpu.memref_squeeze %dma_wait3A_64 : memref<1x8x128xi32, #tpu.memory_space<hbm>> -> memref<8x128xi32, #tpu.memory_space<hbm>>
      %dma_wait3A_66 = arith.constant 0 : i32
      %dma_wait3A_67 = tpu.memref_slice %arg3[%add3A, %mul3A_63, %dma_wait3A_66] : memref<32x80x128xi32, #tpu.memory_space<hbm>> -> memref<1x8x128xi32, #tpu.memory_space<hbm>>
      %dma_wait3A_68 = tpu.memref_squeeze %dma_wait3A_67 : memref<1x8x128xi32, #tpu.memory_space<hbm>> -> memref<8x128xi32, #tpu.memory_space<hbm>>
      tpu.wait_dma2 semaphore(%arg13 : memref<!tpu.dma_semaphore, #tpu.memory_space<semaphore_mem>>) src(%dma_wait3A_68 : memref<8x128xi32, #tpu.memory_space<hbm>>) dst(%arg6 : memref<8x128xi32, #tpu.memory_space<vmem>>)
      %mul3A_69 = arith.constant 8 : i32
      %mul3A_70 = arith.muli %add3A_61, %mul3A_69 : i32
      %dma_wait3A_71 = arith.constant 0 : i32
      %dma_wait3A_72 = tpu.memref_slice %arg4[%add3A, %mul3A_70, %dma_wait3A_71] : memref<32x80x128xi32, #tpu.memory_space<hbm>> -> memref<1x8x128xi32, #tpu.memory_space<hbm>>
      %dma_wait3A_73 = tpu.memref_squeeze %dma_wait3A_72 : memref<1x8x128xi32, #tpu.memory_space<hbm>> -> memref<8x128xi32, #tpu.memory_space<hbm>>
      %dma_wait3A_74 = arith.constant 0 : i32
      %dma_wait3A_75 = tpu.memref_slice %arg4[%add3A, %mul3A_70, %dma_wait3A_74] : memref<32x80x128xi32, #tpu.memory_space<hbm>> -> memref<1x8x128xi32, #tpu.memory_space<hbm>>
      %dma_wait3A_76 = tpu.memref_squeeze %dma_wait3A_75 : memref<1x8x128xi32, #tpu.memory_space<hbm>> -> memref<8x128xi32, #tpu.memory_space<hbm>>
      tpu.wait_dma2 semaphore(%arg13 : memref<!tpu.dma_semaphore, #tpu.memory_space<semaphore_mem>>) src(%dma_wait3A_76 : memref<8x128xi32, #tpu.memory_space<hbm>>) dst(%arg8 : memref<8x128xi32, #tpu.memory_space<vmem>>)
      %dma_start3A_77 = arith.constant 0 : i32
      %dma_start3A_78 = arith.constant 0 : i32
      %dma_start3A_79 = tpu.memref_slice %arg6[%dma_start3A_77, %dma_start3A_78] : memref<8x128xi32, #tpu.memory_space<vmem>> -> memref<1x128xi32, #tpu.memory_space<vmem>>
      %dma_start3A_80 = tpu.memref_squeeze %dma_start3A_79 : memref<1x128xi32, #tpu.memory_space<vmem>> -> memref<128xi32, #tpu.memory_space<vmem>>
      %dma_start3A_81 = arith.constant 0 : i32
      %dma_start3A_82 = arith.constant 0 : i32
      %dma_start3A_83 = tpu.memref_slice %arg2[%dma_start3A_81, %dma_start3A_82] : memref<10000x128xf32, #tpu.memory_space<hbm>> -> memref<10000x128xf32, #tpu.memory_space<hbm>>
      tpu.enqueue_indirect_dma source(%dma_start3A_83 : memref<10000x128xf32, #tpu.memory_space<hbm>>) target(%arg10 : memref<128x128xf32, #tpu.memory_space<vmem>>) offsets(%dma_start3A_80 : memref<128xi32, #tpu.memory_space<vmem>>) semaphore(%arg15 : memref<!tpu.dma_semaphore, #tpu.memory_space<semaphore_mem>>)
      %dma_start3A_84 = arith.constant 1 : i32
      %dma_start3A_85 = arith.constant 0 : i32
      %dma_start3A_86 = tpu.memref_slice %arg6[%dma_start3A_84, %dma_start3A_85] : memref<8x128xi32, #tpu.memory_space<vmem>> -> memref<1x128xi32, #tpu.memory_space<vmem>>
      %dma_start3A_87 = tpu.memref_squeeze %dma_start3A_86 : memref<1x128xi32, #tpu.memory_space<vmem>> -> memref<128xi32, #tpu.memory_space<vmem>>
      %dma_start3A_88 = arith.constant 0 : i32
      %dma_start3A_89 = arith.constant 0 : i32
      %dma_start3A_90 = tpu.memref_slice %arg2[%dma_start3A_88, %dma_start3A_89] : memref<10000x128xf32, #tpu.memory_space<hbm>> -> memref<10000x128xf32, #tpu.memory_space<hbm>>
      tpu.enqueue_indirect_dma source(%dma_start3A_90 : memref<10000x128xf32, #tpu.memory_space<hbm>>) target(%arg11 : memref<128x128xf32, #tpu.memory_space<vmem>>) offsets(%dma_start3A_87 : memref<128xi32, #tpu.memory_space<vmem>>) semaphore(%arg16 : memref<!tpu.dma_semaphore, #tpu.memory_space<semaphore_mem>>)
      %dma_wait3A_91 = arith.constant 0 : i32
      %dma_wait3A_92 = arith.constant 0 : i32
      %dma_wait3A_93 = tpu.memref_slice %arg6[%dma_wait3A_91, %dma_wait3A_92] : memref<8x128xi32, #tpu.memory_space<vmem>> -> memref<1x128xi32, #tpu.memory_space<vmem>>
      %dma_wait3A_94 = tpu.memref_squeeze %dma_wait3A_93 : memref<1x128xi32, #tpu.memory_space<vmem>> -> memref<128xi32, #tpu.memory_space<vmem>>
      %dma_wait3A_95 = arith.constant 0 : i32
      %dma_wait3A_96 = arith.constant 0 : i32
      %dma_wait3A_97 = tpu.memref_slice %arg2[%dma_wait3A_95, %dma_wait3A_96] : memref<10000x128xf32, #tpu.memory_space<hbm>> -> memref<10000x128xf32, #tpu.memory_space<hbm>>
      tpu.wait_indirect_dma semaphore(%arg15 : memref<!tpu.dma_semaphore, #tpu.memory_space<semaphore_mem>>) src(%dma_wait3A_97 : memref<10000x128xf32, #tpu.memory_space<hbm>>) dst(%arg10 : memref<128x128xf32, #tpu.memory_space<vmem>>)
      %run_scoped3A = arith.constant 0 : i32
      "tpu.region"() ({
        %run_scoped3A_348 = tpu.sem_alloc : memref<!tpu.dma_semaphore, #tpu.memory_space<semaphore_mem>>
        %dma_start3A_349 = arith.constant 0 : i32
        %dma_start3A_350 = tpu.memref_slice %arg8[%run_scoped3A, %dma_start3A_349] : memref<8x128xi32, #tpu.memory_space<vmem>> -> memref<1x128xi32, #tpu.memory_space<vmem>>
        %dma_start3A_351 = tpu.memref_squeeze %dma_start3A_350 : memref<1x128xi32, #tpu.memory_space<vmem>> -> memref<128xi32, #tpu.memory_space<vmem>>
        %dma_start3A_352 = arith.constant 0 : i32
        %dma_start3A_353 = arith.constant 0 : i32
        %dma_start3A_354 = tpu.memref_slice %arg17[%dma_start3A_352, %dma_start3A_353] : memref<10240x128xf32, #tpu.memory_space<vmem_shared>> -> memref<10240x128xf32, #tpu.memory_space<vmem_shared>>
        tpu.enqueue_indirect_dma source(%arg10 : memref<128x128xf32, #tpu.memory_space<vmem>>) target(%dma_start3A_354 : memref<10240x128xf32, #tpu.memory_space<vmem_shared>>) offsets(%dma_start3A_351 : memref<128xi32, #tpu.memory_space<vmem>>) semaphore(%run_scoped3A_348 : memref<!tpu.dma_semaphore, #tpu.memory_space<semaphore_mem>>) {add = true}
        %dma_wait3A_355 = arith.constant 0 : i32
        %dma_wait3A_356 = tpu.memref_slice %arg8[%run_scoped3A, %dma_wait3A_355] : memref<8x128xi32, #tpu.memory_space<vmem>> -> memref<1x128xi32, #tpu.memory_space<vmem>>
        %dma_wait3A_357 = tpu.memref_squeeze %dma_wait3A_356 : memref<1x128xi32, #tpu.memory_space<vmem>> -> memref<128xi32, #tpu.memory_space<vmem>>
        %dma_wait3A_358 = arith.constant 0 : i32
        %dma_wait3A_359 = arith.constant 0 : i32
        %dma_wait3A_360 = tpu.memref_slice %arg17[%dma_wait3A_358, %dma_wait3A_359] : memref<10240x128xf32, #tpu.memory_space<vmem_shared>> -> memref<10240x128xf32, #tpu.memory_space<vmem_shared>>
        tpu.wait_indirect_dma semaphore(%run_scoped3A_348 : memref<!tpu.dma_semaphore, #tpu.memory_space<semaphore_mem>>) src(%arg10 : memref<128x128xf32, #tpu.memory_space<vmem>>) dst(%dma_wait3A_360 : memref<10240x128xf32, #tpu.memory_space<vmem_shared>>)
        tpu.yield
      }) : () -> ()
      %dma_start3A_98 = arith.constant 2 : i32
      %dma_start3A_99 = arith.constant 0 : i32
      %dma_start3A_100 = tpu.memref_slice %arg6[%dma_start3A_98, %dma_start3A_99] : memref<8x128xi32, #tpu.memory_space<vmem>> -> memref<1x128xi32, #tpu.memory_space<vmem>>
      %dma_start3A_101 = tpu.memref_squeeze %dma_start3A_100 : memref<1x128xi32, #tpu.memory_space<vmem>> -> memref<128xi32, #tpu.memory_space<vmem>>
      %dma_start3A_102 = arith.constant 0 : i32
      %dma_start3A_103 = arith.constant 0 : i32
      %dma_start3A_104 = tpu.memref_slice %arg2[%dma_start3A_102, %dma_start3A_103] : memref<10000x128xf32, #tpu.memory_space<hbm>> -> memref<10000x128xf32, #tpu.memory_space<hbm>>
      tpu.enqueue_indirect_dma source(%dma_start3A_104 : memref<10000x128xf32, #tpu.memory_space<hbm>>) target(%arg10 : memref<128x128xf32, #tpu.memory_space<vmem>>) offsets(%dma_start3A_101 : memref<128xi32, #tpu.memory_space<vmem>>) semaphore(%arg15 : memref<!tpu.dma_semaphore, #tpu.memory_space<semaphore_mem>>)
      %dma_wait3A_105 = arith.constant 1 : i32
      %dma_wait3A_106 = arith.constant 0 : i32
      %dma_wait3A_107 = tpu.memref_slice %arg6[%dma_wait3A_105, %dma_wait3A_106] : memref<8x128xi32, #tpu.memory_space<vmem>> -> memref<1x128xi32, #tpu.memory_space<vmem>>
      %dma_wait3A_108 = tpu.memref_squeeze %dma_wait3A_107 : memref<1x128xi32, #tpu.memory_space<vmem>> -> memref<128xi32, #tpu.memory_space<vmem>>
      %dma_wait3A_109 = arith.constant 0 : i32
      %dma_wait3A_110 = arith.constant 0 : i32
      %dma_wait3A_111 = tpu.memref_slice %arg2[%dma_wait3A_109, %dma_wait3A_110] : memref<10000x128xf32, #tpu.memory_space<hbm>> -> memref<10000x128xf32, #tpu.memory_space<hbm>>
      tpu.wait_indirect_dma semaphore(%arg16 : memref<!tpu.dma_semaphore, #tpu.memory_space<semaphore_mem>>) src(%dma_wait3A_111 : memref<10000x128xf32, #tpu.memory_space<hbm>>) dst(%arg11 : memref<128x128xf32, #tpu.memory_space<vmem>>)
      %run_scoped3A_112 = arith.constant 1 : i32
      "tpu.region"() ({
        %run_scoped3A_348 = tpu.sem_alloc : memref<!tpu.dma_semaphore, #tpu.memory_space<semaphore_mem>>
        %dma_start3A_349 = arith.constant 0 : i32
        %dma_start3A_350 = tpu.memref_slice %arg8[%run_scoped3A_112, %dma_start3A_349] : memref<8x128xi32, #tpu.memory_space<vmem>> -> memref<1x128xi32, #tpu.memory_space<vmem>>
        %dma_start3A_351 = tpu.memref_squeeze %dma_start3A_350 : memref<1x128xi32, #tpu.memory_space<vmem>> -> memref<128xi32, #tpu.memory_space<vmem>>
        %dma_start3A_352 = arith.constant 0 : i32
        %dma_start3A_353 = arith.constant 0 : i32
        %dma_start3A_354 = tpu.memref_slice %arg17[%dma_start3A_352, %dma_start3A_353] : memref<10240x128xf32, #tpu.memory_space<vmem_shared>> -> memref<10240x128xf32, #tpu.memory_space<vmem_shared>>
        tpu.enqueue_indirect_dma source(%arg11 : memref<128x128xf32, #tpu.memory_space<vmem>>) target(%dma_start3A_354 : memref<10240x128xf32, #tpu.memory_space<vmem_shared>>) offsets(%dma_start3A_351 : memref<128xi32, #tpu.memory_space<vmem>>) semaphore(%run_scoped3A_348 : memref<!tpu.dma_semaphore, #tpu.memory_space<semaphore_mem>>) {add = true}
        %dma_wait3A_355 = arith.constant 0 : i32
        %dma_wait3A_356 = tpu.memref_slice %arg8[%run_scoped3A_112, %dma_wait3A_355] : memref<8x128xi32, #tpu.memory_space<vmem>> -> memref<1x128xi32, #tpu.memory_space<vmem>>
        %dma_wait3A_357 = tpu.memref_squeeze %dma_wait3A_356 : memref<1x128xi32, #tpu.memory_space<vmem>> -> memref<128xi32, #tpu.memory_space<vmem>>
        %dma_wait3A_358 = arith.constant 0 : i32
        %dma_wait3A_359 = arith.constant 0 : i32
        %dma_wait3A_360 = tpu.memref_slice %arg17[%dma_wait3A_358, %dma_wait3A_359] : memref<10240x128xf32, #tpu.memory_space<vmem_shared>> -> memref<10240x128xf32, #tpu.memory_space<vmem_shared>>
        tpu.wait_indirect_dma semaphore(%run_scoped3A_348 : memref<!tpu.dma_semaphore, #tpu.memory_space<semaphore_mem>>) src(%arg11 : memref<128x128xf32, #tpu.memory_space<vmem>>) dst(%dma_wait3A_360 : memref<10240x128xf32, #tpu.memory_space<vmem_shared>>)
        tpu.yield
      }) : () -> ()
      %dma_start3A_113 = arith.constant 3 : i32
      %dma_start3A_114 = arith.constant 0 : i32
      %dma_start3A_115 = tpu.memref_slice %arg6[%dma_start3A_113, %dma_start3A_114] : memref<8x128xi32, #tpu.memory_space<vmem>> -> memref<1x128xi32, #tpu.memory_space<vmem>>
      %dma_start3A_116 = tpu.memref_squeeze %dma_start3A_115 : memref<1x128xi32, #tpu.memory_space<vmem>> -> memref<128xi32, #tpu.memory_space<vmem>>
      %dma_start3A_117 = arith.constant 0 : i32
      %dma_start3A_118 = arith.constant 0 : i32
      %dma_start3A_119 = tpu.memref_slice %arg2[%dma_start3A_117, %dma_start3A_118] : memref<10000x128xf32, #tpu.memory_space<hbm>> -> memref<10000x128xf32, #tpu.memory_space<hbm>>
      tpu.enqueue_indirect_dma source(%dma_start3A_119 : memref<10000x128xf32, #tpu.memory_space<hbm>>) target(%arg11 : memref<128x128xf32, #tpu.memory_space<vmem>>) offsets(%dma_start3A_116 : memref<128xi32, #tpu.memory_space<vmem>>) semaphore(%arg16 : memref<!tpu.dma_semaphore, #tpu.memory_space<semaphore_mem>>)
      %dma_wait3A_120 = arith.constant 2 : i32
      %dma_wait3A_121 = arith.constant 0 : i32
      %dma_wait3A_122 = tpu.memref_slice %arg6[%dma_wait3A_120, %dma_wait3A_121] : memref<8x128xi32, #tpu.memory_space<vmem>> -> memref<1x128xi32, #tpu.memory_space<vmem>>
      %dma_wait3A_123 = tpu.memref_squeeze %dma_wait3A_122 : memref<1x128xi32, #tpu.memory_space<vmem>> -> memref<128xi32, #tpu.memory_space<vmem>>
      %dma_wait3A_124 = arith.constant 0 : i32
      %dma_wait3A_125 = arith.constant 0 : i32
      %dma_wait3A_126 = tpu.memref_slice %arg2[%dma_wait3A_124, %dma_wait3A_125] : memref<10000x128xf32, #tpu.memory_space<hbm>> -> memref<10000x128xf32, #tpu.memory_space<hbm>>
      tpu.wait_indirect_dma semaphore(%arg15 : memref<!tpu.dma_semaphore, #tpu.memory_space<semaphore_mem>>) src(%dma_wait3A_126 : memref<10000x128xf32, #tpu.memory_space<hbm>>) dst(%arg10 : memref<128x128xf32, #tpu.memory_space<vmem>>)
      %run_scoped3A_127 = arith.constant 2 : i32
      "tpu.region"() ({
        %run_scoped3A_348 = tpu.sem_alloc : memref<!tpu.dma_semaphore, #tpu.memory_space<semaphore_mem>>
        %dma_start3A_349 = arith.constant 0 : i32
        %dma_start3A_350 = tpu.memref_slice %arg8[%run_scoped3A_127, %dma_start3A_349] : memref<8x128xi32, #tpu.memory_space<vmem>> -> memref<1x128xi32, #tpu.memory_space<vmem>>
        %dma_start3A_351 = tpu.memref_squeeze %dma_start3A_350 : memref<1x128xi32, #tpu.memory_space<vmem>> -> memref<128xi32, #tpu.memory_space<vmem>>
        %dma_start3A_352 = arith.constant 0 : i32
        %dma_start3A_353 = arith.constant 0 : i32
        %dma_start3A_354 = tpu.memref_slice %arg17[%dma_start3A_352, %dma_start3A_353] : memref<10240x128xf32, #tpu.memory_space<vmem_shared>> -> memref<10240x128xf32, #tpu.memory_space<vmem_shared>>
        tpu.enqueue_indirect_dma source(%arg10 : memref<128x128xf32, #tpu.memory_space<vmem>>) target(%dma_start3A_354 : memref<10240x128xf32, #tpu.memory_space<vmem_shared>>) offsets(%dma_start3A_351 : memref<128xi32, #tpu.memory_space<vmem>>) semaphore(%run_scoped3A_348 : memref<!tpu.dma_semaphore, #tpu.memory_space<semaphore_mem>>) {add = true}
        %dma_wait3A_355 = arith.constant 0 : i32
        %dma_wait3A_356 = tpu.memref_slice %arg8[%run_scoped3A_127, %dma_wait3A_355] : memref<8x128xi32, #tpu.memory_space<vmem>> -> memref<1x128xi32, #tpu.memory_space<vmem>>
        %dma_wait3A_357 = tpu.memref_squeeze %dma_wait3A_356 : memref<1x128xi32, #tpu.memory_space<vmem>> -> memref<128xi32, #tpu.memory_space<vmem>>
        %dma_wait3A_358 = arith.constant 0 : i32
        %dma_wait3A_359 = arith.constant 0 : i32
        %dma_wait3A_360 = tpu.memref_slice %arg17[%dma_wait3A_358, %dma_wait3A_359] : memref<10240x128xf32, #tpu.memory_space<vmem_shared>> -> memref<10240x128xf32, #tpu.memory_space<vmem_shared>>
        tpu.wait_indirect_dma semaphore(%run_scoped3A_348 : memref<!tpu.dma_semaphore, #tpu.memory_space<semaphore_mem>>) src(%arg10 : memref<128x128xf32, #tpu.memory_space<vmem>>) dst(%dma_wait3A_360 : memref<10240x128xf32, #tpu.memory_space<vmem_shared>>)
        tpu.yield
      }) : () -> ()
      %dma_start3A_128 = arith.constant 4 : i32
      %dma_start3A_129 = arith.constant 0 : i32
      %dma_start3A_130 = tpu.memref_slice %arg6[%dma_start3A_128, %dma_start3A_129] : memref<8x128xi32, #tpu.memory_space<vmem>> -> memref<1x128xi32, #tpu.memory_space<vmem>>
      %dma_start3A_131 = tpu.memref_squeeze %dma_start3A_130 : memref<1x128xi32, #tpu.memory_space<vmem>> -> memref<128xi32, #tpu.memory_space<vmem>>
      %dma_start3A_132 = arith.constant 0 : i32
      %dma_start3A_133 = arith.constant 0 : i32
      %dma_start3A_134 = tpu.memref_slice %arg2[%dma_start3A_132, %dma_start3A_133] : memref<10000x128xf32, #tpu.memory_space<hbm>> -> memref<10000x128xf32, #tpu.memory_space<hbm>>
      tpu.enqueue_indirect_dma source(%dma_start3A_134 : memref<10000x128xf32, #tpu.memory_space<hbm>>) target(%arg10 : memref<128x128xf32, #tpu.memory_space<vmem>>) offsets(%dma_start3A_131 : memref<128xi32, #tpu.memory_space<vmem>>) semaphore(%arg15 : memref<!tpu.dma_semaphore, #tpu.memory_space<semaphore_mem>>)
      %dma_wait3A_135 = arith.constant 3 : i32
      %dma_wait3A_136 = arith.constant 0 : i32
      %dma_wait3A_137 = tpu.memref_slice %arg6[%dma_wait3A_135, %dma_wait3A_136] : memref<8x128xi32, #tpu.memory_space<vmem>> -> memref<1x128xi32, #tpu.memory_space<vmem>>
      %dma_wait3A_138 = tpu.memref_squeeze %dma_wait3A_137 : memref<1x128xi32, #tpu.memory_space<vmem>> -> memref<128xi32, #tpu.memory_space<vmem>>
      %dma_wait3A_139 = arith.constant 0 : i32
      %dma_wait3A_140 = arith.constant 0 : i32
      %dma_wait3A_141 = tpu.memref_slice %arg2[%dma_wait3A_139, %dma_wait3A_140] : memref<10000x128xf32, #tpu.memory_space<hbm>> -> memref<10000x128xf32, #tpu.memory_space<hbm>>
      tpu.wait_indirect_dma semaphore(%arg16 : memref<!tpu.dma_semaphore, #tpu.memory_space<semaphore_mem>>) src(%dma_wait3A_141 : memref<10000x128xf32, #tpu.memory_space<hbm>>) dst(%arg11 : memref<128x128xf32, #tpu.memory_space<vmem>>)
      %run_scoped3A_142 = arith.constant 3 : i32
      "tpu.region"() ({
        %run_scoped3A_348 = tpu.sem_alloc : memref<!tpu.dma_semaphore, #tpu.memory_space<semaphore_mem>>
        %dma_start3A_349 = arith.constant 0 : i32
        %dma_start3A_350 = tpu.memref_slice %arg8[%run_scoped3A_142, %dma_start3A_349] : memref<8x128xi32, #tpu.memory_space<vmem>> -> memref<1x128xi32, #tpu.memory_space<vmem>>
        %dma_start3A_351 = tpu.memref_squeeze %dma_start3A_350 : memref<1x128xi32, #tpu.memory_space<vmem>> -> memref<128xi32, #tpu.memory_space<vmem>>
        %dma_start3A_352 = arith.constant 0 : i32
        %dma_start3A_353 = arith.constant 0 : i32
        %dma_start3A_354 = tpu.memref_slice %arg17[%dma_start3A_352, %dma_start3A_353] : memref<10240x128xf32, #tpu.memory_space<vmem_shared>> -> memref<10240x128xf32, #tpu.memory_space<vmem_shared>>
        tpu.enqueue_indirect_dma source(%arg11 : memref<128x128xf32, #tpu.memory_space<vmem>>) target(%dma_start3A_354 : memref<10240x128xf32, #tpu.memory_space<vmem_shared>>) offsets(%dma_start3A_351 : memref<128xi32, #tpu.memory_space<vmem>>) semaphore(%run_scoped3A_348 : memref<!tpu.dma_semaphore, #tpu.memory_space<semaphore_mem>>) {add = true}
        %dma_wait3A_355 = arith.constant 0 : i32
        %dma_wait3A_356 = tpu.memref_slice %arg8[%run_scoped3A_142, %dma_wait3A_355] : memref<8x128xi32, #tpu.memory_space<vmem>> -> memref<1x128xi32, #tpu.memory_space<vmem>>
        %dma_wait3A_357 = tpu.memref_squeeze %dma_wait3A_356 : memref<1x128xi32, #tpu.memory_space<vmem>> -> memref<128xi32, #tpu.memory_space<vmem>>
        %dma_wait3A_358 = arith.constant 0 : i32
        %dma_wait3A_359 = arith.constant 0 : i32
        %dma_wait3A_360 = tpu.memref_slice %arg17[%dma_wait3A_358, %dma_wait3A_359] : memref<10240x128xf32, #tpu.memory_space<vmem_shared>> -> memref<10240x128xf32, #tpu.memory_space<vmem_shared>>
        tpu.wait_indirect_dma semaphore(%run_scoped3A_348 : memref<!tpu.dma_semaphore, #tpu.memory_space<semaphore_mem>>) src(%arg11 : memref<128x128xf32, #tpu.memory_space<vmem>>) dst(%dma_wait3A_360 : memref<10240x128xf32, #tpu.memory_space<vmem_shared>>)
        tpu.yield
      }) : () -> ()
      %dma_start3A_143 = arith.constant 5 : i32
      %dma_start3A_144 = arith.constant 0 : i32
      %dma_start3A_145 = tpu.memref_slice %arg6[%dma_start3A_143, %dma_start3A_144] : memref<8x128xi32, #tpu.memory_space<vmem>> -> memref<1x128xi32, #tpu.memory_space<vmem>>
      %dma_start3A_146 = tpu.memref_squeeze %dma_start3A_145 : memref<1x128xi32, #tpu.memory_space<vmem>> -> memref<128xi32, #tpu.memory_space<vmem>>
      %dma_start3A_147 = arith.constant 0 : i32
      %dma_start3A_148 = arith.constant 0 : i32
      %dma_start3A_149 = tpu.memref_slice %arg2[%dma_start3A_147, %dma_start3A_148] : memref<10000x128xf32, #tpu.memory_space<hbm>> -> memref<10000x128xf32, #tpu.memory_space<hbm>>
      tpu.enqueue_indirect_dma source(%dma_start3A_149 : memref<10000x128xf32, #tpu.memory_space<hbm>>) target(%arg11 : memref<128x128xf32, #tpu.memory_space<vmem>>) offsets(%dma_start3A_146 : memref<128xi32, #tpu.memory_space<vmem>>) semaphore(%arg16 : memref<!tpu.dma_semaphore, #tpu.memory_space<semaphore_mem>>)
      %dma_wait3A_150 = arith.constant 4 : i32
      %dma_wait3A_151 = arith.constant 0 : i32
      %dma_wait3A_152 = tpu.memref_slice %arg6[%dma_wait3A_150, %dma_wait3A_151] : memref<8x128xi32, #tpu.memory_space<vmem>> -> memref<1x128xi32, #tpu.memory_space<vmem>>
      %dma_wait3A_153 = tpu.memref_squeeze %dma_wait3A_152 : memref<1x128xi32, #tpu.memory_space<vmem>> -> memref<128xi32, #tpu.memory_space<vmem>>
      %dma_wait3A_154 = arith.constant 0 : i32
      %dma_wait3A_155 = arith.constant 0 : i32
      %dma_wait3A_156 = tpu.memref_slice %arg2[%dma_wait3A_154, %dma_wait3A_155] : memref<10000x128xf32, #tpu.memory_space<hbm>> -> memref<10000x128xf32, #tpu.memory_space<hbm>>
      tpu.wait_indirect_dma semaphore(%arg15 : memref<!tpu.dma_semaphore, #tpu.memory_space<semaphore_mem>>) src(%dma_wait3A_156 : memref<10000x128xf32, #tpu.memory_space<hbm>>) dst(%arg10 : memref<128x128xf32, #tpu.memory_space<vmem>>)
      %run_scoped3A_157 = arith.constant 4 : i32
      "tpu.region"() ({
        %run_scoped3A_348 = tpu.sem_alloc : memref<!tpu.dma_semaphore, #tpu.memory_space<semaphore_mem>>
        %dma_start3A_349 = arith.constant 0 : i32
        %dma_start3A_350 = tpu.memref_slice %arg8[%run_scoped3A_157, %dma_start3A_349] : memref<8x128xi32, #tpu.memory_space<vmem>> -> memref<1x128xi32, #tpu.memory_space<vmem>>
        %dma_start3A_351 = tpu.memref_squeeze %dma_start3A_350 : memref<1x128xi32, #tpu.memory_space<vmem>> -> memref<128xi32, #tpu.memory_space<vmem>>
        %dma_start3A_352 = arith.constant 0 : i32
        %dma_start3A_353 = arith.constant 0 : i32
        %dma_start3A_354 = tpu.memref_slice %arg17[%dma_start3A_352, %dma_start3A_353] : memref<10240x128xf32, #tpu.memory_space<vmem_shared>> -> memref<10240x128xf32, #tpu.memory_space<vmem_shared>>
        tpu.enqueue_indirect_dma source(%arg10 : memref<128x128xf32, #tpu.memory_space<vmem>>) target(%dma_start3A_354 : memref<10240x128xf32, #tpu.memory_space<vmem_shared>>) offsets(%dma_start3A_351 : memref<128xi32, #tpu.memory_space<vmem>>) semaphore(%run_scoped3A_348 : memref<!tpu.dma_semaphore, #tpu.memory_space<semaphore_mem>>) {add = true}
        %dma_wait3A_355 = arith.constant 0 : i32
        %dma_wait3A_356 = tpu.memref_slice %arg8[%run_scoped3A_157, %dma_wait3A_355] : memref<8x128xi32, #tpu.memory_space<vmem>> -> memref<1x128xi32, #tpu.memory_space<vmem>>
        %dma_wait3A_357 = tpu.memref_squeeze %dma_wait3A_356 : memref<1x128xi32, #tpu.memory_space<vmem>> -> memref<128xi32, #tpu.memory_space<vmem>>
        %dma_wait3A_358 = arith.constant 0 : i32
        %dma_wait3A_359 = arith.constant 0 : i32
        %dma_wait3A_360 = tpu.memref_slice %arg17[%dma_wait3A_358, %dma_wait3A_359] : memref<10240x128xf32, #tpu.memory_space<vmem_shared>> -> memref<10240x128xf32, #tpu.memory_space<vmem_shared>>
        tpu.wait_indirect_dma semaphore(%run_scoped3A_348 : memref<!tpu.dma_semaphore, #tpu.memory_space<semaphore_mem>>) src(%arg10 : memref<128x128xf32, #tpu.memory_space<vmem>>) dst(%dma_wait3A_360 : memref<10240x128xf32, #tpu.memory_space<vmem_shared>>)
        tpu.yield
      }) : () -> ()
      %dma_start3A_158 = arith.constant 6 : i32
      %dma_start3A_159 = arith.constant 0 : i32
      %dma_start3A_160 = tpu.memref_slice %arg6[%dma_start3A_158, %dma_start3A_159] : memref<8x128xi32, #tpu.memory_space<vmem>> -> memref<1x128xi32, #tpu.memory_space<vmem>>
      %dma_start3A_161 = tpu.memref_squeeze %dma_start3A_160 : memref<1x128xi32, #tpu.memory_space<vmem>> -> memref<128xi32, #tpu.memory_space<vmem>>
      %dma_start3A_162 = arith.constant 0 : i32
      %dma_start3A_163 = arith.constant 0 : i32
      %dma_start3A_164 = tpu.memref_slice %arg2[%dma_start3A_162, %dma_start3A_163] : memref<10000x128xf32, #tpu.memory_space<hbm>> -> memref<10000x128xf32, #tpu.memory_space<hbm>>
      tpu.enqueue_indirect_dma source(%dma_start3A_164 : memref<10000x128xf32, #tpu.memory_space<hbm>>) target(%arg10 : memref<128x128xf32, #tpu.memory_space<vmem>>) offsets(%dma_start3A_161 : memref<128xi32, #tpu.memory_space<vmem>>) semaphore(%arg15 : memref<!tpu.dma_semaphore, #tpu.memory_space<semaphore_mem>>)
      %dma_wait3A_165 = arith.constant 5 : i32
      %dma_wait3A_166 = arith.constant 0 : i32
      %dma_wait3A_167 = tpu.memref_slice %arg6[%dma_wait3A_165, %dma_wait3A_166] : memref<8x128xi32, #tpu.memory_space<vmem>> -> memref<1x128xi32, #tpu.memory_space<vmem>>
      %dma_wait3A_168 = tpu.memref_squeeze %dma_wait3A_167 : memref<1x128xi32, #tpu.memory_space<vmem>> -> memref<128xi32, #tpu.memory_space<vmem>>
      %dma_wait3A_169 = arith.constant 0 : i32
      %dma_wait3A_170 = arith.constant 0 : i32
      %dma_wait3A_171 = tpu.memref_slice %arg2[%dma_wait3A_169, %dma_wait3A_170] : memref<10000x128xf32, #tpu.memory_space<hbm>> -> memref<10000x128xf32, #tpu.memory_space<hbm>>
      tpu.wait_indirect_dma semaphore(%arg16 : memref<!tpu.dma_semaphore, #tpu.memory_space<semaphore_mem>>) src(%dma_wait3A_171 : memref<10000x128xf32, #tpu.memory_space<hbm>>) dst(%arg11 : memref<128x128xf32, #tpu.memory_space<vmem>>)
      %run_scoped3A_172 = arith.constant 5 : i32
      "tpu.region"() ({
        %run_scoped3A_348 = tpu.sem_alloc : memref<!tpu.dma_semaphore, #tpu.memory_space<semaphore_mem>>
        %dma_start3A_349 = arith.constant 0 : i32
        %dma_start3A_350 = tpu.memref_slice %arg8[%run_scoped3A_172, %dma_start3A_349] : memref<8x128xi32, #tpu.memory_space<vmem>> -> memref<1x128xi32, #tpu.memory_space<vmem>>
        %dma_start3A_351 = tpu.memref_squeeze %dma_start3A_350 : memref<1x128xi32, #tpu.memory_space<vmem>> -> memref<128xi32, #tpu.memory_space<vmem>>
        %dma_start3A_352 = arith.constant 0 : i32
        %dma_start3A_353 = arith.constant 0 : i32
        %dma_start3A_354 = tpu.memref_slice %arg17[%dma_start3A_352, %dma_start3A_353] : memref<10240x128xf32, #tpu.memory_space<vmem_shared>> -> memref<10240x128xf32, #tpu.memory_space<vmem_shared>>
        tpu.enqueue_indirect_dma source(%arg11 : memref<128x128xf32, #tpu.memory_space<vmem>>) target(%dma_start3A_354 : memref<10240x128xf32, #tpu.memory_space<vmem_shared>>) offsets(%dma_start3A_351 : memref<128xi32, #tpu.memory_space<vmem>>) semaphore(%run_scoped3A_348 : memref<!tpu.dma_semaphore, #tpu.memory_space<semaphore_mem>>) {add = true}
        %dma_wait3A_355 = arith.constant 0 : i32
        %dma_wait3A_356 = tpu.memref_slice %arg8[%run_scoped3A_172, %dma_wait3A_355] : memref<8x128xi32, #tpu.memory_space<vmem>> -> memref<1x128xi32, #tpu.memory_space<vmem>>
        %dma_wait3A_357 = tpu.memref_squeeze %dma_wait3A_356 : memref<1x128xi32, #tpu.memory_space<vmem>> -> memref<128xi32, #tpu.memory_space<vmem>>
        %dma_wait3A_358 = arith.constant 0 : i32
        %dma_wait3A_359 = arith.constant 0 : i32
        %dma_wait3A_360 = tpu.memref_slice %arg17[%dma_wait3A_358, %dma_wait3A_359] : memref<10240x128xf32, #tpu.memory_space<vmem_shared>> -> memref<10240x128xf32, #tpu.memory_space<vmem_shared>>
        tpu.wait_indirect_dma semaphore(%run_scoped3A_348 : memref<!tpu.dma_semaphore, #tpu.memory_space<semaphore_mem>>) src(%arg11 : memref<128x128xf32, #tpu.memory_space<vmem>>) dst(%dma_wait3A_360 : memref<10240x128xf32, #tpu.memory_space<vmem_shared>>)
        tpu.yield
      }) : () -> ()
      %dma_start3A_173 = arith.constant 7 : i32
      %dma_start3A_174 = arith.constant 0 : i32
      %dma_start3A_175 = tpu.memref_slice %arg6[%dma_start3A_173, %dma_start3A_174] : memref<8x128xi32, #tpu.memory_space<vmem>> -> memref<1x128xi32, #tpu.memory_space<vmem>>
      %dma_start3A_176 = tpu.memref_squeeze %dma_start3A_175 : memref<1x128xi32, #tpu.memory_space<vmem>> -> memref<128xi32, #tpu.memory_space<vmem>>
      %dma_start3A_177 = arith.constant 0 : i32
      %dma_start3A_178 = arith.constant 0 : i32
      %dma_start3A_179 = tpu.memref_slice %arg2[%dma_start3A_177, %dma_start3A_178] : memref<10000x128xf32, #tpu.memory_space<hbm>> -> memref<10000x128xf32, #tpu.memory_space<hbm>>
      tpu.enqueue_indirect_dma source(%dma_start3A_179 : memref<10000x128xf32, #tpu.memory_space<hbm>>) target(%arg11 : memref<128x128xf32, #tpu.memory_space<vmem>>) offsets(%dma_start3A_176 : memref<128xi32, #tpu.memory_space<vmem>>) semaphore(%arg16 : memref<!tpu.dma_semaphore, #tpu.memory_space<semaphore_mem>>)
      %dma_wait3A_180 = arith.constant 6 : i32
      %dma_wait3A_181 = arith.constant 0 : i32
      %dma_wait3A_182 = tpu.memref_slice %arg6[%dma_wait3A_180, %dma_wait3A_181] : memref<8x128xi32, #tpu.memory_space<vmem>> -> memref<1x128xi32, #tpu.memory_space<vmem>>
      %dma_wait3A_183 = tpu.memref_squeeze %dma_wait3A_182 : memref<1x128xi32, #tpu.memory_space<vmem>> -> memref<128xi32, #tpu.memory_space<vmem>>
      %dma_wait3A_184 = arith.constant 0 : i32
      %dma_wait3A_185 = arith.constant 0 : i32
      %dma_wait3A_186 = tpu.memref_slice %arg2[%dma_wait3A_184, %dma_wait3A_185] : memref<10000x128xf32, #tpu.memory_space<hbm>> -> memref<10000x128xf32, #tpu.memory_space<hbm>>
      tpu.wait_indirect_dma semaphore(%arg15 : memref<!tpu.dma_semaphore, #tpu.memory_space<semaphore_mem>>) src(%dma_wait3A_186 : memref<10000x128xf32, #tpu.memory_space<hbm>>) dst(%arg10 : memref<128x128xf32, #tpu.memory_space<vmem>>)
      %run_scoped3A_187 = arith.constant 6 : i32
      "tpu.region"() ({
        %run_scoped3A_348 = tpu.sem_alloc : memref<!tpu.dma_semaphore, #tpu.memory_space<semaphore_mem>>
        %dma_start3A_349 = arith.constant 0 : i32
        %dma_start3A_350 = tpu.memref_slice %arg8[%run_scoped3A_187, %dma_start3A_349] : memref<8x128xi32, #tpu.memory_space<vmem>> -> memref<1x128xi32, #tpu.memory_space<vmem>>
        %dma_start3A_351 = tpu.memref_squeeze %dma_start3A_350 : memref<1x128xi32, #tpu.memory_space<vmem>> -> memref<128xi32, #tpu.memory_space<vmem>>
        %dma_start3A_352 = arith.constant 0 : i32
        %dma_start3A_353 = arith.constant 0 : i32
        %dma_start3A_354 = tpu.memref_slice %arg17[%dma_start3A_352, %dma_start3A_353] : memref<10240x128xf32, #tpu.memory_space<vmem_shared>> -> memref<10240x128xf32, #tpu.memory_space<vmem_shared>>
        tpu.enqueue_indirect_dma source(%arg10 : memref<128x128xf32, #tpu.memory_space<vmem>>) target(%dma_start3A_354 : memref<10240x128xf32, #tpu.memory_space<vmem_shared>>) offsets(%dma_start3A_351 : memref<128xi32, #tpu.memory_space<vmem>>) semaphore(%run_scoped3A_348 : memref<!tpu.dma_semaphore, #tpu.memory_space<semaphore_mem>>) {add = true}
        %dma_wait3A_355 = arith.constant 0 : i32
        %dma_wait3A_356 = tpu.memref_slice %arg8[%run_scoped3A_187, %dma_wait3A_355] : memref<8x128xi32, #tpu.memory_space<vmem>> -> memref<1x128xi32, #tpu.memory_space<vmem>>
        %dma_wait3A_357 = tpu.memref_squeeze %dma_wait3A_356 : memref<1x128xi32, #tpu.memory_space<vmem>> -> memref<128xi32, #tpu.memory_space<vmem>>
        %dma_wait3A_358 = arith.constant 0 : i32
        %dma_wait3A_359 = arith.constant 0 : i32
        %dma_wait3A_360 = tpu.memref_slice %arg17[%dma_wait3A_358, %dma_wait3A_359] : memref<10240x128xf32, #tpu.memory_space<vmem_shared>> -> memref<10240x128xf32, #tpu.memory_space<vmem_shared>>
        tpu.wait_indirect_dma semaphore(%run_scoped3A_348 : memref<!tpu.dma_semaphore, #tpu.memory_space<semaphore_mem>>) src(%arg10 : memref<128x128xf32, #tpu.memory_space<vmem>>) dst(%dma_wait3A_360 : memref<10240x128xf32, #tpu.memory_space<vmem_shared>>)
        tpu.yield
      }) : () -> ()
      %dma_wait3A_188 = arith.constant 7 : i32
      %dma_wait3A_189 = arith.constant 0 : i32
      %dma_wait3A_190 = tpu.memref_slice %arg6[%dma_wait3A_188, %dma_wait3A_189] : memref<8x128xi32, #tpu.memory_space<vmem>> -> memref<1x128xi32, #tpu.memory_space<vmem>>
      %dma_wait3A_191 = tpu.memref_squeeze %dma_wait3A_190 : memref<1x128xi32, #tpu.memory_space<vmem>> -> memref<128xi32, #tpu.memory_space<vmem>>
      %dma_wait3A_192 = arith.constant 0 : i32
      %dma_wait3A_193 = arith.constant 0 : i32
      %dma_wait3A_194 = tpu.memref_slice %arg2[%dma_wait3A_192, %dma_wait3A_193] : memref<10000x128xf32, #tpu.memory_space<hbm>> -> memref<10000x128xf32, #tpu.memory_space<hbm>>
      tpu.wait_indirect_dma semaphore(%arg16 : memref<!tpu.dma_semaphore, #tpu.memory_space<semaphore_mem>>) src(%dma_wait3A_194 : memref<10000x128xf32, #tpu.memory_space<hbm>>) dst(%arg11 : memref<128x128xf32, #tpu.memory_space<vmem>>)
      %run_scoped3A_195 = arith.constant 7 : i32
      "tpu.region"() ({
        %run_scoped3A_348 = tpu.sem_alloc : memref<!tpu.dma_semaphore, #tpu.memory_space<semaphore_mem>>
        %dma_start3A_349 = arith.constant 0 : i32
        %dma_start3A_350 = tpu.memref_slice %arg8[%run_scoped3A_195, %dma_start3A_349] : memref<8x128xi32, #tpu.memory_space<vmem>> -> memref<1x128xi32, #tpu.memory_space<vmem>>
        %dma_start3A_351 = tpu.memref_squeeze %dma_start3A_350 : memref<1x128xi32, #tpu.memory_space<vmem>> -> memref<128xi32, #tpu.memory_space<vmem>>
        %dma_start3A_352 = arith.constant 0 : i32
        %dma_start3A_353 = arith.constant 0 : i32
        %dma_start3A_354 = tpu.memref_slice %arg17[%dma_start3A_352, %dma_start3A_353] : memref<10240x128xf32, #tpu.memory_space<vmem_shared>> -> memref<10240x128xf32, #tpu.memory_space<vmem_shared>>
        tpu.enqueue_indirect_dma source(%arg11 : memref<128x128xf32, #tpu.memory_space<vmem>>) target(%dma_start3A_354 : memref<10240x128xf32, #tpu.memory_space<vmem_shared>>) offsets(%dma_start3A_351 : memref<128xi32, #tpu.memory_space<vmem>>) semaphore(%run_scoped3A_348 : memref<!tpu.dma_semaphore, #tpu.memory_space<semaphore_mem>>) {add = true}
        %dma_wait3A_355 = arith.constant 0 : i32
        %dma_wait3A_356 = tpu.memref_slice %arg8[%run_scoped3A_195, %dma_wait3A_355] : memref<8x128xi32, #tpu.memory_space<vmem>> -> memref<1x128xi32, #tpu.memory_space<vmem>>
        %dma_wait3A_357 = tpu.memref_squeeze %dma_wait3A_356 : memref<1x128xi32, #tpu.memory_space<vmem>> -> memref<128xi32, #tpu.memory_space<vmem>>
        %dma_wait3A_358 = arith.constant 0 : i32
        %dma_wait3A_359 = arith.constant 0 : i32
        %dma_wait3A_360 = tpu.memref_slice %arg17[%dma_wait3A_358, %dma_wait3A_359] : memref<10240x128xf32, #tpu.memory_space<vmem_shared>> -> memref<10240x128xf32, #tpu.memory_space<vmem_shared>>
        tpu.wait_indirect_dma semaphore(%run_scoped3A_348 : memref<!tpu.dma_semaphore, #tpu.memory_space<semaphore_mem>>) src(%arg11 : memref<128x128xf32, #tpu.memory_space<vmem>>) dst(%dma_wait3A_360 : memref<10240x128xf32, #tpu.memory_space<vmem_shared>>)
        tpu.yield
      }) : () -> ()
      %add3A_196 = arith.constant 2 : i32
      %add3A_197 = arith.addi %add3A_61, %add3A_196 : i32
      %lt3A = arith.constant 10 : i32
      %lt3A_198 = arith.cmpi slt, %add3A_197, %lt3A : i32
      %convert_element_type3A = arith.extui %lt3A_198 : i1 to i32
      %cond3A = arith.constant 0 : i32
      %cond3A_199 = arith.cmpi ne, %convert_element_type3A, %cond3A : i32
      scf.if %cond3A_199 {
        %add3A_348 = arith.constant 2 : i32
        %add3A_349 = arith.addi %add3A_61, %add3A_348 : i32
        %mul3A_350 = arith.constant 8 : i32
        %mul3A_351 = arith.muli %add3A_349, %mul3A_350 : i32
        %dma_start3A_352 = arith.constant 0 : i32
        %dma_start3A_353 = tpu.memref_slice %arg3[%add3A, %mul3A_351, %dma_start3A_352] : memref<32x80x128xi32, #tpu.memory_space<hbm>> -> memref<1x8x128xi32, #tpu.memory_space<hbm>>
        %dma_start3A_354 = tpu.memref_squeeze %dma_start3A_353 : memref<1x8x128xi32, #tpu.memory_space<hbm>> -> memref<8x128xi32, #tpu.memory_space<hbm>>
        %dma_start3A_355 = arith.constant 0 : i32
        %dma_start3A_356 = tpu.memref_slice %arg3[%add3A, %mul3A_351, %dma_start3A_355] : memref<32x80x128xi32, #tpu.memory_space<hbm>> -> memref<1x8x128xi32, #tpu.memory_space<hbm>>
        %dma_start3A_357 = tpu.memref_squeeze %dma_start3A_356 : memref<1x8x128xi32, #tpu.memory_space<hbm>> -> memref<8x128xi32, #tpu.memory_space<hbm>>
        tpu.enqueue_dma source(%dma_start3A_357 : memref<8x128xi32, #tpu.memory_space<hbm>>) target(%arg6 : memref<8x128xi32, #tpu.memory_space<vmem>>) target_semaphore(%arg13 : memref<!tpu.dma_semaphore, #tpu.memory_space<semaphore_mem>>)
        %mul3A_358 = arith.constant 8 : i32
        %mul3A_359 = arith.muli %add3A_349, %mul3A_358 : i32
        %dma_start3A_360 = arith.constant 0 : i32
        %dma_start3A_361 = tpu.memref_slice %arg4[%add3A, %mul3A_359, %dma_start3A_360] : memref<32x80x128xi32, #tpu.memory_space<hbm>> -> memref<1x8x128xi32, #tpu.memory_space<hbm>>
        %dma_start3A_362 = tpu.memref_squeeze %dma_start3A_361 : memref<1x8x128xi32, #tpu.memory_space<hbm>> -> memref<8x128xi32, #tpu.memory_space<hbm>>
        %dma_start3A_363 = arith.constant 0 : i32
        %dma_start3A_364 = tpu.memref_slice %arg4[%add3A, %mul3A_359, %dma_start3A_363] : memref<32x80x128xi32, #tpu.memory_space<hbm>> -> memref<1x8x128xi32, #tpu.memory_space<hbm>>
        %dma_start3A_365 = tpu.memref_squeeze %dma_start3A_364 : memref<1x8x128xi32, #tpu.memory_space<hbm>> -> memref<8x128xi32, #tpu.memory_space<hbm>>
        tpu.enqueue_dma source(%dma_start3A_365 : memref<8x128xi32, #tpu.memory_space<hbm>>) target(%arg8 : memref<8x128xi32, #tpu.memory_space<vmem>>) target_semaphore(%arg13 : memref<!tpu.dma_semaphore, #tpu.memory_space<semaphore_mem>>)
      } else {
      }
      %mul3A_200 = arith.constant 2 : i32
      %mul3A_201 = arith.muli %mul3A_200, %scan3A_56 : i32
      %add3A_202 = arith.constant 1 : i32
      %add3A_203 = arith.addi %mul3A_201, %add3A_202 : i32
      %mul3A_204 = arith.constant 8 : i32
      %mul3A_205 = arith.muli %add3A_203, %mul3A_204 : i32
      %dma_wait3A_206 = arith.constant 0 : i32
      %dma_wait3A_207 = tpu.memref_slice %arg3[%add3A, %mul3A_205, %dma_wait3A_206] : memref<32x80x128xi32, #tpu.memory_space<hbm>> -> memref<1x8x128xi32, #tpu.memory_space<hbm>>
      %dma_wait3A_208 = tpu.memref_squeeze %dma_wait3A_207 : memref<1x8x128xi32, #tpu.memory_space<hbm>> -> memref<8x128xi32, #tpu.memory_space<hbm>>
      %dma_wait3A_209 = arith.constant 0 : i32
      %dma_wait3A_210 = tpu.memref_slice %arg3[%add3A, %mul3A_205, %dma_wait3A_209] : memref<32x80x128xi32, #tpu.memory_space<hbm>> -> memref<1x8x128xi32, #tpu.memory_space<hbm>>
      %dma_wait3A_211 = tpu.memref_squeeze %dma_wait3A_210 : memref<1x8x128xi32, #tpu.memory_space<hbm>> -> memref<8x128xi32, #tpu.memory_space<hbm>>
      tpu.wait_dma2 semaphore(%arg14 : memref<!tpu.dma_semaphore, #tpu.memory_space<semaphore_mem>>) src(%dma_wait3A_211 : memref<8x128xi32, #tpu.memory_space<hbm>>) dst(%arg7 : memref<8x128xi32, #tpu.memory_space<vmem>>)
      %mul3A_212 = arith.constant 8 : i32
      %mul3A_213 = arith.muli %add3A_203, %mul3A_212 : i32
      %dma_wait3A_214 = arith.constant 0 : i32
      %dma_wait3A_215 = tpu.memref_slice %arg4[%add3A, %mul3A_213, %dma_wait3A_214] : memref<32x80x128xi32, #tpu.memory_space<hbm>> -> memref<1x8x128xi32, #tpu.memory_space<hbm>>
      %dma_wait3A_216 = tpu.memref_squeeze %dma_wait3A_215 : memref<1x8x128xi32, #tpu.memory_space<hbm>> -> memref<8x128xi32, #tpu.memory_space<hbm>>
      %dma_wait3A_217 = arith.constant 0 : i32
      %dma_wait3A_218 = tpu.memref_slice %arg4[%add3A, %mul3A_213, %dma_wait3A_217] : memref<32x80x128xi32, #tpu.memory_space<hbm>> -> memref<1x8x128xi32, #tpu.memory_space<hbm>>
      %dma_wait3A_219 = tpu.memref_squeeze %dma_wait3A_218 : memref<1x8x128xi32, #tpu.memory_space<hbm>> -> memref<8x128xi32, #tpu.memory_space<hbm>>
      tpu.wait_dma2 semaphore(%arg14 : memref<!tpu.dma_semaphore, #tpu.memory_space<semaphore_mem>>) src(%dma_wait3A_219 : memref<8x128xi32, #tpu.memory_space<hbm>>) dst(%arg9 : memref<8x128xi32, #tpu.memory_space<vmem>>)
      %dma_start3A_220 = arith.constant 0 : i32
      %dma_start3A_221 = arith.constant 0 : i32
      %dma_start3A_222 = tpu.memref_slice %arg7[%dma_start3A_220, %dma_start3A_221] : memref<8x128xi32, #tpu.memory_space<vmem>> -> memref<1x128xi32, #tpu.memory_space<vmem>>
      %dma_start3A_223 = tpu.memref_squeeze %dma_start3A_222 : memref<1x128xi32, #tpu.memory_space<vmem>> -> memref<128xi32, #tpu.memory_space<vmem>>
      %dma_start3A_224 = arith.constant 0 : i32
      %dma_start3A_225 = arith.constant 0 : i32
      %dma_start3A_226 = tpu.memref_slice %arg2[%dma_start3A_224, %dma_start3A_225] : memref<10000x128xf32, #tpu.memory_space<hbm>> -> memref<10000x128xf32, #tpu.memory_space<hbm>>
      tpu.enqueue_indirect_dma source(%dma_start3A_226 : memref<10000x128xf32, #tpu.memory_space<hbm>>) target(%arg10 : memref<128x128xf32, #tpu.memory_space<vmem>>) offsets(%dma_start3A_223 : memref<128xi32, #tpu.memory_space<vmem>>) semaphore(%arg15 : memref<!tpu.dma_semaphore, #tpu.memory_space<semaphore_mem>>)
      %dma_start3A_227 = arith.constant 1 : i32
      %dma_start3A_228 = arith.constant 0 : i32
      %dma_start3A_229 = tpu.memref_slice %arg7[%dma_start3A_227, %dma_start3A_228] : memref<8x128xi32, #tpu.memory_space<vmem>> -> memref<1x128xi32, #tpu.memory_space<vmem>>
      %dma_start3A_230 = tpu.memref_squeeze %dma_start3A_229 : memref<1x128xi32, #tpu.memory_space<vmem>> -> memref<128xi32, #tpu.memory_space<vmem>>
      %dma_start3A_231 = arith.constant 0 : i32
      %dma_start3A_232 = arith.constant 0 : i32
      %dma_start3A_233 = tpu.memref_slice %arg2[%dma_start3A_231, %dma_start3A_232] : memref<10000x128xf32, #tpu.memory_space<hbm>> -> memref<10000x128xf32, #tpu.memory_space<hbm>>
      tpu.enqueue_indirect_dma source(%dma_start3A_233 : memref<10000x128xf32, #tpu.memory_space<hbm>>) target(%arg11 : memref<128x128xf32, #tpu.memory_space<vmem>>) offsets(%dma_start3A_230 : memref<128xi32, #tpu.memory_space<vmem>>) semaphore(%arg16 : memref<!tpu.dma_semaphore, #tpu.memory_space<semaphore_mem>>)
      %dma_wait3A_234 = arith.constant 0 : i32
      %dma_wait3A_235 = arith.constant 0 : i32
      %dma_wait3A_236 = tpu.memref_slice %arg7[%dma_wait3A_234, %dma_wait3A_235] : memref<8x128xi32, #tpu.memory_space<vmem>> -> memref<1x128xi32, #tpu.memory_space<vmem>>
      %dma_wait3A_237 = tpu.memref_squeeze %dma_wait3A_236 : memref<1x128xi32, #tpu.memory_space<vmem>> -> memref<128xi32, #tpu.memory_space<vmem>>
      %dma_wait3A_238 = arith.constant 0 : i32
      %dma_wait3A_239 = arith.constant 0 : i32
      %dma_wait3A_240 = tpu.memref_slice %arg2[%dma_wait3A_238, %dma_wait3A_239] : memref<10000x128xf32, #tpu.memory_space<hbm>> -> memref<10000x128xf32, #tpu.memory_space<hbm>>
      tpu.wait_indirect_dma semaphore(%arg15 : memref<!tpu.dma_semaphore, #tpu.memory_space<semaphore_mem>>) src(%dma_wait3A_240 : memref<10000x128xf32, #tpu.memory_space<hbm>>) dst(%arg10 : memref<128x128xf32, #tpu.memory_space<vmem>>)
      %run_scoped3A_241 = arith.constant 0 : i32
      "tpu.region"() ({
        %run_scoped3A_348 = tpu.sem_alloc : memref<!tpu.dma_semaphore, #tpu.memory_space<semaphore_mem>>
        %dma_start3A_349 = arith.constant 0 : i32
        %dma_start3A_350 = tpu.memref_slice %arg9[%run_scoped3A_241, %dma_start3A_349] : memref<8x128xi32, #tpu.memory_space<vmem>> -> memref<1x128xi32, #tpu.memory_space<vmem>>
        %dma_start3A_351 = tpu.memref_squeeze %dma_start3A_350 : memref<1x128xi32, #tpu.memory_space<vmem>> -> memref<128xi32, #tpu.memory_space<vmem>>
        %dma_start3A_352 = arith.constant 0 : i32
        %dma_start3A_353 = arith.constant 0 : i32
        %dma_start3A_354 = tpu.memref_slice %arg17[%dma_start3A_352, %dma_start3A_353] : memref<10240x128xf32, #tpu.memory_space<vmem_shared>> -> memref<10240x128xf32, #tpu.memory_space<vmem_shared>>
        tpu.enqueue_indirect_dma source(%arg10 : memref<128x128xf32, #tpu.memory_space<vmem>>) target(%dma_start3A_354 : memref<10240x128xf32, #tpu.memory_space<vmem_shared>>) offsets(%dma_start3A_351 : memref<128xi32, #tpu.memory_space<vmem>>) semaphore(%run_scoped3A_348 : memref<!tpu.dma_semaphore, #tpu.memory_space<semaphore_mem>>) {add = true}
        %dma_wait3A_355 = arith.constant 0 : i32
        %dma_wait3A_356 = tpu.memref_slice %arg9[%run_scoped3A_241, %dma_wait3A_355] : memref<8x128xi32, #tpu.memory_space<vmem>> -> memref<1x128xi32, #tpu.memory_space<vmem>>
        %dma_wait3A_357 = tpu.memref_squeeze %dma_wait3A_356 : memref<1x128xi32, #tpu.memory_space<vmem>> -> memref<128xi32, #tpu.memory_space<vmem>>
        %dma_wait3A_358 = arith.constant 0 : i32
        %dma_wait3A_359 = arith.constant 0 : i32
        %dma_wait3A_360 = tpu.memref_slice %arg17[%dma_wait3A_358, %dma_wait3A_359] : memref<10240x128xf32, #tpu.memory_space<vmem_shared>> -> memref<10240x128xf32, #tpu.memory_space<vmem_shared>>
        tpu.wait_indirect_dma semaphore(%run_scoped3A_348 : memref<!tpu.dma_semaphore, #tpu.memory_space<semaphore_mem>>) src(%arg10 : memref<128x128xf32, #tpu.memory_space<vmem>>) dst(%dma_wait3A_360 : memref<10240x128xf32, #tpu.memory_space<vmem_shared>>)
        tpu.yield
      }) : () -> ()
      %dma_start3A_242 = arith.constant 2 : i32
      %dma_start3A_243 = arith.constant 0 : i32
      %dma_start3A_244 = tpu.memref_slice %arg7[%dma_start3A_242, %dma_start3A_243] : memref<8x128xi32, #tpu.memory_space<vmem>> -> memref<1x128xi32, #tpu.memory_space<vmem>>
      %dma_start3A_245 = tpu.memref_squeeze %dma_start3A_244 : memref<1x128xi32, #tpu.memory_space<vmem>> -> memref<128xi32, #tpu.memory_space<vmem>>
      %dma_start3A_246 = arith.constant 0 : i32
      %dma_start3A_247 = arith.constant 0 : i32
      %dma_start3A_248 = tpu.memref_slice %arg2[%dma_start3A_246, %dma_start3A_247] : memref<10000x128xf32, #tpu.memory_space<hbm>> -> memref<10000x128xf32, #tpu.memory_space<hbm>>
      tpu.enqueue_indirect_dma source(%dma_start3A_248 : memref<10000x128xf32, #tpu.memory_space<hbm>>) target(%arg10 : memref<128x128xf32, #tpu.memory_space<vmem>>) offsets(%dma_start3A_245 : memref<128xi32, #tpu.memory_space<vmem>>) semaphore(%arg15 : memref<!tpu.dma_semaphore, #tpu.memory_space<semaphore_mem>>)
      %dma_wait3A_249 = arith.constant 1 : i32
      %dma_wait3A_250 = arith.constant 0 : i32
      %dma_wait3A_251 = tpu.memref_slice %arg7[%dma_wait3A_249, %dma_wait3A_250] : memref<8x128xi32, #tpu.memory_space<vmem>> -> memref<1x128xi32, #tpu.memory_space<vmem>>
      %dma_wait3A_252 = tpu.memref_squeeze %dma_wait3A_251 : memref<1x128xi32, #tpu.memory_space<vmem>> -> memref<128xi32, #tpu.memory_space<vmem>>
      %dma_wait3A_253 = arith.constant 0 : i32
      %dma_wait3A_254 = arith.constant 0 : i32
      %dma_wait3A_255 = tpu.memref_slice %arg2[%dma_wait3A_253, %dma_wait3A_254] : memref<10000x128xf32, #tpu.memory_space<hbm>> -> memref<10000x128xf32, #tpu.memory_space<hbm>>
      tpu.wait_indirect_dma semaphore(%arg16 : memref<!tpu.dma_semaphore, #tpu.memory_space<semaphore_mem>>) src(%dma_wait3A_255 : memref<10000x128xf32, #tpu.memory_space<hbm>>) dst(%arg11 : memref<128x128xf32, #tpu.memory_space<vmem>>)
      %run_scoped3A_256 = arith.constant 1 : i32
      "tpu.region"() ({
        %run_scoped3A_348 = tpu.sem_alloc : memref<!tpu.dma_semaphore, #tpu.memory_space<semaphore_mem>>
        %dma_start3A_349 = arith.constant 0 : i32
        %dma_start3A_350 = tpu.memref_slice %arg9[%run_scoped3A_256, %dma_start3A_349] : memref<8x128xi32, #tpu.memory_space<vmem>> -> memref<1x128xi32, #tpu.memory_space<vmem>>
        %dma_start3A_351 = tpu.memref_squeeze %dma_start3A_350 : memref<1x128xi32, #tpu.memory_space<vmem>> -> memref<128xi32, #tpu.memory_space<vmem>>
        %dma_start3A_352 = arith.constant 0 : i32
        %dma_start3A_353 = arith.constant 0 : i32
        %dma_start3A_354 = tpu.memref_slice %arg17[%dma_start3A_352, %dma_start3A_353] : memref<10240x128xf32, #tpu.memory_space<vmem_shared>> -> memref<10240x128xf32, #tpu.memory_space<vmem_shared>>
        tpu.enqueue_indirect_dma source(%arg11 : memref<128x128xf32, #tpu.memory_space<vmem>>) target(%dma_start3A_354 : memref<10240x128xf32, #tpu.memory_space<vmem_shared>>) offsets(%dma_start3A_351 : memref<128xi32, #tpu.memory_space<vmem>>) semaphore(%run_scoped3A_348 : memref<!tpu.dma_semaphore, #tpu.memory_space<semaphore_mem>>) {add = true}
        %dma_wait3A_355 = arith.constant 0 : i32
        %dma_wait3A_356 = tpu.memref_slice %arg9[%run_scoped3A_256, %dma_wait3A_355] : memref<8x128xi32, #tpu.memory_space<vmem>> -> memref<1x128xi32, #tpu.memory_space<vmem>>
        %dma_wait3A_357 = tpu.memref_squeeze %dma_wait3A_356 : memref<1x128xi32, #tpu.memory_space<vmem>> -> memref<128xi32, #tpu.memory_space<vmem>>
        %dma_wait3A_358 = arith.constant 0 : i32
        %dma_wait3A_359 = arith.constant 0 : i32
        %dma_wait3A_360 = tpu.memref_slice %arg17[%dma_wait3A_358, %dma_wait3A_359] : memref<10240x128xf32, #tpu.memory_space<vmem_shared>> -> memref<10240x128xf32, #tpu.memory_space<vmem_shared>>
        tpu.wait_indirect_dma semaphore(%run_scoped3A_348 : memref<!tpu.dma_semaphore, #tpu.memory_space<semaphore_mem>>) src(%arg11 : memref<128x128xf32, #tpu.memory_space<vmem>>) dst(%dma_wait3A_360 : memref<10240x128xf32, #tpu.memory_space<vmem_shared>>)
        tpu.yield
      }) : () -> ()
      %dma_start3A_257 = arith.constant 3 : i32
      %dma_start3A_258 = arith.constant 0 : i32
      %dma_start3A_259 = tpu.memref_slice %arg7[%dma_start3A_257, %dma_start3A_258] : memref<8x128xi32, #tpu.memory_space<vmem>> -> memref<1x128xi32, #tpu.memory_space<vmem>>
      %dma_start3A_260 = tpu.memref_squeeze %dma_start3A_259 : memref<1x128xi32, #tpu.memory_space<vmem>> -> memref<128xi32, #tpu.memory_space<vmem>>
      %dma_start3A_261 = arith.constant 0 : i32
      %dma_start3A_262 = arith.constant 0 : i32
      %dma_start3A_263 = tpu.memref_slice %arg2[%dma_start3A_261, %dma_start3A_262] : memref<10000x128xf32, #tpu.memory_space<hbm>> -> memref<10000x128xf32, #tpu.memory_space<hbm>>
      tpu.enqueue_indirect_dma source(%dma_start3A_263 : memref<10000x128xf32, #tpu.memory_space<hbm>>) target(%arg11 : memref<128x128xf32, #tpu.memory_space<vmem>>) offsets(%dma_start3A_260 : memref<128xi32, #tpu.memory_space<vmem>>) semaphore(%arg16 : memref<!tpu.dma_semaphore, #tpu.memory_space<semaphore_mem>>)
      %dma_wait3A_264 = arith.constant 2 : i32
      %dma_wait3A_265 = arith.constant 0 : i32
      %dma_wait3A_266 = tpu.memref_slice %arg7[%dma_wait3A_264, %dma_wait3A_265] : memref<8x128xi32, #tpu.memory_space<vmem>> -> memref<1x128xi32, #tpu.memory_space<vmem>>
      %dma_wait3A_267 = tpu.memref_squeeze %dma_wait3A_266 : memref<1x128xi32, #tpu.memory_space<vmem>> -> memref<128xi32, #tpu.memory_space<vmem>>
      %dma_wait3A_268 = arith.constant 0 : i32
      %dma_wait3A_269 = arith.constant 0 : i32
      %dma_wait3A_270 = tpu.memref_slice %arg2[%dma_wait3A_268, %dma_wait3A_269] : memref<10000x128xf32, #tpu.memory_space<hbm>> -> memref<10000x128xf32, #tpu.memory_space<hbm>>
      tpu.wait_indirect_dma semaphore(%arg15 : memref<!tpu.dma_semaphore, #tpu.memory_space<semaphore_mem>>) src(%dma_wait3A_270 : memref<10000x128xf32, #tpu.memory_space<hbm>>) dst(%arg10 : memref<128x128xf32, #tpu.memory_space<vmem>>)
      %run_scoped3A_271 = arith.constant 2 : i32
      "tpu.region"() ({
        %run_scoped3A_348 = tpu.sem_alloc : memref<!tpu.dma_semaphore, #tpu.memory_space<semaphore_mem>>
        %dma_start3A_349 = arith.constant 0 : i32
        %dma_start3A_350 = tpu.memref_slice %arg9[%run_scoped3A_271, %dma_start3A_349] : memref<8x128xi32, #tpu.memory_space<vmem>> -> memref<1x128xi32, #tpu.memory_space<vmem>>
        %dma_start3A_351 = tpu.memref_squeeze %dma_start3A_350 : memref<1x128xi32, #tpu.memory_space<vmem>> -> memref<128xi32, #tpu.memory_space<vmem>>
        %dma_start3A_352 = arith.constant 0 : i32
        %dma_start3A_353 = arith.constant 0 : i32
        %dma_start3A_354 = tpu.memref_slice %arg17[%dma_start3A_352, %dma_start3A_353] : memref<10240x128xf32, #tpu.memory_space<vmem_shared>> -> memref<10240x128xf32, #tpu.memory_space<vmem_shared>>
        tpu.enqueue_indirect_dma source(%arg10 : memref<128x128xf32, #tpu.memory_space<vmem>>) target(%dma_start3A_354 : memref<10240x128xf32, #tpu.memory_space<vmem_shared>>) offsets(%dma_start3A_351 : memref<128xi32, #tpu.memory_space<vmem>>) semaphore(%run_scoped3A_348 : memref<!tpu.dma_semaphore, #tpu.memory_space<semaphore_mem>>) {add = true}
        %dma_wait3A_355 = arith.constant 0 : i32
        %dma_wait3A_356 = tpu.memref_slice %arg9[%run_scoped3A_271, %dma_wait3A_355] : memref<8x128xi32, #tpu.memory_space<vmem>> -> memref<1x128xi32, #tpu.memory_space<vmem>>
        %dma_wait3A_357 = tpu.memref_squeeze %dma_wait3A_356 : memref<1x128xi32, #tpu.memory_space<vmem>> -> memref<128xi32, #tpu.memory_space<vmem>>
        %dma_wait3A_358 = arith.constant 0 : i32
        %dma_wait3A_359 = arith.constant 0 : i32
        %dma_wait3A_360 = tpu.memref_slice %arg17[%dma_wait3A_358, %dma_wait3A_359] : memref<10240x128xf32, #tpu.memory_space<vmem_shared>> -> memref<10240x128xf32, #tpu.memory_space<vmem_shared>>
        tpu.wait_indirect_dma semaphore(%run_scoped3A_348 : memref<!tpu.dma_semaphore, #tpu.memory_space<semaphore_mem>>) src(%arg10 : memref<128x128xf32, #tpu.memory_space<vmem>>) dst(%dma_wait3A_360 : memref<10240x128xf32, #tpu.memory_space<vmem_shared>>)
        tpu.yield
      }) : () -> ()
      %dma_start3A_272 = arith.constant 4 : i32
      %dma_start3A_273 = arith.constant 0 : i32
      %dma_start3A_274 = tpu.memref_slice %arg7[%dma_start3A_272, %dma_start3A_273] : memref<8x128xi32, #tpu.memory_space<vmem>> -> memref<1x128xi32, #tpu.memory_space<vmem>>
      %dma_start3A_275 = tpu.memref_squeeze %dma_start3A_274 : memref<1x128xi32, #tpu.memory_space<vmem>> -> memref<128xi32, #tpu.memory_space<vmem>>
      %dma_start3A_276 = arith.constant 0 : i32
      %dma_start3A_277 = arith.constant 0 : i32
      %dma_start3A_278 = tpu.memref_slice %arg2[%dma_start3A_276, %dma_start3A_277] : memref<10000x128xf32, #tpu.memory_space<hbm>> -> memref<10000x128xf32, #tpu.memory_space<hbm>>
      tpu.enqueue_indirect_dma source(%dma_start3A_278 : memref<10000x128xf32, #tpu.memory_space<hbm>>) target(%arg10 : memref<128x128xf32, #tpu.memory_space<vmem>>) offsets(%dma_start3A_275 : memref<128xi32, #tpu.memory_space<vmem>>) semaphore(%arg15 : memref<!tpu.dma_semaphore, #tpu.memory_space<semaphore_mem>>)
      %dma_wait3A_279 = arith.constant 3 : i32
      %dma_wait3A_280 = arith.constant 0 : i32
      %dma_wait3A_281 = tpu.memref_slice %arg7[%dma_wait3A_279, %dma_wait3A_280] : memref<8x128xi32, #tpu.memory_space<vmem>> -> memref<1x128xi32, #tpu.memory_space<vmem>>
      %dma_wait3A_282 = tpu.memref_squeeze %dma_wait3A_281 : memref<1x128xi32, #tpu.memory_space<vmem>> -> memref<128xi32, #tpu.memory_space<vmem>>
      %dma_wait3A_283 = arith.constant 0 : i32
      %dma_wait3A_284 = arith.constant 0 : i32
      %dma_wait3A_285 = tpu.memref_slice %arg2[%dma_wait3A_283, %dma_wait3A_284] : memref<10000x128xf32, #tpu.memory_space<hbm>> -> memref<10000x128xf32, #tpu.memory_space<hbm>>
      tpu.wait_indirect_dma semaphore(%arg16 : memref<!tpu.dma_semaphore, #tpu.memory_space<semaphore_mem>>) src(%dma_wait3A_285 : memref<10000x128xf32, #tpu.memory_space<hbm>>) dst(%arg11 : memref<128x128xf32, #tpu.memory_space<vmem>>)
      %run_scoped3A_286 = arith.constant 3 : i32
      "tpu.region"() ({
        %run_scoped3A_348 = tpu.sem_alloc : memref<!tpu.dma_semaphore, #tpu.memory_space<semaphore_mem>>
        %dma_start3A_349 = arith.constant 0 : i32
        %dma_start3A_350 = tpu.memref_slice %arg9[%run_scoped3A_286, %dma_start3A_349] : memref<8x128xi32, #tpu.memory_space<vmem>> -> memref<1x128xi32, #tpu.memory_space<vmem>>
        %dma_start3A_351 = tpu.memref_squeeze %dma_start3A_350 : memref<1x128xi32, #tpu.memory_space<vmem>> -> memref<128xi32, #tpu.memory_space<vmem>>
        %dma_start3A_352 = arith.constant 0 : i32
        %dma_start3A_353 = arith.constant 0 : i32
        %dma_start3A_354 = tpu.memref_slice %arg17[%dma_start3A_352, %dma_start3A_353] : memref<10240x128xf32, #tpu.memory_space<vmem_shared>> -> memref<10240x128xf32, #tpu.memory_space<vmem_shared>>
        tpu.enqueue_indirect_dma source(%arg11 : memref<128x128xf32, #tpu.memory_space<vmem>>) target(%dma_start3A_354 : memref<10240x128xf32, #tpu.memory_space<vmem_shared>>) offsets(%dma_start3A_351 : memref<128xi32, #tpu.memory_space<vmem>>) semaphore(%run_scoped3A_348 : memref<!tpu.dma_semaphore, #tpu.memory_space<semaphore_mem>>) {add = true}
        %dma_wait3A_355 = arith.constant 0 : i32
        %dma_wait3A_356 = tpu.memref_slice %arg9[%run_scoped3A_286, %dma_wait3A_355] : memref<8x128xi32, #tpu.memory_space<vmem>> -> memref<1x128xi32, #tpu.memory_space<vmem>>
        %dma_wait3A_357 = tpu.memref_squeeze %dma_wait3A_356 : memref<1x128xi32, #tpu.memory_space<vmem>> -> memref<128xi32, #tpu.memory_space<vmem>>
        %dma_wait3A_358 = arith.constant 0 : i32
        %dma_wait3A_359 = arith.constant 0 : i32
        %dma_wait3A_360 = tpu.memref_slice %arg17[%dma_wait3A_358, %dma_wait3A_359] : memref<10240x128xf32, #tpu.memory_space<vmem_shared>> -> memref<10240x128xf32, #tpu.memory_space<vmem_shared>>
        tpu.wait_indirect_dma semaphore(%run_scoped3A_348 : memref<!tpu.dma_semaphore, #tpu.memory_space<semaphore_mem>>) src(%arg11 : memref<128x128xf32, #tpu.memory_space<vmem>>) dst(%dma_wait3A_360 : memref<10240x128xf32, #tpu.memory_space<vmem_shared>>)
        tpu.yield
      }) : () -> ()
      %dma_start3A_287 = arith.constant 5 : i32
      %dma_start3A_288 = arith.constant 0 : i32
      %dma_start3A_289 = tpu.memref_slice %arg7[%dma_start3A_287, %dma_start3A_288] : memref<8x128xi32, #tpu.memory_space<vmem>> -> memref<1x128xi32, #tpu.memory_space<vmem>>
      %dma_start3A_290 = tpu.memref_squeeze %dma_start3A_289 : memref<1x128xi32, #tpu.memory_space<vmem>> -> memref<128xi32, #tpu.memory_space<vmem>>
      %dma_start3A_291 = arith.constant 0 : i32
      %dma_start3A_292 = arith.constant 0 : i32
      %dma_start3A_293 = tpu.memref_slice %arg2[%dma_start3A_291, %dma_start3A_292] : memref<10000x128xf32, #tpu.memory_space<hbm>> -> memref<10000x128xf32, #tpu.memory_space<hbm>>
      tpu.enqueue_indirect_dma source(%dma_start3A_293 : memref<10000x128xf32, #tpu.memory_space<hbm>>) target(%arg11 : memref<128x128xf32, #tpu.memory_space<vmem>>) offsets(%dma_start3A_290 : memref<128xi32, #tpu.memory_space<vmem>>) semaphore(%arg16 : memref<!tpu.dma_semaphore, #tpu.memory_space<semaphore_mem>>)
      %dma_wait3A_294 = arith.constant 4 : i32
      %dma_wait3A_295 = arith.constant 0 : i32
      %dma_wait3A_296 = tpu.memref_slice %arg7[%dma_wait3A_294, %dma_wait3A_295] : memref<8x128xi32, #tpu.memory_space<vmem>> -> memref<1x128xi32, #tpu.memory_space<vmem>>
      %dma_wait3A_297 = tpu.memref_squeeze %dma_wait3A_296 : memref<1x128xi32, #tpu.memory_space<vmem>> -> memref<128xi32, #tpu.memory_space<vmem>>
      %dma_wait3A_298 = arith.constant 0 : i32
      %dma_wait3A_299 = arith.constant 0 : i32
      %dma_wait3A_300 = tpu.memref_slice %arg2[%dma_wait3A_298, %dma_wait3A_299] : memref<10000x128xf32, #tpu.memory_space<hbm>> -> memref<10000x128xf32, #tpu.memory_space<hbm>>
      tpu.wait_indirect_dma semaphore(%arg15 : memref<!tpu.dma_semaphore, #tpu.memory_space<semaphore_mem>>) src(%dma_wait3A_300 : memref<10000x128xf32, #tpu.memory_space<hbm>>) dst(%arg10 : memref<128x128xf32, #tpu.memory_space<vmem>>)
      %run_scoped3A_301 = arith.constant 4 : i32
      "tpu.region"() ({
        %run_scoped3A_348 = tpu.sem_alloc : memref<!tpu.dma_semaphore, #tpu.memory_space<semaphore_mem>>
        %dma_start3A_349 = arith.constant 0 : i32
        %dma_start3A_350 = tpu.memref_slice %arg9[%run_scoped3A_301, %dma_start3A_349] : memref<8x128xi32, #tpu.memory_space<vmem>> -> memref<1x128xi32, #tpu.memory_space<vmem>>
        %dma_start3A_351 = tpu.memref_squeeze %dma_start3A_350 : memref<1x128xi32, #tpu.memory_space<vmem>> -> memref<128xi32, #tpu.memory_space<vmem>>
        %dma_start3A_352 = arith.constant 0 : i32
        %dma_start3A_353 = arith.constant 0 : i32
        %dma_start3A_354 = tpu.memref_slice %arg17[%dma_start3A_352, %dma_start3A_353] : memref<10240x128xf32, #tpu.memory_space<vmem_shared>> -> memref<10240x128xf32, #tpu.memory_space<vmem_shared>>
        tpu.enqueue_indirect_dma source(%arg10 : memref<128x128xf32, #tpu.memory_space<vmem>>) target(%dma_start3A_354 : memref<10240x128xf32, #tpu.memory_space<vmem_shared>>) offsets(%dma_start3A_351 : memref<128xi32, #tpu.memory_space<vmem>>) semaphore(%run_scoped3A_348 : memref<!tpu.dma_semaphore, #tpu.memory_space<semaphore_mem>>) {add = true}
        %dma_wait3A_355 = arith.constant 0 : i32
        %dma_wait3A_356 = tpu.memref_slice %arg9[%run_scoped3A_301, %dma_wait3A_355] : memref<8x128xi32, #tpu.memory_space<vmem>> -> memref<1x128xi32, #tpu.memory_space<vmem>>
        %dma_wait3A_357 = tpu.memref_squeeze %dma_wait3A_356 : memref<1x128xi32, #tpu.memory_space<vmem>> -> memref<128xi32, #tpu.memory_space<vmem>>
        %dma_wait3A_358 = arith.constant 0 : i32
        %dma_wait3A_359 = arith.constant 0 : i32
        %dma_wait3A_360 = tpu.memref_slice %arg17[%dma_wait3A_358, %dma_wait3A_359] : memref<10240x128xf32, #tpu.memory_space<vmem_shared>> -> memref<10240x128xf32, #tpu.memory_space<vmem_shared>>
        tpu.wait_indirect_dma semaphore(%run_scoped3A_348 : memref<!tpu.dma_semaphore, #tpu.memory_space<semaphore_mem>>) src(%arg10 : memref<128x128xf32, #tpu.memory_space<vmem>>) dst(%dma_wait3A_360 : memref<10240x128xf32, #tpu.memory_space<vmem_shared>>)
        tpu.yield
      }) : () -> ()
      %dma_start3A_302 = arith.constant 6 : i32
      %dma_start3A_303 = arith.constant 0 : i32
      %dma_start3A_304 = tpu.memref_slice %arg7[%dma_start3A_302, %dma_start3A_303] : memref<8x128xi32, #tpu.memory_space<vmem>> -> memref<1x128xi32, #tpu.memory_space<vmem>>
      %dma_start3A_305 = tpu.memref_squeeze %dma_start3A_304 : memref<1x128xi32, #tpu.memory_space<vmem>> -> memref<128xi32, #tpu.memory_space<vmem>>
      %dma_start3A_306 = arith.constant 0 : i32
      %dma_start3A_307 = arith.constant 0 : i32
      %dma_start3A_308 = tpu.memref_slice %arg2[%dma_start3A_306, %dma_start3A_307] : memref<10000x128xf32, #tpu.memory_space<hbm>> -> memref<10000x128xf32, #tpu.memory_space<hbm>>
      tpu.enqueue_indirect_dma source(%dma_start3A_308 : memref<10000x128xf32, #tpu.memory_space<hbm>>) target(%arg10 : memref<128x128xf32, #tpu.memory_space<vmem>>) offsets(%dma_start3A_305 : memref<128xi32, #tpu.memory_space<vmem>>) semaphore(%arg15 : memref<!tpu.dma_semaphore, #tpu.memory_space<semaphore_mem>>)
      %dma_wait3A_309 = arith.constant 5 : i32
      %dma_wait3A_310 = arith.constant 0 : i32
      %dma_wait3A_311 = tpu.memref_slice %arg7[%dma_wait3A_309, %dma_wait3A_310] : memref<8x128xi32, #tpu.memory_space<vmem>> -> memref<1x128xi32, #tpu.memory_space<vmem>>
      %dma_wait3A_312 = tpu.memref_squeeze %dma_wait3A_311 : memref<1x128xi32, #tpu.memory_space<vmem>> -> memref<128xi32, #tpu.memory_space<vmem>>
      %dma_wait3A_313 = arith.constant 0 : i32
      %dma_wait3A_314 = arith.constant 0 : i32
      %dma_wait3A_315 = tpu.memref_slice %arg2[%dma_wait3A_313, %dma_wait3A_314] : memref<10000x128xf32, #tpu.memory_space<hbm>> -> memref<10000x128xf32, #tpu.memory_space<hbm>>
      tpu.wait_indirect_dma semaphore(%arg16 : memref<!tpu.dma_semaphore, #tpu.memory_space<semaphore_mem>>) src(%dma_wait3A_315 : memref<10000x128xf32, #tpu.memory_space<hbm>>) dst(%arg11 : memref<128x128xf32, #tpu.memory_space<vmem>>)
      %run_scoped3A_316 = arith.constant 5 : i32
      "tpu.region"() ({
        %run_scoped3A_348 = tpu.sem_alloc : memref<!tpu.dma_semaphore, #tpu.memory_space<semaphore_mem>>
        %dma_start3A_349 = arith.constant 0 : i32
        %dma_start3A_350 = tpu.memref_slice %arg9[%run_scoped3A_316, %dma_start3A_349] : memref<8x128xi32, #tpu.memory_space<vmem>> -> memref<1x128xi32, #tpu.memory_space<vmem>>
        %dma_start3A_351 = tpu.memref_squeeze %dma_start3A_350 : memref<1x128xi32, #tpu.memory_space<vmem>> -> memref<128xi32, #tpu.memory_space<vmem>>
        %dma_start3A_352 = arith.constant 0 : i32
        %dma_start3A_353 = arith.constant 0 : i32
        %dma_start3A_354 = tpu.memref_slice %arg17[%dma_start3A_352, %dma_start3A_353] : memref<10240x128xf32, #tpu.memory_space<vmem_shared>> -> memref<10240x128xf32, #tpu.memory_space<vmem_shared>>
        tpu.enqueue_indirect_dma source(%arg11 : memref<128x128xf32, #tpu.memory_space<vmem>>) target(%dma_start3A_354 : memref<10240x128xf32, #tpu.memory_space<vmem_shared>>) offsets(%dma_start3A_351 : memref<128xi32, #tpu.memory_space<vmem>>) semaphore(%run_scoped3A_348 : memref<!tpu.dma_semaphore, #tpu.memory_space<semaphore_mem>>) {add = true}
        %dma_wait3A_355 = arith.constant 0 : i32
        %dma_wait3A_356 = tpu.memref_slice %arg9[%run_scoped3A_316, %dma_wait3A_355] : memref<8x128xi32, #tpu.memory_space<vmem>> -> memref<1x128xi32, #tpu.memory_space<vmem>>
        %dma_wait3A_357 = tpu.memref_squeeze %dma_wait3A_356 : memref<1x128xi32, #tpu.memory_space<vmem>> -> memref<128xi32, #tpu.memory_space<vmem>>
        %dma_wait3A_358 = arith.constant 0 : i32
        %dma_wait3A_359 = arith.constant 0 : i32
        %dma_wait3A_360 = tpu.memref_slice %arg17[%dma_wait3A_358, %dma_wait3A_359] : memref<10240x128xf32, #tpu.memory_space<vmem_shared>> -> memref<10240x128xf32, #tpu.memory_space<vmem_shared>>
        tpu.wait_indirect_dma semaphore(%run_scoped3A_348 : memref<!tpu.dma_semaphore, #tpu.memory_space<semaphore_mem>>) src(%arg11 : memref<128x128xf32, #tpu.memory_space<vmem>>) dst(%dma_wait3A_360 : memref<10240x128xf32, #tpu.memory_space<vmem_shared>>)
        tpu.yield
      }) : () -> ()
      %dma_start3A_317 = arith.constant 7 : i32
      %dma_start3A_318 = arith.constant 0 : i32
      %dma_start3A_319 = tpu.memref_slice %arg7[%dma_start3A_317, %dma_start3A_318] : memref<8x128xi32, #tpu.memory_space<vmem>> -> memref<1x128xi32, #tpu.memory_space<vmem>>
      %dma_start3A_320 = tpu.memref_squeeze %dma_start3A_319 : memref<1x128xi32, #tpu.memory_space<vmem>> -> memref<128xi32, #tpu.memory_space<vmem>>
      %dma_start3A_321 = arith.constant 0 : i32
      %dma_start3A_322 = arith.constant 0 : i32
      %dma_start3A_323 = tpu.memref_slice %arg2[%dma_start3A_321, %dma_start3A_322] : memref<10000x128xf32, #tpu.memory_space<hbm>> -> memref<10000x128xf32, #tpu.memory_space<hbm>>
      tpu.enqueue_indirect_dma source(%dma_start3A_323 : memref<10000x128xf32, #tpu.memory_space<hbm>>) target(%arg11 : memref<128x128xf32, #tpu.memory_space<vmem>>) offsets(%dma_start3A_320 : memref<128xi32, #tpu.memory_space<vmem>>) semaphore(%arg16 : memref<!tpu.dma_semaphore, #tpu.memory_space<semaphore_mem>>)
      %dma_wait3A_324 = arith.constant 6 : i32
      %dma_wait3A_325 = arith.constant 0 : i32
      %dma_wait3A_326 = tpu.memref_slice %arg7[%dma_wait3A_324, %dma_wait3A_325] : memref<8x128xi32, #tpu.memory_space<vmem>> -> memref<1x128xi32, #tpu.memory_space<vmem>>
      %dma_wait3A_327 = tpu.memref_squeeze %dma_wait3A_326 : memref<1x128xi32, #tpu.memory_space<vmem>> -> memref<128xi32, #tpu.memory_space<vmem>>
      %dma_wait3A_328 = arith.constant 0 : i32
      %dma_wait3A_329 = arith.constant 0 : i32
      %dma_wait3A_330 = tpu.memref_slice %arg2[%dma_wait3A_328, %dma_wait3A_329] : memref<10000x128xf32, #tpu.memory_space<hbm>> -> memref<10000x128xf32, #tpu.memory_space<hbm>>
      tpu.wait_indirect_dma semaphore(%arg15 : memref<!tpu.dma_semaphore, #tpu.memory_space<semaphore_mem>>) src(%dma_wait3A_330 : memref<10000x128xf32, #tpu.memory_space<hbm>>) dst(%arg10 : memref<128x128xf32, #tpu.memory_space<vmem>>)
      %run_scoped3A_331 = arith.constant 6 : i32
      "tpu.region"() ({
        %run_scoped3A_348 = tpu.sem_alloc : memref<!tpu.dma_semaphore, #tpu.memory_space<semaphore_mem>>
        %dma_start3A_349 = arith.constant 0 : i32
        %dma_start3A_350 = tpu.memref_slice %arg9[%run_scoped3A_331, %dma_start3A_349] : memref<8x128xi32, #tpu.memory_space<vmem>> -> memref<1x128xi32, #tpu.memory_space<vmem>>
        %dma_start3A_351 = tpu.memref_squeeze %dma_start3A_350 : memref<1x128xi32, #tpu.memory_space<vmem>> -> memref<128xi32, #tpu.memory_space<vmem>>
        %dma_start3A_352 = arith.constant 0 : i32
        %dma_start3A_353 = arith.constant 0 : i32
        %dma_start3A_354 = tpu.memref_slice %arg17[%dma_start3A_352, %dma_start3A_353] : memref<10240x128xf32, #tpu.memory_space<vmem_shared>> -> memref<10240x128xf32, #tpu.memory_space<vmem_shared>>
        tpu.enqueue_indirect_dma source(%arg10 : memref<128x128xf32, #tpu.memory_space<vmem>>) target(%dma_start3A_354 : memref<10240x128xf32, #tpu.memory_space<vmem_shared>>) offsets(%dma_start3A_351 : memref<128xi32, #tpu.memory_space<vmem>>) semaphore(%run_scoped3A_348 : memref<!tpu.dma_semaphore, #tpu.memory_space<semaphore_mem>>) {add = true}
        %dma_wait3A_355 = arith.constant 0 : i32
        %dma_wait3A_356 = tpu.memref_slice %arg9[%run_scoped3A_331, %dma_wait3A_355] : memref<8x128xi32, #tpu.memory_space<vmem>> -> memref<1x128xi32, #tpu.memory_space<vmem>>
        %dma_wait3A_357 = tpu.memref_squeeze %dma_wait3A_356 : memref<1x128xi32, #tpu.memory_space<vmem>> -> memref<128xi32, #tpu.memory_space<vmem>>
        %dma_wait3A_358 = arith.constant 0 : i32
        %dma_wait3A_359 = arith.constant 0 : i32
        %dma_wait3A_360 = tpu.memref_slice %arg17[%dma_wait3A_358, %dma_wait3A_359] : memref<10240x128xf32, #tpu.memory_space<vmem_shared>> -> memref<10240x128xf32, #tpu.memory_space<vmem_shared>>
        tpu.wait_indirect_dma semaphore(%run_scoped3A_348 : memref<!tpu.dma_semaphore, #tpu.memory_space<semaphore_mem>>) src(%arg10 : memref<128x128xf32, #tpu.memory_space<vmem>>) dst(%dma_wait3A_360 : memref<10240x128xf32, #tpu.memory_space<vmem_shared>>)
        tpu.yield
      }) : () -> ()
      %dma_wait3A_332 = arith.constant 7 : i32
      %dma_wait3A_333 = arith.constant 0 : i32
      %dma_wait3A_334 = tpu.memref_slice %arg7[%dma_wait3A_332, %dma_wait3A_333] : memref<8x128xi32, #tpu.memory_space<vmem>> -> memref<1x128xi32, #tpu.memory_space<vmem>>
      %dma_wait3A_335 = tpu.memref_squeeze %dma_wait3A_334 : memref<1x128xi32, #tpu.memory_space<vmem>> -> memref<128xi32, #tpu.memory_space<vmem>>
      %dma_wait3A_336 = arith.constant 0 : i32
      %dma_wait3A_337 = arith.constant 0 : i32
      %dma_wait3A_338 = tpu.memref_slice %arg2[%dma_wait3A_336, %dma_wait3A_337] : memref<10000x128xf32, #tpu.memory_space<hbm>> -> memref<10000x128xf32, #tpu.memory_space<hbm>>
      tpu.wait_indirect_dma semaphore(%arg16 : memref<!tpu.dma_semaphore, #tpu.memory_space<semaphore_mem>>) src(%dma_wait3A_338 : memref<10000x128xf32, #tpu.memory_space<hbm>>) dst(%arg11 : memref<128x128xf32, #tpu.memory_space<vmem>>)
      %run_scoped3A_339 = arith.constant 7 : i32
      "tpu.region"() ({
        %run_scoped3A_348 = tpu.sem_alloc : memref<!tpu.dma_semaphore, #tpu.memory_space<semaphore_mem>>
        %dma_start3A_349 = arith.constant 0 : i32
        %dma_start3A_350 = tpu.memref_slice %arg9[%run_scoped3A_339, %dma_start3A_349] : memref<8x128xi32, #tpu.memory_space<vmem>> -> memref<1x128xi32, #tpu.memory_space<vmem>>
        %dma_start3A_351 = tpu.memref_squeeze %dma_start3A_350 : memref<1x128xi32, #tpu.memory_space<vmem>> -> memref<128xi32, #tpu.memory_space<vmem>>
        %dma_start3A_352 = arith.constant 0 : i32
        %dma_start3A_353 = arith.constant 0 : i32
        %dma_start3A_354 = tpu.memref_slice %arg17[%dma_start3A_352, %dma_start3A_353] : memref<10240x128xf32, #tpu.memory_space<vmem_shared>> -> memref<10240x128xf32, #tpu.memory_space<vmem_shared>>
        tpu.enqueue_indirect_dma source(%arg11 : memref<128x128xf32, #tpu.memory_space<vmem>>) target(%dma_start3A_354 : memref<10240x128xf32, #tpu.memory_space<vmem_shared>>) offsets(%dma_start3A_351 : memref<128xi32, #tpu.memory_space<vmem>>) semaphore(%run_scoped3A_348 : memref<!tpu.dma_semaphore, #tpu.memory_space<semaphore_mem>>) {add = true}
        %dma_wait3A_355 = arith.constant 0 : i32
        %dma_wait3A_356 = tpu.memref_slice %arg9[%run_scoped3A_339, %dma_wait3A_355] : memref<8x128xi32, #tpu.memory_space<vmem>> -> memref<1x128xi32, #tpu.memory_space<vmem>>
        %dma_wait3A_357 = tpu.memref_squeeze %dma_wait3A_356 : memref<1x128xi32, #tpu.memory_space<vmem>> -> memref<128xi32, #tpu.memory_space<vmem>>
        %dma_wait3A_358 = arith.constant 0 : i32
        %dma_wait3A_359 = arith.constant 0 : i32
        %dma_wait3A_360 = tpu.memref_slice %arg17[%dma_wait3A_358, %dma_wait3A_359] : memref<10240x128xf32, #tpu.memory_space<vmem_shared>> -> memref<10240x128xf32, #tpu.memory_space<vmem_shared>>
        tpu.wait_indirect_dma semaphore(%run_scoped3A_348 : memref<!tpu.dma_semaphore, #tpu.memory_space<semaphore_mem>>) src(%arg11 : memref<128x128xf32, #tpu.memory_space<vmem>>) dst(%dma_wait3A_360 : memref<10240x128xf32, #tpu.memory_space<vmem_shared>>)
        tpu.yield
      }) : () -> ()
      %add3A_340 = arith.constant 2 : i32
      %add3A_341 = arith.addi %add3A_203, %add3A_340 : i32
      %lt3A_342 = arith.constant 10 : i32
      %lt3A_343 = arith.cmpi slt, %add3A_341, %lt3A_342 : i32
      %convert_element_type3A_344 = arith.extui %lt3A_343 : i1 to i32
      %cond3A_345 = arith.constant 0 : i32
      %cond3A_346 = arith.cmpi ne, %convert_element_type3A_344, %cond3A_345 : i32
      scf.if %cond3A_346 {
        %add3A_348 = arith.constant 2 : i32
        %add3A_349 = arith.addi %add3A_203, %add3A_348 : i32
        %mul3A_350 = arith.constant 8 : i32
        %mul3A_351 = arith.muli %add3A_349, %mul3A_350 : i32
        %dma_start3A_352 = arith.constant 0 : i32
        %dma_start3A_353 = tpu.memref_slice %arg3[%add3A, %mul3A_351, %dma_start3A_352] : memref<32x80x128xi32, #tpu.memory_space<hbm>> -> memref<1x8x128xi32, #tpu.memory_space<hbm>>
        %dma_start3A_354 = tpu.memref_squeeze %dma_start3A_353 : memref<1x8x128xi32, #tpu.memory_space<hbm>> -> memref<8x128xi32, #tpu.memory_space<hbm>>
        %dma_start3A_355 = arith.constant 0 : i32
        %dma_start3A_356 = tpu.memref_slice %arg3[%add3A, %mul3A_351, %dma_start3A_355] : memref<32x80x128xi32, #tpu.memory_space<hbm>> -> memref<1x8x128xi32, #tpu.memory_space<hbm>>
        %dma_start3A_357 = tpu.memref_squeeze %dma_start3A_356 : memref<1x8x128xi32, #tpu.memory_space<hbm>> -> memref<8x128xi32, #tpu.memory_space<hbm>>
        tpu.enqueue_dma source(%dma_start3A_357 : memref<8x128xi32, #tpu.memory_space<hbm>>) target(%arg7 : memref<8x128xi32, #tpu.memory_space<vmem>>) target_semaphore(%arg14 : memref<!tpu.dma_semaphore, #tpu.memory_space<semaphore_mem>>)
        %mul3A_358 = arith.constant 8 : i32
        %mul3A_359 = arith.muli %add3A_349, %mul3A_358 : i32
        %dma_start3A_360 = arith.constant 0 : i32
        %dma_start3A_361 = tpu.memref_slice %arg4[%add3A, %mul3A_359, %dma_start3A_360] : memref<32x80x128xi32, #tpu.memory_space<hbm>> -> memref<1x8x128xi32, #tpu.memory_space<hbm>>
        %dma_start3A_362 = tpu.memref_squeeze %dma_start3A_361 : memref<1x8x128xi32, #tpu.memory_space<hbm>> -> memref<8x128xi32, #tpu.memory_space<hbm>>
        %dma_start3A_363 = arith.constant 0 : i32
        %dma_start3A_364 = tpu.memref_slice %arg4[%add3A, %mul3A_359, %dma_start3A_363] : memref<32x80x128xi32, #tpu.memory_space<hbm>> -> memref<1x8x128xi32, #tpu.memory_space<hbm>>
        %dma_start3A_365 = tpu.memref_squeeze %dma_start3A_364 : memref<1x8x128xi32, #tpu.memory_space<hbm>> -> memref<8x128xi32, #tpu.memory_space<hbm>>
        tpu.enqueue_dma source(%dma_start3A_365 : memref<8x128xi32, #tpu.memory_space<hbm>>) target(%arg9 : memref<8x128xi32, #tpu.memory_space<vmem>>) target_semaphore(%arg14 : memref<!tpu.dma_semaphore, #tpu.memory_space<semaphore_mem>>)
      } else {
      }
      %scan3A_347 = arith.constant 0 : i32
      scf.yield %scan3A_347 : i32
    }
    %scan3A_54 = arith.constant 5 : i32
    %barrier3A_55 = arith.constant 0 : index
    tpu.barrier barrier_id(%barrier3A_55)
    "tpu.region"() ({
      %run_scoped3A = tpu.sem_alloc : memref<!tpu.dma_semaphore, #tpu.memory_space<semaphore_mem>>
      %dma_start3A_56 = arith.constant 0 : i32
      %dma_start3A_57 = tpu.memref_slice %arg5[%arg0, %mul3A_7, %dma_start3A_56] : memref<2x10240x128xf32, #tpu.memory_space<hbm>> -> memref<1x640x128xf32, #tpu.memory_space<hbm>>
      %dma_start3A_58 = tpu.memref_squeeze %dma_start3A_57 : memref<1x640x128xf32, #tpu.memory_space<hbm>> -> memref<640x128xf32, #tpu.memory_space<hbm>>
      %dma_start3A_59 = arith.constant 0 : i32
      %dma_start3A_60 = tpu.memref_slice %arg17[%mul3A_7, %dma_start3A_59] : memref<10240x128xf32, #tpu.memory_space<vmem_shared>> -> memref<640x128xf32, #tpu.memory_space<vmem_shared>>
      tpu.enqueue_dma source(%dma_start3A_60 : memref<640x128xf32, #tpu.memory_space<vmem_shared>>) target(%dma_start3A_58 : memref<640x128xf32, #tpu.memory_space<hbm>>) target_semaphore(%run_scoped3A : memref<!tpu.dma_semaphore, #tpu.memory_space<semaphore_mem>>)
      %dma_wait3A = arith.constant 0 : i32
      %dma_wait3A_61 = tpu.memref_slice %arg5[%arg0, %mul3A_7, %dma_wait3A] : memref<2x10240x128xf32, #tpu.memory_space<hbm>> -> memref<1x640x128xf32, #tpu.memory_space<hbm>>
      %dma_wait3A_62 = tpu.memref_squeeze %dma_wait3A_61 : memref<1x640x128xf32, #tpu.memory_space<hbm>> -> memref<640x128xf32, #tpu.memory_space<hbm>>
      %dma_wait3A_63 = arith.constant 0 : i32
      %dma_wait3A_64 = tpu.memref_slice %arg17[%mul3A_7, %dma_wait3A_63] : memref<10240x128xf32, #tpu.memory_space<vmem_shared>> -> memref<640x128xf32, #tpu.memory_space<vmem_shared>>
      tpu.wait_dma2 semaphore(%run_scoped3A : memref<!tpu.dma_semaphore, #tpu.memory_space<semaphore_mem>>) src(%dma_wait3A_64 : memref<640x128xf32, #tpu.memory_space<vmem_shared>>) dst(%dma_wait3A_62 : memref<640x128xf32, #tpu.memory_space<hbm>>)
      tpu.yield
    }) : () -> ()
    return
  }
}

#map = affine_map<(d0, d1) -> (0, 0)>
#map1 = affine_map<(d0, d1) -> (0, 0, 0)>
module attributes {stable_mosaic.version = 14 : i64} {
  func.func @_agg_kernel(%arg0: i32, %arg1: i32, %arg2: memref<10000x128xf32, #tpu.memory_space<hbm>>, %arg3: memref<32x80x128xi32, #tpu.memory_space<hbm>>, %arg4: memref<32x80x128xi32, #tpu.memory_space<hbm>>, %arg5: memref<2x10240x128xf32, #tpu.memory_space<hbm>>, %arg6: memref<8x128xi32, #tpu.memory_space<vmem>>, %arg7: memref<8x128xi32, #tpu.memory_space<vmem>>, %arg8: memref<8x128xi32, #tpu.memory_space<vmem>>, %arg9: memref<8x128xi32, #tpu.memory_space<vmem>>, %arg10: memref<128x128xf32, #tpu.memory_space<vmem>>, %arg11: memref<128x128xf32, #tpu.memory_space<vmem>>, %arg12: memref<16x128xf32, #tpu.memory_space<vmem>>, %arg13: memref<!tpu.dma_semaphore, #tpu.memory_space<semaphore_mem>>, %arg14: memref<!tpu.dma_semaphore, #tpu.memory_space<semaphore_mem>>, %arg15: memref<!tpu.dma_semaphore, #tpu.memory_space<semaphore_mem>>, %arg16: memref<!tpu.dma_semaphore, #tpu.memory_space<semaphore_mem>>, %arg17: memref<10240x128xf32, #tpu.memory_space<vmem_shared>>) attributes {dimension_semantics = [#tpu.dimension_semantics<core_parallel>, #tpu.dimension_semantics<subcore_parallel>], iteration_bounds = array<i64: 2, 16>, scalar_prefetch = 0 : i64, scratch_operands = 12 : i64, tpu.core_type = #tpu.core_type<sc_vector_subcore>, window_params = [{transform_indices = #map}, {transform_indices = #map1}, {transform_indices = #map1}, {transform_indices = #map1}]} {
    %broadcast_in_dim3A = arith.constant 0.000000e+00 : f32
    %broadcast_in_dim3A_0 = vector.broadcast %broadcast_in_dim3A : f32 to vector<16xf32>
    %scan3A = arith.constant 0 : i32
    %scan3A_1 = arith.constant 0 : i32
    %scan3A_2 = arith.constant 16 : i32
    %scan3A_3 = arith.addi %scan3A_1, %scan3A_2 : i32
    %scan3A_4 = arith.constant 1 : i32
    %scan3A_5 = scf.for %scan3A_56 = %scan3A_1 to %scan3A_3 step %scan3A_4 iter_args(%scan3A_57 = %scan3A) -> (i32)  : i32 {
      %swap3A = arith.index_cast %scan3A_56 : i32 to index
      %swap3A_58 = arith.constant 0 : index
      %swap3A_59 = tpu.vector_load %arg12[%swap3A, %swap3A_58] {strides = array<i32>} : memref<16x128xf32, #tpu.memory_space<vmem>>, vector<1x16xf32>,
      %swap3A_60 = vector.shape_cast %swap3A_59 : vector<1x16xf32> to vector<16xf32>
      %swap3A_61 = vector.shape_cast %broadcast_in_dim3A_0 : vector<16xf32> to vector<1x16xf32>
      tpu.vector_store %arg12[%swap3A, %swap3A_58], %swap3A_61 {strides = array<i32>} : memref<16x128xf32, #tpu.memory_space<vmem>>, vector<1x16xf32>,
      %swap3A_62 = arith.index_cast %scan3A_56 : i32 to index
      %swap3A_63 = arith.constant 16 : index
      %swap3A_64 = tpu.vector_load %arg12[%swap3A_62, %swap3A_63] {strides = array<i32>} : memref<16x128xf32, #tpu.memory_space<vmem>>, vector<1x16xf32>,
      %swap3A_65 = vector.shape_cast %swap3A_64 : vector<1x16xf32> to vector<16xf32>
      %swap3A_66 = vector.shape_cast %broadcast_in_dim3A_0 : vector<16xf32> to vector<1x16xf32>
      tpu.vector_store %arg12[%swap3A_62, %swap3A_63], %swap3A_66 {strides = array<i32>} : memref<16x128xf32, #tpu.memory_space<vmem>>, vector<1x16xf32>,
      %swap3A_67 = arith.index_cast %scan3A_56 : i32 to index
      %swap3A_68 = arith.constant 32 : index
      %swap3A_69 = tpu.vector_load %arg12[%swap3A_67, %swap3A_68] {strides = array<i32>} : memref<16x128xf32, #tpu.memory_space<vmem>>, vector<1x16xf32>,
      %swap3A_70 = vector.shape_cast %swap3A_69 : vector<1x16xf32> to vector<16xf32>
      %swap3A_71 = vector.shape_cast %broadcast_in_dim3A_0 : vector<16xf32> to vector<1x16xf32>
      tpu.vector_store %arg12[%swap3A_67, %swap3A_68], %swap3A_71 {strides = array<i32>} : memref<16x128xf32, #tpu.memory_space<vmem>>, vector<1x16xf32>,
      %swap3A_72 = arith.index_cast %scan3A_56 : i32 to index
      %swap3A_73 = arith.constant 48 : index
      %swap3A_74 = tpu.vector_load %arg12[%swap3A_72, %swap3A_73] {strides = array<i32>} : memref<16x128xf32, #tpu.memory_space<vmem>>, vector<1x16xf32>,
      %swap3A_75 = vector.shape_cast %swap3A_74 : vector<1x16xf32> to vector<16xf32>
      %swap3A_76 = vector.shape_cast %broadcast_in_dim3A_0 : vector<16xf32> to vector<1x16xf32>
      tpu.vector_store %arg12[%swap3A_72, %swap3A_73], %swap3A_76 {strides = array<i32>} : memref<16x128xf32, #tpu.memory_space<vmem>>, vector<1x16xf32>,
      %swap3A_77 = arith.index_cast %scan3A_56 : i32 to index
      %swap3A_78 = arith.constant 64 : index
      %swap3A_79 = tpu.vector_load %arg12[%swap3A_77, %swap3A_78] {strides = array<i32>} : memref<16x128xf32, #tpu.memory_space<vmem>>, vector<1x16xf32>,
      %swap3A_80 = vector.shape_cast %swap3A_79 : vector<1x16xf32> to vector<16xf32>
      %swap3A_81 = vector.shape_cast %broadcast_in_dim3A_0 : vector<16xf32> to vector<1x16xf32>
      tpu.vector_store %arg12[%swap3A_77, %swap3A_78], %swap3A_81 {strides = array<i32>} : memref<16x128xf32, #tpu.memory_space<vmem>>, vector<1x16xf32>,
      %swap3A_82 = arith.index_cast %scan3A_56 : i32 to index
      %swap3A_83 = arith.constant 80 : index
      %swap3A_84 = tpu.vector_load %arg12[%swap3A_82, %swap3A_83] {strides = array<i32>} : memref<16x128xf32, #tpu.memory_space<vmem>>, vector<1x16xf32>,
      %swap3A_85 = vector.shape_cast %swap3A_84 : vector<1x16xf32> to vector<16xf32>
      %swap3A_86 = vector.shape_cast %broadcast_in_dim3A_0 : vector<16xf32> to vector<1x16xf32>
      tpu.vector_store %arg12[%swap3A_82, %swap3A_83], %swap3A_86 {strides = array<i32>} : memref<16x128xf32, #tpu.memory_space<vmem>>, vector<1x16xf32>,
      %swap3A_87 = arith.index_cast %scan3A_56 : i32 to index
      %swap3A_88 = arith.constant 96 : index
      %swap3A_89 = tpu.vector_load %arg12[%swap3A_87, %swap3A_88] {strides = array<i32>} : memref<16x128xf32, #tpu.memory_space<vmem>>, vector<1x16xf32>,
      %swap3A_90 = vector.shape_cast %swap3A_89 : vector<1x16xf32> to vector<16xf32>
      %swap3A_91 = vector.shape_cast %broadcast_in_dim3A_0 : vector<16xf32> to vector<1x16xf32>
      tpu.vector_store %arg12[%swap3A_87, %swap3A_88], %swap3A_91 {strides = array<i32>} : memref<16x128xf32, #tpu.memory_space<vmem>>, vector<1x16xf32>,
      %swap3A_92 = arith.index_cast %scan3A_56 : i32 to index
      %swap3A_93 = arith.constant 112 : index
      %swap3A_94 = tpu.vector_load %arg12[%swap3A_92, %swap3A_93] {strides = array<i32>} : memref<16x128xf32, #tpu.memory_space<vmem>>, vector<1x16xf32>,
      %swap3A_95 = vector.shape_cast %swap3A_94 : vector<1x16xf32> to vector<16xf32>
      %swap3A_96 = vector.shape_cast %broadcast_in_dim3A_0 : vector<16xf32> to vector<1x16xf32>
      tpu.vector_store %arg12[%swap3A_92, %swap3A_93], %swap3A_96 {strides = array<i32>} : memref<16x128xf32, #tpu.memory_space<vmem>>, vector<1x16xf32>,
      %scan3A_97 = arith.constant 0 : i32
      scf.yield %scan3A_97 : i32
    }
    %scan3A_6 = arith.constant 16 : i32
    %mul3A = arith.constant 640 : i32
    %mul3A_7 = arith.muli %arg1, %mul3A : i32
    %scan3A_8 = arith.constant 0 : i32
    %scan3A_9 = arith.constant 0 : i32
    %scan3A_10 = arith.constant 40 : i32
    %scan3A_11 = arith.addi %scan3A_9, %scan3A_10 : i32
    %scan3A_12 = arith.constant 1 : i32
    %scan3A_13 = scf.for %scan3A_56 = %scan3A_9 to %scan3A_11 step %scan3A_12 iter_args(%scan3A_57 = %scan3A_8) -> (i32)  : i32 {
      %mul3A_58 = arith.constant 16 : i32
      %mul3A_59 = arith.muli %scan3A_56, %mul3A_58 : i32
      %add3A_60 = arith.addi %mul3A_7, %mul3A_59 : i32
      "tpu.region"() ({
        %run_scoped3A = tpu.sem_alloc : memref<!tpu.dma_semaphore, #tpu.memory_space<semaphore_mem>>
        %dma_start3A_62 = arith.constant 0 : i32
        %dma_start3A_63 = tpu.memref_slice %arg17[%add3A_60, %dma_start3A_62] : memref<10240x128xf32, #tpu.memory_space<vmem_shared>> -> memref<16x128xf32, #tpu.memory_space<vmem_shared>>
        %dma_start3A_64 = arith.constant 0 : i32
        %dma_start3A_65 = tpu.memref_slice %arg17[%add3A_60, %dma_start3A_64] : memref<10240x128xf32, #tpu.memory_space<vmem_shared>> -> memref<16x128xf32, #tpu.memory_space<vmem_shared>>
        tpu.enqueue_dma source(%arg12 : memref<16x128xf32, #tpu.memory_space<vmem>>) target(%dma_start3A_65 : memref<16x128xf32, #tpu.memory_space<vmem_shared>>) target_semaphore(%run_scoped3A : memref<!tpu.dma_semaphore, #tpu.memory_space<semaphore_mem>>)
        %dma_wait3A = arith.constant 0 : i32
        %dma_wait3A_66 = tpu.memref_slice %arg17[%add3A_60, %dma_wait3A] : memref<10240x128xf32, #tpu.memory_space<vmem_shared>> -> memref<16x128xf32, #tpu.memory_space<vmem_shared>>
        %dma_wait3A_67 = arith.constant 0 : i32
        %dma_wait3A_68 = tpu.memref_slice %arg17[%add3A_60, %dma_wait3A_67] : memref<10240x128xf32, #tpu.memory_space<vmem_shared>> -> memref<16x128xf32, #tpu.memory_space<vmem_shared>>
        tpu.wait_dma2 semaphore(%run_scoped3A : memref<!tpu.dma_semaphore, #tpu.memory_space<semaphore_mem>>) src(%arg12 : memref<16x128xf32, #tpu.memory_space<vmem>>) dst(%dma_wait3A_68 : memref<16x128xf32, #tpu.memory_space<vmem_shared>>)
        tpu.yield
      }) : () -> ()
      %scan3A_61 = arith.constant 0 : i32
      scf.yield %scan3A_61 : i32
    }
    %scan3A_14 = arith.constant 40 : i32
    %barrier3A = arith.constant 0 : index
    tpu.barrier barrier_id(%barrier3A)
    %mul3A_15 = arith.constant 16 : i32
    %mul3A_16 = arith.muli %arg0, %mul3A_15 : i32
    %add3A = arith.addi %mul3A_16, %arg1 : i32
    %dma_start3A = arith.constant 0 : i32
    %dma_start3A_17 = arith.constant 0 : i32
    %dma_start3A_18 = tpu.memref_slice %arg3[%add3A, %dma_start3A, %dma_start3A_17] : memref<32x80x128xi32, #tpu.memory_space<hbm>> -> memref<1x8x128xi32, #tpu.memory_space<hbm>>
    %dma_start3A_19 = tpu.memref_squeeze %dma_start3A_18 : memref<1x8x128xi32, #tpu.memory_space<hbm>> -> memref<8x128xi32, #tpu.memory_space<hbm>>
    %dma_start3A_20 = arith.constant 0 : i32
    %dma_start3A_21 = arith.constant 0 : i32
    %dma_start3A_22 = tpu.memref_slice %arg3[%add3A, %dma_start3A_20, %dma_start3A_21] : memref<32x80x128xi32, #tpu.memory_space<hbm>> -> memref<1x8x128xi32, #tpu.memory_space<hbm>>
    %dma_start3A_23 = tpu.memref_squeeze %dma_start3A_22 : memref<1x8x128xi32, #tpu.memory_space<hbm>> -> memref<8x128xi32, #tpu.memory_space<hbm>>
    tpu.enqueue_dma source(%dma_start3A_23 : memref<8x128xi32, #tpu.memory_space<hbm>>) target(%arg6 : memref<8x128xi32, #tpu.memory_space<vmem>>) target_semaphore(%arg13 : memref<!tpu.dma_semaphore, #tpu.memory_space<semaphore_mem>>)
    %dma_start3A_24 = arith.constant 0 : i32
    %dma_start3A_25 = arith.constant 0 : i32
    %dma_start3A_26 = tpu.memref_slice %arg4[%add3A, %dma_start3A_24, %dma_start3A_25] : memref<32x80x128xi32, #tpu.memory_space<hbm>> -> memref<1x8x128xi32, #tpu.memory_space<hbm>>
    %dma_start3A_27 = tpu.memref_squeeze %dma_start3A_26 : memref<1x8x128xi32, #tpu.memory_space<hbm>> -> memref<8x128xi32, #tpu.memory_space<hbm>>
    %dma_start3A_28 = arith.constant 0 : i32
    %dma_start3A_29 = arith.constant 0 : i32
    %dma_start3A_30 = tpu.memref_slice %arg4[%add3A, %dma_start3A_28, %dma_start3A_29] : memref<32x80x128xi32, #tpu.memory_space<hbm>> -> memref<1x8x128xi32, #tpu.memory_space<hbm>>
    %dma_start3A_31 = tpu.memref_squeeze %dma_start3A_30 : memref<1x8x128xi32, #tpu.memory_space<hbm>> -> memref<8x128xi32, #tpu.memory_space<hbm>>
    tpu.enqueue_dma source(%dma_start3A_31 : memref<8x128xi32, #tpu.memory_space<hbm>>) target(%arg8 : memref<8x128xi32, #tpu.memory_space<vmem>>) target_semaphore(%arg13 : memref<!tpu.dma_semaphore, #tpu.memory_space<semaphore_mem>>)
    %dma_start3A_32 = arith.constant 8 : i32
    %dma_start3A_33 = arith.constant 0 : i32
    %dma_start3A_34 = tpu.memref_slice %arg3[%add3A, %dma_start3A_32, %dma_start3A_33] : memref<32x80x128xi32, #tpu.memory_space<hbm>> -> memref<1x8x128xi32, #tpu.memory_space<hbm>>
    %dma_start3A_35 = tpu.memref_squeeze %dma_start3A_34 : memref<1x8x128xi32, #tpu.memory_space<hbm>> -> memref<8x128xi32, #tpu.memory_space<hbm>>
    %dma_start3A_36 = arith.constant 8 : i32
    %dma_start3A_37 = arith.constant 0 : i32
    %dma_start3A_38 = tpu.memref_slice %arg3[%add3A, %dma_start3A_36, %dma_start3A_37] : memref<32x80x128xi32, #tpu.memory_space<hbm>> -> memref<1x8x128xi32, #tpu.memory_space<hbm>>
    %dma_start3A_39 = tpu.memref_squeeze %dma_start3A_38 : memref<1x8x128xi32, #tpu.memory_space<hbm>> -> memref<8x128xi32, #tpu.memory_space<hbm>>
    tpu.enqueue_dma source(%dma_start3A_39 : memref<8x128xi32, #tpu.memory_space<hbm>>) target(%arg7 : memref<8x128xi32, #tpu.memory_space<vmem>>) target_semaphore(%arg14 : memref<!tpu.dma_semaphore, #tpu.memory_space<semaphore_mem>>)
    %dma_start3A_40 = arith.constant 8 : i32
    %dma_start3A_41 = arith.constant 0 : i32
    %dma_start3A_42 = tpu.memref_slice %arg4[%add3A, %dma_start3A_40, %dma_start3A_41] : memref<32x80x128xi32, #tpu.memory_space<hbm>> -> memref<1x8x128xi32, #tpu.memory_space<hbm>>
    %dma_start3A_43 = tpu.memref_squeeze %dma_start3A_42 : memref<1x8x128xi32, #tpu.memory_space<hbm>> -> memref<8x128xi32, #tpu.memory_space<hbm>>
    %dma_start3A_44 = arith.constant 8 : i32
    %dma_start3A_45 = arith.constant 0 : i32
    %dma_start3A_46 = tpu.memref_slice %arg4[%add3A, %dma_start3A_44, %dma_start3A_45] : memref<32x80x128xi32, #tpu.memory_space<hbm>> -> memref<1x8x128xi32, #tpu.memory_space<hbm>>
    %dma_start3A_47 = tpu.memref_squeeze %dma_start3A_46 : memref<1x8x128xi32, #tpu.memory_space<hbm>> -> memref<8x128xi32, #tpu.memory_space<hbm>>
    tpu.enqueue_dma source(%dma_start3A_47 : memref<8x128xi32, #tpu.memory_space<hbm>>) target(%arg9 : memref<8x128xi32, #tpu.memory_space<vmem>>) target_semaphore(%arg14 : memref<!tpu.dma_semaphore, #tpu.memory_space<semaphore_mem>>)
    %scan3A_48 = arith.constant 0 : i32
    %scan3A_49 = arith.constant 0 : i32
    %scan3A_50 = arith.constant 5 : i32
    %scan3A_51 = arith.addi %scan3A_49, %scan3A_50 : i32
    %scan3A_52 = arith.constant 1 : i32
    %scan3A_53 = scf.for %scan3A_56 = %scan3A_49 to %scan3A_51 step %scan3A_52 iter_args(%scan3A_57 = %scan3A_48) -> (i32)  : i32 {
      %mul3A_58 = arith.constant 2 : i32
      %mul3A_59 = arith.muli %mul3A_58, %scan3A_56 : i32
      %add3A_60 = arith.constant 0 : i32
      %add3A_61 = arith.addi %mul3A_59, %add3A_60 : i32
      %mul3A_62 = arith.constant 8 : i32
      %mul3A_63 = arith.muli %add3A_61, %mul3A_62 : i32
      %dma_wait3A = arith.constant 0 : i32
      %dma_wait3A_64 = tpu.memref_slice %arg3[%add3A, %mul3A_63, %dma_wait3A] : memref<32x80x128xi32, #tpu.memory_space<hbm>> -> memref<1x8x128xi32, #tpu.memory_space<hbm>>
      %dma_wait3A_65 = tpu.memref_squeeze %dma_wait3A_64 : memref<1x8x128xi32, #tpu.memory_space<hbm>> -> memref<8x128xi32, #tpu.memory_space<hbm>>
      %dma_wait3A_66 = arith.constant 0 : i32
      %dma_wait3A_67 = tpu.memref_slice %arg3[%add3A, %mul3A_63, %dma_wait3A_66] : memref<32x80x128xi32, #tpu.memory_space<hbm>> -> memref<1x8x128xi32, #tpu.memory_space<hbm>>
      %dma_wait3A_68 = tpu.memref_squeeze %dma_wait3A_67 : memref<1x8x128xi32, #tpu.memory_space<hbm>> -> memref<8x128xi32, #tpu.memory_space<hbm>>
      tpu.wait_dma2 semaphore(%arg13 : memref<!tpu.dma_semaphore, #tpu.memory_space<semaphore_mem>>) src(%dma_wait3A_68 : memref<8x128xi32, #tpu.memory_space<hbm>>) dst(%arg6 : memref<8x128xi32, #tpu.memory_space<vmem>>)
      %mul3A_69 = arith.constant 8 : i32
      %mul3A_70 = arith.muli %add3A_61, %mul3A_69 : i32
      %dma_wait3A_71 = arith.constant 0 : i32
      %dma_wait3A_72 = tpu.memref_slice %arg4[%add3A, %mul3A_70, %dma_wait3A_71] : memref<32x80x128xi32, #tpu.memory_space<hbm>> -> memref<1x8x128xi32, #tpu.memory_space<hbm>>
      %dma_wait3A_73 = tpu.memref_squeeze %dma_wait3A_72 : memref<1x8x128xi32, #tpu.memory_space<hbm>> -> memref<8x128xi32, #tpu.memory_space<hbm>>
      %dma_wait3A_74 = arith.constant 0 : i32
      %dma_wait3A_75 = tpu.memref_slice %arg4[%add3A, %mul3A_70, %dma_wait3A_74] : memref<32x80x128xi32, #tpu.memory_space<hbm>> -> memref<1x8x128xi32, #tpu.memory_space<hbm>>
      %dma_wait3A_76 = tpu.memref_squeeze %dma_wait3A_75 : memref<1x8x128xi32, #tpu.memory_space<hbm>> -> memref<8x128xi32, #tpu.memory_space<hbm>>
      tpu.wait_dma2 semaphore(%arg13 : memref<!tpu.dma_semaphore, #tpu.memory_space<semaphore_mem>>) src(%dma_wait3A_76 : memref<8x128xi32, #tpu.memory_space<hbm>>) dst(%arg8 : memref<8x128xi32, #tpu.memory_space<vmem>>)
      %dma_start3A_77 = arith.constant 0 : i32
      %dma_start3A_78 = arith.constant 0 : i32
      %dma_start3A_79 = tpu.memref_slice %arg6[%dma_start3A_77, %dma_start3A_78] : memref<8x128xi32, #tpu.memory_space<vmem>> -> memref<1x128xi32, #tpu.memory_space<vmem>>
      %dma_start3A_80 = tpu.memref_squeeze %dma_start3A_79 : memref<1x128xi32, #tpu.memory_space<vmem>> -> memref<128xi32, #tpu.memory_space<vmem>>
      %dma_start3A_81 = arith.constant 0 : i32
      %dma_start3A_82 = arith.constant 0 : i32
      %dma_start3A_83 = tpu.memref_slice %arg2[%dma_start3A_81, %dma_start3A_82] : memref<10000x128xf32, #tpu.memory_space<hbm>> -> memref<10000x128xf32, #tpu.memory_space<hbm>>
      tpu.enqueue_indirect_dma source(%dma_start3A_83 : memref<10000x128xf32, #tpu.memory_space<hbm>>) target(%arg10 : memref<128x128xf32, #tpu.memory_space<vmem>>) offsets(%dma_start3A_80 : memref<128xi32, #tpu.memory_space<vmem>>) semaphore(%arg15 : memref<!tpu.dma_semaphore, #tpu.memory_space<semaphore_mem>>)
      %dma_start3A_84 = arith.constant 1 : i32
      %dma_start3A_85 = arith.constant 0 : i32
      %dma_start3A_86 = tpu.memref_slice %arg6[%dma_start3A_84, %dma_start3A_85] : memref<8x128xi32, #tpu.memory_space<vmem>> -> memref<1x128xi32, #tpu.memory_space<vmem>>
      %dma_start3A_87 = tpu.memref_squeeze %dma_start3A_86 : memref<1x128xi32, #tpu.memory_space<vmem>> -> memref<128xi32, #tpu.memory_space<vmem>>
      %dma_start3A_88 = arith.constant 0 : i32
      %dma_start3A_89 = arith.constant 0 : i32
      %dma_start3A_90 = tpu.memref_slice %arg2[%dma_start3A_88, %dma_start3A_89] : memref<10000x128xf32, #tpu.memory_space<hbm>> -> memref<10000x128xf32, #tpu.memory_space<hbm>>
      tpu.enqueue_indirect_dma source(%dma_start3A_90 : memref<10000x128xf32, #tpu.memory_space<hbm>>) target(%arg11 : memref<128x128xf32, #tpu.memory_space<vmem>>) offsets(%dma_start3A_87 : memref<128xi32, #tpu.memory_space<vmem>>) semaphore(%arg16 : memref<!tpu.dma_semaphore, #tpu.memory_space<semaphore_mem>>)
      %dma_wait3A_91 = arith.constant 0 : i32
      %dma_wait3A_92 = arith.constant 0 : i32
      %dma_wait3A_93 = tpu.memref_slice %arg6[%dma_wait3A_91, %dma_wait3A_92] : memref<8x128xi32, #tpu.memory_space<vmem>> -> memref<1x128xi32, #tpu.memory_space<vmem>>
      %dma_wait3A_94 = tpu.memref_squeeze %dma_wait3A_93 : memref<1x128xi32, #tpu.memory_space<vmem>> -> memref<128xi32, #tpu.memory_space<vmem>>
      %dma_wait3A_95 = arith.constant 0 : i32
      %dma_wait3A_96 = arith.constant 0 : i32
      %dma_wait3A_97 = tpu.memref_slice %arg2[%dma_wait3A_95, %dma_wait3A_96] : memref<10000x128xf32, #tpu.memory_space<hbm>> -> memref<10000x128xf32, #tpu.memory_space<hbm>>
      tpu.wait_indirect_dma semaphore(%arg15 : memref<!tpu.dma_semaphore, #tpu.memory_space<semaphore_mem>>) src(%dma_wait3A_97 : memref<10000x128xf32, #tpu.memory_space<hbm>>) dst(%arg10 : memref<128x128xf32, #tpu.memory_space<vmem>>)
      %run_scoped3A = arith.constant 0 : i32
      "tpu.region"() ({
        %run_scoped3A_348 = tpu.sem_alloc : memref<!tpu.dma_semaphore, #tpu.memory_space<semaphore_mem>>
        %dma_start3A_349 = arith.constant 0 : i32
        %dma_start3A_350 = tpu.memref_slice %arg8[%run_scoped3A, %dma_start3A_349] : memref<8x128xi32, #tpu.memory_space<vmem>> -> memref<1x128xi32, #tpu.memory_space<vmem>>
        %dma_start3A_351 = tpu.memref_squeeze %dma_start3A_350 : memref<1x128xi32, #tpu.memory_space<vmem>> -> memref<128xi32, #tpu.memory_space<vmem>>
        %dma_start3A_352 = arith.constant 0 : i32
        %dma_start3A_353 = arith.constant 0 : i32
        %dma_start3A_354 = tpu.memref_slice %arg17[%dma_start3A_352, %dma_start3A_353] : memref<10240x128xf32, #tpu.memory_space<vmem_shared>> -> memref<10240x128xf32, #tpu.memory_space<vmem_shared>>
        tpu.enqueue_indirect_dma source(%arg10 : memref<128x128xf32, #tpu.memory_space<vmem>>) target(%dma_start3A_354 : memref<10240x128xf32, #tpu.memory_space<vmem_shared>>) offsets(%dma_start3A_351 : memref<128xi32, #tpu.memory_space<vmem>>) semaphore(%run_scoped3A_348 : memref<!tpu.dma_semaphore, #tpu.memory_space<semaphore_mem>>) {add = true}
        %dma_wait3A_355 = arith.constant 0 : i32
        %dma_wait3A_356 = tpu.memref_slice %arg8[%run_scoped3A, %dma_wait3A_355] : memref<8x128xi32, #tpu.memory_space<vmem>> -> memref<1x128xi32, #tpu.memory_space<vmem>>
        %dma_wait3A_357 = tpu.memref_squeeze %dma_wait3A_356 : memref<1x128xi32, #tpu.memory_space<vmem>> -> memref<128xi32, #tpu.memory_space<vmem>>
        %dma_wait3A_358 = arith.constant 0 : i32
        %dma_wait3A_359 = arith.constant 0 : i32
        %dma_wait3A_360 = tpu.memref_slice %arg17[%dma_wait3A_358, %dma_wait3A_359] : memref<10240x128xf32, #tpu.memory_space<vmem_shared>> -> memref<10240x128xf32, #tpu.memory_space<vmem_shared>>
        tpu.wait_indirect_dma semaphore(%run_scoped3A_348 : memref<!tpu.dma_semaphore, #tpu.memory_space<semaphore_mem>>) src(%arg10 : memref<128x128xf32, #tpu.memory_space<vmem>>) dst(%dma_wait3A_360 : memref<10240x128xf32, #tpu.memory_space<vmem_shared>>)
        tpu.yield
      }) : () -> ()
      %dma_start3A_98 = arith.constant 2 : i32
      %dma_start3A_99 = arith.constant 0 : i32
      %dma_start3A_100 = tpu.memref_slice %arg6[%dma_start3A_98, %dma_start3A_99] : memref<8x128xi32, #tpu.memory_space<vmem>> -> memref<1x128xi32, #tpu.memory_space<vmem>>
      %dma_start3A_101 = tpu.memref_squeeze %dma_start3A_100 : memref<1x128xi32, #tpu.memory_space<vmem>> -> memref<128xi32, #tpu.memory_space<vmem>>
      %dma_start3A_102 = arith.constant 0 : i32
      %dma_start3A_103 = arith.constant 0 : i32
      %dma_start3A_104 = tpu.memref_slice %arg2[%dma_start3A_102, %dma_start3A_103] : memref<10000x128xf32, #tpu.memory_space<hbm>> -> memref<10000x128xf32, #tpu.memory_space<hbm>>
      tpu.enqueue_indirect_dma source(%dma_start3A_104 : memref<10000x128xf32, #tpu.memory_space<hbm>>) target(%arg10 : memref<128x128xf32, #tpu.memory_space<vmem>>) offsets(%dma_start3A_101 : memref<128xi32, #tpu.memory_space<vmem>>) semaphore(%arg15 : memref<!tpu.dma_semaphore, #tpu.memory_space<semaphore_mem>>)
      %dma_wait3A_105 = arith.constant 1 : i32
      %dma_wait3A_106 = arith.constant 0 : i32
      %dma_wait3A_107 = tpu.memref_slice %arg6[%dma_wait3A_105, %dma_wait3A_106] : memref<8x128xi32, #tpu.memory_space<vmem>> -> memref<1x128xi32, #tpu.memory_space<vmem>>
      %dma_wait3A_108 = tpu.memref_squeeze %dma_wait3A_107 : memref<1x128xi32, #tpu.memory_space<vmem>> -> memref<128xi32, #tpu.memory_space<vmem>>
      %dma_wait3A_109 = arith.constant 0 : i32
      %dma_wait3A_110 = arith.constant 0 : i32
      %dma_wait3A_111 = tpu.memref_slice %arg2[%dma_wait3A_109, %dma_wait3A_110] : memref<10000x128xf32, #tpu.memory_space<hbm>> -> memref<10000x128xf32, #tpu.memory_space<hbm>>
      tpu.wait_indirect_dma semaphore(%arg16 : memref<!tpu.dma_semaphore, #tpu.memory_space<semaphore_mem>>) src(%dma_wait3A_111 : memref<10000x128xf32, #tpu.memory_space<hbm>>) dst(%arg11 : memref<128x128xf32, #tpu.memory_space<vmem>>)
      %run_scoped3A_112 = arith.constant 1 : i32
      "tpu.region"() ({
        %run_scoped3A_348 = tpu.sem_alloc : memref<!tpu.dma_semaphore, #tpu.memory_space<semaphore_mem>>
        %dma_start3A_349 = arith.constant 0 : i32
        %dma_start3A_350 = tpu.memref_slice %arg8[%run_scoped3A_112, %dma_start3A_349] : memref<8x128xi32, #tpu.memory_space<vmem>> -> memref<1x128xi32, #tpu.memory_space<vmem>>
        %dma_start3A_351 = tpu.memref_squeeze %dma_start3A_350 : memref<1x128xi32, #tpu.memory_space<vmem>> -> memref<128xi32, #tpu.memory_space<vmem>>
        %dma_start3A_352 = arith.constant 0 : i32
        %dma_start3A_353 = arith.constant 0 : i32
        %dma_start3A_354 = tpu.memref_slice %arg17[%dma_start3A_352, %dma_start3A_353] : memref<10240x128xf32, #tpu.memory_space<vmem_shared>> -> memref<10240x128xf32, #tpu.memory_space<vmem_shared>>
        tpu.enqueue_indirect_dma source(%arg11 : memref<128x128xf32, #tpu.memory_space<vmem>>) target(%dma_start3A_354 : memref<10240x128xf32, #tpu.memory_space<vmem_shared>>) offsets(%dma_start3A_351 : memref<128xi32, #tpu.memory_space<vmem>>) semaphore(%run_scoped3A_348 : memref<!tpu.dma_semaphore, #tpu.memory_space<semaphore_mem>>) {add = true}
        %dma_wait3A_355 = arith.constant 0 : i32
        %dma_wait3A_356 = tpu.memref_slice %arg8[%run_scoped3A_112, %dma_wait3A_355] : memref<8x128xi32, #tpu.memory_space<vmem>> -> memref<1x128xi32, #tpu.memory_space<vmem>>
        %dma_wait3A_357 = tpu.memref_squeeze %dma_wait3A_356 : memref<1x128xi32, #tpu.memory_space<vmem>> -> memref<128xi32, #tpu.memory_space<vmem>>
        %dma_wait3A_358 = arith.constant 0 : i32
        %dma_wait3A_359 = arith.constant 0 : i32
        %dma_wait3A_360 = tpu.memref_slice %arg17[%dma_wait3A_358, %dma_wait3A_359] : memref<10240x128xf32, #tpu.memory_space<vmem_shared>> -> memref<10240x128xf32, #tpu.memory_space<vmem_shared>>
        tpu.wait_indirect_dma semaphore(%run_scoped3A_348 : memref<!tpu.dma_semaphore, #tpu.memory_space<semaphore_mem>>) src(%arg11 : memref<128x128xf32, #tpu.memory_space<vmem>>) dst(%dma_wait3A_360 : memref<10240x128xf32, #tpu.memory_space<vmem_shared>>)
        tpu.yield
      }) : () -> ()
      %dma_start3A_113 = arith.constant 3 : i32
      %dma_start3A_114 = arith.constant 0 : i32
      %dma_start3A_115 = tpu.memref_slice %arg6[%dma_start3A_113, %dma_start3A_114] : memref<8x128xi32, #tpu.memory_space<vmem>> -> memref<1x128xi32, #tpu.memory_space<vmem>>
      %dma_start3A_116 = tpu.memref_squeeze %dma_start3A_115 : memref<1x128xi32, #tpu.memory_space<vmem>> -> memref<128xi32, #tpu.memory_space<vmem>>
      %dma_start3A_117 = arith.constant 0 : i32
      %dma_start3A_118 = arith.constant 0 : i32
      %dma_start3A_119 = tpu.memref_slice %arg2[%dma_start3A_117, %dma_start3A_118] : memref<10000x128xf32, #tpu.memory_space<hbm>> -> memref<10000x128xf32, #tpu.memory_space<hbm>>
      tpu.enqueue_indirect_dma source(%dma_start3A_119 : memref<10000x128xf32, #tpu.memory_space<hbm>>) target(%arg11 : memref<128x128xf32, #tpu.memory_space<vmem>>) offsets(%dma_start3A_116 : memref<128xi32, #tpu.memory_space<vmem>>) semaphore(%arg16 : memref<!tpu.dma_semaphore, #tpu.memory_space<semaphore_mem>>)
      %dma_wait3A_120 = arith.constant 2 : i32
      %dma_wait3A_121 = arith.constant 0 : i32
      %dma_wait3A_122 = tpu.memref_slice %arg6[%dma_wait3A_120, %dma_wait3A_121] : memref<8x128xi32, #tpu.memory_space<vmem>> -> memref<1x128xi32, #tpu.memory_space<vmem>>
      %dma_wait3A_123 = tpu.memref_squeeze %dma_wait3A_122 : memref<1x128xi32, #tpu.memory_space<vmem>> -> memref<128xi32, #tpu.memory_space<vmem>>
      %dma_wait3A_124 = arith.constant 0 : i32
      %dma_wait3A_125 = arith.constant 0 : i32
      %dma_wait3A_126 = tpu.memref_slice %arg2[%dma_wait3A_124, %dma_wait3A_125] : memref<10000x128xf32, #tpu.memory_space<hbm>> -> memref<10000x128xf32, #tpu.memory_space<hbm>>
      tpu.wait_indirect_dma semaphore(%arg15 : memref<!tpu.dma_semaphore, #tpu.memory_space<semaphore_mem>>) src(%dma_wait3A_126 : memref<10000x128xf32, #tpu.memory_space<hbm>>) dst(%arg10 : memref<128x128xf32, #tpu.memory_space<vmem>>)
      %run_scoped3A_127 = arith.constant 2 : i32
      "tpu.region"() ({
        %run_scoped3A_348 = tpu.sem_alloc : memref<!tpu.dma_semaphore, #tpu.memory_space<semaphore_mem>>
        %dma_start3A_349 = arith.constant 0 : i32
        %dma_start3A_350 = tpu.memref_slice %arg8[%run_scoped3A_127, %dma_start3A_349] : memref<8x128xi32, #tpu.memory_space<vmem>> -> memref<1x128xi32, #tpu.memory_space<vmem>>
        %dma_start3A_351 = tpu.memref_squeeze %dma_start3A_350 : memref<1x128xi32, #tpu.memory_space<vmem>> -> memref<128xi32, #tpu.memory_space<vmem>>
        %dma_start3A_352 = arith.constant 0 : i32
        %dma_start3A_353 = arith.constant 0 : i32
        %dma_start3A_354 = tpu.memref_slice %arg17[%dma_start3A_352, %dma_start3A_353] : memref<10240x128xf32, #tpu.memory_space<vmem_shared>> -> memref<10240x128xf32, #tpu.memory_space<vmem_shared>>
        tpu.enqueue_indirect_dma source(%arg10 : memref<128x128xf32, #tpu.memory_space<vmem>>) target(%dma_start3A_354 : memref<10240x128xf32, #tpu.memory_space<vmem_shared>>) offsets(%dma_start3A_351 : memref<128xi32, #tpu.memory_space<vmem>>) semaphore(%run_scoped3A_348 : memref<!tpu.dma_semaphore, #tpu.memory_space<semaphore_mem>>) {add = true}
        %dma_wait3A_355 = arith.constant 0 : i32
        %dma_wait3A_356 = tpu.memref_slice %arg8[%run_scoped3A_127, %dma_wait3A_355] : memref<8x128xi32, #tpu.memory_space<vmem>> -> memref<1x128xi32, #tpu.memory_space<vmem>>
        %dma_wait3A_357 = tpu.memref_squeeze %dma_wait3A_356 : memref<1x128xi32, #tpu.memory_space<vmem>> -> memref<128xi32, #tpu.memory_space<vmem>>
        %dma_wait3A_358 = arith.constant 0 : i32
        %dma_wait3A_359 = arith.constant 0 : i32
        %dma_wait3A_360 = tpu.memref_slice %arg17[%dma_wait3A_358, %dma_wait3A_359] : memref<10240x128xf32, #tpu.memory_space<vmem_shared>> -> memref<10240x128xf32, #tpu.memory_space<vmem_shared>>
        tpu.wait_indirect_dma semaphore(%run_scoped3A_348 : memref<!tpu.dma_semaphore, #tpu.memory_space<semaphore_mem>>) src(%arg10 : memref<128x128xf32, #tpu.memory_space<vmem>>) dst(%dma_wait3A_360 : memref<10240x128xf32, #tpu.memory_space<vmem_shared>>)
        tpu.yield
      }) : () -> ()
      %dma_start3A_128 = arith.constant 4 : i32
      %dma_start3A_129 = arith.constant 0 : i32
      %dma_start3A_130 = tpu.memref_slice %arg6[%dma_start3A_128, %dma_start3A_129] : memref<8x128xi32, #tpu.memory_space<vmem>> -> memref<1x128xi32, #tpu.memory_space<vmem>>
      %dma_start3A_131 = tpu.memref_squeeze %dma_start3A_130 : memref<1x128xi32, #tpu.memory_space<vmem>> -> memref<128xi32, #tpu.memory_space<vmem>>
      %dma_start3A_132 = arith.constant 0 : i32
      %dma_start3A_133 = arith.constant 0 : i32
      %dma_start3A_134 = tpu.memref_slice %arg2[%dma_start3A_132, %dma_start3A_133] : memref<10000x128xf32, #tpu.memory_space<hbm>> -> memref<10000x128xf32, #tpu.memory_space<hbm>>
      tpu.enqueue_indirect_dma source(%dma_start3A_134 : memref<10000x128xf32, #tpu.memory_space<hbm>>) target(%arg10 : memref<128x128xf32, #tpu.memory_space<vmem>>) offsets(%dma_start3A_131 : memref<128xi32, #tpu.memory_space<vmem>>) semaphore(%arg15 : memref<!tpu.dma_semaphore, #tpu.memory_space<semaphore_mem>>)
      %dma_wait3A_135 = arith.constant 3 : i32
      %dma_wait3A_136 = arith.constant 0 : i32
      %dma_wait3A_137 = tpu.memref_slice %arg6[%dma_wait3A_135, %dma_wait3A_136] : memref<8x128xi32, #tpu.memory_space<vmem>> -> memref<1x128xi32, #tpu.memory_space<vmem>>
      %dma_wait3A_138 = tpu.memref_squeeze %dma_wait3A_137 : memref<1x128xi32, #tpu.memory_space<vmem>> -> memref<128xi32, #tpu.memory_space<vmem>>
      %dma_wait3A_139 = arith.constant 0 : i32
      %dma_wait3A_140 = arith.constant 0 : i32
      %dma_wait3A_141 = tpu.memref_slice %arg2[%dma_wait3A_139, %dma_wait3A_140] : memref<10000x128xf32, #tpu.memory_space<hbm>> -> memref<10000x128xf32, #tpu.memory_space<hbm>>
      tpu.wait_indirect_dma semaphore(%arg16 : memref<!tpu.dma_semaphore, #tpu.memory_space<semaphore_mem>>) src(%dma_wait3A_141 : memref<10000x128xf32, #tpu.memory_space<hbm>>) dst(%arg11 : memref<128x128xf32, #tpu.memory_space<vmem>>)
      %run_scoped3A_142 = arith.constant 3 : i32
      "tpu.region"() ({
        %run_scoped3A_348 = tpu.sem_alloc : memref<!tpu.dma_semaphore, #tpu.memory_space<semaphore_mem>>
        %dma_start3A_349 = arith.constant 0 : i32
        %dma_start3A_350 = tpu.memref_slice %arg8[%run_scoped3A_142, %dma_start3A_349] : memref<8x128xi32, #tpu.memory_space<vmem>> -> memref<1x128xi32, #tpu.memory_space<vmem>>
        %dma_start3A_351 = tpu.memref_squeeze %dma_start3A_350 : memref<1x128xi32, #tpu.memory_space<vmem>> -> memref<128xi32, #tpu.memory_space<vmem>>
        %dma_start3A_352 = arith.constant 0 : i32
        %dma_start3A_353 = arith.constant 0 : i32
        %dma_start3A_354 = tpu.memref_slice %arg17[%dma_start3A_352, %dma_start3A_353] : memref<10240x128xf32, #tpu.memory_space<vmem_shared>> -> memref<10240x128xf32, #tpu.memory_space<vmem_shared>>
        tpu.enqueue_indirect_dma source(%arg11 : memref<128x128xf32, #tpu.memory_space<vmem>>) target(%dma_start3A_354 : memref<10240x128xf32, #tpu.memory_space<vmem_shared>>) offsets(%dma_start3A_351 : memref<128xi32, #tpu.memory_space<vmem>>) semaphore(%run_scoped3A_348 : memref<!tpu.dma_semaphore, #tpu.memory_space<semaphore_mem>>) {add = true}
        %dma_wait3A_355 = arith.constant 0 : i32
        %dma_wait3A_356 = tpu.memref_slice %arg8[%run_scoped3A_142, %dma_wait3A_355] : memref<8x128xi32, #tpu.memory_space<vmem>> -> memref<1x128xi32, #tpu.memory_space<vmem>>
        %dma_wait3A_357 = tpu.memref_squeeze %dma_wait3A_356 : memref<1x128xi32, #tpu.memory_space<vmem>> -> memref<128xi32, #tpu.memory_space<vmem>>
        %dma_wait3A_358 = arith.constant 0 : i32
        %dma_wait3A_359 = arith.constant 0 : i32
        %dma_wait3A_360 = tpu.memref_slice %arg17[%dma_wait3A_358, %dma_wait3A_359] : memref<10240x128xf32, #tpu.memory_space<vmem_shared>> -> memref<10240x128xf32, #tpu.memory_space<vmem_shared>>
        tpu.wait_indirect_dma semaphore(%run_scoped3A_348 : memref<!tpu.dma_semaphore, #tpu.memory_space<semaphore_mem>>) src(%arg11 : memref<128x128xf32, #tpu.memory_space<vmem>>) dst(%dma_wait3A_360 : memref<10240x128xf32, #tpu.memory_space<vmem_shared>>)
        tpu.yield
      }) : () -> ()
      %dma_start3A_143 = arith.constant 5 : i32
      %dma_start3A_144 = arith.constant 0 : i32
      %dma_start3A_145 = tpu.memref_slice %arg6[%dma_start3A_143, %dma_start3A_144] : memref<8x128xi32, #tpu.memory_space<vmem>> -> memref<1x128xi32, #tpu.memory_space<vmem>>
      %dma_start3A_146 = tpu.memref_squeeze %dma_start3A_145 : memref<1x128xi32, #tpu.memory_space<vmem>> -> memref<128xi32, #tpu.memory_space<vmem>>
      %dma_start3A_147 = arith.constant 0 : i32
      %dma_start3A_148 = arith.constant 0 : i32
      %dma_start3A_149 = tpu.memref_slice %arg2[%dma_start3A_147, %dma_start3A_148] : memref<10000x128xf32, #tpu.memory_space<hbm>> -> memref<10000x128xf32, #tpu.memory_space<hbm>>
      tpu.enqueue_indirect_dma source(%dma_start3A_149 : memref<10000x128xf32, #tpu.memory_space<hbm>>) target(%arg11 : memref<128x128xf32, #tpu.memory_space<vmem>>) offsets(%dma_start3A_146 : memref<128xi32, #tpu.memory_space<vmem>>) semaphore(%arg16 : memref<!tpu.dma_semaphore, #tpu.memory_space<semaphore_mem>>)
      %dma_wait3A_150 = arith.constant 4 : i32
      %dma_wait3A_151 = arith.constant 0 : i32
      %dma_wait3A_152 = tpu.memref_slice %arg6[%dma_wait3A_150, %dma_wait3A_151] : memref<8x128xi32, #tpu.memory_space<vmem>> -> memref<1x128xi32, #tpu.memory_space<vmem>>
      %dma_wait3A_153 = tpu.memref_squeeze %dma_wait3A_152 : memref<1x128xi32, #tpu.memory_space<vmem>> -> memref<128xi32, #tpu.memory_space<vmem>>
      %dma_wait3A_154 = arith.constant 0 : i32
      %dma_wait3A_155 = arith.constant 0 : i32
      %dma_wait3A_156 = tpu.memref_slice %arg2[%dma_wait3A_154, %dma_wait3A_155] : memref<10000x128xf32, #tpu.memory_space<hbm>> -> memref<10000x128xf32, #tpu.memory_space<hbm>>
      tpu.wait_indirect_dma semaphore(%arg15 : memref<!tpu.dma_semaphore, #tpu.memory_space<semaphore_mem>>) src(%dma_wait3A_156 : memref<10000x128xf32, #tpu.memory_space<hbm>>) dst(%arg10 : memref<128x128xf32, #tpu.memory_space<vmem>>)
      %run_scoped3A_157 = arith.constant 4 : i32
      "tpu.region"() ({
        %run_scoped3A_348 = tpu.sem_alloc : memref<!tpu.dma_semaphore, #tpu.memory_space<semaphore_mem>>
        %dma_start3A_349 = arith.constant 0 : i32
        %dma_start3A_350 = tpu.memref_slice %arg8[%run_scoped3A_157, %dma_start3A_349] : memref<8x128xi32, #tpu.memory_space<vmem>> -> memref<1x128xi32, #tpu.memory_space<vmem>>
        %dma_start3A_351 = tpu.memref_squeeze %dma_start3A_350 : memref<1x128xi32, #tpu.memory_space<vmem>> -> memref<128xi32, #tpu.memory_space<vmem>>
        %dma_start3A_352 = arith.constant 0 : i32
        %dma_start3A_353 = arith.constant 0 : i32
        %dma_start3A_354 = tpu.memref_slice %arg17[%dma_start3A_352, %dma_start3A_353] : memref<10240x128xf32, #tpu.memory_space<vmem_shared>> -> memref<10240x128xf32, #tpu.memory_space<vmem_shared>>
        tpu.enqueue_indirect_dma source(%arg10 : memref<128x128xf32, #tpu.memory_space<vmem>>) target(%dma_start3A_354 : memref<10240x128xf32, #tpu.memory_space<vmem_shared>>) offsets(%dma_start3A_351 : memref<128xi32, #tpu.memory_space<vmem>>) semaphore(%run_scoped3A_348 : memref<!tpu.dma_semaphore, #tpu.memory_space<semaphore_mem>>) {add = true}
        %dma_wait3A_355 = arith.constant 0 : i32
        %dma_wait3A_356 = tpu.memref_slice %arg8[%run_scoped3A_157, %dma_wait3A_355] : memref<8x128xi32, #tpu.memory_space<vmem>> -> memref<1x128xi32, #tpu.memory_space<vmem>>
        %dma_wait3A_357 = tpu.memref_squeeze %dma_wait3A_356 : memref<1x128xi32, #tpu.memory_space<vmem>> -> memref<128xi32, #tpu.memory_space<vmem>>
        %dma_wait3A_358 = arith.constant 0 : i32
        %dma_wait3A_359 = arith.constant 0 : i32
        %dma_wait3A_360 = tpu.memref_slice %arg17[%dma_wait3A_358, %dma_wait3A_359] : memref<10240x128xf32, #tpu.memory_space<vmem_shared>> -> memref<10240x128xf32, #tpu.memory_space<vmem_shared>>
        tpu.wait_indirect_dma semaphore(%run_scoped3A_348 : memref<!tpu.dma_semaphore, #tpu.memory_space<semaphore_mem>>) src(%arg10 : memref<128x128xf32, #tpu.memory_space<vmem>>) dst(%dma_wait3A_360 : memref<10240x128xf32, #tpu.memory_space<vmem_shared>>)
        tpu.yield
      }) : () -> ()
      %dma_start3A_158 = arith.constant 6 : i32
      %dma_start3A_159 = arith.constant 0 : i32
      %dma_start3A_160 = tpu.memref_slice %arg6[%dma_start3A_158, %dma_start3A_159] : memref<8x128xi32, #tpu.memory_space<vmem>> -> memref<1x128xi32, #tpu.memory_space<vmem>>
      %dma_start3A_161 = tpu.memref_squeeze %dma_start3A_160 : memref<1x128xi32, #tpu.memory_space<vmem>> -> memref<128xi32, #tpu.memory_space<vmem>>
      %dma_start3A_162 = arith.constant 0 : i32
      %dma_start3A_163 = arith.constant 0 : i32
      %dma_start3A_164 = tpu.memref_slice %arg2[%dma_start3A_162, %dma_start3A_163] : memref<10000x128xf32, #tpu.memory_space<hbm>> -> memref<10000x128xf32, #tpu.memory_space<hbm>>
      tpu.enqueue_indirect_dma source(%dma_start3A_164 : memref<10000x128xf32, #tpu.memory_space<hbm>>) target(%arg10 : memref<128x128xf32, #tpu.memory_space<vmem>>) offsets(%dma_start3A_161 : memref<128xi32, #tpu.memory_space<vmem>>) semaphore(%arg15 : memref<!tpu.dma_semaphore, #tpu.memory_space<semaphore_mem>>)
      %dma_wait3A_165 = arith.constant 5 : i32
      %dma_wait3A_166 = arith.constant 0 : i32
      %dma_wait3A_167 = tpu.memref_slice %arg6[%dma_wait3A_165, %dma_wait3A_166] : memref<8x128xi32, #tpu.memory_space<vmem>> -> memref<1x128xi32, #tpu.memory_space<vmem>>
      %dma_wait3A_168 = tpu.memref_squeeze %dma_wait3A_167 : memref<1x128xi32, #tpu.memory_space<vmem>> -> memref<128xi32, #tpu.memory_space<vmem>>
      %dma_wait3A_169 = arith.constant 0 : i32
      %dma_wait3A_170 = arith.constant 0 : i32
      %dma_wait3A_171 = tpu.memref_slice %arg2[%dma_wait3A_169, %dma_wait3A_170] : memref<10000x128xf32, #tpu.memory_space<hbm>> -> memref<10000x128xf32, #tpu.memory_space<hbm>>
      tpu.wait_indirect_dma semaphore(%arg16 : memref<!tpu.dma_semaphore, #tpu.memory_space<semaphore_mem>>) src(%dma_wait3A_171 : memref<10000x128xf32, #tpu.memory_space<hbm>>) dst(%arg11 : memref<128x128xf32, #tpu.memory_space<vmem>>)
      %run_scoped3A_172 = arith.constant 5 : i32
      "tpu.region"() ({
        %run_scoped3A_348 = tpu.sem_alloc : memref<!tpu.dma_semaphore, #tpu.memory_space<semaphore_mem>>
        %dma_start3A_349 = arith.constant 0 : i32
        %dma_start3A_350 = tpu.memref_slice %arg8[%run_scoped3A_172, %dma_start3A_349] : memref<8x128xi32, #tpu.memory_space<vmem>> -> memref<1x128xi32, #tpu.memory_space<vmem>>
        %dma_start3A_351 = tpu.memref_squeeze %dma_start3A_350 : memref<1x128xi32, #tpu.memory_space<vmem>> -> memref<128xi32, #tpu.memory_space<vmem>>
        %dma_start3A_352 = arith.constant 0 : i32
        %dma_start3A_353 = arith.constant 0 : i32
        %dma_start3A_354 = tpu.memref_slice %arg17[%dma_start3A_352, %dma_start3A_353] : memref<10240x128xf32, #tpu.memory_space<vmem_shared>> -> memref<10240x128xf32, #tpu.memory_space<vmem_shared>>
        tpu.enqueue_indirect_dma source(%arg11 : memref<128x128xf32, #tpu.memory_space<vmem>>) target(%dma_start3A_354 : memref<10240x128xf32, #tpu.memory_space<vmem_shared>>) offsets(%dma_start3A_351 : memref<128xi32, #tpu.memory_space<vmem>>) semaphore(%run_scoped3A_348 : memref<!tpu.dma_semaphore, #tpu.memory_space<semaphore_mem>>) {add = true}
        %dma_wait3A_355 = arith.constant 0 : i32
        %dma_wait3A_356 = tpu.memref_slice %arg8[%run_scoped3A_172, %dma_wait3A_355] : memref<8x128xi32, #tpu.memory_space<vmem>> -> memref<1x128xi32, #tpu.memory_space<vmem>>
        %dma_wait3A_357 = tpu.memref_squeeze %dma_wait3A_356 : memref<1x128xi32, #tpu.memory_space<vmem>> -> memref<128xi32, #tpu.memory_space<vmem>>
        %dma_wait3A_358 = arith.constant 0 : i32
        %dma_wait3A_359 = arith.constant 0 : i32
        %dma_wait3A_360 = tpu.memref_slice %arg17[%dma_wait3A_358, %dma_wait3A_359] : memref<10240x128xf32, #tpu.memory_space<vmem_shared>> -> memref<10240x128xf32, #tpu.memory_space<vmem_shared>>
        tpu.wait_indirect_dma semaphore(%run_scoped3A_348 : memref<!tpu.dma_semaphore, #tpu.memory_space<semaphore_mem>>) src(%arg11 : memref<128x128xf32, #tpu.memory_space<vmem>>) dst(%dma_wait3A_360 : memref<10240x128xf32, #tpu.memory_space<vmem_shared>>)
        tpu.yield
      }) : () -> ()
      %dma_start3A_173 = arith.constant 7 : i32
      %dma_start3A_174 = arith.constant 0 : i32
      %dma_start3A_175 = tpu.memref_slice %arg6[%dma_start3A_173, %dma_start3A_174] : memref<8x128xi32, #tpu.memory_space<vmem>> -> memref<1x128xi32, #tpu.memory_space<vmem>>
      %dma_start3A_176 = tpu.memref_squeeze %dma_start3A_175 : memref<1x128xi32, #tpu.memory_space<vmem>> -> memref<128xi32, #tpu.memory_space<vmem>>
      %dma_start3A_177 = arith.constant 0 : i32
      %dma_start3A_178 = arith.constant 0 : i32
      %dma_start3A_179 = tpu.memref_slice %arg2[%dma_start3A_177, %dma_start3A_178] : memref<10000x128xf32, #tpu.memory_space<hbm>> -> memref<10000x128xf32, #tpu.memory_space<hbm>>
      tpu.enqueue_indirect_dma source(%dma_start3A_179 : memref<10000x128xf32, #tpu.memory_space<hbm>>) target(%arg11 : memref<128x128xf32, #tpu.memory_space<vmem>>) offsets(%dma_start3A_176 : memref<128xi32, #tpu.memory_space<vmem>>) semaphore(%arg16 : memref<!tpu.dma_semaphore, #tpu.memory_space<semaphore_mem>>)
      %dma_wait3A_180 = arith.constant 6 : i32
      %dma_wait3A_181 = arith.constant 0 : i32
      %dma_wait3A_182 = tpu.memref_slice %arg6[%dma_wait3A_180, %dma_wait3A_181] : memref<8x128xi32, #tpu.memory_space<vmem>> -> memref<1x128xi32, #tpu.memory_space<vmem>>
      %dma_wait3A_183 = tpu.memref_squeeze %dma_wait3A_182 : memref<1x128xi32, #tpu.memory_space<vmem>> -> memref<128xi32, #tpu.memory_space<vmem>>
      %dma_wait3A_184 = arith.constant 0 : i32
      %dma_wait3A_185 = arith.constant 0 : i32
      %dma_wait3A_186 = tpu.memref_slice %arg2[%dma_wait3A_184, %dma_wait3A_185] : memref<10000x128xf32, #tpu.memory_space<hbm>> -> memref<10000x128xf32, #tpu.memory_space<hbm>>
      tpu.wait_indirect_dma semaphore(%arg15 : memref<!tpu.dma_semaphore, #tpu.memory_space<semaphore_mem>>) src(%dma_wait3A_186 : memref<10000x128xf32, #tpu.memory_space<hbm>>) dst(%arg10 : memref<128x128xf32, #tpu.memory_space<vmem>>)
      %run_scoped3A_187 = arith.constant 6 : i32
      "tpu.region"() ({
        %run_scoped3A_348 = tpu.sem_alloc : memref<!tpu.dma_semaphore, #tpu.memory_space<semaphore_mem>>
        %dma_start3A_349 = arith.constant 0 : i32
        %dma_start3A_350 = tpu.memref_slice %arg8[%run_scoped3A_187, %dma_start3A_349] : memref<8x128xi32, #tpu.memory_space<vmem>> -> memref<1x128xi32, #tpu.memory_space<vmem>>
        %dma_start3A_351 = tpu.memref_squeeze %dma_start3A_350 : memref<1x128xi32, #tpu.memory_space<vmem>> -> memref<128xi32, #tpu.memory_space<vmem>>
        %dma_start3A_352 = arith.constant 0 : i32
        %dma_start3A_353 = arith.constant 0 : i32
        %dma_start3A_354 = tpu.memref_slice %arg17[%dma_start3A_352, %dma_start3A_353] : memref<10240x128xf32, #tpu.memory_space<vmem_shared>> -> memref<10240x128xf32, #tpu.memory_space<vmem_shared>>
        tpu.enqueue_indirect_dma source(%arg10 : memref<128x128xf32, #tpu.memory_space<vmem>>) target(%dma_start3A_354 : memref<10240x128xf32, #tpu.memory_space<vmem_shared>>) offsets(%dma_start3A_351 : memref<128xi32, #tpu.memory_space<vmem>>) semaphore(%run_scoped3A_348 : memref<!tpu.dma_semaphore, #tpu.memory_space<semaphore_mem>>) {add = true}
        %dma_wait3A_355 = arith.constant 0 : i32
        %dma_wait3A_356 = tpu.memref_slice %arg8[%run_scoped3A_187, %dma_wait3A_355] : memref<8x128xi32, #tpu.memory_space<vmem>> -> memref<1x128xi32, #tpu.memory_space<vmem>>
        %dma_wait3A_357 = tpu.memref_squeeze %dma_wait3A_356 : memref<1x128xi32, #tpu.memory_space<vmem>> -> memref<128xi32, #tpu.memory_space<vmem>>
        %dma_wait3A_358 = arith.constant 0 : i32
        %dma_wait3A_359 = arith.constant 0 : i32
        %dma_wait3A_360 = tpu.memref_slice %arg17[%dma_wait3A_358, %dma_wait3A_359] : memref<10240x128xf32, #tpu.memory_space<vmem_shared>> -> memref<10240x128xf32, #tpu.memory_space<vmem_shared>>
        tpu.wait_indirect_dma semaphore(%run_scoped3A_348 : memref<!tpu.dma_semaphore, #tpu.memory_space<semaphore_mem>>) src(%arg10 : memref<128x128xf32, #tpu.memory_space<vmem>>) dst(%dma_wait3A_360 : memref<10240x128xf32, #tpu.memory_space<vmem_shared>>)
        tpu.yield
      }) : () -> ()
      %dma_wait3A_188 = arith.constant 7 : i32
      %dma_wait3A_189 = arith.constant 0 : i32
      %dma_wait3A_190 = tpu.memref_slice %arg6[%dma_wait3A_188, %dma_wait3A_189] : memref<8x128xi32, #tpu.memory_space<vmem>> -> memref<1x128xi32, #tpu.memory_space<vmem>>
      %dma_wait3A_191 = tpu.memref_squeeze %dma_wait3A_190 : memref<1x128xi32, #tpu.memory_space<vmem>> -> memref<128xi32, #tpu.memory_space<vmem>>
      %dma_wait3A_192 = arith.constant 0 : i32
      %dma_wait3A_193 = arith.constant 0 : i32
      %dma_wait3A_194 = tpu.memref_slice %arg2[%dma_wait3A_192, %dma_wait3A_193] : memref<10000x128xf32, #tpu.memory_space<hbm>> -> memref<10000x128xf32, #tpu.memory_space<hbm>>
      tpu.wait_indirect_dma semaphore(%arg16 : memref<!tpu.dma_semaphore, #tpu.memory_space<semaphore_mem>>) src(%dma_wait3A_194 : memref<10000x128xf32, #tpu.memory_space<hbm>>) dst(%arg11 : memref<128x128xf32, #tpu.memory_space<vmem>>)
      %run_scoped3A_195 = arith.constant 7 : i32
      "tpu.region"() ({
        %run_scoped3A_348 = tpu.sem_alloc : memref<!tpu.dma_semaphore, #tpu.memory_space<semaphore_mem>>
        %dma_start3A_349 = arith.constant 0 : i32
        %dma_start3A_350 = tpu.memref_slice %arg8[%run_scoped3A_195, %dma_start3A_349] : memref<8x128xi32, #tpu.memory_space<vmem>> -> memref<1x128xi32, #tpu.memory_space<vmem>>
        %dma_start3A_351 = tpu.memref_squeeze %dma_start3A_350 : memref<1x128xi32, #tpu.memory_space<vmem>> -> memref<128xi32, #tpu.memory_space<vmem>>
        %dma_start3A_352 = arith.constant 0 : i32
        %dma_start3A_353 = arith.constant 0 : i32
        %dma_start3A_354 = tpu.memref_slice %arg17[%dma_start3A_352, %dma_start3A_353] : memref<10240x128xf32, #tpu.memory_space<vmem_shared>> -> memref<10240x128xf32, #tpu.memory_space<vmem_shared>>
        tpu.enqueue_indirect_dma source(%arg11 : memref<128x128xf32, #tpu.memory_space<vmem>>) target(%dma_start3A_354 : memref<10240x128xf32, #tpu.memory_space<vmem_shared>>) offsets(%dma_start3A_351 : memref<128xi32, #tpu.memory_space<vmem>>) semaphore(%run_scoped3A_348 : memref<!tpu.dma_semaphore, #tpu.memory_space<semaphore_mem>>) {add = true}
        %dma_wait3A_355 = arith.constant 0 : i32
        %dma_wait3A_356 = tpu.memref_slice %arg8[%run_scoped3A_195, %dma_wait3A_355] : memref<8x128xi32, #tpu.memory_space<vmem>> -> memref<1x128xi32, #tpu.memory_space<vmem>>
        %dma_wait3A_357 = tpu.memref_squeeze %dma_wait3A_356 : memref<1x128xi32, #tpu.memory_space<vmem>> -> memref<128xi32, #tpu.memory_space<vmem>>
        %dma_wait3A_358 = arith.constant 0 : i32
        %dma_wait3A_359 = arith.constant 0 : i32
        %dma_wait3A_360 = tpu.memref_slice %arg17[%dma_wait3A_358, %dma_wait3A_359] : memref<10240x128xf32, #tpu.memory_space<vmem_shared>> -> memref<10240x128xf32, #tpu.memory_space<vmem_shared>>
        tpu.wait_indirect_dma semaphore(%run_scoped3A_348 : memref<!tpu.dma_semaphore, #tpu.memory_space<semaphore_mem>>) src(%arg11 : memref<128x128xf32, #tpu.memory_space<vmem>>) dst(%dma_wait3A_360 : memref<10240x128xf32, #tpu.memory_space<vmem_shared>>)
        tpu.yield
      }) : () -> ()
      %add3A_196 = arith.constant 2 : i32
      %add3A_197 = arith.addi %add3A_61, %add3A_196 : i32
      %lt3A = arith.constant 10 : i32
      %lt3A_198 = arith.cmpi slt, %add3A_197, %lt3A : i32
      %convert_element_type3A = arith.extui %lt3A_198 : i1 to i32
      %cond3A = arith.constant 0 : i32
      %cond3A_199 = arith.cmpi ne, %convert_element_type3A, %cond3A : i32
      scf.if %cond3A_199 {
        %add3A_348 = arith.constant 2 : i32
        %add3A_349 = arith.addi %add3A_61, %add3A_348 : i32
        %mul3A_350 = arith.constant 8 : i32
        %mul3A_351 = arith.muli %add3A_349, %mul3A_350 : i32
        %dma_start3A_352 = arith.constant 0 : i32
        %dma_start3A_353 = tpu.memref_slice %arg3[%add3A, %mul3A_351, %dma_start3A_352] : memref<32x80x128xi32, #tpu.memory_space<hbm>> -> memref<1x8x128xi32, #tpu.memory_space<hbm>>
        %dma_start3A_354 = tpu.memref_squeeze %dma_start3A_353 : memref<1x8x128xi32, #tpu.memory_space<hbm>> -> memref<8x128xi32, #tpu.memory_space<hbm>>
        %dma_start3A_355 = arith.constant 0 : i32
        %dma_start3A_356 = tpu.memref_slice %arg3[%add3A, %mul3A_351, %dma_start3A_355] : memref<32x80x128xi32, #tpu.memory_space<hbm>> -> memref<1x8x128xi32, #tpu.memory_space<hbm>>
        %dma_start3A_357 = tpu.memref_squeeze %dma_start3A_356 : memref<1x8x128xi32, #tpu.memory_space<hbm>> -> memref<8x128xi32, #tpu.memory_space<hbm>>
        tpu.enqueue_dma source(%dma_start3A_357 : memref<8x128xi32, #tpu.memory_space<hbm>>) target(%arg6 : memref<8x128xi32, #tpu.memory_space<vmem>>) target_semaphore(%arg13 : memref<!tpu.dma_semaphore, #tpu.memory_space<semaphore_mem>>)
        %mul3A_358 = arith.constant 8 : i32
        %mul3A_359 = arith.muli %add3A_349, %mul3A_358 : i32
        %dma_start3A_360 = arith.constant 0 : i32
        %dma_start3A_361 = tpu.memref_slice %arg4[%add3A, %mul3A_359, %dma_start3A_360] : memref<32x80x128xi32, #tpu.memory_space<hbm>> -> memref<1x8x128xi32, #tpu.memory_space<hbm>>
        %dma_start3A_362 = tpu.memref_squeeze %dma_start3A_361 : memref<1x8x128xi32, #tpu.memory_space<hbm>> -> memref<8x128xi32, #tpu.memory_space<hbm>>
        %dma_start3A_363 = arith.constant 0 : i32
        %dma_start3A_364 = tpu.memref_slice %arg4[%add3A, %mul3A_359, %dma_start3A_363] : memref<32x80x128xi32, #tpu.memory_space<hbm>> -> memref<1x8x128xi32, #tpu.memory_space<hbm>>
        %dma_start3A_365 = tpu.memref_squeeze %dma_start3A_364 : memref<1x8x128xi32, #tpu.memory_space<hbm>> -> memref<8x128xi32, #tpu.memory_space<hbm>>
        tpu.enqueue_dma source(%dma_start3A_365 : memref<8x128xi32, #tpu.memory_space<hbm>>) target(%arg8 : memref<8x128xi32, #tpu.memory_space<vmem>>) target_semaphore(%arg13 : memref<!tpu.dma_semaphore, #tpu.memory_space<semaphore_mem>>)
      } else {
      }
      %mul3A_200 = arith.constant 2 : i32
      %mul3A_201 = arith.muli %mul3A_200, %scan3A_56 : i32
      %add3A_202 = arith.constant 1 : i32
      %add3A_203 = arith.addi %mul3A_201, %add3A_202 : i32
      %mul3A_204 = arith.constant 8 : i32
      %mul3A_205 = arith.muli %add3A_203, %mul3A_204 : i32
      %dma_wait3A_206 = arith.constant 0 : i32
      %dma_wait3A_207 = tpu.memref_slice %arg3[%add3A, %mul3A_205, %dma_wait3A_206] : memref<32x80x128xi32, #tpu.memory_space<hbm>> -> memref<1x8x128xi32, #tpu.memory_space<hbm>>
      %dma_wait3A_208 = tpu.memref_squeeze %dma_wait3A_207 : memref<1x8x128xi32, #tpu.memory_space<hbm>> -> memref<8x128xi32, #tpu.memory_space<hbm>>
      %dma_wait3A_209 = arith.constant 0 : i32
      %dma_wait3A_210 = tpu.memref_slice %arg3[%add3A, %mul3A_205, %dma_wait3A_209] : memref<32x80x128xi32, #tpu.memory_space<hbm>> -> memref<1x8x128xi32, #tpu.memory_space<hbm>>
      %dma_wait3A_211 = tpu.memref_squeeze %dma_wait3A_210 : memref<1x8x128xi32, #tpu.memory_space<hbm>> -> memref<8x128xi32, #tpu.memory_space<hbm>>
      tpu.wait_dma2 semaphore(%arg14 : memref<!tpu.dma_semaphore, #tpu.memory_space<semaphore_mem>>) src(%dma_wait3A_211 : memref<8x128xi32, #tpu.memory_space<hbm>>) dst(%arg7 : memref<8x128xi32, #tpu.memory_space<vmem>>)
      %mul3A_212 = arith.constant 8 : i32
      %mul3A_213 = arith.muli %add3A_203, %mul3A_212 : i32
      %dma_wait3A_214 = arith.constant 0 : i32
      %dma_wait3A_215 = tpu.memref_slice %arg4[%add3A, %mul3A_213, %dma_wait3A_214] : memref<32x80x128xi32, #tpu.memory_space<hbm>> -> memref<1x8x128xi32, #tpu.memory_space<hbm>>
      %dma_wait3A_216 = tpu.memref_squeeze %dma_wait3A_215 : memref<1x8x128xi32, #tpu.memory_space<hbm>> -> memref<8x128xi32, #tpu.memory_space<hbm>>
      %dma_wait3A_217 = arith.constant 0 : i32
      %dma_wait3A_218 = tpu.memref_slice %arg4[%add3A, %mul3A_213, %dma_wait3A_217] : memref<32x80x128xi32, #tpu.memory_space<hbm>> -> memref<1x8x128xi32, #tpu.memory_space<hbm>>
      %dma_wait3A_219 = tpu.memref_squeeze %dma_wait3A_218 : memref<1x8x128xi32, #tpu.memory_space<hbm>> -> memref<8x128xi32, #tpu.memory_space<hbm>>
      tpu.wait_dma2 semaphore(%arg14 : memref<!tpu.dma_semaphore, #tpu.memory_space<semaphore_mem>>) src(%dma_wait3A_219 : memref<8x128xi32, #tpu.memory_space<hbm>>) dst(%arg9 : memref<8x128xi32, #tpu.memory_space<vmem>>)
      %dma_start3A_220 = arith.constant 0 : i32
      %dma_start3A_221 = arith.constant 0 : i32
      %dma_start3A_222 = tpu.memref_slice %arg7[%dma_start3A_220, %dma_start3A_221] : memref<8x128xi32, #tpu.memory_space<vmem>> -> memref<1x128xi32, #tpu.memory_space<vmem>>
      %dma_start3A_223 = tpu.memref_squeeze %dma_start3A_222 : memref<1x128xi32, #tpu.memory_space<vmem>> -> memref<128xi32, #tpu.memory_space<vmem>>
      %dma_start3A_224 = arith.constant 0 : i32
      %dma_start3A_225 = arith.constant 0 : i32
      %dma_start3A_226 = tpu.memref_slice %arg2[%dma_start3A_224, %dma_start3A_225] : memref<10000x128xf32, #tpu.memory_space<hbm>> -> memref<10000x128xf32, #tpu.memory_space<hbm>>
      tpu.enqueue_indirect_dma source(%dma_start3A_226 : memref<10000x128xf32, #tpu.memory_space<hbm>>) target(%arg10 : memref<128x128xf32, #tpu.memory_space<vmem>>) offsets(%dma_start3A_223 : memref<128xi32, #tpu.memory_space<vmem>>) semaphore(%arg15 : memref<!tpu.dma_semaphore, #tpu.memory_space<semaphore_mem>>)
      %dma_start3A_227 = arith.constant 1 : i32
      %dma_start3A_228 = arith.constant 0 : i32
      %dma_start3A_229 = tpu.memref_slice %arg7[%dma_start3A_227, %dma_start3A_228] : memref<8x128xi32, #tpu.memory_space<vmem>> -> memref<1x128xi32, #tpu.memory_space<vmem>>
      %dma_start3A_230 = tpu.memref_squeeze %dma_start3A_229 : memref<1x128xi32, #tpu.memory_space<vmem>> -> memref<128xi32, #tpu.memory_space<vmem>>
      %dma_start3A_231 = arith.constant 0 : i32
      %dma_start3A_232 = arith.constant 0 : i32
      %dma_start3A_233 = tpu.memref_slice %arg2[%dma_start3A_231, %dma_start3A_232] : memref<10000x128xf32, #tpu.memory_space<hbm>> -> memref<10000x128xf32, #tpu.memory_space<hbm>>
      tpu.enqueue_indirect_dma source(%dma_start3A_233 : memref<10000x128xf32, #tpu.memory_space<hbm>>) target(%arg11 : memref<128x128xf32, #tpu.memory_space<vmem>>) offsets(%dma_start3A_230 : memref<128xi32, #tpu.memory_space<vmem>>) semaphore(%arg16 : memref<!tpu.dma_semaphore, #tpu.memory_space<semaphore_mem>>)
      %dma_wait3A_234 = arith.constant 0 : i32
      %dma_wait3A_235 = arith.constant 0 : i32
      %dma_wait3A_236 = tpu.memref_slice %arg7[%dma_wait3A_234, %dma_wait3A_235] : memref<8x128xi32, #tpu.memory_space<vmem>> -> memref<1x128xi32, #tpu.memory_space<vmem>>
      %dma_wait3A_237 = tpu.memref_squeeze %dma_wait3A_236 : memref<1x128xi32, #tpu.memory_space<vmem>> -> memref<128xi32, #tpu.memory_space<vmem>>
      %dma_wait3A_238 = arith.constant 0 : i32
      %dma_wait3A_239 = arith.constant 0 : i32
      %dma_wait3A_240 = tpu.memref_slice %arg2[%dma_wait3A_238, %dma_wait3A_239] : memref<10000x128xf32, #tpu.memory_space<hbm>> -> memref<10000x128xf32, #tpu.memory_space<hbm>>
      tpu.wait_indirect_dma semaphore(%arg15 : memref<!tpu.dma_semaphore, #tpu.memory_space<semaphore_mem>>) src(%dma_wait3A_240 : memref<10000x128xf32, #tpu.memory_space<hbm>>) dst(%arg10 : memref<128x128xf32, #tpu.memory_space<vmem>>)
      %run_scoped3A_241 = arith.constant 0 : i32
      "tpu.region"() ({
        %run_scoped3A_348 = tpu.sem_alloc : memref<!tpu.dma_semaphore, #tpu.memory_space<semaphore_mem>>
        %dma_start3A_349 = arith.constant 0 : i32
        %dma_start3A_350 = tpu.memref_slice %arg9[%run_scoped3A_241, %dma_start3A_349] : memref<8x128xi32, #tpu.memory_space<vmem>> -> memref<1x128xi32, #tpu.memory_space<vmem>>
        %dma_start3A_351 = tpu.memref_squeeze %dma_start3A_350 : memref<1x128xi32, #tpu.memory_space<vmem>> -> memref<128xi32, #tpu.memory_space<vmem>>
        %dma_start3A_352 = arith.constant 0 : i32
        %dma_start3A_353 = arith.constant 0 : i32
        %dma_start3A_354 = tpu.memref_slice %arg17[%dma_start3A_352, %dma_start3A_353] : memref<10240x128xf32, #tpu.memory_space<vmem_shared>> -> memref<10240x128xf32, #tpu.memory_space<vmem_shared>>
        tpu.enqueue_indirect_dma source(%arg10 : memref<128x128xf32, #tpu.memory_space<vmem>>) target(%dma_start3A_354 : memref<10240x128xf32, #tpu.memory_space<vmem_shared>>) offsets(%dma_start3A_351 : memref<128xi32, #tpu.memory_space<vmem>>) semaphore(%run_scoped3A_348 : memref<!tpu.dma_semaphore, #tpu.memory_space<semaphore_mem>>) {add = true}
        %dma_wait3A_355 = arith.constant 0 : i32
        %dma_wait3A_356 = tpu.memref_slice %arg9[%run_scoped3A_241, %dma_wait3A_355] : memref<8x128xi32, #tpu.memory_space<vmem>> -> memref<1x128xi32, #tpu.memory_space<vmem>>
        %dma_wait3A_357 = tpu.memref_squeeze %dma_wait3A_356 : memref<1x128xi32, #tpu.memory_space<vmem>> -> memref<128xi32, #tpu.memory_space<vmem>>
        %dma_wait3A_358 = arith.constant 0 : i32
        %dma_wait3A_359 = arith.constant 0 : i32
        %dma_wait3A_360 = tpu.memref_slice %arg17[%dma_wait3A_358, %dma_wait3A_359] : memref<10240x128xf32, #tpu.memory_space<vmem_shared>> -> memref<10240x128xf32, #tpu.memory_space<vmem_shared>>
        tpu.wait_indirect_dma semaphore(%run_scoped3A_348 : memref<!tpu.dma_semaphore, #tpu.memory_space<semaphore_mem>>) src(%arg10 : memref<128x128xf32, #tpu.memory_space<vmem>>) dst(%dma_wait3A_360 : memref<10240x128xf32, #tpu.memory_space<vmem_shared>>)
        tpu.yield
      }) : () -> ()
      %dma_start3A_242 = arith.constant 2 : i32
      %dma_start3A_243 = arith.constant 0 : i32
      %dma_start3A_244 = tpu.memref_slice %arg7[%dma_start3A_242, %dma_start3A_243] : memref<8x128xi32, #tpu.memory_space<vmem>> -> memref<1x128xi32, #tpu.memory_space<vmem>>
      %dma_start3A_245 = tpu.memref_squeeze %dma_start3A_244 : memref<1x128xi32, #tpu.memory_space<vmem>> -> memref<128xi32, #tpu.memory_space<vmem>>
      %dma_start3A_246 = arith.constant 0 : i32
      %dma_start3A_247 = arith.constant 0 : i32
      %dma_start3A_248 = tpu.memref_slice %arg2[%dma_start3A_246, %dma_start3A_247] : memref<10000x128xf32, #tpu.memory_space<hbm>> -> memref<10000x128xf32, #tpu.memory_space<hbm>>
      tpu.enqueue_indirect_dma source(%dma_start3A_248 : memref<10000x128xf32, #tpu.memory_space<hbm>>) target(%arg10 : memref<128x128xf32, #tpu.memory_space<vmem>>) offsets(%dma_start3A_245 : memref<128xi32, #tpu.memory_space<vmem>>) semaphore(%arg15 : memref<!tpu.dma_semaphore, #tpu.memory_space<semaphore_mem>>)
      %dma_wait3A_249 = arith.constant 1 : i32
      %dma_wait3A_250 = arith.constant 0 : i32
      %dma_wait3A_251 = tpu.memref_slice %arg7[%dma_wait3A_249, %dma_wait3A_250] : memref<8x128xi32, #tpu.memory_space<vmem>> -> memref<1x128xi32, #tpu.memory_space<vmem>>
      %dma_wait3A_252 = tpu.memref_squeeze %dma_wait3A_251 : memref<1x128xi32, #tpu.memory_space<vmem>> -> memref<128xi32, #tpu.memory_space<vmem>>
      %dma_wait3A_253 = arith.constant 0 : i32
      %dma_wait3A_254 = arith.constant 0 : i32
      %dma_wait3A_255 = tpu.memref_slice %arg2[%dma_wait3A_253, %dma_wait3A_254] : memref<10000x128xf32, #tpu.memory_space<hbm>> -> memref<10000x128xf32, #tpu.memory_space<hbm>>
      tpu.wait_indirect_dma semaphore(%arg16 : memref<!tpu.dma_semaphore, #tpu.memory_space<semaphore_mem>>) src(%dma_wait3A_255 : memref<10000x128xf32, #tpu.memory_space<hbm>>) dst(%arg11 : memref<128x128xf32, #tpu.memory_space<vmem>>)
      %run_scoped3A_256 = arith.constant 1 : i32
      "tpu.region"() ({
        %run_scoped3A_348 = tpu.sem_alloc : memref<!tpu.dma_semaphore, #tpu.memory_space<semaphore_mem>>
        %dma_start3A_349 = arith.constant 0 : i32
        %dma_start3A_350 = tpu.memref_slice %arg9[%run_scoped3A_256, %dma_start3A_349] : memref<8x128xi32, #tpu.memory_space<vmem>> -> memref<1x128xi32, #tpu.memory_space<vmem>>
        %dma_start3A_351 = tpu.memref_squeeze %dma_start3A_350 : memref<1x128xi32, #tpu.memory_space<vmem>> -> memref<128xi32, #tpu.memory_space<vmem>>
        %dma_start3A_352 = arith.constant 0 : i32
        %dma_start3A_353 = arith.constant 0 : i32
        %dma_start3A_354 = tpu.memref_slice %arg17[%dma_start3A_352, %dma_start3A_353] : memref<10240x128xf32, #tpu.memory_space<vmem_shared>> -> memref<10240x128xf32, #tpu.memory_space<vmem_shared>>
        tpu.enqueue_indirect_dma source(%arg11 : memref<128x128xf32, #tpu.memory_space<vmem>>) target(%dma_start3A_354 : memref<10240x128xf32, #tpu.memory_space<vmem_shared>>) offsets(%dma_start3A_351 : memref<128xi32, #tpu.memory_space<vmem>>) semaphore(%run_scoped3A_348 : memref<!tpu.dma_semaphore, #tpu.memory_space<semaphore_mem>>) {add = true}
        %dma_wait3A_355 = arith.constant 0 : i32
        %dma_wait3A_356 = tpu.memref_slice %arg9[%run_scoped3A_256, %dma_wait3A_355] : memref<8x128xi32, #tpu.memory_space<vmem>> -> memref<1x128xi32, #tpu.memory_space<vmem>>
        %dma_wait3A_357 = tpu.memref_squeeze %dma_wait3A_356 : memref<1x128xi32, #tpu.memory_space<vmem>> -> memref<128xi32, #tpu.memory_space<vmem>>
        %dma_wait3A_358 = arith.constant 0 : i32
        %dma_wait3A_359 = arith.constant 0 : i32
        %dma_wait3A_360 = tpu.memref_slice %arg17[%dma_wait3A_358, %dma_wait3A_359] : memref<10240x128xf32, #tpu.memory_space<vmem_shared>> -> memref<10240x128xf32, #tpu.memory_space<vmem_shared>>
        tpu.wait_indirect_dma semaphore(%run_scoped3A_348 : memref<!tpu.dma_semaphore, #tpu.memory_space<semaphore_mem>>) src(%arg11 : memref<128x128xf32, #tpu.memory_space<vmem>>) dst(%dma_wait3A_360 : memref<10240x128xf32, #tpu.memory_space<vmem_shared>>)
        tpu.yield
      }) : () -> ()
      %dma_start3A_257 = arith.constant 3 : i32
      %dma_start3A_258 = arith.constant 0 : i32
      %dma_start3A_259 = tpu.memref_slice %arg7[%dma_start3A_257, %dma_start3A_258] : memref<8x128xi32, #tpu.memory_space<vmem>> -> memref<1x128xi32, #tpu.memory_space<vmem>>
      %dma_start3A_260 = tpu.memref_squeeze %dma_start3A_259 : memref<1x128xi32, #tpu.memory_space<vmem>> -> memref<128xi32, #tpu.memory_space<vmem>>
      %dma_start3A_261 = arith.constant 0 : i32
      %dma_start3A_262 = arith.constant 0 : i32
      %dma_start3A_263 = tpu.memref_slice %arg2[%dma_start3A_261, %dma_start3A_262] : memref<10000x128xf32, #tpu.memory_space<hbm>> -> memref<10000x128xf32, #tpu.memory_space<hbm>>
      tpu.enqueue_indirect_dma source(%dma_start3A_263 : memref<10000x128xf32, #tpu.memory_space<hbm>>) target(%arg11 : memref<128x128xf32, #tpu.memory_space<vmem>>) offsets(%dma_start3A_260 : memref<128xi32, #tpu.memory_space<vmem>>) semaphore(%arg16 : memref<!tpu.dma_semaphore, #tpu.memory_space<semaphore_mem>>)
      %dma_wait3A_264 = arith.constant 2 : i32
      %dma_wait3A_265 = arith.constant 0 : i32
      %dma_wait3A_266 = tpu.memref_slice %arg7[%dma_wait3A_264, %dma_wait3A_265] : memref<8x128xi32, #tpu.memory_space<vmem>> -> memref<1x128xi32, #tpu.memory_space<vmem>>
      %dma_wait3A_267 = tpu.memref_squeeze %dma_wait3A_266 : memref<1x128xi32, #tpu.memory_space<vmem>> -> memref<128xi32, #tpu.memory_space<vmem>>
      %dma_wait3A_268 = arith.constant 0 : i32
      %dma_wait3A_269 = arith.constant 0 : i32
      %dma_wait3A_270 = tpu.memref_slice %arg2[%dma_wait3A_268, %dma_wait3A_269] : memref<10000x128xf32, #tpu.memory_space<hbm>> -> memref<10000x128xf32, #tpu.memory_space<hbm>>
      tpu.wait_indirect_dma semaphore(%arg15 : memref<!tpu.dma_semaphore, #tpu.memory_space<semaphore_mem>>) src(%dma_wait3A_270 : memref<10000x128xf32, #tpu.memory_space<hbm>>) dst(%arg10 : memref<128x128xf32, #tpu.memory_space<vmem>>)
      %run_scoped3A_271 = arith.constant 2 : i32
      "tpu.region"() ({
        %run_scoped3A_348 = tpu.sem_alloc : memref<!tpu.dma_semaphore, #tpu.memory_space<semaphore_mem>>
        %dma_start3A_349 = arith.constant 0 : i32
        %dma_start3A_350 = tpu.memref_slice %arg9[%run_scoped3A_271, %dma_start3A_349] : memref<8x128xi32, #tpu.memory_space<vmem>> -> memref<1x128xi32, #tpu.memory_space<vmem>>
        %dma_start3A_351 = tpu.memref_squeeze %dma_start3A_350 : memref<1x128xi32, #tpu.memory_space<vmem>> -> memref<128xi32, #tpu.memory_space<vmem>>
        %dma_start3A_352 = arith.constant 0 : i32
        %dma_start3A_353 = arith.constant 0 : i32
        %dma_start3A_354 = tpu.memref_slice %arg17[%dma_start3A_352, %dma_start3A_353] : memref<10240x128xf32, #tpu.memory_space<vmem_shared>> -> memref<10240x128xf32, #tpu.memory_space<vmem_shared>>
        tpu.enqueue_indirect_dma source(%arg10 : memref<128x128xf32, #tpu.memory_space<vmem>>) target(%dma_start3A_354 : memref<10240x128xf32, #tpu.memory_space<vmem_shared>>) offsets(%dma_start3A_351 : memref<128xi32, #tpu.memory_space<vmem>>) semaphore(%run_scoped3A_348 : memref<!tpu.dma_semaphore, #tpu.memory_space<semaphore_mem>>) {add = true}
        %dma_wait3A_355 = arith.constant 0 : i32
        %dma_wait3A_356 = tpu.memref_slice %arg9[%run_scoped3A_271, %dma_wait3A_355] : memref<8x128xi32, #tpu.memory_space<vmem>> -> memref<1x128xi32, #tpu.memory_space<vmem>>
        %dma_wait3A_357 = tpu.memref_squeeze %dma_wait3A_356 : memref<1x128xi32, #tpu.memory_space<vmem>> -> memref<128xi32, #tpu.memory_space<vmem>>
        %dma_wait3A_358 = arith.constant 0 : i32
        %dma_wait3A_359 = arith.constant 0 : i32
        %dma_wait3A_360 = tpu.memref_slice %arg17[%dma_wait3A_358, %dma_wait3A_359] : memref<10240x128xf32, #tpu.memory_space<vmem_shared>> -> memref<10240x128xf32, #tpu.memory_space<vmem_shared>>
        tpu.wait_indirect_dma semaphore(%run_scoped3A_348 : memref<!tpu.dma_semaphore, #tpu.memory_space<semaphore_mem>>) src(%arg10 : memref<128x128xf32, #tpu.memory_space<vmem>>) dst(%dma_wait3A_360 : memref<10240x128xf32, #tpu.memory_space<vmem_shared>>)
        tpu.yield
      }) : () -> ()
      %dma_start3A_272 = arith.constant 4 : i32
      %dma_start3A_273 = arith.constant 0 : i32
      %dma_start3A_274 = tpu.memref_slice %arg7[%dma_start3A_272, %dma_start3A_273] : memref<8x128xi32, #tpu.memory_space<vmem>> -> memref<1x128xi32, #tpu.memory_space<vmem>>
      %dma_start3A_275 = tpu.memref_squeeze %dma_start3A_274 : memref<1x128xi32, #tpu.memory_space<vmem>> -> memref<128xi32, #tpu.memory_space<vmem>>
      %dma_start3A_276 = arith.constant 0 : i32
      %dma_start3A_277 = arith.constant 0 : i32
      %dma_start3A_278 = tpu.memref_slice %arg2[%dma_start3A_276, %dma_start3A_277] : memref<10000x128xf32, #tpu.memory_space<hbm>> -> memref<10000x128xf32, #tpu.memory_space<hbm>>
      tpu.enqueue_indirect_dma source(%dma_start3A_278 : memref<10000x128xf32, #tpu.memory_space<hbm>>) target(%arg10 : memref<128x128xf32, #tpu.memory_space<vmem>>) offsets(%dma_start3A_275 : memref<128xi32, #tpu.memory_space<vmem>>) semaphore(%arg15 : memref<!tpu.dma_semaphore, #tpu.memory_space<semaphore_mem>>)
      %dma_wait3A_279 = arith.constant 3 : i32
      %dma_wait3A_280 = arith.constant 0 : i32
      %dma_wait3A_281 = tpu.memref_slice %arg7[%dma_wait3A_279, %dma_wait3A_280] : memref<8x128xi32, #tpu.memory_space<vmem>> -> memref<1x128xi32, #tpu.memory_space<vmem>>
      %dma_wait3A_282 = tpu.memref_squeeze %dma_wait3A_281 : memref<1x128xi32, #tpu.memory_space<vmem>> -> memref<128xi32, #tpu.memory_space<vmem>>
      %dma_wait3A_283 = arith.constant 0 : i32
      %dma_wait3A_284 = arith.constant 0 : i32
      %dma_wait3A_285 = tpu.memref_slice %arg2[%dma_wait3A_283, %dma_wait3A_284] : memref<10000x128xf32, #tpu.memory_space<hbm>> -> memref<10000x128xf32, #tpu.memory_space<hbm>>
      tpu.wait_indirect_dma semaphore(%arg16 : memref<!tpu.dma_semaphore, #tpu.memory_space<semaphore_mem>>) src(%dma_wait3A_285 : memref<10000x128xf32, #tpu.memory_space<hbm>>) dst(%arg11 : memref<128x128xf32, #tpu.memory_space<vmem>>)
      %run_scoped3A_286 = arith.constant 3 : i32
      "tpu.region"() ({
        %run_scoped3A_348 = tpu.sem_alloc : memref<!tpu.dma_semaphore, #tpu.memory_space<semaphore_mem>>
        %dma_start3A_349 = arith.constant 0 : i32
        %dma_start3A_350 = tpu.memref_slice %arg9[%run_scoped3A_286, %dma_start3A_349] : memref<8x128xi32, #tpu.memory_space<vmem>> -> memref<1x128xi32, #tpu.memory_space<vmem>>
        %dma_start3A_351 = tpu.memref_squeeze %dma_start3A_350 : memref<1x128xi32, #tpu.memory_space<vmem>> -> memref<128xi32, #tpu.memory_space<vmem>>
        %dma_start3A_352 = arith.constant 0 : i32
        %dma_start3A_353 = arith.constant 0 : i32
        %dma_start3A_354 = tpu.memref_slice %arg17[%dma_start3A_352, %dma_start3A_353] : memref<10240x128xf32, #tpu.memory_space<vmem_shared>> -> memref<10240x128xf32, #tpu.memory_space<vmem_shared>>
        tpu.enqueue_indirect_dma source(%arg11 : memref<128x128xf32, #tpu.memory_space<vmem>>) target(%dma_start3A_354 : memref<10240x128xf32, #tpu.memory_space<vmem_shared>>) offsets(%dma_start3A_351 : memref<128xi32, #tpu.memory_space<vmem>>) semaphore(%run_scoped3A_348 : memref<!tpu.dma_semaphore, #tpu.memory_space<semaphore_mem>>) {add = true}
        %dma_wait3A_355 = arith.constant 0 : i32
        %dma_wait3A_356 = tpu.memref_slice %arg9[%run_scoped3A_286, %dma_wait3A_355] : memref<8x128xi32, #tpu.memory_space<vmem>> -> memref<1x128xi32, #tpu.memory_space<vmem>>
        %dma_wait3A_357 = tpu.memref_squeeze %dma_wait3A_356 : memref<1x128xi32, #tpu.memory_space<vmem>> -> memref<128xi32, #tpu.memory_space<vmem>>
        %dma_wait3A_358 = arith.constant 0 : i32
        %dma_wait3A_359 = arith.constant 0 : i32
        %dma_wait3A_360 = tpu.memref_slice %arg17[%dma_wait3A_358, %dma_wait3A_359] : memref<10240x128xf32, #tpu.memory_space<vmem_shared>> -> memref<10240x128xf32, #tpu.memory_space<vmem_shared>>
        tpu.wait_indirect_dma semaphore(%run_scoped3A_348 : memref<!tpu.dma_semaphore, #tpu.memory_space<semaphore_mem>>) src(%arg11 : memref<128x128xf32, #tpu.memory_space<vmem>>) dst(%dma_wait3A_360 : memref<10240x128xf32, #tpu.memory_space<vmem_shared>>)
        tpu.yield
      }) : () -> ()
      %dma_start3A_287 = arith.constant 5 : i32
      %dma_start3A_288 = arith.constant 0 : i32
      %dma_start3A_289 = tpu.memref_slice %arg7[%dma_start3A_287, %dma_start3A_288] : memref<8x128xi32, #tpu.memory_space<vmem>> -> memref<1x128xi32, #tpu.memory_space<vmem>>
      %dma_start3A_290 = tpu.memref_squeeze %dma_start3A_289 : memref<1x128xi32, #tpu.memory_space<vmem>> -> memref<128xi32, #tpu.memory_space<vmem>>
      %dma_start3A_291 = arith.constant 0 : i32
      %dma_start3A_292 = arith.constant 0 : i32
      %dma_start3A_293 = tpu.memref_slice %arg2[%dma_start3A_291, %dma_start3A_292] : memref<10000x128xf32, #tpu.memory_space<hbm>> -> memref<10000x128xf32, #tpu.memory_space<hbm>>
      tpu.enqueue_indirect_dma source(%dma_start3A_293 : memref<10000x128xf32, #tpu.memory_space<hbm>>) target(%arg11 : memref<128x128xf32, #tpu.memory_space<vmem>>) offsets(%dma_start3A_290 : memref<128xi32, #tpu.memory_space<vmem>>) semaphore(%arg16 : memref<!tpu.dma_semaphore, #tpu.memory_space<semaphore_mem>>)
      %dma_wait3A_294 = arith.constant 4 : i32
      %dma_wait3A_295 = arith.constant 0 : i32
      %dma_wait3A_296 = tpu.memref_slice %arg7[%dma_wait3A_294, %dma_wait3A_295] : memref<8x128xi32, #tpu.memory_space<vmem>> -> memref<1x128xi32, #tpu.memory_space<vmem>>
      %dma_wait3A_297 = tpu.memref_squeeze %dma_wait3A_296 : memref<1x128xi32, #tpu.memory_space<vmem>> -> memref<128xi32, #tpu.memory_space<vmem>>
      %dma_wait3A_298 = arith.constant 0 : i32
      %dma_wait3A_299 = arith.constant 0 : i32
      %dma_wait3A_300 = tpu.memref_slice %arg2[%dma_wait3A_298, %dma_wait3A_299] : memref<10000x128xf32, #tpu.memory_space<hbm>> -> memref<10000x128xf32, #tpu.memory_space<hbm>>
      tpu.wait_indirect_dma semaphore(%arg15 : memref<!tpu.dma_semaphore, #tpu.memory_space<semaphore_mem>>) src(%dma_wait3A_300 : memref<10000x128xf32, #tpu.memory_space<hbm>>) dst(%arg10 : memref<128x128xf32, #tpu.memory_space<vmem>>)
      %run_scoped3A_301 = arith.constant 4 : i32
      "tpu.region"() ({
        %run_scoped3A_348 = tpu.sem_alloc : memref<!tpu.dma_semaphore, #tpu.memory_space<semaphore_mem>>
        %dma_start3A_349 = arith.constant 0 : i32
        %dma_start3A_350 = tpu.memref_slice %arg9[%run_scoped3A_301, %dma_start3A_349] : memref<8x128xi32, #tpu.memory_space<vmem>> -> memref<1x128xi32, #tpu.memory_space<vmem>>
        %dma_start3A_351 = tpu.memref_squeeze %dma_start3A_350 : memref<1x128xi32, #tpu.memory_space<vmem>> -> memref<128xi32, #tpu.memory_space<vmem>>
        %dma_start3A_352 = arith.constant 0 : i32
        %dma_start3A_353 = arith.constant 0 : i32
        %dma_start3A_354 = tpu.memref_slice %arg17[%dma_start3A_352, %dma_start3A_353] : memref<10240x128xf32, #tpu.memory_space<vmem_shared>> -> memref<10240x128xf32, #tpu.memory_space<vmem_shared>>
        tpu.enqueue_indirect_dma source(%arg10 : memref<128x128xf32, #tpu.memory_space<vmem>>) target(%dma_start3A_354 : memref<10240x128xf32, #tpu.memory_space<vmem_shared>>) offsets(%dma_start3A_351 : memref<128xi32, #tpu.memory_space<vmem>>) semaphore(%run_scoped3A_348 : memref<!tpu.dma_semaphore, #tpu.memory_space<semaphore_mem>>) {add = true}
        %dma_wait3A_355 = arith.constant 0 : i32
        %dma_wait3A_356 = tpu.memref_slice %arg9[%run_scoped3A_301, %dma_wait3A_355] : memref<8x128xi32, #tpu.memory_space<vmem>> -> memref<1x128xi32, #tpu.memory_space<vmem>>
        %dma_wait3A_357 = tpu.memref_squeeze %dma_wait3A_356 : memref<1x128xi32, #tpu.memory_space<vmem>> -> memref<128xi32, #tpu.memory_space<vmem>>
        %dma_wait3A_358 = arith.constant 0 : i32
        %dma_wait3A_359 = arith.constant 0 : i32
        %dma_wait3A_360 = tpu.memref_slice %arg17[%dma_wait3A_358, %dma_wait3A_359] : memref<10240x128xf32, #tpu.memory_space<vmem_shared>> -> memref<10240x128xf32, #tpu.memory_space<vmem_shared>>
        tpu.wait_indirect_dma semaphore(%run_scoped3A_348 : memref<!tpu.dma_semaphore, #tpu.memory_space<semaphore_mem>>) src(%arg10 : memref<128x128xf32, #tpu.memory_space<vmem>>) dst(%dma_wait3A_360 : memref<10240x128xf32, #tpu.memory_space<vmem_shared>>)
        tpu.yield
      }) : () -> ()
      %dma_start3A_302 = arith.constant 6 : i32
      %dma_start3A_303 = arith.constant 0 : i32
      %dma_start3A_304 = tpu.memref_slice %arg7[%dma_start3A_302, %dma_start3A_303] : memref<8x128xi32, #tpu.memory_space<vmem>> -> memref<1x128xi32, #tpu.memory_space<vmem>>
      %dma_start3A_305 = tpu.memref_squeeze %dma_start3A_304 : memref<1x128xi32, #tpu.memory_space<vmem>> -> memref<128xi32, #tpu.memory_space<vmem>>
      %dma_start3A_306 = arith.constant 0 : i32
      %dma_start3A_307 = arith.constant 0 : i32
      %dma_start3A_308 = tpu.memref_slice %arg2[%dma_start3A_306, %dma_start3A_307] : memref<10000x128xf32, #tpu.memory_space<hbm>> -> memref<10000x128xf32, #tpu.memory_space<hbm>>
      tpu.enqueue_indirect_dma source(%dma_start3A_308 : memref<10000x128xf32, #tpu.memory_space<hbm>>) target(%arg10 : memref<128x128xf32, #tpu.memory_space<vmem>>) offsets(%dma_start3A_305 : memref<128xi32, #tpu.memory_space<vmem>>) semaphore(%arg15 : memref<!tpu.dma_semaphore, #tpu.memory_space<semaphore_mem>>)
      %dma_wait3A_309 = arith.constant 5 : i32
      %dma_wait3A_310 = arith.constant 0 : i32
      %dma_wait3A_311 = tpu.memref_slice %arg7[%dma_wait3A_309, %dma_wait3A_310] : memref<8x128xi32, #tpu.memory_space<vmem>> -> memref<1x128xi32, #tpu.memory_space<vmem>>
      %dma_wait3A_312 = tpu.memref_squeeze %dma_wait3A_311 : memref<1x128xi32, #tpu.memory_space<vmem>> -> memref<128xi32, #tpu.memory_space<vmem>>
      %dma_wait3A_313 = arith.constant 0 : i32
      %dma_wait3A_314 = arith.constant 0 : i32
      %dma_wait3A_315 = tpu.memref_slice %arg2[%dma_wait3A_313, %dma_wait3A_314] : memref<10000x128xf32, #tpu.memory_space<hbm>> -> memref<10000x128xf32, #tpu.memory_space<hbm>>
      tpu.wait_indirect_dma semaphore(%arg16 : memref<!tpu.dma_semaphore, #tpu.memory_space<semaphore_mem>>) src(%dma_wait3A_315 : memref<10000x128xf32, #tpu.memory_space<hbm>>) dst(%arg11 : memref<128x128xf32, #tpu.memory_space<vmem>>)
      %run_scoped3A_316 = arith.constant 5 : i32
      "tpu.region"() ({
        %run_scoped3A_348 = tpu.sem_alloc : memref<!tpu.dma_semaphore, #tpu.memory_space<semaphore_mem>>
        %dma_start3A_349 = arith.constant 0 : i32
        %dma_start3A_350 = tpu.memref_slice %arg9[%run_scoped3A_316, %dma_start3A_349] : memref<8x128xi32, #tpu.memory_space<vmem>> -> memref<1x128xi32, #tpu.memory_space<vmem>>
        %dma_start3A_351 = tpu.memref_squeeze %dma_start3A_350 : memref<1x128xi32, #tpu.memory_space<vmem>> -> memref<128xi32, #tpu.memory_space<vmem>>
        %dma_start3A_352 = arith.constant 0 : i32
        %dma_start3A_353 = arith.constant 0 : i32
        %dma_start3A_354 = tpu.memref_slice %arg17[%dma_start3A_352, %dma_start3A_353] : memref<10240x128xf32, #tpu.memory_space<vmem_shared>> -> memref<10240x128xf32, #tpu.memory_space<vmem_shared>>
        tpu.enqueue_indirect_dma source(%arg11 : memref<128x128xf32, #tpu.memory_space<vmem>>) target(%dma_start3A_354 : memref<10240x128xf32, #tpu.memory_space<vmem_shared>>) offsets(%dma_start3A_351 : memref<128xi32, #tpu.memory_space<vmem>>) semaphore(%run_scoped3A_348 : memref<!tpu.dma_semaphore, #tpu.memory_space<semaphore_mem>>) {add = true}
        %dma_wait3A_355 = arith.constant 0 : i32
        %dma_wait3A_356 = tpu.memref_slice %arg9[%run_scoped3A_316, %dma_wait3A_355] : memref<8x128xi32, #tpu.memory_space<vmem>> -> memref<1x128xi32, #tpu.memory_space<vmem>>
        %dma_wait3A_357 = tpu.memref_squeeze %dma_wait3A_356 : memref<1x128xi32, #tpu.memory_space<vmem>> -> memref<128xi32, #tpu.memory_space<vmem>>
        %dma_wait3A_358 = arith.constant 0 : i32
        %dma_wait3A_359 = arith.constant 0 : i32
        %dma_wait3A_360 = tpu.memref_slice %arg17[%dma_wait3A_358, %dma_wait3A_359] : memref<10240x128xf32, #tpu.memory_space<vmem_shared>> -> memref<10240x128xf32, #tpu.memory_space<vmem_shared>>
        tpu.wait_indirect_dma semaphore(%run_scoped3A_348 : memref<!tpu.dma_semaphore, #tpu.memory_space<semaphore_mem>>) src(%arg11 : memref<128x128xf32, #tpu.memory_space<vmem>>) dst(%dma_wait3A_360 : memref<10240x128xf32, #tpu.memory_space<vmem_shared>>)
        tpu.yield
      }) : () -> ()
      %dma_start3A_317 = arith.constant 7 : i32
      %dma_start3A_318 = arith.constant 0 : i32
      %dma_start3A_319 = tpu.memref_slice %arg7[%dma_start3A_317, %dma_start3A_318] : memref<8x128xi32, #tpu.memory_space<vmem>> -> memref<1x128xi32, #tpu.memory_space<vmem>>
      %dma_start3A_320 = tpu.memref_squeeze %dma_start3A_319 : memref<1x128xi32, #tpu.memory_space<vmem>> -> memref<128xi32, #tpu.memory_space<vmem>>
      %dma_start3A_321 = arith.constant 0 : i32
      %dma_start3A_322 = arith.constant 0 : i32
      %dma_start3A_323 = tpu.memref_slice %arg2[%dma_start3A_321, %dma_start3A_322] : memref<10000x128xf32, #tpu.memory_space<hbm>> -> memref<10000x128xf32, #tpu.memory_space<hbm>>
      tpu.enqueue_indirect_dma source(%dma_start3A_323 : memref<10000x128xf32, #tpu.memory_space<hbm>>) target(%arg11 : memref<128x128xf32, #tpu.memory_space<vmem>>) offsets(%dma_start3A_320 : memref<128xi32, #tpu.memory_space<vmem>>) semaphore(%arg16 : memref<!tpu.dma_semaphore, #tpu.memory_space<semaphore_mem>>)
      %dma_wait3A_324 = arith.constant 6 : i32
      %dma_wait3A_325 = arith.constant 0 : i32
      %dma_wait3A_326 = tpu.memref_slice %arg7[%dma_wait3A_324, %dma_wait3A_325] : memref<8x128xi32, #tpu.memory_space<vmem>> -> memref<1x128xi32, #tpu.memory_space<vmem>>
      %dma_wait3A_327 = tpu.memref_squeeze %dma_wait3A_326 : memref<1x128xi32, #tpu.memory_space<vmem>> -> memref<128xi32, #tpu.memory_space<vmem>>
      %dma_wait3A_328 = arith.constant 0 : i32
      %dma_wait3A_329 = arith.constant 0 : i32
      %dma_wait3A_330 = tpu.memref_slice %arg2[%dma_wait3A_328, %dma_wait3A_329] : memref<10000x128xf32, #tpu.memory_space<hbm>> -> memref<10000x128xf32, #tpu.memory_space<hbm>>
      tpu.wait_indirect_dma semaphore(%arg15 : memref<!tpu.dma_semaphore, #tpu.memory_space<semaphore_mem>>) src(%dma_wait3A_330 : memref<10000x128xf32, #tpu.memory_space<hbm>>) dst(%arg10 : memref<128x128xf32, #tpu.memory_space<vmem>>)
      %run_scoped3A_331 = arith.constant 6 : i32
      "tpu.region"() ({
        %run_scoped3A_348 = tpu.sem_alloc : memref<!tpu.dma_semaphore, #tpu.memory_space<semaphore_mem>>
        %dma_start3A_349 = arith.constant 0 : i32
        %dma_start3A_350 = tpu.memref_slice %arg9[%run_scoped3A_331, %dma_start3A_349] : memref<8x128xi32, #tpu.memory_space<vmem>> -> memref<1x128xi32, #tpu.memory_space<vmem>>
        %dma_start3A_351 = tpu.memref_squeeze %dma_start3A_350 : memref<1x128xi32, #tpu.memory_space<vmem>> -> memref<128xi32, #tpu.memory_space<vmem>>
        %dma_start3A_352 = arith.constant 0 : i32
        %dma_start3A_353 = arith.constant 0 : i32
        %dma_start3A_354 = tpu.memref_slice %arg17[%dma_start3A_352, %dma_start3A_353] : memref<10240x128xf32, #tpu.memory_space<vmem_shared>> -> memref<10240x128xf32, #tpu.memory_space<vmem_shared>>
        tpu.enqueue_indirect_dma source(%arg10 : memref<128x128xf32, #tpu.memory_space<vmem>>) target(%dma_start3A_354 : memref<10240x128xf32, #tpu.memory_space<vmem_shared>>) offsets(%dma_start3A_351 : memref<128xi32, #tpu.memory_space<vmem>>) semaphore(%run_scoped3A_348 : memref<!tpu.dma_semaphore, #tpu.memory_space<semaphore_mem>>) {add = true}
        %dma_wait3A_355 = arith.constant 0 : i32
        %dma_wait3A_356 = tpu.memref_slice %arg9[%run_scoped3A_331, %dma_wait3A_355] : memref<8x128xi32, #tpu.memory_space<vmem>> -> memref<1x128xi32, #tpu.memory_space<vmem>>
        %dma_wait3A_357 = tpu.memref_squeeze %dma_wait3A_356 : memref<1x128xi32, #tpu.memory_space<vmem>> -> memref<128xi32, #tpu.memory_space<vmem>>
        %dma_wait3A_358 = arith.constant 0 : i32
        %dma_wait3A_359 = arith.constant 0 : i32
        %dma_wait3A_360 = tpu.memref_slice %arg17[%dma_wait3A_358, %dma_wait3A_359] : memref<10240x128xf32, #tpu.memory_space<vmem_shared>> -> memref<10240x128xf32, #tpu.memory_space<vmem_shared>>
        tpu.wait_indirect_dma semaphore(%run_scoped3A_348 : memref<!tpu.dma_semaphore, #tpu.memory_space<semaphore_mem>>) src(%arg10 : memref<128x128xf32, #tpu.memory_space<vmem>>) dst(%dma_wait3A_360 : memref<10240x128xf32, #tpu.memory_space<vmem_shared>>)
        tpu.yield
      }) : () -> ()
      %dma_wait3A_332 = arith.constant 7 : i32
      %dma_wait3A_333 = arith.constant 0 : i32
      %dma_wait3A_334 = tpu.memref_slice %arg7[%dma_wait3A_332, %dma_wait3A_333] : memref<8x128xi32, #tpu.memory_space<vmem>> -> memref<1x128xi32, #tpu.memory_space<vmem>>
      %dma_wait3A_335 = tpu.memref_squeeze %dma_wait3A_334 : memref<1x128xi32, #tpu.memory_space<vmem>> -> memref<128xi32, #tpu.memory_space<vmem>>
      %dma_wait3A_336 = arith.constant 0 : i32
      %dma_wait3A_337 = arith.constant 0 : i32
      %dma_wait3A_338 = tpu.memref_slice %arg2[%dma_wait3A_336, %dma_wait3A_337] : memref<10000x128xf32, #tpu.memory_space<hbm>> -> memref<10000x128xf32, #tpu.memory_space<hbm>>
      tpu.wait_indirect_dma semaphore(%arg16 : memref<!tpu.dma_semaphore, #tpu.memory_space<semaphore_mem>>) src(%dma_wait3A_338 : memref<10000x128xf32, #tpu.memory_space<hbm>>) dst(%arg11 : memref<128x128xf32, #tpu.memory_space<vmem>>)
      %run_scoped3A_339 = arith.constant 7 : i32
      "tpu.region"() ({
        %run_scoped3A_348 = tpu.sem_alloc : memref<!tpu.dma_semaphore, #tpu.memory_space<semaphore_mem>>
        %dma_start3A_349 = arith.constant 0 : i32
        %dma_start3A_350 = tpu.memref_slice %arg9[%run_scoped3A_339, %dma_start3A_349] : memref<8x128xi32, #tpu.memory_space<vmem>> -> memref<1x128xi32, #tpu.memory_space<vmem>>
        %dma_start3A_351 = tpu.memref_squeeze %dma_start3A_350 : memref<1x128xi32, #tpu.memory_space<vmem>> -> memref<128xi32, #tpu.memory_space<vmem>>
        %dma_start3A_352 = arith.constant 0 : i32
        %dma_start3A_353 = arith.constant 0 : i32
        %dma_start3A_354 = tpu.memref_slice %arg17[%dma_start3A_352, %dma_start3A_353] : memref<10240x128xf32, #tpu.memory_space<vmem_shared>> -> memref<10240x128xf32, #tpu.memory_space<vmem_shared>>
        tpu.enqueue_indirect_dma source(%arg11 : memref<128x128xf32, #tpu.memory_space<vmem>>) target(%dma_start3A_354 : memref<10240x128xf32, #tpu.memory_space<vmem_shared>>) offsets(%dma_start3A_351 : memref<128xi32, #tpu.memory_space<vmem>>) semaphore(%run_scoped3A_348 : memref<!tpu.dma_semaphore, #tpu.memory_space<semaphore_mem>>) {add = true}
        %dma_wait3A_355 = arith.constant 0 : i32
        %dma_wait3A_356 = tpu.memref_slice %arg9[%run_scoped3A_339, %dma_wait3A_355] : memref<8x128xi32, #tpu.memory_space<vmem>> -> memref<1x128xi32, #tpu.memory_space<vmem>>
        %dma_wait3A_357 = tpu.memref_squeeze %dma_wait3A_356 : memref<1x128xi32, #tpu.memory_space<vmem>> -> memref<128xi32, #tpu.memory_space<vmem>>
        %dma_wait3A_358 = arith.constant 0 : i32
        %dma_wait3A_359 = arith.constant 0 : i32
        %dma_wait3A_360 = tpu.memref_slice %arg17[%dma_wait3A_358, %dma_wait3A_359] : memref<10240x128xf32, #tpu.memory_space<vmem_shared>> -> memref<10240x128xf32, #tpu.memory_space<vmem_shared>>
        tpu.wait_indirect_dma semaphore(%run_scoped3A_348 : memref<!tpu.dma_semaphore, #tpu.memory_space<semaphore_mem>>) src(%arg11 : memref<128x128xf32, #tpu.memory_space<vmem>>) dst(%dma_wait3A_360 : memref<10240x128xf32, #tpu.memory_space<vmem_shared>>)
        tpu.yield
      }) : () -> ()
      %add3A_340 = arith.constant 2 : i32
      %add3A_341 = arith.addi %add3A_203, %add3A_340 : i32
      %lt3A_342 = arith.constant 10 : i32
      %lt3A_343 = arith.cmpi slt, %add3A_341, %lt3A_342 : i32
      %convert_element_type3A_344 = arith.extui %lt3A_343 : i1 to i32
      %cond3A_345 = arith.constant 0 : i32
      %cond3A_346 = arith.cmpi ne, %convert_element_type3A_344, %cond3A_345 : i32
      scf.if %cond3A_346 {
        %add3A_348 = arith.constant 2 : i32
        %add3A_349 = arith.addi %add3A_203, %add3A_348 : i32
        %mul3A_350 = arith.constant 8 : i32
        %mul3A_351 = arith.muli %add3A_349, %mul3A_350 : i32
        %dma_start3A_352 = arith.constant 0 : i32
        %dma_start3A_353 = tpu.memref_slice %arg3[%add3A, %mul3A_351, %dma_start3A_352] : memref<32x80x128xi32, #tpu.memory_space<hbm>> -> memref<1x8x128xi32, #tpu.memory_space<hbm>>
        %dma_start3A_354 = tpu.memref_squeeze %dma_start3A_353 : memref<1x8x128xi32, #tpu.memory_space<hbm>> -> memref<8x128xi32, #tpu.memory_space<hbm>>
        %dma_start3A_355 = arith.constant 0 : i32
        %dma_start3A_356 = tpu.memref_slice %arg3[%add3A, %mul3A_351, %dma_start3A_355] : memref<32x80x128xi32, #tpu.memory_space<hbm>> -> memref<1x8x128xi32, #tpu.memory_space<hbm>>
        %dma_start3A_357 = tpu.memref_squeeze %dma_start3A_356 : memref<1x8x128xi32, #tpu.memory_space<hbm>> -> memref<8x128xi32, #tpu.memory_space<hbm>>
        tpu.enqueue_dma source(%dma_start3A_357 : memref<8x128xi32, #tpu.memory_space<hbm>>) target(%arg7 : memref<8x128xi32, #tpu.memory_space<vmem>>) target_semaphore(%arg14 : memref<!tpu.dma_semaphore, #tpu.memory_space<semaphore_mem>>)
        %mul3A_358 = arith.constant 8 : i32
        %mul3A_359 = arith.muli %add3A_349, %mul3A_358 : i32
        %dma_start3A_360 = arith.constant 0 : i32
        %dma_start3A_361 = tpu.memref_slice %arg4[%add3A, %mul3A_359, %dma_start3A_360] : memref<32x80x128xi32, #tpu.memory_space<hbm>> -> memref<1x8x128xi32, #tpu.memory_space<hbm>>
        %dma_start3A_362 = tpu.memref_squeeze %dma_start3A_361 : memref<1x8x128xi32, #tpu.memory_space<hbm>> -> memref<8x128xi32, #tpu.memory_space<hbm>>
        %dma_start3A_363 = arith.constant 0 : i32
        %dma_start3A_364 = tpu.memref_slice %arg4[%add3A, %mul3A_359, %dma_start3A_363] : memref<32x80x128xi32, #tpu.memory_space<hbm>> -> memref<1x8x128xi32, #tpu.memory_space<hbm>>
        %dma_start3A_365 = tpu.memref_squeeze %dma_start3A_364 : memref<1x8x128xi32, #tpu.memory_space<hbm>> -> memref<8x128xi32, #tpu.memory_space<hbm>>
        tpu.enqueue_dma source(%dma_start3A_365 : memref<8x128xi32, #tpu.memory_space<hbm>>) target(%arg9 : memref<8x128xi32, #tpu.memory_space<vmem>>) target_semaphore(%arg14 : memref<!tpu.dma_semaphore, #tpu.memory_space<semaphore_mem>>)
      } else {
      }
      %scan3A_347 = arith.constant 0 : i32
      scf.yield %scan3A_347 : i32
    }
    %scan3A_54 = arith.constant 5 : i32
    %barrier3A_55 = arith.constant 0 : index
    tpu.barrier barrier_id(%barrier3A_55)
    "tpu.region"() ({
      %run_scoped3A = tpu.sem_alloc : memref<!tpu.dma_semaphore, #tpu.memory_space<semaphore_mem>>
      %dma_start3A_56 = arith.constant 0 : i32
      %dma_start3A_57 = tpu.memref_slice %arg5[%arg0, %mul3A_7, %dma_start3A_56] : memref<2x10240x128xf32, #tpu.memory_space<hbm>> -> memref<1x640x128xf32, #tpu.memory_space<hbm>>
      %dma_start3A_58 = tpu.memref_squeeze %dma_start3A_57 : memref<1x640x128xf32, #tpu.memory_space<hbm>> -> memref<640x128xf32, #tpu.memory_space<hbm>>
      %dma_start3A_59 = arith.constant 0 : i32
      %dma_start3A_60 = tpu.memref_slice %arg17[%mul3A_7, %dma_start3A_59] : memref<10240x128xf32, #tpu.memory_space<vmem_shared>> -> memref<640x128xf32, #tpu.memory_space<vmem_shared>>
      tpu.enqueue_dma source(%dma_start3A_60 : memref<640x128xf32, #tpu.memory_space<vmem_shared>>) target(%dma_start3A_58 : memref<640x128xf32, #tpu.memory_space<hbm>>) target_semaphore(%run_scoped3A : memref<!tpu.dma_semaphore, #tpu.memory_space<semaphore_mem>>)
      %dma_wait3A = arith.constant 0 : i32
      %dma_wait3A_61 = tpu.memref_slice %arg5[%arg0, %mul3A_7, %dma_wait3A] : memref<2x10240x128xf32, #tpu.memory_space<hbm>> -> memref<1x640x128xf32, #tpu.memory_space<hbm>>
      %dma_wait3A_62 = tpu.memref_squeeze %dma_wait3A_61 : memref<1x640x128xf32, #tpu.memory_space<hbm>> -> memref<640x128xf32, #tpu.memory_space<hbm>>
      %dma_wait3A_63 = arith.constant 0 : i32
      %dma_wait3A_64 = tpu.memref_slice %arg17[%mul3A_7, %dma_wait3A_63] : memref<10240x128xf32, #tpu.memory_space<vmem_shared>> -> memref<640x128xf32, #tpu.memory_space<vmem_shared>>
      tpu.wait_dma2 semaphore(%run_scoped3A : memref<!tpu.dma_semaphore, #tpu.memory_space<semaphore_mem>>) src(%dma_wait3A_64 : memref<640x128xf32, #tpu.memory_space<vmem_shared>>) dst(%dma_wait3A_62 : memref<640x128xf32, #tpu.memory_space<hbm>>)
      tpu.yield
    }) : () -> ()
    return
  }
}

module attributes {stable_mosaic.version = 14 : i64} {
  func.func @_fin_body(%arg0: memref<2x10240x128xf32, #tpu.memory_space<vmem>>, %arg1: memref<10000x128xf32, #tpu.memory_space<vmem>>, %arg2: memref<10000x1xf32, #tpu.memory_space<vmem>>, %arg3: memref<1x128xf32, #tpu.memory_space<vmem>>, %arg4: memref<1x128xf32, #tpu.memory_space<vmem>>, %arg5: memref<1x128xf32, #tpu.memory_space<vmem>>, %arg6: memref<10000x128xf32, #tpu.memory_space<vmem>>) attributes {dimension_semantics = [], scalar_prefetch = 0 : i64, scratch_operands = 0 : i64, tpu.core_type = #tpu.core_type<tc>} {
    %get3A = arith.constant 0 : index
    %get3A_0 = arith.constant 0 : index
    %get3A_1 = arith.constant 0 : index
    %get3A_2 = vector.load %arg0[%get3A, %get3A_0, %get3A_1] : memref<2x10240x128xf32, #tpu.memory_space<vmem>>, vector<1x10240x128xf32>
    %get3A_3 = vector.shape_cast %get3A_2 : vector<1x10240x128xf32> to vector<10240x128xf32>
    %slice3A = vector.extract_strided_slice %get3A_3 {offsets = [0, 0], sizes = [10000, 128], strides = [1, 1]} : vector<10240x128xf32> to vector<10000x128xf32>
    %get3A_4 = arith.constant 1 : index
    %get3A_5 = arith.constant 0 : index
    %get3A_6 = arith.constant 0 : index
    %get3A_7 = vector.load %arg0[%get3A_4, %get3A_5, %get3A_6] : memref<2x10240x128xf32, #tpu.memory_space<vmem>>, vector<1x10240x128xf32>
    %get3A_8 = vector.shape_cast %get3A_7 : vector<1x10240x128xf32> to vector<10240x128xf32>
    %slice3A_9 = vector.extract_strided_slice %get3A_8 {offsets = [0, 0], sizes = [10000, 128], strides = [1, 1]} : vector<10240x128xf32> to vector<10000x128xf32>
    %add3A = arith.addf %slice3A, %slice3A_9 : vector<10000x128xf32>
    %get3A_10 = arith.constant 0 : index
    %get3A_11 = arith.constant 0 : index
    %get3A_12 = vector.load %arg2[%get3A_10, %get3A_11] : memref<10000x1xf32, #tpu.memory_space<vmem>>, vector<10000x1xf32>
    %get3A_13 = arith.constant 0 : index
    %get3A_14 = arith.constant 0 : index
    %get3A_15 = vector.load %arg1[%get3A_13, %get3A_14] : memref<10000x128xf32, #tpu.memory_space<vmem>>, vector<10000x128xf32>
    %add3A_16 = arith.addf %add3A, %get3A_15 : vector<10000x128xf32>
    %mul3A = vector.broadcast %get3A_12 : vector<10000x1xf32> to vector<10000x128xf32>
    %mul3A_17 = arith.mulf %mul3A, %add3A_16 : vector<10000x128xf32>
    %get3A_18 = arith.constant 0 : index
    %get3A_19 = arith.constant 0 : index
    %get3A_20 = vector.load %arg3[%get3A_18, %get3A_19] : memref<1x128xf32, #tpu.memory_space<vmem>>, vector<1x128xf32>
    %add3A_21 = vector.broadcast %get3A_20 : vector<1x128xf32> to vector<10000x128xf32>
    %add3A_22 = arith.addf %mul3A_17, %add3A_21 : vector<10000x128xf32>
    %reduce_sum3A = arith.constant dense<0.000000e+00> : vector<10000xf32>
    %reduce_sum3A_23 = vector.multi_reduction <add>, %add3A_22, %reduce_sum3A [1] : vector<10000x128xf32> to vector<10000xf32>
    %broadcast_in_dim3A = vector.shape_cast %reduce_sum3A_23 : vector<10000xf32> to vector<10000x1xf32>
    %div3A = arith.constant 1.280000e+02 : f32
    %div3A_24 = vector.broadcast %div3A : f32 to vector<10000x1xf32>
    %div3A_25 = arith.divf %broadcast_in_dim3A, %div3A_24 : vector<10000x1xf32>
    %sub3A = vector.broadcast %div3A_25 : vector<10000x1xf32> to vector<10000x128xf32>
    %sub3A_26 = arith.subf %add3A_22, %sub3A : vector<10000x128xf32>
    %mul3A_27 = arith.mulf %sub3A_26, %sub3A_26 : vector<10000x128xf32>
    %reduce_sum3A_28 = arith.constant dense<0.000000e+00> : vector<10000xf32>
    %reduce_sum3A_29 = vector.multi_reduction <add>, %mul3A_27, %reduce_sum3A_28 [1] : vector<10000x128xf32> to vector<10000xf32>
    %broadcast_in_dim3A_30 = vector.shape_cast %reduce_sum3A_29 : vector<10000xf32> to vector<10000x1xf32>
    %div3A_31 = arith.constant 1.280000e+02 : f32
    %div3A_32 = vector.broadcast %div3A_31 : f32 to vector<10000x1xf32>
    %div3A_33 = arith.divf %broadcast_in_dim3A_30, %div3A_32 : vector<10000x1xf32>
    %add3A_34 = arith.constant 9.99999974E-6 : f32
    %add3A_35 = vector.broadcast %add3A_34 : f32 to vector<10000x1xf32>
    %add3A_36 = arith.addf %div3A_33, %add3A_35 : vector<10000x1xf32>
    %rsqrt3A = math.rsqrt %add3A_36 : vector<10000x1xf32>
    %mul3A_37 = vector.broadcast %rsqrt3A : vector<10000x1xf32> to vector<10000x128xf32>
    %mul3A_38 = arith.mulf %sub3A_26, %mul3A_37 : vector<10000x128xf32>
    %get3A_39 = arith.constant 0 : index
    %get3A_40 = arith.constant 0 : index
    %get3A_41 = vector.load %arg4[%get3A_39, %get3A_40] : memref<1x128xf32, #tpu.memory_space<vmem>>, vector<1x128xf32>
    %mul3A_42 = vector.broadcast %get3A_41 : vector<1x128xf32> to vector<10000x128xf32>
    %mul3A_43 = arith.mulf %mul3A_38, %mul3A_42 : vector<10000x128xf32>
    %get3A_44 = arith.constant 0 : index
    %get3A_45 = arith.constant 0 : index
    %get3A_46 = vector.load %arg5[%get3A_44, %get3A_45] : memref<1x128xf32, #tpu.memory_space<vmem>>, vector<1x128xf32>
    %add3A_47 = vector.broadcast %get3A_46 : vector<1x128xf32> to vector<10000x128xf32>
    %add3A_48 = arith.addf %mul3A_43, %add3A_47 : vector<10000x128xf32>
    %swap3A = arith.constant 0 : index
    %swap3A_49 = arith.constant 0 : index
    %swap3A_50 = vector.load %arg6[%swap3A, %swap3A_49] : memref<10000x128xf32, #tpu.memory_space<vmem>>, vector<10000x128xf32>
    tpu.vector_store %arg6[%swap3A, %swap3A_49], %add3A_48 {strides = array<i32>} : memref<10000x128xf32, #tpu.memory_space<vmem>>, vector<10000x128xf32>,
    return
  }
}

module attributes {stable_mosaic.version = 14 : i64} {
  func.func @_mid_body(%arg0: memref<2x10240x128xf32, #tpu.memory_space<vmem>>, %arg1: memref<10000x128xf32, #tpu.memory_space<vmem>>, %arg2: memref<10000x1xf32, #tpu.memory_space<vmem>>, %arg3: memref<1x128xf32, #tpu.memory_space<vmem>>, %arg4: memref<1x128xf32, #tpu.memory_space<vmem>>, %arg5: memref<1x128xf32, #tpu.memory_space<vmem>>, %arg6: memref<128x128xf32, #tpu.memory_space<vmem>>, %arg7: memref<10000x128xf32, #tpu.memory_space<vmem>>) attributes {dimension_semantics = [], scalar_prefetch = 0 : i64, scratch_operands = 0 : i64, tpu.core_type = #tpu.core_type<tc>} {
    %get3A = arith.constant 0 : index
    %get3A_0 = arith.constant 0 : index
    %get3A_1 = arith.constant 0 : index
    %get3A_2 = vector.load %arg0[%get3A, %get3A_0, %get3A_1] : memref<2x10240x128xf32, #tpu.memory_space<vmem>>, vector<1x10240x128xf32>
    %get3A_3 = vector.shape_cast %get3A_2 : vector<1x10240x128xf32> to vector<10240x128xf32>
    %slice3A = vector.extract_strided_slice %get3A_3 {offsets = [0, 0], sizes = [10000, 128], strides = [1, 1]} : vector<10240x128xf32> to vector<10000x128xf32>
    %get3A_4 = arith.constant 1 : index
    %get3A_5 = arith.constant 0 : index
    %get3A_6 = arith.constant 0 : index
    %get3A_7 = vector.load %arg0[%get3A_4, %get3A_5, %get3A_6] : memref<2x10240x128xf32, #tpu.memory_space<vmem>>, vector<1x10240x128xf32>
    %get3A_8 = vector.shape_cast %get3A_7 : vector<1x10240x128xf32> to vector<10240x128xf32>
    %slice3A_9 = vector.extract_strided_slice %get3A_8 {offsets = [0, 0], sizes = [10000, 128], strides = [1, 1]} : vector<10240x128xf32> to vector<10000x128xf32>
    %add3A = arith.addf %slice3A, %slice3A_9 : vector<10000x128xf32>
    %get3A_10 = arith.constant 0 : index
    %get3A_11 = arith.constant 0 : index
    %get3A_12 = vector.load %arg2[%get3A_10, %get3A_11] : memref<10000x1xf32, #tpu.memory_space<vmem>>, vector<10000x1xf32>
    %get3A_13 = arith.constant 0 : index
    %get3A_14 = arith.constant 0 : index
    %get3A_15 = vector.load %arg1[%get3A_13, %get3A_14] : memref<10000x128xf32, #tpu.memory_space<vmem>>, vector<10000x128xf32>
    %add3A_16 = arith.addf %add3A, %get3A_15 : vector<10000x128xf32>
    %mul3A = vector.broadcast %get3A_12 : vector<10000x1xf32> to vector<10000x128xf32>
    %mul3A_17 = arith.mulf %mul3A, %add3A_16 : vector<10000x128xf32>
    %get3A_18 = arith.constant 0 : index
    %get3A_19 = arith.constant 0 : index
    %get3A_20 = vector.load %arg3[%get3A_18, %get3A_19] : memref<1x128xf32, #tpu.memory_space<vmem>>, vector<1x128xf32>
    %add3A_21 = vector.broadcast %get3A_20 : vector<1x128xf32> to vector<10000x128xf32>
    %add3A_22 = arith.addf %mul3A_17, %add3A_21 : vector<10000x128xf32>
    %reduce_sum3A = arith.constant dense<0.000000e+00> : vector<10000xf32>
    %reduce_sum3A_23 = vector.multi_reduction <add>, %add3A_22, %reduce_sum3A [1] : vector<10000x128xf32> to vector<10000xf32>
    %broadcast_in_dim3A = vector.shape_cast %reduce_sum3A_23 : vector<10000xf32> to vector<10000x1xf32>
    %div3A = arith.constant 1.280000e+02 : f32
    %div3A_24 = vector.broadcast %div3A : f32 to vector<10000x1xf32>
    %div3A_25 = arith.divf %broadcast_in_dim3A, %div3A_24 : vector<10000x1xf32>
    %sub3A = vector.broadcast %div3A_25 : vector<10000x1xf32> to vector<10000x128xf32>
    %sub3A_26 = arith.subf %add3A_22, %sub3A : vector<10000x128xf32>
    %mul3A_27 = arith.mulf %sub3A_26, %sub3A_26 : vector<10000x128xf32>
    %reduce_sum3A_28 = arith.constant dense<0.000000e+00> : vector<10000xf32>
    %reduce_sum3A_29 = vector.multi_reduction <add>, %mul3A_27, %reduce_sum3A_28 [1] : vector<10000x128xf32> to vector<10000xf32>
    %broadcast_in_dim3A_30 = vector.shape_cast %reduce_sum3A_29 : vector<10000xf32> to vector<10000x1xf32>
    %div3A_31 = arith.constant 1.280000e+02 : f32
    %div3A_32 = vector.broadcast %div3A_31 : f32 to vector<10000x1xf32>
    %div3A_33 = arith.divf %broadcast_in_dim3A_30, %div3A_32 : vector<10000x1xf32>
    %add3A_34 = arith.constant 9.99999974E-6 : f32
    %add3A_35 = vector.broadcast %add3A_34 : f32 to vector<10000x1xf32>
    %add3A_36 = arith.addf %div3A_33, %add3A_35 : vector<10000x1xf32>
    %rsqrt3A = math.rsqrt %add3A_36 : vector<10000x1xf32>
    %mul3A_37 = vector.broadcast %rsqrt3A : vector<10000x1xf32> to vector<10000x128xf32>
    %mul3A_38 = arith.mulf %sub3A_26, %mul3A_37 : vector<10000x128xf32>
    %get3A_39 = arith.constant 0 : index
    %get3A_40 = arith.constant 0 : index
    %get3A_41 = vector.load %arg4[%get3A_39, %get3A_40] : memref<1x128xf32, #tpu.memory_space<vmem>>, vector<1x128xf32>
    %mul3A_42 = vector.broadcast %get3A_41 : vector<1x128xf32> to vector<10000x128xf32>
    %mul3A_43 = arith.mulf %mul3A_38, %mul3A_42 : vector<10000x128xf32>
    %get3A_44 = arith.constant 0 : index
    %get3A_45 = arith.constant 0 : index
    %get3A_46 = vector.load %arg5[%get3A_44, %get3A_45] : memref<1x128xf32, #tpu.memory_space<vmem>>, vector<1x128xf32>
    %add3A_47 = vector.broadcast %get3A_46 : vector<1x128xf32> to vector<10000x128xf32>
    %add3A_48 = arith.addf %mul3A_43, %add3A_47 : vector<10000x128xf32>
    %max3A = arith.constant 0.000000e+00 : f32
    %max3A_49 = vector.broadcast %max3A : f32 to vector<10000x128xf32>
    %max3A_50 = arith.maximumf %add3A_48, %max3A_49 : vector<10000x128xf32>
    %get3A_51 = arith.constant 0 : index
    %get3A_52 = arith.constant 0 : index
    %get3A_53 = vector.load %arg6[%get3A_51, %get3A_52] : memref<128x128xf32, #tpu.memory_space<vmem>>, vector<128x128xf32>
    %dot_general3A = arith.constant dense<0.000000e+00> : vector<10000x128xf32>
    %dot_general3A_54 = tpu.matmul %max3A_50, %get3A_53, %dot_general3A {dimension_numbers = #tpu.dot_dimension_numbers<[1], [0], [0], [1], [0, 0, 1, 1], [], []>, transpose_lhs_hint = false} : vector<10000x128xf32>, vector<128x128xf32>, vector<10000x128xf32> -> vector<10000x128xf32>
    %get3A_55 = arith.constant 0 : index
    %get3A_56 = arith.constant 0 : index
    %get3A_57 = vector.load %arg2[%get3A_55, %get3A_56] : memref<10000x1xf32, #tpu.memory_space<vmem>>, vector<10000x1xf32>
    %mul3A_58 = vector.broadcast %get3A_57 : vector<10000x1xf32> to vector<10000x128xf32>
    %mul3A_59 = arith.mulf %dot_general3A_54, %mul3A_58 : vector<10000x128xf32>
    %swap3A = arith.constant 0 : index
    %swap3A_60 = arith.constant 0 : index
    %swap3A_61 = vector.load %arg7[%swap3A, %swap3A_60] : memref<10000x128xf32, #tpu.memory_space<vmem>>, vector<10000x128xf32>
    tpu.vector_store %arg7[%swap3A, %swap3A_60], %mul3A_59 {strides = array<i32>} : memref<10000x128xf32, #tpu.memory_space<vmem>>, vector<10000x128xf32>,
    return
  }
}

module attributes {stable_mosaic.version = 14 : i64} {
  func.func @_pre_body(%arg0: memref<10000x128xf32, #tpu.memory_space<vmem>>, %arg1: memref<128x128xf32, #tpu.memory_space<vmem>>, %arg2: memref<2x10240x128xf32, #tpu.memory_space<vmem>>, %arg3: memref<10000x128xf32, #tpu.memory_space<vmem>>, %arg4: memref<10000x1xf32, #tpu.memory_space<vmem>>) attributes {dimension_semantics = [], scalar_prefetch = 0 : i64, scratch_operands = 0 : i64, tpu.core_type = #tpu.core_type<tc>} {
    %get3A = arith.constant 0 : index
    %get3A_0 = arith.constant 0 : index
    %get3A_1 = arith.constant 0 : index
    %get3A_2 = vector.load %arg2[%get3A, %get3A_0, %get3A_1] : memref<2x10240x128xf32, #tpu.memory_space<vmem>>, vector<1x10240x128xf32>
    %get3A_3 = vector.shape_cast %get3A_2 : vector<1x10240x128xf32> to vector<10240x128xf32>
    %slice3A = vector.extract_strided_slice %get3A_3 {offsets = [0, 0], sizes = [10000, 1], strides = [1, 1]} : vector<10240x128xf32> to vector<10000x1xf32>
    %get3A_4 = arith.constant 1 : index
    %get3A_5 = arith.constant 0 : index
    %get3A_6 = arith.constant 0 : index
    %get3A_7 = vector.load %arg2[%get3A_4, %get3A_5, %get3A_6] : memref<2x10240x128xf32, #tpu.memory_space<vmem>>, vector<1x10240x128xf32>
    %get3A_8 = vector.shape_cast %get3A_7 : vector<1x10240x128xf32> to vector<10240x128xf32>
    %slice3A_9 = vector.extract_strided_slice %get3A_8 {offsets = [0, 0], sizes = [10000, 1], strides = [1, 1]} : vector<10240x128xf32> to vector<10000x1xf32>
    %add3A = arith.addf %slice3A, %slice3A_9 : vector<10000x1xf32>
    %add3A_10 = arith.constant 1.000000e+00 : f32
    %add3A_11 = vector.broadcast %add3A_10 : f32 to vector<10000x1xf32>
    %add3A_12 = arith.addf %add3A, %add3A_11 : vector<10000x1xf32>
    %rsqrt3A = math.rsqrt %add3A_12 : vector<10000x1xf32>
    %get3A_13 = arith.constant 0 : index
    %get3A_14 = arith.constant 0 : index
    %get3A_15 = vector.load %arg0[%get3A_13, %get3A_14] : memref<10000x128xf32, #tpu.memory_space<vmem>>, vector<10000x128xf32>
    %get3A_16 = arith.constant 0 : index
    %get3A_17 = arith.constant 0 : index
    %get3A_18 = vector.load %arg1[%get3A_16, %get3A_17] : memref<128x128xf32, #tpu.memory_space<vmem>>, vector<128x128xf32>
    %dot_general3A = arith.constant dense<0.000000e+00> : vector<10000x128xf32>
    %dot_general3A_19 = tpu.matmul %get3A_15, %get3A_18, %dot_general3A {dimension_numbers = #tpu.dot_dimension_numbers<[1], [0], [0], [1], [0, 0, 1, 1], [], []>, transpose_lhs_hint = false} : vector<10000x128xf32>, vector<128x128xf32>, vector<10000x128xf32> -> vector<10000x128xf32>
    %mul3A = vector.broadcast %rsqrt3A : vector<10000x1xf32> to vector<10000x128xf32>
    %mul3A_20 = arith.mulf %dot_general3A_19, %mul3A : vector<10000x128xf32>
    %swap3A = arith.constant 0 : index
    %swap3A_21 = arith.constant 0 : index
    %swap3A_22 = vector.load %arg3[%swap3A, %swap3A_21] : memref<10000x128xf32, #tpu.memory_space<vmem>>, vector<10000x128xf32>
    tpu.vector_store %arg3[%swap3A, %swap3A_21], %mul3A_20 {strides = array<i32>} : memref<10000x128xf32, #tpu.memory_space<vmem>>, vector<10000x128xf32>,
    %swap3A_23 = arith.constant 0 : index
    %swap3A_24 = arith.constant 0 : index
    %swap3A_25 = vector.load %arg4[%swap3A_23, %swap3A_24] : memref<10000x1xf32, #tpu.memory_space<vmem>>, vector<10000x1xf32>
    tpu.vector_store %arg4[%swap3A_23, %swap3A_24], %rsqrt3A {strides = array<i32>} : memref<10000x1xf32, #tpu.memory_space<vmem>>, vector<10000x1xf32>,
    return
  }
}

</mosaic_0001>

<sc_bundles>
// kernel: kernel.10.cloned.1.call-start
scs
__scs_entry_jumppad:
0x0: {  	(pc) =	sbr.rel $0x88, $3  }
0x1: {  	(tag) =	ssettag $0x0;
	lr =	simm.s32 $0x1  }
0x2: {  	[smem:$0x3F93] =	sst lr;
	_ =	strace $0xD0000000  }
0x3: {  	_ = 	snop  }
0x4: {  	_ = 	snop  }
0x5: {  	_ = 	snop  }
0x6: {  	_ = 	snop  }
0x7: {  	_ = 	snop  }
__scs_overlays_trampoline_lowered:
0x8: {  	[smem:$0x3FA2] =	sst s0  }
0x9: {  	[smem:$0x3FA3] =	sst s1  }
0xa: {  	[smem:$0x3FA4] =	sst s2  }
0xb: {  	[smem:$0x3FA5] =	sst s3  }
0xc: {  	[smem:$0x3FA6] =	sst s4  }
0xd: {  	[smem:$0x3FA7] =	sst s5  }
0xe: {  	[smem:$0x3FA8] =	sst s6  }
0xf: {  	[smem:$0x3FA9] =	sst s7  }
0x10: {  	[smem:$0x3FAA] =	sst s8  }
0x11: {  	[smem:$0x3FAB] =	sst s9;
	s0 =	simm.s32 @!p0 $0x0  }
0x12: {  	s1 =	sld [smem:$0x3F91];
	s0 =	simm.s32 @p0 $0x1  }
0x13: {  	[smem:$0x3FAC] =	sst s0;
	s0 =	simm.s32 @!p1 $0x0  }
0x14: {  	s2 =	sld [smem:$0x3F90];
	s0 =	simm.s32 @p1 $0x1  }
0x15: {  	[smem:$0x3FAD] =	sst s0;
	s0 =	simm.s32 @!p2 $0x0  }
0x16: {  	s3 =	sld [smem:$0x3FDB];
	s0 =	simm.s32 @p2 $0x1  }
0x17: {  	s4 =	simm.s32 $0x1BF5;
	[smem:$0x3FAF] =	sst s0  }
0x18: {  	s0 =	sld [smem:$0x3F92];
	_ =	swait.ge [sflag:s4], $0x0  }
0x19: {  	s7 =	sld [smem:$0x3F93]  }
0x1a: {  	s8 =	sadd.s32 $0xFFFFE003, lr  }
0x1b: {  	s9 =	sadd.s32 $0xFFFFFEF7, lr;
	s5 =	simm.s32 $0xFFFFFFFF;
	p2 =	slt.u32 s8, $0xFFFFF086  }
0x1c: {  	p1 =	slt.u32 s9, $0xF7A;
	s5 =	simm.s32 @!p2 $0x0  }
0x1d: {  	s5 =	simm.s32 @p1 $0x1;
	p0 =	seq.s32 s7, s2  }
0x1e: {  	s7 =	smul.u32 @!p0 $0xF7A, s2;
	p2 =	seq.s32 @!p0 s5, $0x0  }
0x1f: {  	s9 =	smul.u32 $0xF7A, s1;
	s8 =	simm.s32 @!p0 $0x1BF5;
	p2 =	por !p2, p0  }
0x20: {  	[sflag:s8] =	ssyncset.s32 @!p0 $0xFFFFF086;
	s6 =	sadd.s32 @!p0 s3, s7;
	s7 =	simm.s32 @!p0 $0x108  }
0x21: {  	s3 =	sadd.s32 s3, s9;
	s6 =	sadd.s32 @!p0 $0x88, s6;
	s7 =	simm.s32 @p2 $0x1082  }
0x22: {  	[simem:s7], [sflag:s8] =	dma.local @!p0 [hbm:s6], $0xF7A  }
0x23: {  	s9 =	sor.u32 $0xD0000000, s2;
	s6 =	simm.s32 $0x108;
	_ =	swait.ge @!p0 [sflag:s8], $0x0  }
0x24: {  	s3 =	sadd.s32 $0x88, s3;
	s6 =	simm.s32 @!p1 $0x1082;
	[sflag:s4] =	ssyncset.s32 $0xFFFFF086  }
0x25: {  	[simem:s6], [sflag:s4] =	dma.local [hbm:s3], $0xF7A  }
0x26: {  	[smem:$0x3F93] =	sst s1;
	(tag) =	ssettag s2;
	_ =	strace s9  }
0x27: {  	s1 =	sld [smem:$0x3FA3]  }
0x28: {  	s2 =	sld [smem:$0x3FA4]  }
0x29: {  	s4 =	sld [smem:$0x3FA6]  }
0x2a: {  	p0 =	seq.s32 s5, $0x0;
	s5 =	sld [smem:$0x3FA7]  }
0x2b: {  	s6 =	sld [smem:$0x3FA8]  }
0x2c: {  	s7 =	sld [smem:$0x3FA9]  }
0x2d: {  	s3 =	simm.s32 $0x108;
	s8 =	sld [smem:$0x3FAA]  }
0x2e: {  	s3 =	simm.s32 @!p0 $0x1082;
	s9 =	sld [smem:$0x3FAB]  }
0x2f: {  	lr =	sadd.s32 s0, s3;
	s0 =	sld [smem:$0x3FA2]  }
0x30: {  	s3 =	sld [smem:$0x3FA5]  }
0x31: {  	[smem:$0x3FAE] =	sst s10  }
0x32: {  	s10 =	sld [smem:$0x3FAC];
	_ =	sdelay $0x3  }
0x33: {  	p0 =	seq.s32 s10, $0x1;
	s10 =	sld [smem:$0x3FAE];
	_ =	sdelay $0x3  }
0x34: {  	[smem:$0x3FAE] =	sst s10  }
0x35: {  	s10 =	sld [smem:$0x3FAD];
	_ =	sdelay $0x3  }
0x36: {  	p1 =	seq.s32 s10, $0x1;
	s10 =	sld [smem:$0x3FAE];
	_ =	sdelay $0x3  }
0x37: {  	[smem:$0x3FAE] =	sst s10  }
0x38: {  	s10 =	sld [smem:$0x3FAF]  }
0x39: {  	_ = 	snop;
	(pc) =	sbr.ind lr, $3  }
0x3a: {  	_ = 	snop  }
0x3b: {  	_ = 	snop  }
0x3c: {  	p2 =	seq.s32 s10, $0x1;
	s10 =	sld [smem:$0x3FAE]  }
0x3d: {  	_ =	shalt  }
0x3e: {  	_ =	shalt  }
0x3f: {  	_ =	shalt  }
0x40: {  	_ =	shalt  }
0x41: {  	_ =	shalt  }
0x42: {  	_ =	shalt  }
0x43: {  	_ =	shalt  }
0x44: {  	_ =	shalt  }
0x45: {  	_ =	shalt  }
0x46: {  	_ =	shalt  }
0x47: {  	_ =	shalt  }
0x48: {  	_ =	shalt  }
0x49: {  	_ =	shalt  }
0x4a: {  	_ =	shalt  }
0x4b: {  	_ =	shalt  }
0x4c: {  	_ =	shalt  }
0x4d: {  	_ =	shalt  }
0x4e: {  	_ =	shalt  }
0x4f: {  	_ =	shalt  }
0x50: {  	_ =	shalt  }
0x51: {  	_ =	shalt  }
0x52: {  	_ =	shalt  }
0x53: {  	_ =	shalt  }
0x54: {  	_ =	shalt  }
0x55: {  	_ =	shalt  }
0x56: {  	_ =	shalt  }
0x57: {  	_ =	shalt  }
0x58: {  	_ =	shalt  }
0x59: {  	_ =	shalt  }
0x5a: {  	_ =	shalt  }
0x5b: {  	_ =	shalt  }
0x5c: {  	_ =	shalt  }
0x5d: {  	_ =	shalt  }
0x5e: {  	_ =	shalt  }
0x5f: {  	_ =	shalt  }
0x60: {  	_ =	shalt  }
0x61: {  	_ =	shalt  }
0x62: {  	_ =	shalt  }
0x63: {  	_ =	shalt  }
0x64: {  	_ =	shalt  }
0x65: {  	_ =	shalt  }
0x66: {  	_ =	shalt  }
0x67: {  	_ =	shalt  }
0x68: {  	_ =	shalt  }
0x69: {  	_ =	shalt  }
0x6a: {  	_ =	shalt  }
0x6b: {  	_ =	shalt  }
0x6c: {  	_ =	shalt  }
0x6d: {  	_ =	shalt  }
0x6e: {  	_ =	shalt  }
0x6f: {  	_ =	shalt  }
0x70: {  	_ =	shalt  }
0x71: {  	_ =	shalt  }
0x72: {  	_ =	shalt  }
0x73: {  	_ =	shalt  }
0x74: {  	_ =	shalt  }
0x75: {  	_ =	shalt  }
0x76: {  	_ =	shalt  }
0x77: {  	_ =	shalt  }
0x78: {  	_ =	shalt  }
0x79: {  	_ =	shalt  }
0x7a: {  	_ =	shalt  }
0x7b: {  	_ =	shalt  }
0x7c: {  	_ =	shalt  }
0x7d: {  	_ =	shalt  }
0x7e: {  	_ =	shalt  }
0x7f: {  	_ =	shalt  }
0x80: {  	_ =	shalt  }
0x81: {  	_ =	shalt  }
0x82: {  	_ =	shalt  }
0x83: {  	_ =	shalt  }
0x84: {  	_ =	shalt  }
0x85: {  	_ =	shalt  }
0x86: {  	_ =	shalt  }
0x87: {  	_ =	shalt  }
.Lfunc_end0:
.L_simem_size_0:
called_computation_lowered:
.L_overlay_start_0:
0x88: {  	s2 =	sld [smem:$0x3FD9]  }
0x89: {  	s3 =	sld [smem:$0x3FFE];
	_ =	sdelay $0x1  }
0x8a: {  	s1 =	srdreg.scid  }
0x8b: {  	s0 =	sand.u32 $0x1, s1  }
0x8c: {  	s16 =	sshll.u32 s0, $0xA;
	s2 =	sadd.s32 s3, s2  }
0x8d: {  	s2 =	sadd.s32 s2, s16  }
0x8e: {  	[smem:$0x3FBA] =	sst s2  }
0x8f: {  	_ = 	snop  }
0x90: {  	(tm) =	ssettm $0x1  }
0x91: {  	s17 =	sld [smem:$0x3FFB];
	_ =	sdelay $0x3  }
0x92: {  	_ =	strace s17  }
0x93: {  	s2 =	sld [smem:$0x3FFC];
	_ =	sdelay $0x3  }
0x94: {  	_ =	strace s2  }
0x95: {  	s2 =	sld [smem:$0x3FFD];
	_ =	sdelay $0x3  }
0x96: {  	_ =	strace s2  }
0x97: {  	_ =	strace $0x8FFFFFFF  }
0x98: {  	s18 =	sld [smem:$0x3FDB];
	_ =	sdelay $0x1  }
0x99: {  	s19 =	simm.s32 $_scs_section_size  }
0x9a: {  	s4 =	simm.s32 $_size__tile_overlayer_lowered;
	s5 =	simm.s32 $_tile_overlayer_lowered  }
0x9b: {  	s22 =	simm.s32 $0x1BFF;
	s21 =	sshll.u32 s5, $0x1;
	s2 =	sadd.s32 s19, s18  }
0x9c: {  	s6 =	simm.s32 $0x0;
	s20 =	sshll.u32 s4, $0x1;
	s4 =	sadd.s32 s21, s2  }
0x9d: {  	[timem:s6], [sflag:s22] =	dma.local [hbm:s4], s20  }
0x9e: {  	_ =	swait.ge [sflag:s22], s20  }
0x9f: {  	s3 =	ssub.s32 $0x0, s20;
	[sflag:s22] =	ssyncset.done $0x0  }
0xa0: {  	[sflag:s22] =	ssyncadd.s32 s3;
	_ =	sdelay $0x1  }
0xa1: {  	s23 =	simm.s32 $0x1B8B  }
0xa2: {  	_ =	swait.ge [sflag:s23], $0x1  }
0xa3: {  	[sflag:s23] =	ssyncset.done $0x0  }
0xa4: {  	s25 =	simm.s32 $0x1B8E;
	s24 =	sld [smem:$0x3FFE];
	[sflag:s23] =	ssyncadd.s32 $0xFFFFFFFF  }
0xa5: {  	s26 =	simm.s32 $execute0_lowered;
	[smem:$0x3FD2] =	sst s25  }
0xa6: {  	s4 =	sshll.u32 s26, $0x1;
	_ =	strace $0x80000046;
	[dreg:$0x1] =	wrdreg $0xFFFFFFFF  }
0xa7: {  	s28 =	simm.s32 $_size_execute0_lowered;
	s2 =	sadd.s32 s2, s4;
	[dreg:$0x0] =	wrdreg $0x0  }
0xa8: {  	s4 =	sshll.u32 s28, $0x1;
	[dreg:$0x2] =	wrdreg s2  }
0xa9: {  	[dreg:$0x3] =	wrdreg s4  }
0xaa: {  	[dreg:$0x4] =	wrdreg $0xC0  }
0xab: {  	_ =	task [dreg:s6], $0x5FFFF  }
0xac: {  	[dreg:$0x1] =	wrdreg $0xFFFFFFFF  }
0xad: {  	[dreg:$0x0] =	wrdreg $0x60  }
0xae: {  	[dreg:$0x2] =	wrdreg s24  }
0xaf: {  	[dreg:$0x3] =	wrdreg $0x70000  }
0xb0: {  	[dreg:$0x4] =	wrdreg $0x9  }
0xb1: {  	_ =	task.clear_ibuf [dreg:s6], $0x5FFFF;
	_ =	strace $0x90000046  }
0xb2: {  	s29 =	simm.s32 $0x9;
	_ =	strace $0x80000048  }
0xb3: {  	_ =	swait.ge [sflag:s29], $0x1  }
0xb4: {  	[sflag:s29] =	ssyncadd.s32 $0xFFFFFFFF  }
0xb5: {  	_ =	strace $0x90000048  }
0xb6: {  	_ =	sfence  }
0xb7: {  	s30 =	sld [smem:$0x0];
	_ =	sdelay $0x2  }
0xb8: {  	s31 =	sshll.u32 s1, $0xD;
	s1 =	sshrl.u32 s1, $0x2  }
0xb9: {  	s3 =	sand.u32 $0x4000, s31;
	s1 =	sadd.s32 s1, s30  }
0xba: {  	s0 =	sor.u32 s3, s0;
	s1 =	sshll.u32 s1, $0x11  }
0xbb: {  	s0 =	sor.u32 s1, s0  }
0xbc: {  	s0 =	sadd.s32 $0x8F2B, s0  }
0xbd: {  	[sflag:s0] =	ssyncadd.remote.s32 $0x1  }
0xbe: {  	_ =	sfence.sel $0xFFFF  }
0xbf: {  	[dreg:$0x0] =	wrdreg $0xFFFFFFFF;
	(pc) =	sbr.abs _section_cstart, $3  }
0xc0: {  	[dreg:$0x1] =	wrdreg $0xFFFFFFFF  }
0xc1: {  	_ =	task.clear_ibuf [dreg:s6], $0x2FFFF;
	_ =	strace $0x9FFFFFFF  }
0xc2: {  	(tm) =	ssettm $0x7FFFFFFF  }
0xc3: {  	_ =	shalt  }
tec
execute0_lowered:
.L_overlay_start_1:
0x0: {  	(tag) =	ssettag $0x1  }
0x1: {  	s4 =	rddreg [dreg:$0x0]  }
0x2: {  	s1 =	rddreg [dreg:$0x1]  }
0x3: {  	s2 =	srdreg.scid;
	s0 =	rddreg [dreg:$0x2];
	s3 =	simm.s32 $0x0  }
0x4: {  	s10 =	simm.s32 $0x80;
	s11 =	simm.s32 $0x2800;
	s5 =	sand.u32 $0x1, s2  }
0x5: {  	s14 =	simm.s32 $0x0;
	s2 =	stileid.u32;
	s7 =	smul.u32 $0x140000, s5  }
0x6: {  	[smem:$0x7FF] =	sst s3;
	s6 =	sshll.u32 s5, $0x4;
	s8 =	smul.u32 $0x14000, s2  }
0x7: {  	_ =	strace $0x80000047;
	s5 =	ssub.s32 $0x2, s5;
	s30 =	smul.u32 $0x50000, s2  }
0x8: {  	s12 =	sshll.u32 s2, $0x6;
	s6 =	sor.u32 s2, s6;
	s9 =	sshrl.u32 s5, $0x1  }
0x9: {  	s12 =	sor.u32 $0x1C01, s12;
	s6 =	smul.u32 $0x500, s6;
	s7 =	sadd.s32 s8, s7  }
0xa: {  	s9 =	ssub.s32 s5, s9;
	s31 =	sshrl.u32 s30, $0x2;
	s8 =	simm.s32 $0x1  }
0xb: {  	s7 =	sshrl.u32 s7, $0x3;
	s5 =	sadd.s32 s31, s1;
	s6 =	sadd.s32 s6, s4  }
0xc: {  	s7 =	sadd.s32 s7, s4;
	s13 =	sshrl.u32 s5, $0x3;
	s4 =	sadd.s32 $0x4000, s6  }
0xd: {  	v0 =	vimm.f32 $1.000000000e+00;
	v1 =	vimm.f32 $0.0e+00;
	s6 =	sadd.s32 $0x18000, s7;
	s7 =	smax.u32 s9, $0x1;
	s9 =	simm.s32 $0x6800  }
.LBB2_1:
0xe: {  	[tilespmem:s3], [sflag:$0x1] =	stream.linear.gather [hbm4b:s4+s3], $0x2800, $0x38;
	[tilespmem:$0x1B000] =	vst v63  }
0xf: {  	_ =	swait.ge [sflag:s8], $0x2800  }
0x10: {  	[sflag:s8] =	ssyncset.done $0x0  }
0x11: {  	s15 =	simm.s32 $0x0;
	s16 =	simm.s32 $0x200;
	[sflag:s8] =	ssyncadd.s32 $0xFFFFD800  }
.LBB2_2:
0x12: {  	p0 =	sne.s32 s16, $0xFE00;
	[tilespmem:s15+$0x2870] =	vst v0  }
0x13: {  	[tilespmem:s15+$0x2800] =	vst v0  }
0x14: {  	[tilespmem:s15+$0x2810] =	vst v0  }
.Ltmp0:
0x15: {  	[tilespmem:s15+$0x2820] =	vst v0;
	(pc) =	sbr.rel @p0 .LBB2_2-.Ltmp0, $4  }
0x16: {  	[tilespmem:s15+$0x2830] =	vst v0  }
0x17: {  	[tilespmem:s15+$0x2840] =	vst v0  }
0x18: {  	[tilespmem:s15+$0x2850] =	vst v0  }
0x19: {  	[tilespmem:s15+$0x2860] =	vst v0;
	s15 =	sshra.s32 s16, $0x2;
	s16 =	sadd.s32 $0x200, s16  }
0x1a: {  	[tilespmem:s15+$0x2870] =	vst v0  }
0x1b: {  	[tilespmem:s15+$0x2800] =	vst v0  }
0x1c: {  	[tilespmem:s15+$0x2810] =	vst v0  }
0x1d: {  	[tilespmem:s15+$0x2820] =	vst v0  }
0x1e: {  	[tilespmem:s15+$0x2830] =	vst v0  }
0x1f: {  	[tilespmem:s15+$0x2840] =	vst v0  }
0x20: {  	[tilespmem:s15+$0x2850] =	vst v0  }
0x21: {  	[tilespmem:s15+$0x2860] =	vst v0;
	s15 =	simm.s32 $0x0;
	s16 =	simm.s32 $0x200  }
.LBB2_4:
0x22: {  	p0 =	sne.s32 s16, $0x1E00;
	[tilespmem:s15+$0x6870] =	vst v1  }
0x23: {  	[tilespmem:s15+$0x6800] =	vst v1  }
0x24: {  	[tilespmem:s15+$0x6810] =	vst v1  }
.Ltmp1:
0x25: {  	[tilespmem:s15+$0x6820] =	vst v1;
	(pc) =	sbr.rel @p0 .LBB2_4-.Ltmp1, $4  }
0x26: {  	[tilespmem:s15+$0x6830] =	vst v1  }
0x27: {  	[tilespmem:s15+$0x6840] =	vst v1  }
0x28: {  	[tilespmem:s15+$0x6850] =	vst v1  }
0x29: {  	[tilespmem:s15+$0x6860] =	vst v1;
	s15 =	sshra.s32 s16, $0x2;
	s16 =	sadd.s32 $0x200, s16  }
0x2a: {  	[tilespmem:s15+$0x6870] =	vst v1  }
0x2b: {  	[tilespmem:s15+$0x6800] =	vst v1  }
0x2c: {  	[tilespmem:s15+$0x6810] =	vst v1  }
0x2d: {  	[tilespmem:s15+$0x6820] =	vst v1  }
0x2e: {  	[tilespmem:s15+$0x6830] =	vst v1  }
0x2f: {  	[tilespmem:s15+$0x6840] =	vst v1  }
0x30: {  	[tilespmem:s15+$0x6850] =	vst v1  }
0x31: {  	[tilespmem:s15+$0x6860] =	vst v1;
	s31 =	sadd.s32 $0x0, s5  }
0x32: {  	[spmem:s31] =	stream.linear.scatter [tilespmem:s9], [sflag:$0x1], $0x800, $0x38;
	[tilespmem:$0x1B000] =	vst v63  }
0x33: {  	s15 =	simm.s32 $0x2000;
	_ =	swait.ge [sflag:s8], $0x800  }
.LBB2_6:
0x34: {  	s16 =	sshra.s32 s15, $0x2;
	[sflag:s8] =	ssyncset.done $0x0;
	p0 =	sne.s32 s15, $0x4E000  }
.Ltmp2:
0x35: {  	s16 =	sadd.s32 s16, s5;
	[sflag:s8] =	ssyncadd.s32 $0xFFFFF800;
	(pc) =	sbr.rel @p0 .LBB2_6-.Ltmp2, $3  }
0x36: {  	[spmem:s16] =	stream.linear.scatter [tilespmem:s9], [sflag:$0x1], $0x800, $0x38;
	[tilespmem:$0x1B000] =	vst v63  }
0x37: {  	s15 =	sadd.s32 $0x2000, s15;
	_ =	sdelay $0x1  }
0x38: {  	_ =	swait.ge [sflag:s8], $0x800  }
0x39: {  	[sflag:s8] =	ssyncset.done $0x0  }
0x3a: {  	[sflag:s8] =	ssyncadd.s32 $0xFFFFF800  }
0x3b: {  	s15 =	simm.s32 $0x0;
	[bflag:$0x0] =	sbarrier.arrive $0xFFFF  }
0x3c: {  	[spmem:s1] =	stream.indirect.scatter.add.f32 [tilespmem:s11], [sflag:$0x1], $0x80, s15, s10, $0xb8;
	[tilespmem:$0x1B000] =	vst v63  }
0x3d: {  	_ =	swait.ge [sflag:s8], $0x4000  }
0x3e: {  	s15 =	simm.s32 $0x200;
	[sflag:s8] =	ssyncset.done $0x0  }
.LBB2_8:
0x3f: {  	s16 =	sshra.s32 s15, $0x2;
	[sflag:s8] =	ssyncadd.s32 $0xFFFFC000;
	p0 =	sne.s32 s15, $0x9E00  }
0x40: {  	[spmem:s1] =	stream.indirect.scatter.add.f32 [tilespmem:s11], [sflag:$0x1], $0x80, s16, s10, $0xb8;
	[tilespmem:$0x1B000] =	vst v63  }
.Ltmp3:
0x41: {  	_ = 	snop;
	(pc) =	sbr.rel @p0 .LBB2_8-.Ltmp3, $4  }
0x42: {  	_ = 	snop  }
0x43: {  	s15 =	sadd.s32 $0x200, s15  }
0x44: {  	_ =	swait.ge [sflag:s8], $0x4000  }
0x45: {  	[sflag:s8] =	ssyncset.done $0x0  }
0x46: {  	s14 =	sadd.s32 $0x1, s14  }
0x47: {  	[sflag:s8] =	ssyncadd.s32 $0xFFFFC000;
	p0 =	sne.s32 s14, s7  }
.Ltmp4:
0x48: {  	[bflag:$0x0] =	sbarrier.arrive $0xFFFF;
	(pc) =	sbr.rel @p0 .LBB2_1-.Ltmp4, $4  }
0x49: {  	[hbm:s6], [sflag:s12] =	dma.local [spmem:s13], $0x2800  }
0x4a: {  	_ =	swait.ge [sflag:s8], $0x2800  }
0x4b: {  	[sflag:s8] =	ssyncset.done $0x0  }
0x4c: {  	[sflag:s8] =	ssyncadd.s32 $0xFFFFD800  }
0x4d: {  	_ =	sfence.sel $0x180000  }
0x4e: {  	[bflag:$0x0] =	sbarrier.arrive $0xFFFF  }
0x4f: {  	p0 =	sne.s32 s2, $0x0;
	_ =	strace $0x90000047  }
0x50: {  	s0 =	sadd.s32 @!p0 $0x100000, s0;
	[bflag:$0x2] =	sbarrier.arrive $0xFFFF  }
0x51: {  	[sflag:s0] =	ssyncadd.tile.s32 @!p0 $0x1;
	_ =	shalt  }
.Lfunc_end2:
_tile_overlayer_lowered:
.L_overlay_start_2:
0x52: {  	(tag) =	ssettag $0x2  }
0x53: {  	s0 =	rddreg [dreg:$0x0];
	s2 =	stileid.u32  }
0x54: {  	s1 =	rddreg [dreg:$0x1];
	p0 =	sne.s32 s2, $0x0  }
0x55: {  	s3 =	rddreg [dreg:$0x2];
	[bflag:$0x3] =	sbarrier.arrive $0xFFFF;
	s2 =	simm.s32 @!p0 $0x1C01  }
0x56: {  	[timem:s3], [sflag:s2] =	dma.local @!p0 [hbm:s0], s1  }
0x57: {  	s0 =	simm.s32 @!p0 $0x1  }
0x58: {  	_ =	swait.ge @!p0 [sflag:s0], s1  }
0x59: {  	s1 =	ssub.s32 @!p0 $0x0, s1;
	[sflag:s0] =	ssyncset.done @!p0 $0x0  }
0x5a: {  	[sflag:s0] =	ssyncadd.s32 @!p0 s1  }
0x5b: {  	[bflag:$0x3] =	sbarrier.arrive $0xFFFF  }
0x5c: {  	_ =	shalt  }

// kernel: kernel.13.cloned.1.call-start
scs
__scs_entry_jumppad:
0x0: {  	(pc) =	sbr.rel $0x88, $3  }
0x1: {  	(tag) =	ssettag $0x0;
	lr =	simm.s32 $0x1  }
0x2: {  	[smem:$0x3F93] =	sst lr;
	_ =	strace $0xD0000000  }
0x3: {  	_ = 	snop  }
0x4: {  	_ = 	snop  }
0x5: {  	_ = 	snop  }
0x6: {  	_ = 	snop  }
0x7: {  	_ = 	snop  }
__scs_overlays_trampoline_lowered:
0x8: {  	[smem:$0x3FA2] =	sst s0  }
0x9: {  	[smem:$0x3FA3] =	sst s1  }
0xa: {  	[smem:$0x3FA4] =	sst s2  }
0xb: {  	[smem:$0x3FA5] =	sst s3  }
0xc: {  	[smem:$0x3FA6] =	sst s4  }
0xd: {  	[smem:$0x3FA7] =	sst s5  }
0xe: {  	[smem:$0x3FA8] =	sst s6  }
0xf: {  	[smem:$0x3FA9] =	sst s7  }
0x10: {  	[smem:$0x3FAA] =	sst s8  }
0x11: {  	[smem:$0x3FAB] =	sst s9;
	s0 =	simm.s32 @!p0 $0x0  }
0x12: {  	s1 =	sld [smem:$0x3F91];
	s0 =	simm.s32 @p0 $0x1  }
0x13: {  	[smem:$0x3FAC] =	sst s0;
	s0 =	simm.s32 @!p1 $0x0  }
0x14: {  	s2 =	sld [smem:$0x3F90];
	s0 =	simm.s32 @p1 $0x1  }
0x15: {  	[smem:$0x3FAD] =	sst s0;
	s0 =	simm.s32 @!p2 $0x0  }
0x16: {  	s3 =	sld [smem:$0x3FDB];
	s0 =	simm.s32 @p2 $0x1  }
0x17: {  	s4 =	simm.s32 $0x1BF5;
	[smem:$0x3FAF] =	sst s0  }
0x18: {  	s0 =	sld [smem:$0x3F92];
	_ =	swait.ge [sflag:s4], $0x0  }
0x19: {  	s7 =	sld [smem:$0x3F93]  }
0x1a: {  	s8 =	sadd.s32 $0xFFFFE003, lr  }
0x1b: {  	s9 =	sadd.s32 $0xFFFFFEF7, lr;
	s5 =	simm.s32 $0xFFFFFFFF;
	p2 =	slt.u32 s8, $0xFFFFF086  }
0x1c: {  	p1 =	slt.u32 s9, $0xF7A;
	s5 =	simm.s32 @!p2 $0x0  }
0x1d: {  	s5 =	simm.s32 @p1 $0x1;
	p0 =	seq.s32 s7, s2  }
0x1e: {  	s7 =	smul.u32 @!p0 $0xF7A, s2;
	p2 =	seq.s32 @!p0 s5, $0x0  }
0x1f: {  	s9 =	smul.u32 $0xF7A, s1;
	s8 =	simm.s32 @!p0 $0x1BF5;
	p2 =	por !p2, p0  }
0x20: {  	[sflag:s8] =	ssyncset.s32 @!p0 $0xFFFFF086;
	s6 =	sadd.s32 @!p0 s3, s7;
	s7 =	simm.s32 @!p0 $0x108  }
0x21: {  	s3 =	sadd.s32 s3, s9;
	s6 =	sadd.s32 @!p0 $0x88, s6;
	s7 =	simm.s32 @p2 $0x1082  }
0x22: {  	[simem:s7], [sflag:s8] =	dma.local @!p0 [hbm:s6], $0xF7A  }
0x23: {  	s9 =	sor.u32 $0xD0000000, s2;
	s6 =	simm.s32 $0x108;
	_ =	swait.ge @!p0 [sflag:s8], $0x0  }
0x24: {  	s3 =	sadd.s32 $0x88, s3;
	s6 =	simm.s32 @!p1 $0x1082;
	[sflag:s4] =	ssyncset.s32 $0xFFFFF086  }
0x25: {  	[simem:s6], [sflag:s4] =	dma.local [hbm:s3], $0xF7A  }
0x26: {  	[smem:$0x3F93] =	sst s1;
	(tag) =	ssettag s2;
	_ =	strace s9  }
0x27: {  	s1 =	sld [smem:$0x3FA3]  }
0x28: {  	s2 =	sld [smem:$0x3FA4]  }
0x29: {  	s4 =	sld [smem:$0x3FA6]  }
0x2a: {  	p0 =	seq.s32 s5, $0x0;
	s5 =	sld [smem:$0x3FA7]  }
0x2b: {  	s6 =	sld [smem:$0x3FA8]  }
0x2c: {  	s7 =	sld [smem:$0x3FA9]  }
0x2d: {  	s3 =	simm.s32 $0x108;
	s8 =	sld [smem:$0x3FAA]  }
0x2e: {  	s3 =	simm.s32 @!p0 $0x1082;
	s9 =	sld [smem:$0x3FAB]  }
0x2f: {  	lr =	sadd.s32 s0, s3;
	s0 =	sld [smem:$0x3FA2]  }
0x30: {  	s3 =	sld [smem:$0x3FA5]  }
0x31: {  	[smem:$0x3FAE] =	sst s10  }
0x32: {  	s10 =	sld [smem:$0x3FAC];
	_ =	sdelay $0x3  }
0x33: {  	p0 =	seq.s32 s10, $0x1;
	s10 =	sld [smem:$0x3FAE];
	_ =	sdelay $0x3  }
0x34: {  	[smem:$0x3FAE] =	sst s10  }
0x35: {  	s10 =	sld [smem:$0x3FAD];
	_ =	sdelay $0x3  }
0x36: {  	p1 =	seq.s32 s10, $0x1;
	s10 =	sld [smem:$0x3FAE];
	_ =	sdelay $0x3  }
0x37: {  	[smem:$0x3FAE] =	sst s10  }
0x38: {  	s10 =	sld [smem:$0x3FAF]  }
0x39: {  	_ = 	snop;
	(pc) =	sbr.ind lr, $3  }
0x3a: {  	_ = 	snop  }
0x3b: {  	_ = 	snop  }
0x3c: {  	p2 =	seq.s32 s10, $0x1;
	s10 =	sld [smem:$0x3FAE]  }
0x3d: {  	_ =	shalt  }
0x3e: {  	_ =	shalt  }
0x3f: {  	_ =	shalt  }
0x40: {  	_ =	shalt  }
0x41: {  	_ =	shalt  }
0x42: {  	_ =	shalt  }
0x43: {  	_ =	shalt  }
0x44: {  	_ =	shalt  }
0x45: {  	_ =	shalt  }
0x46: {  	_ =	shalt  }
0x47: {  	_ =	shalt  }
0x48: {  	_ =	shalt  }
0x49: {  	_ =	shalt  }
0x4a: {  	_ =	shalt  }
0x4b: {  	_ =	shalt  }
0x4c: {  	_ =	shalt  }
0x4d: {  	_ =	shalt  }
0x4e: {  	_ =	shalt  }
0x4f: {  	_ =	shalt  }
0x50: {  	_ =	shalt  }
0x51: {  	_ =	shalt  }
0x52: {  	_ =	shalt  }
0x53: {  	_ =	shalt  }
0x54: {  	_ =	shalt  }
0x55: {  	_ =	shalt  }
0x56: {  	_ =	shalt  }
0x57: {  	_ =	shalt  }
0x58: {  	_ =	shalt  }
0x59: {  	_ =	shalt  }
0x5a: {  	_ =	shalt  }
0x5b: {  	_ =	shalt  }
0x5c: {  	_ =	shalt  }
0x5d: {  	_ =	shalt  }
0x5e: {  	_ =	shalt  }
0x5f: {  	_ =	shalt  }
0x60: {  	_ =	shalt  }
0x61: {  	_ =	shalt  }
0x62: {  	_ =	shalt  }
0x63: {  	_ =	shalt  }
0x64: {  	_ =	shalt  }
0x65: {  	_ =	shalt  }
0x66: {  	_ =	shalt  }
0x67: {  	_ =	shalt  }
0x68: {  	_ =	shalt  }
0x69: {  	_ =	shalt  }
0x6a: {  	_ =	shalt  }
0x6b: {  	_ =	shalt  }
0x6c: {  	_ =	shalt  }
0x6d: {  	_ =	shalt  }
0x6e: {  	_ =	shalt  }
0x6f: {  	_ =	shalt  }
0x70: {  	_ =	shalt  }
0x71: {  	_ =	shalt  }
0x72: {  	_ =	shalt  }
0x73: {  	_ =	shalt  }
0x74: {  	_ =	shalt  }
0x75: {  	_ =	shalt  }
0x76: {  	_ =	shalt  }
0x77: {  	_ =	shalt  }
0x78: {  	_ =	shalt  }
0x79: {  	_ =	shalt  }
0x7a: {  	_ =	shalt  }
0x7b: {  	_ =	shalt  }
0x7c: {  	_ =	shalt  }
0x7d: {  	_ =	shalt  }
0x7e: {  	_ =	shalt  }
0x7f: {  	_ =	shalt  }
0x80: {  	_ =	shalt  }
0x81: {  	_ =	shalt  }
0x82: {  	_ =	shalt  }
0x83: {  	_ =	shalt  }
0x84: {  	_ =	shalt  }
0x85: {  	_ =	shalt  }
0x86: {  	_ =	shalt  }
0x87: {  	_ =	shalt  }
.Lfunc_end0:
.L_simem_size_0:
called_computation.1_lowered:
.L_overlay_start_0:
0x88: {  	s2 =	sld [smem:$0x3FD9]  }
0x89: {  	s3 =	sld [smem:$0x3FFE];
	_ =	sdelay $0x1  }
0x8a: {  	s1 =	srdreg.scid  }
0x8b: {  	s0 =	sand.u32 $0x1, s1  }
0x8c: {  	s17 =	sshll.u32 s0, $0xA;
	s2 =	sadd.s32 s3, s2  }
0x8d: {  	s2 =	sadd.s32 s2, s17  }
0x8e: {  	[smem:$0x3FBA] =	sst s2  }
0x8f: {  	_ = 	snop  }
0x90: {  	s2 =	sld [smem:$0x3FD0];
	(tm) =	ssettm $0x1  }
0x91: {  	s18 =	sld [smem:$0x3FFB];
	_ =	sdelay $0x3  }
0x92: {  	_ =	strace s18  }
0x93: {  	s3 =	sld [smem:$0x3FFC];
	_ =	sdelay $0x3  }
0x94: {  	_ =	strace s3  }
0x95: {  	s3 =	sld [smem:$0x3FFD];
	_ =	sdelay $0x3  }
0x96: {  	_ =	strace s3  }
0x97: {  	_ =	strace $0x8FFFFFFF  }
0x98: {  	s19 =	sld [smem:$0x3FDB];
	_ =	sdelay $0x1  }
0x99: {  	s4 =	simm.s32 $_scs_section_size  }
0x9a: {  	s5 =	simm.s32 $_size__tile_overlayer_lowered;
	s6 =	simm.s32 $_tile_overlayer_lowered  }
0x9b: {  	s22 =	simm.s32 $0x1BFF;
	s21 =	sshll.u32 s6, $0x1;
	s3 =	sadd.s32 s4, s19  }
0x9c: {  	s7 =	simm.s32 $0x0;
	s20 =	sshll.u32 s5, $0x1;
	s5 =	sadd.s32 s21, s3  }
0x9d: {  	[timem:s7], [sflag:s22] =	dma.local [hbm:s5], s20  }
0x9e: {  	_ =	swait.ge [sflag:s22], s20  }
0x9f: {  	s4 =	ssub.s32 $0x0, s20;
	[sflag:s22] =	ssyncset.done $0x0  }
0xa0: {  	[sflag:s22] =	ssyncadd.s32 s4;
	_ =	sdelay $0x1  }
0xa1: {  	s23 =	simm.s32 $0x1B8B  }
0xa2: {  	_ =	swait.ge [sflag:s23], $0x1  }
0xa3: {  	[sflag:s23] =	ssyncset.done $0x0  }
0xa4: {  	s25 =	simm.s32 $0x1B8E;
	s24 =	sld [smem:$0x3FFE];
	[sflag:s23] =	ssyncadd.s32 $0xFFFFFFFF  }
0xa5: {  	s26 =	simm.s32 $execute0_lowered;
	[smem:$0x3FD2] =	sst s25  }
0xa6: {  	s5 =	sshll.u32 s26, $0x1;
	_ =	strace $0x80000049;
	[dreg:$0x1] =	wrdreg $0xFFFFFFFF  }
0xa7: {  	s28 =	simm.s32 $_size_execute0_lowered;
	s3 =	sadd.s32 s3, s5;
	[dreg:$0x0] =	wrdreg $0x0  }
0xa8: {  	s5 =	sshll.u32 s28, $0x1;
	[dreg:$0x2] =	wrdreg s3  }
0xa9: {  	[dreg:$0x3] =	wrdreg s5  }
0xaa: {  	[dreg:$0x4] =	wrdreg $0xC0  }
0xab: {  	_ =	task [dreg:s7], $0x5FFFF  }
0xac: {  	[dreg:$0x1] =	wrdreg $0xFFFFFFFF  }
0xad: {  	[dreg:$0x0] =	wrdreg $0x60  }
0xae: {  	[dreg:$0x2] =	wrdreg s2  }
0xaf: {  	[dreg:$0x3] =	wrdreg s24  }
0xb0: {  	[dreg:$0x4] =	wrdreg $0x98000  }
0xb1: {  	[dreg:$0x5] =	wrdreg $0x9  }
0xb2: {  	_ =	task.clear_ibuf [dreg:s7], $0x6FFFF;
	_ =	strace $0x90000049  }
0xb3: {  	s29 =	simm.s32 $0x9;
	_ =	strace $0x8000004B  }
0xb4: {  	_ =	swait.ge [sflag:s29], $0x1  }
0xb5: {  	[sflag:s29] =	ssyncadd.s32 $0xFFFFFFFF  }
0xb6: {  	_ =	strace $0x9000004B  }
0xb7: {  	_ =	sfence  }
0xb8: {  	s30 =	sld [smem:$0x0];
	_ =	sdelay $0x2  }
0xb9: {  	s31 =	sshll.u32 s1, $0xD;
	s1 =	sshrl.u32 s1, $0x2  }
0xba: {  	s3 =	sand.u32 $0x4000, s31;
	s1 =	sadd.s32 s1, s30  }
0xbb: {  	s0 =	sor.u32 s3, s0;
	s1 =	sshll.u32 s1, $0x11  }
0xbc: {  	s0 =	sor.u32 s1, s0  }
0xbd: {  	s0 =	sadd.s32 $0x8F2B, s0  }
0xbe: {  	[sflag:s0] =	ssyncadd.remote.s32 $0x1  }
0xbf: {  	_ =	sfence.sel $0xFFFF  }
0xc0: {  	[dreg:$0x0] =	wrdreg $0xFFFFFFFF;
	(pc) =	sbr.abs _section_cstart, $3  }
0xc1: {  	[dreg:$0x1] =	wrdreg $0xFFFFFFFF  }
0xc2: {  	_ =	task.clear_ibuf [dreg:s7], $0x2FFFF;
	_ =	strace $0x9FFFFFFF  }
0xc3: {  	(tm) =	ssettm $0x7FFFFFFF  }
tec
execute0_lowered:
.L_overlay_start_1:
0x0: {  	(tag) =	ssettag $0x1  }
0x1: {  	s1 =	rddreg [dreg:$0x0]  }
0x2: {  	s0 =	rddreg [dreg:$0x1]  }
0x3: {  	s2 =	rddreg [dreg:$0x2];
	s4 =	simm.s32 $0x0;
	s3 =	srdreg.scid  }
0x4: {  	s11 =	stileid.u32;
	s29 =	simm.s32 $0x4;
	s12 =	simm.s32 $0xE00  }
0x5: {  	s13 =	simm.s32 $0x700;
	s28 =	simm.s32 $0x780;
	s30 =	simm.s32 $0xF00  }
0x6: {  	s31 =	simm.s32 $0xF80;
	[smem:$0x7FF] =	sst s4;
	s8 =	smul.u32 $0x14000, s11  }
0x7: {  	s3 =	sand.u32 $0x1, s3;
	s5 =	sadd.s32 $0xE000, s0;
	s9 =	smul.u32 $0x50000, s11  }
0x8: {  	s7 =	smul.u32 $0x140000, s3;
	_ =	strace $0x8000004A;
	s6 =	sshll.u32 s3, $0x4  }
0x9: {  	s17 =	ssub.s32 $0x2, s3;
	s3 =	smul.u32 $0x28000, s3;
	s10 =	sor.u32 s11, s6  }
0xa: {  	s6 =	sadd.s32 $0x4000, s0;
	s18 =	sshrl.u32 s17, $0x1;
	s11 =	smul.u32 $0x2800, s11  }
0xb: {  	s19 =	sshrl.u32 s9, $0x2;
	s7 =	sadd.s32 s8, s7;
	s16 =	smul.u32 $0x2800, s10  }
0xc: {  	s10 =	ssub.s32 s17, s18;
	s17 =	simm.s32 $0x9000;
	s18 =	simm.s32 $0x5  }
0xd: {  	s7 =	sshrl.u32 s7, $0x3;
	s3 =	sadd.s32 s11, s3;
	s25 =	smax.u32 s10, $0x1  }
0xe: {  	s11 =	simm.s32 $0x680;
	s0 =	sadd.s32 s7, s0;
	s8 =	sshrl.u32 s16, $0x3  }
0xf: {  	s7 =	sadd.s32 s19, s2;
	s22 =	sadd.s32 $0xC00, s3;
	[dreg:$0x9] =	wrdreg s25  }
0x10: {  	s26 =	sadd.s32 $0x800, s3;
	s25 =	simm.s32 $0x5000;
	s19 =	simm.s32 $0x2  }
0x11: {  	s16 =	simm.s32 $0xE80;
	s3 =	simm.s32 $0x0;
	s20 =	sadd.s32 s5, s8  }
0x12: {  	s21 =	sadd.s32 s6, s8;
	s8 =	sor.u32 $0x80, s8;
	s24 =	sshrl.u32 s22, $0x3  }
0x13: {  	s0 =	sadd.s32 $0x18000, s0;
	[dreg:$0xa] =	wrdreg s26;
	s22 =	simm.s32 $0x1  }
.Ltmp0:
0x14: {  	s26 =	simm.s32 $0x3;
	[dreg:$0x4] =	wrdreg s20;
	(pc) =	sbr.rel .LBB2_1-.Ltmp0, $4  }
0x15: {  	[dreg:$0x5] =	wrdreg s21;
	s23 =	sadd.s32 s5, s8;
	s8 =	sadd.s32 s6, s8  }
0x16: {  	[dreg:$0x8] =	wrdreg s0;
	s14 =	sadd.s32 s24, s6;
	s15 =	sadd.s32 s24, s5  }
0x17: {  	s20 =	simm.s32 $0x400;
	s21 =	simm.s32 $0xC00;
	[dreg:$0x6] =	wrdreg s23  }
0x18: {  	v0 =	vimm.f32 $0.0e+00;
	s24 =	simm.s32 $0x1000;
	[dreg:$0x7] =	wrdreg s8;
	s23 =	simm.s32 $0x80  }
.LBB2_8:
0x19: {  	s0 =	stileid.u32  }
0x1a: {  	[bflag:$0x0] =	sbarrier.arrive $0xFFFF;
	s0 =	sshll.u32 s0, $0x6  }
0x1b: {  	s3 =	sshrl.u32 s7, $0x3;
	s8 =	rddreg [dreg:$0x8];
	s0 =	sor.u32 $0x1C05, s0  }
0x1c: {  	[hbm:s8], [sflag:s0] =	dma.local [spmem:s3], $0x2800  }
0x1d: {  	_ =	swait.ge [sflag:s18], $0x2800  }
0x1e: {  	s9 =	rddreg [dreg:$0xb]  }
0x1f: {  	s10 =	rddreg [dreg:$0x9];
	s3 =	sadd.s32 $0x1, s9  }
0x20: {  	p0 =	sne.s32 s3, s10  }
.Ltmp1:
0x21: {  	_ = 	snop;
	(pc) =	sbr.rel @!p0 .LBB2_9-.Ltmp1, $3  }
0x22: {  	_ =	sdelay $0x1  }
0x23: {  	[sflag:s18] =	ssyncset.done $0x0  }
0x24: {  	[sflag:s18] =	ssyncadd.s32 $0xFFFFD800  }
.LBB2_1:
0x25: {  	[dreg:$0xb] =	wrdreg s3;
	s0 =	simm.s32 $0x0;
	s3 =	simm.s32 $0x200  }
.LBB2_2:
0x26: {  	p0 =	sne.s32 s3, $0x1E00;
	[tilespmem:s0+$0x9070] =	vst v0  }
0x27: {  	[tilespmem:s0+$0x9000] =	vst v0  }
0x28: {  	[tilespmem:s0+$0x9010] =	vst v0  }
.Ltmp2:
0x29: {  	[tilespmem:s0+$0x9020] =	vst v0;
	(pc) =	sbr.rel @p0 .LBB2_2-.Ltmp2, $4  }
0x2a: {  	[tilespmem:s0+$0x9030] =	vst v0  }
0x2b: {  	[tilespmem:s0+$0x9040] =	vst v0  }
0x2c: {  	[tilespmem:s0+$0x9050] =	vst v0  }
0x2d: {  	[tilespmem:s0+$0x9060] =	vst v0;
	s0 =	sshra.s32 s3, $0x2;
	s3 =	sadd.s32 $0x200, s3  }
0x2e: {  	[tilespmem:s0+$0x9070] =	vst v0  }
0x2f: {  	[tilespmem:s0+$0x9000] =	vst v0  }
0x30: {  	[tilespmem:s0+$0x9010] =	vst v0  }
0x31: {  	[tilespmem:s0+$0x9020] =	vst v0  }
0x32: {  	[tilespmem:s0+$0x9030] =	vst v0  }
0x33: {  	[tilespmem:s0+$0x9040] =	vst v0  }
0x34: {  	[tilespmem:s0+$0x9050] =	vst v0  }
0x35: {  	[tilespmem:s0+$0x9060] =	vst v0;
	s10 =	sadd.s32 $0x0, s7  }
0x36: {  	[spmem:s10] =	stream.linear.scatter [tilespmem:s17], [sflag:$0x5], $0x800, $0x38;
	[tilespmem:$0x1D800] =	vst v63  }
0x37: {  	s0 =	simm.s32 $0x2000;
	_ =	swait.ge [sflag:s18], $0x800  }
.LBB2_4:
0x38: {  	s3 =	sshra.s32 s0, $0x2;
	[sflag:s18] =	ssyncset.done $0x0;
	p0 =	sne.s32 s0, $0x4E000  }
.Ltmp3:
0x39: {  	s3 =	sadd.s32 s3, s7;
	[sflag:s18] =	ssyncadd.s32 $0xFFFFF800;
	(pc) =	sbr.rel @p0 .LBB2_4-.Ltmp3, $3  }
0x3a: {  	[spmem:s3] =	stream.linear.scatter [tilespmem:s17], [sflag:$0x5], $0x800, $0x38;
	[tilespmem:$0x1D800] =	vst v63  }
0x3b: {  	s0 =	sadd.s32 $0x2000, s0;
	_ =	sdelay $0x1  }
0x3c: {  	_ =	swait.ge [sflag:s18], $0x800  }
0x3d: {  	[sflag:s18] =	ssyncset.done $0x0  }
0x3e: {  	[sflag:s18] =	ssyncadd.s32 $0xFFFFF800  }
0x3f: {  	[bflag:$0x0] =	sbarrier.arrive $0xFFFF  }
0x40: {  	s3 =	rddreg [dreg:$0x4]  }
0x41: {  	s0 =	simm.s32 $0x0;
	s10 =	rddreg [dreg:$0x5]  }
0x42: {  	[tilespmem:s0], [sflag:$0x1] =	stream.linear.gather [hbm4b:s3+s0], $0x400, $0x38;
	[tilespmem:$0x1D800] =	vst v63  }
0x43: {  	s8 =	simm.s32 $0x800;
	s9 =	rddreg [dreg:$0x6]  }
0x44: {  	[tilespmem:s8], [sflag:$0x1] =	stream.linear.gather [hbm4b:s10+s0], $0x400, $0x38;
	[tilespmem:$0x1D800] =	vst v63  }
0x45: {  	s3 =	rddreg [dreg:$0xa]  }
0x46: {  	[tilespmem:s20], [sflag:$0x2] =	stream.linear.gather [hbm4b:s9+s0], $0x400, $0x38;
	[tilespmem:$0x1D800] =	vst v63  }
0x47: {  	s10 =	rddreg [dreg:$0x7]  }
0x48: {  	[tilespmem:s21], [sflag:$0x2] =	stream.linear.gather [hbm4b:s10+s0], $0x400, $0x38;
	[tilespmem:$0x1D800] =	vst v63  }
.LBB2_6:
0x49: {  	_ =	swait.ge [sflag:s22], $0x400  }
0x4a: {  	[sflag:s22] =	ssyncset.done $0x0  }
0x4b: {  	[sflag:s22] =	ssyncadd.s32 $0xFFFFFC00  }
0x4c: {  	_ =	swait.ge [sflag:s22], $0x400  }
0x4d: {  	[sflag:s22] =	ssyncset.done $0x0  }
0x4e: {  	[sflag:s22] =	ssyncadd.s32 $0xFFFFFC00  }
0x4f: {  	[tilespmem:s24], [sflag:$0x3] =	stream.indirect.gather [hbm4b:s1+s23], $0x80, s4, s23, $0xb8;
	[tilespmem:$0x1D800] =	vst v63  }
0x50: {  	_ = 	snop  }
0x51: {  	[tilespmem:s25], [sflag:$0x4] =	stream.indirect.gather [hbm4b:s1+s23], $0x80, s23, s23, $0xb8;
	[tilespmem:$0x1D800] =	vst v63  }
0x52: {  	_ =	swait.ge [sflag:s26], $0x4000  }
0x53: {  	[sflag:s26] =	ssyncset.done $0x0  }
0x54: {  	s8 =	simm.s32 $0x800;
	[sflag:s26] =	ssyncadd.s32 $0xFFFFC000  }
0x55: {  	[spmem:s2] =	stream.indirect.scatter.add.f32 [tilespmem:s24], [sflag:$0x5], $0x80, s8, s23, $0xb8;
	[tilespmem:$0x1D800] =	vst v63  }
0x56: {  	_ =	swait.ge [sflag:s18], $0x4000  }
0x57: {  	[sflag:s18] =	ssyncset.done $0x0  }
0x58: {  	s9 =	simm.s32 $0x100;
	[sflag:s18] =	ssyncadd.s32 $0xFFFFC000  }
0x59: {  	[tilespmem:s24], [sflag:$0x3] =	stream.indirect.gather [hbm4b:s1+s23], $0x80, s9, s23, $0xb8;
	[tilespmem:$0x1D800] =	vst v63  }
0x5a: {  	_ =	swait.ge [sflag:s29], $0x4000  }
0x5b: {  	[sflag:s29] =	ssyncset.done $0x0  }
0x5c: {  	s10 =	simm.s32 $0x880;
	[sflag:s29] =	ssyncadd.s32 $0xFFFFC000  }
0x5d: {  	[spmem:s2] =	stream.indirect.scatter.add.f32 [tilespmem:s25], [sflag:$0x5], $0x80, s10, s23, $0xb8;
	[tilespmem:$0x1D800] =	vst v63  }
0x5e: {  	_ =	swait.ge [sflag:s18], $0x4000  }
0x5f: {  	[sflag:s18] =	ssyncset.done $0x0  }
0x60: {  	s9 =	simm.s32 $0x180;
	[sflag:s18] =	ssyncadd.s32 $0xFFFFC000  }
0x61: {  	[tilespmem:s25], [sflag:$0x4] =	stream.indirect.gather [hbm4b:s1+s23], $0x80, s9, s23, $0xb8;
	[tilespmem:$0x1D800] =	vst v63  }
0x62: {  	_ =	swait.ge [sflag:s26], $0x4000  }
0x63: {  	[sflag:s26] =	ssyncset.done $0x0  }
0x64: {  	s10 =	simm.s32 $0x900;
	[sflag:s26] =	ssyncadd.s32 $0xFFFFC000  }
0x65: {  	[spmem:s2] =	stream.indirect.scatter.add.f32 [tilespmem:s24], [sflag:$0x5], $0x80, s10, s23, $0xb8;
	[tilespmem:$0x1D800] =	vst v63  }
0x66: {  	_ =	swait.ge [sflag:s18], $0x4000  }
0x67: {  	[sflag:s18] =	ssyncset.done $0x0  }
0x68: {  	s9 =	simm.s32 $0x200;
	[sflag:s18] =	ssyncadd.s32 $0xFFFFC000  }
0x69: {  	[tilespmem:s24], [sflag:$0x3] =	stream.indirect.gather [hbm4b:s1+s23], $0x80, s9, s23, $0xb8;
	[tilespmem:$0x1D800] =	vst v63  }
0x6a: {  	_ =	swait.ge [sflag:s29], $0x4000  }
0x6b: {  	[sflag:s29] =	ssyncset.done $0x0  }
0x6c: {  	s10 =	simm.s32 $0x980;
	[sflag:s29] =	ssyncadd.s32 $0xFFFFC000  }
0x6d: {  	[spmem:s2] =	stream.indirect.scatter.add.f32 [tilespmem:s25], [sflag:$0x5], $0x80, s10, s23, $0xb8;
	[tilespmem:$0x1D800] =	vst v63  }
0x6e: {  	_ =	swait.ge [sflag:s18], $0x4000  }
0x6f: {  	[sflag:s18] =	ssyncset.done $0x0  }
0x70: {  	s9 =	simm.s32 $0x280;
	[sflag:s18] =	ssyncadd.s32 $0xFFFFC000  }
0x71: {  	[tilespmem:s25], [sflag:$0x4] =	stream.indirect.gather [hbm4b:s1+s23], $0x80, s9, s23, $0xb8;
	[tilespmem:$0x1D800] =	vst v63  }
0x72: {  	_ =	swait.ge [sflag:s26], $0x4000  }
0x73: {  	[sflag:s26] =	ssyncset.done $0x0  }
0x74: {  	s10 =	simm.s32 $0xA00;
	[sflag:s26] =	ssyncadd.s32 $0xFFFFC000  }
0x75: {  	[spmem:s2] =	stream.indirect.scatter.add.f32 [tilespmem:s24], [sflag:$0x5], $0x80, s10, s23, $0xb8;
	[tilespmem:$0x1D800] =	vst v63  }
0x76: {  	_ =	swait.ge [sflag:s18], $0x4000  }
0x77: {  	[sflag:s18] =	ssyncset.done $0x0  }
0x78: {  	s9 =	simm.s32 $0x300;
	[sflag:s18] =	ssyncadd.s32 $0xFFFFC000  }
0x79: {  	[tilespmem:s24], [sflag:$0x3] =	stream.indirect.gather [hbm4b:s1+s23], $0x80, s9, s23, $0xb8;
	[tilespmem:$0x1D800] =	vst v63  }
0x7a: {  	_ =	swait.ge [sflag:s29], $0x4000  }
0x7b: {  	[sflag:s29] =	ssyncset.done $0x0  }
0x7c: {  	s10 =	simm.s32 $0xA80;
	[sflag:s29] =	ssyncadd.s32 $0xFFFFC000  }
0x7d: {  	[spmem:s2] =	stream.indirect.scatter.add.f32 [tilespmem:s25], [sflag:$0x5], $0x80, s10, s23, $0xb8;
	[tilespmem:$0x1D800] =	vst v63  }
0x7e: {  	_ =	swait.ge [sflag:s18], $0x4000  }
0x7f: {  	[sflag:s18] =	ssyncset.done $0x0  }
0x80: {  	s9 =	simm.s32 $0x380;
	[sflag:s18] =	ssyncadd.s32 $0xFFFFC000  }
0x81: {  	[tilespmem:s25], [sflag:$0x4] =	stream.indirect.gather [hbm4b:s1+s23], $0x80, s9, s23, $0xb8;
	[tilespmem:$0x1D800] =	vst v63  }
0x82: {  	_ =	swait.ge [sflag:s26], $0x4000  }
0x83: {  	[sflag:s26] =	ssyncset.done $0x0  }
0x84: {  	s10 =	simm.s32 $0xB00;
	[sflag:s26] =	ssyncadd.s32 $0xFFFFC000  }
0x85: {  	[spmem:s2] =	stream.indirect.scatter.add.f32 [tilespmem:s24], [sflag:$0x5], $0x80, s10, s23, $0xb8;
	[tilespmem:$0x1D800] =	vst v63  }
0x86: {  	_ =	swait.ge [sflag:s18], $0x4000  }
0x87: {  	[sflag:s18] =	ssyncset.done $0x0  }
0x88: {  	[sflag:s18] =	ssyncadd.s32 $0xFFFFC000  }
0x89: {  	_ =	swait.ge [sflag:s29], $0x4000  }
0x8a: {  	[sflag:s29] =	ssyncset.done $0x0  }
0x8b: {  	s9 =	simm.s32 $0xB80;
	[sflag:s29] =	ssyncadd.s32 $0xFFFFC000  }
0x8c: {  	[spmem:s2] =	stream.indirect.scatter.add.f32 [tilespmem:s25], [sflag:$0x5], $0x80, s9, s23, $0xb8;
	[tilespmem:$0x1D800] =	vst v63  }
0x8d: {  	p0 =	seq.s32 s0, $0x400;
	_ =	swait.ge [sflag:s18], $0x4000  }
0x8e: {  	s8 =	sshrl.u32 @!p0 s3, $0x3;
	[sflag:s18] =	ssyncset.done $0x0  }
0x8f: {  	s10 =	simm.s32 @!p0 $0x0;
	s9 =	sadd.s32 @!p0 s5, s8;
	[sflag:s18] =	ssyncadd.s32 $0xFFFFC000  }
0x90: {  	[tilespmem:s10], [sflag:$0x1] =	stream.linear.gather @!p0 [hbm4b:s9+s10], $0x400, $0x38;
	[tilespmem:$0x1D800] =	vst v63  }
0x91: {  	s8 =	sadd.s32 @!p0 s6, s8;
	s9 =	simm.s32 @!p0 $0x800  }
0x92: {  	[tilespmem:s9], [sflag:$0x1] =	stream.linear.gather @!p0 [hbm4b:s8+s10], $0x400, $0x38;
	[tilespmem:$0x1D800] =	vst v63  }
0x93: {  	_ =	swait.ge [sflag:s19], $0x400  }
0x94: {  	[sflag:s19] =	ssyncset.done $0x0  }
0x95: {  	[sflag:s19] =	ssyncadd.s32 $0xFFFFFC00  }
0x96: {  	_ =	swait.ge [sflag:s19], $0x400  }
0x97: {  	[sflag:s19] =	ssyncset.done $0x0  }
0x98: {  	[sflag:s19] =	ssyncadd.s32 $0xFFFFFC00  }
0x99: {  	[tilespmem:s24], [sflag:$0x3] =	stream.indirect.gather [hbm4b:s1+s23], $0x80, s20, s23, $0xb8;
	[tilespmem:$0x1D800] =	vst v63  }
0x9a: {  	s10 =	simm.s32 $0x480  }
0x9b: {  	[tilespmem:s25], [sflag:$0x4] =	stream.indirect.gather [hbm4b:s1+s23], $0x80, s10, s23, $0xb8;
	[tilespmem:$0x1D800] =	vst v63  }
0x9c: {  	_ =	swait.ge [sflag:s26], $0x4000  }
0x9d: {  	[sflag:s26] =	ssyncset.done $0x0  }
0x9e: {  	[sflag:s26] =	ssyncadd.s32 $0xFFFFC000  }
0x9f: {  	[spmem:s2] =	stream.indirect.scatter.add.f32 [tilespmem:s24], [sflag:$0x5], $0x80, s21, s23, $0xb8;
	[tilespmem:$0x1D800] =	vst v63  }
0xa0: {  	_ =	swait.ge [sflag:s18], $0x4000  }
0xa1: {  	[sflag:s18] =	ssyncset.done $0x0  }
0xa2: {  	s9 =	simm.s32 $0x500;
	[sflag:s18] =	ssyncadd.s32 $0xFFFFC000  }
0xa3: {  	[tilespmem:s24], [sflag:$0x3] =	stream.indirect.gather [hbm4b:s1+s23], $0x80, s9, s23, $0xb8;
	[tilespmem:$0x1D800] =	vst v63  }
0xa4: {  	_ =	swait.ge [sflag:s29], $0x4000  }
0xa5: {  	[sflag:s29] =	ssyncset.done $0x0  }
0xa6: {  	s10 =	simm.s32 $0xC80;
	[sflag:s29] =	ssyncadd.s32 $0xFFFFC000  }
0xa7: {  	[spmem:s2] =	stream.indirect.scatter.add.f32 [tilespmem:s25], [sflag:$0x5], $0x80, s10, s23, $0xb8;
	[tilespmem:$0x1D800] =	vst v63  }
0xa8: {  	_ =	swait.ge [sflag:s18], $0x4000  }
0xa9: {  	[sflag:s18] =	ssyncset.done $0x0  }
0xaa: {  	s9 =	simm.s32 $0x580;
	[sflag:s18] =	ssyncadd.s32 $0xFFFFC000  }
0xab: {  	[tilespmem:s25], [sflag:$0x4] =	stream.indirect.gather [hbm4b:s1+s23], $0x80, s9, s23, $0xb8;
	[tilespmem:$0x1D800] =	vst v63  }
0xac: {  	_ =	swait.ge [sflag:s26], $0x4000  }
0xad: {  	[sflag:s26] =	ssyncset.done $0x0  }
0xae: {  	s10 =	simm.s32 $0xD00;
	[sflag:s26] =	ssyncadd.s32 $0xFFFFC000  }
0xaf: {  	[spmem:s2] =	stream.indirect.scatter.add.f32 [tilespmem:s24], [sflag:$0x5], $0x80, s10, s23, $0xb8;
	[tilespmem:$0x1D800] =	vst v63  }
0xb0: {  	_ =	swait.ge [sflag:s18], $0x4000  }
0xb1: {  	[sflag:s18] =	ssyncset.done $0x0  }
0xb2: {  	s9 =	simm.s32 $0x600;
	[sflag:s18] =	ssyncadd.s32 $0xFFFFC000  }
0xb3: {  	[tilespmem:s24], [sflag:$0x3] =	stream.indirect.gather [hbm4b:s1+s23], $0x80, s9, s23, $0xb8;
	[tilespmem:$0x1D800] =	vst v63  }
0xb4: {  	_ =	swait.ge [sflag:s29], $0x4000  }
0xb5: {  	[sflag:s29] =	ssyncset.done $0x0  }
0xb6: {  	s10 =	simm.s32 $0xD80;
	[sflag:s29] =	ssyncadd.s32 $0xFFFFC000  }
0xb7: {  	[spmem:s2] =	stream.indirect.scatter.add.f32 [tilespmem:s25], [sflag:$0x5], $0x80, s10, s23, $0xb8;
	[tilespmem:$0x1D800] =	vst v63  }
0xb8: {  	_ =	swait.ge [sflag:s18], $0x4000  }
0xb9: {  	[sflag:s18] =	ssyncset.done $0x0  }
0xba: {  	[sflag:s18] =	ssyncadd.s32 $0xFFFFC000  }
0xbb: {  	[tilespmem:s25], [sflag:$0x4] =	stream.indirect.gather [hbm4b:s1+s23], $0x80, s11, s23, $0xb8;
	[tilespmem:$0x1D800] =	vst v63  }
0xbc: {  	_ =	swait.ge [sflag:s26], $0x4000  }
0xbd: {  	[sflag:s26] =	ssyncset.done $0x0  }
0xbe: {  	[sflag:s26] =	ssyncadd.s32 $0xFFFFC000  }
0xbf: {  	[spmem:s2] =	stream.indirect.scatter.add.f32 [tilespmem:s24], [sflag:$0x5], $0x80, s12, s23, $0xb8;
	[tilespmem:$0x1D800] =	vst v63  }
0xc0: {  	_ =	swait.ge [sflag:s18], $0x4000  }
0xc1: {  	[sflag:s18] =	ssyncset.done $0x0  }
0xc2: {  	[sflag:s18] =	ssyncadd.s32 $0xFFFFC000  }
0xc3: {  	[tilespmem:s24], [sflag:$0x3] =	stream.indirect.gather [hbm4b:s1+s23], $0x80, s13, s23, $0xb8;
	[tilespmem:$0x1D800] =	vst v63  }
0xc4: {  	_ =	swait.ge [sflag:s29], $0x4000  }
0xc5: {  	[sflag:s29] =	ssyncset.done $0x0  }
0xc6: {  	[sflag:s29] =	ssyncadd.s32 $0xFFFFC000  }
0xc7: {  	[spmem:s2] =	stream.indirect.scatter.add.f32 [tilespmem:s25], [sflag:$0x5], $0x80, s16, s23, $0xb8;
	[tilespmem:$0x1D800] =	vst v63  }
0xc8: {  	_ =	swait.ge [sflag:s18], $0x4000  }
0xc9: {  	[sflag:s18] =	ssyncset.done $0x0  }
0xca: {  	[sflag:s18] =	ssyncadd.s32 $0xFFFFC000  }
0xcb: {  	[tilespmem:s25], [sflag:$0x4] =	stream.indirect.gather [hbm4b:s1+s23], $0x80, s28, s23, $0xb8;
	[tilespmem:$0x1D800] =	vst v63  }
0xcc: {  	_ =	swait.ge [sflag:s26], $0x4000  }
0xcd: {  	[sflag:s26] =	ssyncset.done $0x0  }
0xce: {  	[sflag:s26] =	ssyncadd.s32 $0xFFFFC000  }
0xcf: {  	[spmem:s2] =	stream.indirect.scatter.add.f32 [tilespmem:s24], [sflag:$0x5], $0x80, s30, s23, $0xb8;
	[tilespmem:$0x1D800] =	vst v63  }
0xd0: {  	_ =	swait.ge [sflag:s18], $0x4000  }
0xd1: {  	[sflag:s18] =	ssyncset.done $0x0  }
0xd2: {  	[sflag:s18] =	ssyncadd.s32 $0xFFFFC000  }
0xd3: {  	_ =	swait.ge [sflag:s29], $0x4000  }
0xd4: {  	[sflag:s29] =	ssyncset.done $0x0  }
.Ltmp4:
0xd5: {  	[sflag:s29] =	ssyncadd.s32 $0xFFFFC000;
	(pc) =	sbr.rel @p0 .LBB2_8-.Ltmp4, $4  }
0xd6: {  	[spmem:s2] =	stream.indirect.scatter.add.f32 [tilespmem:s25], [sflag:$0x5], $0x80, s31, s23, $0xb8;
	[tilespmem:$0x1D800] =	vst v63  }
0xd7: {  	_ =	swait.ge [sflag:s18], $0x4000  }
0xd8: {  	[sflag:s18] =	ssyncset.done $0x0  }
0xd9: {  	[sflag:s18] =	ssyncadd.s32 $0xFFFFC000  }
.Ltmp5:
0xda: {  	(pc) =	sbr.rel .LBB2_6-.Ltmp5, $4  }
0xdb: {  	s8 =	sadd.s32 s0, s15  }
0xdc: {  	[tilespmem:s20], [sflag:$0x2] =	stream.linear.gather [hbm4b:s8+s4], $0x400, $0x38;
	[tilespmem:$0x1D800] =	vst v63  }
0xdd: {  	s10 =	sadd.s32 s0, s14;
	s0 =	sadd.s32 $0x100, s0;
	s3 =	sadd.s32 $0x800, s3  }
0xde: {  	[tilespmem:s21], [sflag:$0x2] =	stream.linear.gather [hbm4b:s10+s4], $0x400, $0x38;
	[tilespmem:$0x1D800] =	vst v63  }
.LBB2_9:
0xdf: {  	_ =	sfence.sel $0x180000  }
0xe0: {  	[bflag:$0x0] =	sbarrier.arrive $0xFFFF  }
0xe1: {  	_ =	strace $0x9000004A  }
0xe2: {  	s0 =	stileid.u32;
	[bflag:$0x2] =	sbarrier.arrive $0xFFFF  }
0xe3: {  	p0 =	sne.s32 s0, $0x0;
	s0 =	rddreg [dreg:$0x3]  }
0xe4: {  	s0 =	sadd.s32 @!p0 $0x100000, s0  }
0xe5: {  	[sflag:s0] =	ssyncadd.tile.s32 @!p0 $0x1;
	_ =	shalt  }
.Lfunc_end2:
_tile_overlayer_lowered:
.L_overlay_start_2:
0xe6: {  	(tag) =	ssettag $0x2  }
0xe7: {  	s0 =	rddreg [dreg:$0x0];
	s2 =	stileid.u32  }
0xe8: {  	s1 =	rddreg [dreg:$0x1];
	p0 =	sne.s32 s2, $0x0  }
0xe9: {  	s3 =	rddreg [dreg:$0x2];
	[bflag:$0x3] =	sbarrier.arrive $0xFFFF;
	s2 =	simm.s32 @!p0 $0x1C05  }
0xea: {  	[timem:s3], [sflag:s2] =	dma.local @!p0 [hbm:s0], s1  }
0xeb: {  	s0 =	simm.s32 @!p0 $0x5  }
0xec: {  	_ =	swait.ge @!p0 [sflag:s0], s1  }
0xed: {  	s1 =	ssub.s32 @!p0 $0x0, s1;
	[sflag:s0] =	ssyncset.done @!p0 $0x0  }
0xee: {  	[sflag:s0] =	ssyncadd.s32 @!p0 s1  }
0xef: {  	[bflag:$0x3] =	sbarrier.arrive $0xFFFF  }
0xf0: {  	_ =	shalt  }

// kernel: kernel.16.cloned.1.call-start
scs
__scs_entry_jumppad:
0x0: {  	(pc) =	sbr.rel $0x88, $3  }
0x1: {  	(tag) =	ssettag $0x0;
	lr =	simm.s32 $0x1  }
0x2: {  	[smem:$0x3F93] =	sst lr;
	_ =	strace $0xD0000000  }
0x3: {  	_ = 	snop  }
0x4: {  	_ = 	snop  }
0x5: {  	_ = 	snop  }
0x6: {  	_ = 	snop  }
0x7: {  	_ = 	snop  }
__scs_overlays_trampoline_lowered:
0x8: {  	[smem:$0x3FA2] =	sst s0  }
0x9: {  	[smem:$0x3FA3] =	sst s1  }
0xa: {  	[smem:$0x3FA4] =	sst s2  }
0xb: {  	[smem:$0x3FA5] =	sst s3  }
0xc: {  	[smem:$0x3FA6] =	sst s4  }
0xd: {  	[smem:$0x3FA7] =	sst s5  }
0xe: {  	[smem:$0x3FA8] =	sst s6  }
0xf: {  	[smem:$0x3FA9] =	sst s7  }
0x10: {  	[smem:$0x3FAA] =	sst s8  }
0x11: {  	[smem:$0x3FAB] =	sst s9;
	s0 =	simm.s32 @!p0 $0x0  }
0x12: {  	s1 =	sld [smem:$0x3F91];
	s0 =	simm.s32 @p0 $0x1  }
0x13: {  	[smem:$0x3FAC] =	sst s0;
	s0 =	simm.s32 @!p1 $0x0  }
0x14: {  	s2 =	sld [smem:$0x3F90];
	s0 =	simm.s32 @p1 $0x1  }
0x15: {  	[smem:$0x3FAD] =	sst s0;
	s0 =	simm.s32 @!p2 $0x0  }
0x16: {  	s3 =	sld [smem:$0x3FDB];
	s0 =	simm.s32 @p2 $0x1  }
0x17: {  	s4 =	simm.s32 $0x1BF5;
	[smem:$0x3FAF] =	sst s0  }
0x18: {  	s0 =	sld [smem:$0x3F92];
	_ =	swait.ge [sflag:s4], $0x0  }
0x19: {  	s7 =	sld [smem:$0x3F93]  }
0x1a: {  	s8 =	sadd.s32 $0xFFFFE003, lr  }
0x1b: {  	s9 =	sadd.s32 $0xFFFFFEF7, lr;
	s5 =	simm.s32 $0xFFFFFFFF;
	p2 =	slt.u32 s8, $0xFFFFF086  }
0x1c: {  	p1 =	slt.u32 s9, $0xF7A;
	s5 =	simm.s32 @!p2 $0x0  }
0x1d: {  	s5 =	simm.s32 @p1 $0x1;
	p0 =	seq.s32 s7, s2  }
0x1e: {  	s7 =	smul.u32 @!p0 $0xF7A, s2;
	p2 =	seq.s32 @!p0 s5, $0x0  }
0x1f: {  	s9 =	smul.u32 $0xF7A, s1;
	s8 =	simm.s32 @!p0 $0x1BF5;
	p2 =	por !p2, p0  }
0x20: {  	[sflag:s8] =	ssyncset.s32 @!p0 $0xFFFFF086;
	s6 =	sadd.s32 @!p0 s3, s7;
	s7 =	simm.s32 @!p0 $0x108  }
0x21: {  	s3 =	sadd.s32 s3, s9;
	s6 =	sadd.s32 @!p0 $0x88, s6;
	s7 =	simm.s32 @p2 $0x1082  }
0x22: {  	[simem:s7], [sflag:s8] =	dma.local @!p0 [hbm:s6], $0xF7A  }
0x23: {  	s9 =	sor.u32 $0xD0000000, s2;
	s6 =	simm.s32 $0x108;
	_ =	swait.ge @!p0 [sflag:s8], $0x0  }
0x24: {  	s3 =	sadd.s32 $0x88, s3;
	s6 =	simm.s32 @!p1 $0x1082;
	[sflag:s4] =	ssyncset.s32 $0xFFFFF086  }
0x25: {  	[simem:s6], [sflag:s4] =	dma.local [hbm:s3], $0xF7A  }
0x26: {  	[smem:$0x3F93] =	sst s1;
	(tag) =	ssettag s2;
	_ =	strace s9  }
0x27: {  	s1 =	sld [smem:$0x3FA3]  }
0x28: {  	s2 =	sld [smem:$0x3FA4]  }
0x29: {  	s4 =	sld [smem:$0x3FA6]  }
0x2a: {  	p0 =	seq.s32 s5, $0x0;
	s5 =	sld [smem:$0x3FA7]  }
0x2b: {  	s6 =	sld [smem:$0x3FA8]  }
0x2c: {  	s7 =	sld [smem:$0x3FA9]  }
0x2d: {  	s3 =	simm.s32 $0x108;
	s8 =	sld [smem:$0x3FAA]  }
0x2e: {  	s3 =	simm.s32 @!p0 $0x1082;
	s9 =	sld [smem:$0x3FAB]  }
0x2f: {  	lr =	sadd.s32 s0, s3;
	s0 =	sld [smem:$0x3FA2]  }
0x30: {  	s3 =	sld [smem:$0x3FA5]  }
0x31: {  	[smem:$0x3FAE] =	sst s10  }
0x32: {  	s10 =	sld [smem:$0x3FAC];
	_ =	sdelay $0x3  }
0x33: {  	p0 =	seq.s32 s10, $0x1;
	s10 =	sld [smem:$0x3FAE];
	_ =	sdelay $0x3  }
0x34: {  	[smem:$0x3FAE] =	sst s10  }
0x35: {  	s10 =	sld [smem:$0x3FAD];
	_ =	sdelay $0x3  }
0x36: {  	p1 =	seq.s32 s10, $0x1;
	s10 =	sld [smem:$0x3FAE];
	_ =	sdelay $0x3  }
0x37: {  	[smem:$0x3FAE] =	sst s10  }
0x38: {  	s10 =	sld [smem:$0x3FAF]  }
0x39: {  	_ = 	snop;
	(pc) =	sbr.ind lr, $3  }
0x3a: {  	_ = 	snop  }
0x3b: {  	_ = 	snop  }
0x3c: {  	p2 =	seq.s32 s10, $0x1;
	s10 =	sld [smem:$0x3FAE]  }
0x3d: {  	_ =	shalt  }
0x3e: {  	_ =	shalt  }
0x3f: {  	_ =	shalt  }
0x40: {  	_ =	shalt  }
0x41: {  	_ =	shalt  }
0x42: {  	_ =	shalt  }
0x43: {  	_ =	shalt  }
0x44: {  	_ =	shalt  }
0x45: {  	_ =	shalt  }
0x46: {  	_ =	shalt  }
0x47: {  	_ =	shalt  }
0x48: {  	_ =	shalt  }
0x49: {  	_ =	shalt  }
0x4a: {  	_ =	shalt  }
0x4b: {  	_ =	shalt  }
0x4c: {  	_ =	shalt  }
0x4d: {  	_ =	shalt  }
0x4e: {  	_ =	shalt  }
0x4f: {  	_ =	shalt  }
0x50: {  	_ =	shalt  }
0x51: {  	_ =	shalt  }
0x52: {  	_ =	shalt  }
0x53: {  	_ =	shalt  }
0x54: {  	_ =	shalt  }
0x55: {  	_ =	shalt  }
0x56: {  	_ =	shalt  }
0x57: {  	_ =	shalt  }
0x58: {  	_ =	shalt  }
0x59: {  	_ =	shalt  }
0x5a: {  	_ =	shalt  }
0x5b: {  	_ =	shalt  }
0x5c: {  	_ =	shalt  }
0x5d: {  	_ =	shalt  }
0x5e: {  	_ =	shalt  }
0x5f: {  	_ =	shalt  }
0x60: {  	_ =	shalt  }
0x61: {  	_ =	shalt  }
0x62: {  	_ =	shalt  }
0x63: {  	_ =	shalt  }
0x64: {  	_ =	shalt  }
0x65: {  	_ =	shalt  }
0x66: {  	_ =	shalt  }
0x67: {  	_ =	shalt  }
0x68: {  	_ =	shalt  }
0x69: {  	_ =	shalt  }
0x6a: {  	_ =	shalt  }
0x6b: {  	_ =	shalt  }
0x6c: {  	_ =	shalt  }
0x6d: {  	_ =	shalt  }
0x6e: {  	_ =	shalt  }
0x6f: {  	_ =	shalt  }
0x70: {  	_ =	shalt  }
0x71: {  	_ =	shalt  }
0x72: {  	_ =	shalt  }
0x73: {  	_ =	shalt  }
0x74: {  	_ =	shalt  }
0x75: {  	_ =	shalt  }
0x76: {  	_ =	shalt  }
0x77: {  	_ =	shalt  }
0x78: {  	_ =	shalt  }
0x79: {  	_ =	shalt  }
0x7a: {  	_ =	shalt  }
0x7b: {  	_ =	shalt  }
0x7c: {  	_ =	shalt  }
0x7d: {  	_ =	shalt  }
0x7e: {  	_ =	shalt  }
0x7f: {  	_ =	shalt  }
0x80: {  	_ =	shalt  }
0x81: {  	_ =	shalt  }
0x82: {  	_ =	shalt  }
0x83: {  	_ =	shalt  }
0x84: {  	_ =	shalt  }
0x85: {  	_ =	shalt  }
0x86: {  	_ =	shalt  }
0x87: {  	_ =	shalt  }
.Lfunc_end0:
.L_simem_size_0:
called_computation.2_lowered:
.L_overlay_start_0:
0x88: {  	s2 =	sld [smem:$0x3FD9]  }
0x89: {  	s3 =	sld [smem:$0x3FFE];
	_ =	sdelay $0x1  }
0x8a: {  	s1 =	srdreg.scid  }
0x8b: {  	s0 =	sand.u32 $0x1, s1  }
0x8c: {  	s17 =	sshll.u32 s0, $0xA;
	s2 =	sadd.s32 s3, s2  }
0x8d: {  	s2 =	sadd.s32 s2, s17  }
0x8e: {  	[smem:$0x3FBA] =	sst s2  }
0x8f: {  	_ = 	snop  }
0x90: {  	s2 =	sld [smem:$0x3FD0];
	(tm) =	ssettm $0x1  }
0x91: {  	s18 =	sld [smem:$0x3FFB];
	_ =	sdelay $0x3  }
0x92: {  	_ =	strace s18  }
0x93: {  	s3 =	sld [smem:$0x3FFC];
	_ =	sdelay $0x3  }
0x94: {  	_ =	strace s3  }
0x95: {  	s3 =	sld [smem:$0x3FFD];
	_ =	sdelay $0x3  }
0x96: {  	_ =	strace s3  }
0x97: {  	_ =	strace $0x8FFFFFFF  }
0x98: {  	s19 =	sld [smem:$0x3FDB];
	_ =	sdelay $0x1  }
0x99: {  	s4 =	simm.s32 $_scs_section_size  }
0x9a: {  	s5 =	simm.s32 $_size__tile_overlayer_lowered;
	s6 =	simm.s32 $_tile_overlayer_lowered  }
0x9b: {  	s22 =	simm.s32 $0x1BFF;
	s21 =	sshll.u32 s6, $0x1;
	s3 =	sadd.s32 s4, s19  }
0x9c: {  	s7 =	simm.s32 $0x0;
	s20 =	sshll.u32 s5, $0x1;
	s5 =	sadd.s32 s21, s3  }
0x9d: {  	[timem:s7], [sflag:s22] =	dma.local [hbm:s5], s20  }
0x9e: {  	_ =	swait.ge [sflag:s22], s20  }
0x9f: {  	s4 =	ssub.s32 $0x0, s20;
	[sflag:s22] =	ssyncset.done $0x0  }
0xa0: {  	[sflag:s22] =	ssyncadd.s32 s4;
	_ =	sdelay $0x1  }
0xa1: {  	s23 =	simm.s32 $0x1B8B  }
0xa2: {  	_ =	swait.ge [sflag:s23], $0x1  }
0xa3: {  	[sflag:s23] =	ssyncset.done $0x0  }
0xa4: {  	s25 =	simm.s32 $0x1B8E;
	s24 =	sld [smem:$0x3FFE];
	[sflag:s23] =	ssyncadd.s32 $0xFFFFFFFF  }
0xa5: {  	s26 =	simm.s32 $execute0_lowered;
	[smem:$0x3FD2] =	sst s25  }
0xa6: {  	s5 =	sshll.u32 s26, $0x1;
	_ =	strace $0x8000004C;
	[dreg:$0x1] =	wrdreg $0xFFFFFFFF  }
0xa7: {  	s28 =	simm.s32 $_size_execute0_lowered;
	s3 =	sadd.s32 s3, s5;
	[dreg:$0x0] =	wrdreg $0x0  }
0xa8: {  	s5 =	sshll.u32 s28, $0x1;
	[dreg:$0x2] =	wrdreg s3  }
0xa9: {  	[dreg:$0x3] =	wrdreg s5  }
0xaa: {  	[dreg:$0x4] =	wrdreg $0xC0  }
0xab: {  	_ =	task [dreg:s7], $0x5FFFF  }
0xac: {  	[dreg:$0x1] =	wrdreg $0xFFFFFFFF  }
0xad: {  	[dreg:$0x0] =	wrdreg $0x60  }
0xae: {  	[dreg:$0x2] =	wrdreg s2  }
0xaf: {  	[dreg:$0x3] =	wrdreg s24  }
0xb0: {  	[dreg:$0x4] =	wrdreg $0x98000  }
0xb1: {  	[dreg:$0x5] =	wrdreg $0x9  }
0xb2: {  	_ =	task.clear_ibuf [dreg:s7], $0x6FFFF;
	_ =	strace $0x9000004C  }
0xb3: {  	s29 =	simm.s32 $0x9;
	_ =	strace $0x8000004E  }
0xb4: {  	_ =	swait.ge [sflag:s29], $0x1  }
0xb5: {  	[sflag:s29] =	ssyncadd.s32 $0xFFFFFFFF  }
0xb6: {  	_ =	strace $0x9000004E  }
0xb7: {  	_ =	sfence  }
0xb8: {  	s30 =	sld [smem:$0x0];
	_ =	sdelay $0x2  }
0xb9: {  	s31 =	sshll.u32 s1, $0xD;
	s1 =	sshrl.u32 s1, $0x2  }
0xba: {  	s3 =	sand.u32 $0x4000, s31;
	s1 =	sadd.s32 s1, s30  }
0xbb: {  	s0 =	sor.u32 s3, s0;
	s1 =	sshll.u32 s1, $0x11  }
0xbc: {  	s0 =	sor.u32 s1, s0  }
0xbd: {  	s0 =	sadd.s32 $0x8F2B, s0  }
0xbe: {  	[sflag:s0] =	ssyncadd.remote.s32 $0x1  }
0xbf: {  	_ =	sfence.sel $0xFFFF  }
0xc0: {  	[dreg:$0x0] =	wrdreg $0xFFFFFFFF;
	(pc) =	sbr.abs _section_cstart, $3  }
0xc1: {  	[dreg:$0x1] =	wrdreg $0xFFFFFFFF  }
0xc2: {  	_ =	task.clear_ibuf [dreg:s7], $0x2FFFF;
	_ =	strace $0x9FFFFFFF  }
0xc3: {  	(tm) =	ssettm $0x7FFFFFFF  }
tec
execute0_lowered:
.L_overlay_start_1:
0x0: {  	(tag) =	ssettag $0x1  }
0x1: {  	s1 =	rddreg [dreg:$0x0]  }
0x2: {  	s0 =	rddreg [dreg:$0x1]  }
0x3: {  	s2 =	rddreg [dreg:$0x2];
	s4 =	simm.s32 $0x0;
	s3 =	srdreg.scid  }
0x4: {  	s11 =	stileid.u32;
	s29 =	simm.s32 $0x4;
	s12 =	simm.s32 $0xE00  }
0x5: {  	s13 =	simm.s32 $0x700;
	s28 =	simm.s32 $0x780;
	s30 =	simm.s32 $0xF00  }
0x6: {  	s31 =	simm.s32 $0xF80;
	[smem:$0x7FF] =	sst s4;
	s8 =	smul.u32 $0x14000, s11  }
0x7: {  	s3 =	sand.u32 $0x1, s3;
	s5 =	sadd.s32 $0xE000, s0;
	s9 =	smul.u32 $0x50000, s11  }
0x8: {  	s7 =	smul.u32 $0x140000, s3;
	_ =	strace $0x8000004D;
	s6 =	sshll.u32 s3, $0x4  }
0x9: {  	s17 =	ssub.s32 $0x2, s3;
	s3 =	smul.u32 $0x28000, s3;
	s10 =	sor.u32 s11, s6  }
0xa: {  	s6 =	sadd.s32 $0x4000, s0;
	s18 =	sshrl.u32 s17, $0x1;
	s11 =	smul.u32 $0x2800, s11  }
0xb: {  	s19 =	sshrl.u32 s9, $0x2;
	s7 =	sadd.s32 s8, s7;
	s16 =	smul.u32 $0x2800, s10  }
0xc: {  	s10 =	ssub.s32 s17, s18;
	s17 =	simm.s32 $0x9000;
	s18 =	simm.s32 $0x5  }
0xd: {  	s7 =	sshrl.u32 s7, $0x3;
	s3 =	sadd.s32 s11, s3;
	s25 =	smax.u32 s10, $0x1  }
0xe: {  	s11 =	simm.s32 $0x680;
	s0 =	sadd.s32 s7, s0;
	s8 =	sshrl.u32 s16, $0x3  }
0xf: {  	s7 =	sadd.s32 s19, s2;
	s22 =	sadd.s32 $0xC00, s3;
	[dreg:$0x9] =	wrdreg s25  }
0x10: {  	s26 =	sadd.s32 $0x800, s3;
	s25 =	simm.s32 $0x5000;
	s19 =	simm.s32 $0x2  }
0x11: {  	s16 =	simm.s32 $0xE80;
	s3 =	simm.s32 $0x0;
	s20 =	sadd.s32 s5, s8  }
0x12: {  	s21 =	sadd.s32 s6, s8;
	s8 =	sor.u32 $0x80, s8;
	s24 =	sshrl.u32 s22, $0x3  }
0x13: {  	s0 =	sadd.s32 $0x18000, s0;
	[dreg:$0xa] =	wrdreg s26;
	s22 =	simm.s32 $0x1  }
.Ltmp0:
0x14: {  	s26 =	simm.s32 $0x3;
	[dreg:$0x4] =	wrdreg s20;
	(pc) =	sbr.rel .LBB2_1-.Ltmp0, $4  }
0x15: {  	[dreg:$0x5] =	wrdreg s21;
	s23 =	sadd.s32 s5, s8;
	s8 =	sadd.s32 s6, s8  }
0x16: {  	[dreg:$0x8] =	wrdreg s0;
	s14 =	sadd.s32 s24, s6;
	s15 =	sadd.s32 s24, s5  }
0x17: {  	s20 =	simm.s32 $0x400;
	s21 =	simm.s32 $0xC00;
	[dreg:$0x6] =	wrdreg s23  }
0x18: {  	v0 =	vimm.f32 $0.0e+00;
	s24 =	simm.s32 $0x1000;
	[dreg:$0x7] =	wrdreg s8;
	s23 =	simm.s32 $0x80  }
.LBB2_8:
0x19: {  	s0 =	stileid.u32  }
0x1a: {  	[bflag:$0x0] =	sbarrier.arrive $0xFFFF;
	s0 =	sshll.u32 s0, $0x6  }
0x1b: {  	s3 =	sshrl.u32 s7, $0x3;
	s8 =	rddreg [dreg:$0x8];
	s0 =	sor.u32 $0x1C05, s0  }
0x1c: {  	[hbm:s8], [sflag:s0] =	dma.local [spmem:s3], $0x2800  }
0x1d: {  	_ =	swait.ge [sflag:s18], $0x2800  }
0x1e: {  	s9 =	rddreg [dreg:$0xb]  }
0x1f: {  	s10 =	rddreg [dreg:$0x9];
	s3 =	sadd.s32 $0x1, s9  }
0x20: {  	p0 =	sne.s32 s3, s10  }
.Ltmp1:
0x21: {  	_ = 	snop;
	(pc) =	sbr.rel @!p0 .LBB2_9-.Ltmp1, $3  }
0x22: {  	_ =	sdelay $0x1  }
0x23: {  	[sflag:s18] =	ssyncset.done $0x0  }
0x24: {  	[sflag:s18] =	ssyncadd.s32 $0xFFFFD800  }
.LBB2_1:
0x25: {  	[dreg:$0xb] =	wrdreg s3;
	s0 =	simm.s32 $0x0;
	s3 =	simm.s32 $0x200  }
.LBB2_2:
0x26: {  	p0 =	sne.s32 s3, $0x1E00;
	[tilespmem:s0+$0x9070] =	vst v0  }
0x27: {  	[tilespmem:s0+$0x9000] =	vst v0  }
0x28: {  	[tilespmem:s0+$0x9010] =	vst v0  }
.Ltmp2:
0x29: {  	[tilespmem:s0+$0x9020] =	vst v0;
	(pc) =	sbr.rel @p0 .LBB2_2-.Ltmp2, $4  }
0x2a: {  	[tilespmem:s0+$0x9030] =	vst v0  }
0x2b: {  	[tilespmem:s0+$0x9040] =	vst v0  }
0x2c: {  	[tilespmem:s0+$0x9050] =	vst v0  }
0x2d: {  	[tilespmem:s0+$0x9060] =	vst v0;
	s0 =	sshra.s32 s3, $0x2;
	s3 =	sadd.s32 $0x200, s3  }
0x2e: {  	[tilespmem:s0+$0x9070] =	vst v0  }
0x2f: {  	[tilespmem:s0+$0x9000] =	vst v0  }
0x30: {  	[tilespmem:s0+$0x9010] =	vst v0  }
0x31: {  	[tilespmem:s0+$0x9020] =	vst v0  }
0x32: {  	[tilespmem:s0+$0x9030] =	vst v0  }
0x33: {  	[tilespmem:s0+$0x9040] =	vst v0  }
0x34: {  	[tilespmem:s0+$0x9050] =	vst v0  }
0x35: {  	[tilespmem:s0+$0x9060] =	vst v0;
	s10 =	sadd.s32 $0x0, s7  }
0x36: {  	[spmem:s10] =	stream.linear.scatter [tilespmem:s17], [sflag:$0x5], $0x800, $0x38;
	[tilespmem:$0x1D800] =	vst v63  }
0x37: {  	s0 =	simm.s32 $0x2000;
	_ =	swait.ge [sflag:s18], $0x800  }
.LBB2_4:
0x38: {  	s3 =	sshra.s32 s0, $0x2;
	[sflag:s18] =	ssyncset.done $0x0;
	p0 =	sne.s32 s0, $0x4E000  }
.Ltmp3:
0x39: {  	s3 =	sadd.s32 s3, s7;
	[sflag:s18] =	ssyncadd.s32 $0xFFFFF800;
	(pc) =	sbr.rel @p0 .LBB2_4-.Ltmp3, $3  }
0x3a: {  	[spmem:s3] =	stream.linear.scatter [tilespmem:s17], [sflag:$0x5], $0x800, $0x38;
	[tilespmem:$0x1D800] =	vst v63  }
0x3b: {  	s0 =	sadd.s32 $0x2000, s0;
	_ =	sdelay $0x1  }
0x3c: {  	_ =	swait.ge [sflag:s18], $0x800  }
0x3d: {  	[sflag:s18] =	ssyncset.done $0x0  }
0x3e: {  	[sflag:s18] =	ssyncadd.s32 $0xFFFFF800  }
0x3f: {  	[bflag:$0x0] =	sbarrier.arrive $0xFFFF  }
0x40: {  	s3 =	rddreg [dreg:$0x4]  }
0x41: {  	s0 =	simm.s32 $0x0;
	s10 =	rddreg [dreg:$0x5]  }
0x42: {  	[tilespmem:s0], [sflag:$0x1] =	stream.linear.gather [hbm4b:s3+s0], $0x400, $0x38;
	[tilespmem:$0x1D800] =	vst v63  }
0x43: {  	s8 =	simm.s32 $0x800;
	s9 =	rddreg [dreg:$0x6]  }
0x44: {  	[tilespmem:s8], [sflag:$0x1] =	stream.linear.gather [hbm4b:s10+s0], $0x400, $0x38;
	[tilespmem:$0x1D800] =	vst v63  }
0x45: {  	s3 =	rddreg [dreg:$0xa]  }
0x46: {  	[tilespmem:s20], [sflag:$0x2] =	stream.linear.gather [hbm4b:s9+s0], $0x400, $0x38;
	[tilespmem:$0x1D800] =	vst v63  }
0x47: {  	s10 =	rddreg [dreg:$0x7]  }
0x48: {  	[tilespmem:s21], [sflag:$0x2] =	stream.linear.gather [hbm4b:s10+s0], $0x400, $0x38;
	[tilespmem:$0x1D800] =	vst v63  }
.LBB2_6:
0x49: {  	_ =	swait.ge [sflag:s22], $0x400  }
0x4a: {  	[sflag:s22] =	ssyncset.done $0x0  }
0x4b: {  	[sflag:s22] =	ssyncadd.s32 $0xFFFFFC00  }
0x4c: {  	_ =	swait.ge [sflag:s22], $0x400  }
0x4d: {  	[sflag:s22] =	ssyncset.done $0x0  }
0x4e: {  	[sflag:s22] =	ssyncadd.s32 $0xFFFFFC00  }
0x4f: {  	[tilespmem:s24], [sflag:$0x3] =	stream.indirect.gather [hbm4b:s1+s23], $0x80, s4, s23, $0xb8;
	[tilespmem:$0x1D800] =	vst v63  }
0x50: {  	_ = 	snop  }
0x51: {  	[tilespmem:s25], [sflag:$0x4] =	stream.indirect.gather [hbm4b:s1+s23], $0x80, s23, s23, $0xb8;
	[tilespmem:$0x1D800] =	vst v63  }
0x52: {  	_ =	swait.ge [sflag:s26], $0x4000  }
0x53: {  	[sflag:s26] =	ssyncset.done $0x0  }
0x54: {  	s8 =	simm.s32 $0x800;
	[sflag:s26] =	ssyncadd.s32 $0xFFFFC000  }
0x55: {  	[spmem:s2] =	stream.indirect.scatter.add.f32 [tilespmem:s24], [sflag:$0x5], $0x80, s8, s23, $0xb8;
	[tilespmem:$0x1D800] =	vst v63  }
0x56: {  	_ =	swait.ge [sflag:s18], $0x4000  }
0x57: {  	[sflag:s18] =	ssyncset.done $0x0  }
0x58: {  	s9 =	simm.s32 $0x100;
	[sflag:s18] =	ssyncadd.s32 $0xFFFFC000  }
0x59: {  	[tilespmem:s24], [sflag:$0x3] =	stream.indirect.gather [hbm4b:s1+s23], $0x80, s9, s23, $0xb8;
	[tilespmem:$0x1D800] =	vst v63  }
0x5a: {  	_ =	swait.ge [sflag:s29], $0x4000  }
0x5b: {  	[sflag:s29] =	ssyncset.done $0x0  }
0x5c: {  	s10 =	simm.s32 $0x880;
	[sflag:s29] =	ssyncadd.s32 $0xFFFFC000  }
0x5d: {  	[spmem:s2] =	stream.indirect.scatter.add.f32 [tilespmem:s25], [sflag:$0x5], $0x80, s10, s23, $0xb8;
	[tilespmem:$0x1D800] =	vst v63  }
0x5e: {  	_ =	swait.ge [sflag:s18], $0x4000  }
0x5f: {  	[sflag:s18] =	ssyncset.done $0x0  }
0x60: {  	s9 =	simm.s32 $0x180;
	[sflag:s18] =	ssyncadd.s32 $0xFFFFC000  }
0x61: {  	[tilespmem:s25], [sflag:$0x4] =	stream.indirect.gather [hbm4b:s1+s23], $0x80, s9, s23, $0xb8;
	[tilespmem:$0x1D800] =	vst v63  }
0x62: {  	_ =	swait.ge [sflag:s26], $0x4000  }
0x63: {  	[sflag:s26] =	ssyncset.done $0x0  }
0x64: {  	s10 =	simm.s32 $0x900;
	[sflag:s26] =	ssyncadd.s32 $0xFFFFC000  }
0x65: {  	[spmem:s2] =	stream.indirect.scatter.add.f32 [tilespmem:s24], [sflag:$0x5], $0x80, s10, s23, $0xb8;
	[tilespmem:$0x1D800] =	vst v63  }
0x66: {  	_ =	swait.ge [sflag:s18], $0x4000  }
0x67: {  	[sflag:s18] =	ssyncset.done $0x0  }
0x68: {  	s9 =	simm.s32 $0x200;
	[sflag:s18] =	ssyncadd.s32 $0xFFFFC000  }
0x69: {  	[tilespmem:s24], [sflag:$0x3] =	stream.indirect.gather [hbm4b:s1+s23], $0x80, s9, s23, $0xb8;
	[tilespmem:$0x1D800] =	vst v63  }
0x6a: {  	_ =	swait.ge [sflag:s29], $0x4000  }
0x6b: {  	[sflag:s29] =	ssyncset.done $0x0  }
0x6c: {  	s10 =	simm.s32 $0x980;
	[sflag:s29] =	ssyncadd.s32 $0xFFFFC000  }
0x6d: {  	[spmem:s2] =	stream.indirect.scatter.add.f32 [tilespmem:s25], [sflag:$0x5], $0x80, s10, s23, $0xb8;
	[tilespmem:$0x1D800] =	vst v63  }
0x6e: {  	_ =	swait.ge [sflag:s18], $0x4000  }
0x6f: {  	[sflag:s18] =	ssyncset.done $0x0  }
0x70: {  	s9 =	simm.s32 $0x280;
	[sflag:s18] =	ssyncadd.s32 $0xFFFFC000  }
0x71: {  	[tilespmem:s25], [sflag:$0x4] =	stream.indirect.gather [hbm4b:s1+s23], $0x80, s9, s23, $0xb8;
	[tilespmem:$0x1D800] =	vst v63  }
0x72: {  	_ =	swait.ge [sflag:s26], $0x4000  }
0x73: {  	[sflag:s26] =	ssyncset.done $0x0  }
0x74: {  	s10 =	simm.s32 $0xA00;
	[sflag:s26] =	ssyncadd.s32 $0xFFFFC000  }
0x75: {  	[spmem:s2] =	stream.indirect.scatter.add.f32 [tilespmem:s24], [sflag:$0x5], $0x80, s10, s23, $0xb8;
	[tilespmem:$0x1D800] =	vst v63  }
0x76: {  	_ =	swait.ge [sflag:s18], $0x4000  }
0x77: {  	[sflag:s18] =	ssyncset.done $0x0  }
0x78: {  	s9 =	simm.s32 $0x300;
	[sflag:s18] =	ssyncadd.s32 $0xFFFFC000  }
0x79: {  	[tilespmem:s24], [sflag:$0x3] =	stream.indirect.gather [hbm4b:s1+s23], $0x80, s9, s23, $0xb8;
	[tilespmem:$0x1D800] =	vst v63  }
0x7a: {  	_ =	swait.ge [sflag:s29], $0x4000  }
0x7b: {  	[sflag:s29] =	ssyncset.done $0x0  }
0x7c: {  	s10 =	simm.s32 $0xA80;
	[sflag:s29] =	ssyncadd.s32 $0xFFFFC000  }
0x7d: {  	[spmem:s2] =	stream.indirect.scatter.add.f32 [tilespmem:s25], [sflag:$0x5], $0x80, s10, s23, $0xb8;
	[tilespmem:$0x1D800] =	vst v63  }
0x7e: {  	_ =	swait.ge [sflag:s18], $0x4000  }
0x7f: {  	[sflag:s18] =	ssyncset.done $0x0  }
0x80: {  	s9 =	simm.s32 $0x380;
	[sflag:s18] =	ssyncadd.s32 $0xFFFFC000  }
0x81: {  	[tilespmem:s25], [sflag:$0x4] =	stream.indirect.gather [hbm4b:s1+s23], $0x80, s9, s23, $0xb8;
	[tilespmem:$0x1D800] =	vst v63  }
0x82: {  	_ =	swait.ge [sflag:s26], $0x4000  }
0x83: {  	[sflag:s26] =	ssyncset.done $0x0  }
0x84: {  	s10 =	simm.s32 $0xB00;
	[sflag:s26] =	ssyncadd.s32 $0xFFFFC000  }
0x85: {  	[spmem:s2] =	stream.indirect.scatter.add.f32 [tilespmem:s24], [sflag:$0x5], $0x80, s10, s23, $0xb8;
	[tilespmem:$0x1D800] =	vst v63  }
0x86: {  	_ =	swait.ge [sflag:s18], $0x4000  }
0x87: {  	[sflag:s18] =	ssyncset.done $0x0  }
0x88: {  	[sflag:s18] =	ssyncadd.s32 $0xFFFFC000  }
0x89: {  	_ =	swait.ge [sflag:s29], $0x4000  }
0x8a: {  	[sflag:s29] =	ssyncset.done $0x0  }
0x8b: {  	s9 =	simm.s32 $0xB80;
	[sflag:s29] =	ssyncadd.s32 $0xFFFFC000  }
0x8c: {  	[spmem:s2] =	stream.indirect.scatter.add.f32 [tilespmem:s25], [sflag:$0x5], $0x80, s9, s23, $0xb8;
	[tilespmem:$0x1D800] =	vst v63  }
0x8d: {  	p0 =	seq.s32 s0, $0x400;
	_ =	swait.ge [sflag:s18], $0x4000  }
0x8e: {  	s8 =	sshrl.u32 @!p0 s3, $0x3;
	[sflag:s18] =	ssyncset.done $0x0  }
0x8f: {  	s10 =	simm.s32 @!p0 $0x0;
	s9 =	sadd.s32 @!p0 s5, s8;
	[sflag:s18] =	ssyncadd.s32 $0xFFFFC000  }
0x90: {  	[tilespmem:s10], [sflag:$0x1] =	stream.linear.gather @!p0 [hbm4b:s9+s10], $0x400, $0x38;
	[tilespmem:$0x1D800] =	vst v63  }
0x91: {  	s8 =	sadd.s32 @!p0 s6, s8;
	s9 =	simm.s32 @!p0 $0x800  }
0x92: {  	[tilespmem:s9], [sflag:$0x1] =	stream.linear.gather @!p0 [hbm4b:s8+s10], $0x400, $0x38;
	[tilespmem:$0x1D800] =	vst v63  }
0x93: {  	_ =	swait.ge [sflag:s19], $0x400  }
0x94: {  	[sflag:s19] =	ssyncset.done $0x0  }
0x95: {  	[sflag:s19] =	ssyncadd.s32 $0xFFFFFC00  }
0x96: {  	_ =	swait.ge [sflag:s19], $0x400  }
0x97: {  	[sflag:s19] =	ssyncset.done $0x0  }
0x98: {  	[sflag:s19] =	ssyncadd.s32 $0xFFFFFC00  }
0x99: {  	[tilespmem:s24], [sflag:$0x3] =	stream.indirect.gather [hbm4b:s1+s23], $0x80, s20, s23, $0xb8;
	[tilespmem:$0x1D800] =	vst v63  }
0x9a: {  	s10 =	simm.s32 $0x480  }
0x9b: {  	[tilespmem:s25], [sflag:$0x4] =	stream.indirect.gather [hbm4b:s1+s23], $0x80, s10, s23, $0xb8;
	[tilespmem:$0x1D800] =	vst v63  }
0x9c: {  	_ =	swait.ge [sflag:s26], $0x4000  }
0x9d: {  	[sflag:s26] =	ssyncset.done $0x0  }
0x9e: {  	[sflag:s26] =	ssyncadd.s32 $0xFFFFC000  }
0x9f: {  	[spmem:s2] =	stream.indirect.scatter.add.f32 [tilespmem:s24], [sflag:$0x5], $0x80, s21, s23, $0xb8;
	[tilespmem:$0x1D800] =	vst v63  }
0xa0: {  	_ =	swait.ge [sflag:s18], $0x4000  }
0xa1: {  	[sflag:s18] =	ssyncset.done $0x0  }
0xa2: {  	s9 =	simm.s32 $0x500;
	[sflag:s18] =	ssyncadd.s32 $0xFFFFC000  }
0xa3: {  	[tilespmem:s24], [sflag:$0x3] =	stream.indirect.gather [hbm4b:s1+s23], $0x80, s9, s23, $0xb8;
	[tilespmem:$0x1D800] =	vst v63  }
0xa4: {  	_ =	swait.ge [sflag:s29], $0x4000  }
0xa5: {  	[sflag:s29] =	ssyncset.done $0x0  }
0xa6: {  	s10 =	simm.s32 $0xC80;
	[sflag:s29] =	ssyncadd.s32 $0xFFFFC000  }
0xa7: {  	[spmem:s2] =	stream.indirect.scatter.add.f32 [tilespmem:s25], [sflag:$0x5], $0x80, s10, s23, $0xb8;
	[tilespmem:$0x1D800] =	vst v63  }
0xa8: {  	_ =	swait.ge [sflag:s18], $0x4000  }
0xa9: {  	[sflag:s18] =	ssyncset.done $0x0  }
0xaa: {  	s9 =	simm.s32 $0x580;
	[sflag:s18] =	ssyncadd.s32 $0xFFFFC000  }
0xab: {  	[tilespmem:s25], [sflag:$0x4] =	stream.indirect.gather [hbm4b:s1+s23], $0x80, s9, s23, $0xb8;
	[tilespmem:$0x1D800] =	vst v63  }
0xac: {  	_ =	swait.ge [sflag:s26], $0x4000  }
0xad: {  	[sflag:s26] =	ssyncset.done $0x0  }
0xae: {  	s10 =	simm.s32 $0xD00;
	[sflag:s26] =	ssyncadd.s32 $0xFFFFC000  }
0xaf: {  	[spmem:s2] =	stream.indirect.scatter.add.f32 [tilespmem:s24], [sflag:$0x5], $0x80, s10, s23, $0xb8;
	[tilespmem:$0x1D800] =	vst v63  }
0xb0: {  	_ =	swait.ge [sflag:s18], $0x4000  }
0xb1: {  	[sflag:s18] =	ssyncset.done $0x0  }
0xb2: {  	s9 =	simm.s32 $0x600;
	[sflag:s18] =	ssyncadd.s32 $0xFFFFC000  }
0xb3: {  	[tilespmem:s24], [sflag:$0x3] =	stream.indirect.gather [hbm4b:s1+s23], $0x80, s9, s23, $0xb8;
	[tilespmem:$0x1D800] =	vst v63  }
0xb4: {  	_ =	swait.ge [sflag:s29], $0x4000  }
0xb5: {  	[sflag:s29] =	ssyncset.done $0x0  }
0xb6: {  	s10 =	simm.s32 $0xD80;
	[sflag:s29] =	ssyncadd.s32 $0xFFFFC000  }
0xb7: {  	[spmem:s2] =	stream.indirect.scatter.add.f32 [tilespmem:s25], [sflag:$0x5], $0x80, s10, s23, $0xb8;
	[tilespmem:$0x1D800] =	vst v63  }
0xb8: {  	_ =	swait.ge [sflag:s18], $0x4000  }
0xb9: {  	[sflag:s18] =	ssyncset.done $0x0  }
0xba: {  	[sflag:s18] =	ssyncadd.s32 $0xFFFFC000  }
0xbb: {  	[tilespmem:s25], [sflag:$0x4] =	stream.indirect.gather [hbm4b:s1+s23], $0x80, s11, s23, $0xb8;
	[tilespmem:$0x1D800] =	vst v63  }
0xbc: {  	_ =	swait.ge [sflag:s26], $0x4000  }
0xbd: {  	[sflag:s26] =	ssyncset.done $0x0  }
0xbe: {  	[sflag:s26] =	ssyncadd.s32 $0xFFFFC000  }
0xbf: {  	[spmem:s2] =	stream.indirect.scatter.add.f32 [tilespmem:s24], [sflag:$0x5], $0x80, s12, s23, $0xb8;
	[tilespmem:$0x1D800] =	vst v63  }
0xc0: {  	_ =	swait.ge [sflag:s18], $0x4000  }
0xc1: {  	[sflag:s18] =	ssyncset.done $0x0  }
0xc2: {  	[sflag:s18] =	ssyncadd.s32 $0xFFFFC000  }
0xc3: {  	[tilespmem:s24], [sflag:$0x3] =	stream.indirect.gather [hbm4b:s1+s23], $0x80, s13, s23, $0xb8;
	[tilespmem:$0x1D800] =	vst v63  }
0xc4: {  	_ =	swait.ge [sflag:s29], $0x4000  }
0xc5: {  	[sflag:s29] =	ssyncset.done $0x0  }
0xc6: {  	[sflag:s29] =	ssyncadd.s32 $0xFFFFC000  }
0xc7: {  	[spmem:s2] =	stream.indirect.scatter.add.f32 [tilespmem:s25], [sflag:$0x5], $0x80, s16, s23, $0xb8;
	[tilespmem:$0x1D800] =	vst v63  }
0xc8: {  	_ =	swait.ge [sflag:s18], $0x4000  }
0xc9: {  	[sflag:s18] =	ssyncset.done $0x0  }
0xca: {  	[sflag:s18] =	ssyncadd.s32 $0xFFFFC000  }
0xcb: {  	[tilespmem:s25], [sflag:$0x4] =	stream.indirect.gather [hbm4b:s1+s23], $0x80, s28, s23, $0xb8;
	[tilespmem:$0x1D800] =	vst v63  }
0xcc: {  	_ =	swait.ge [sflag:s26], $0x4000  }
0xcd: {  	[sflag:s26] =	ssyncset.done $0x0  }
0xce: {  	[sflag:s26] =	ssyncadd.s32 $0xFFFFC000  }
0xcf: {  	[spmem:s2] =	stream.indirect.scatter.add.f32 [tilespmem:s24], [sflag:$0x5], $0x80, s30, s23, $0xb8;
	[tilespmem:$0x1D800] =	vst v63  }
0xd0: {  	_ =	swait.ge [sflag:s18], $0x4000  }
0xd1: {  	[sflag:s18] =	ssyncset.done $0x0  }
0xd2: {  	[sflag:s18] =	ssyncadd.s32 $0xFFFFC000  }
0xd3: {  	_ =	swait.ge [sflag:s29], $0x4000  }
0xd4: {  	[sflag:s29] =	ssyncset.done $0x0  }
.Ltmp4:
0xd5: {  	[sflag:s29] =	ssyncadd.s32 $0xFFFFC000;
	(pc) =	sbr.rel @p0 .LBB2_8-.Ltmp4, $4  }
0xd6: {  	[spmem:s2] =	stream.indirect.scatter.add.f32 [tilespmem:s25], [sflag:$0x5], $0x80, s31, s23, $0xb8;
	[tilespmem:$0x1D800] =	vst v63  }
0xd7: {  	_ =	swait.ge [sflag:s18], $0x4000  }
0xd8: {  	[sflag:s18] =	ssyncset.done $0x0  }
0xd9: {  	[sflag:s18] =	ssyncadd.s32 $0xFFFFC000  }
.Ltmp5:
0xda: {  	(pc) =	sbr.rel .LBB2_6-.Ltmp5, $4  }
0xdb: {  	s8 =	sadd.s32 s0, s15  }
0xdc: {  	[tilespmem:s20], [sflag:$0x2] =	stream.linear.gather [hbm4b:s8+s4], $0x400, $0x38;
	[tilespmem:$0x1D800] =	vst v63  }
0xdd: {  	s10 =	sadd.s32 s0, s14;
	s0 =	sadd.s32 $0x100, s0;
	s3 =	sadd.s32 $0x800, s3  }
0xde: {  	[tilespmem:s21], [sflag:$0x2] =	stream.linear.gather [hbm4b:s10+s4], $0x400, $0x38;
	[tilespmem:$0x1D800] =	vst v63  }
.LBB2_9:
0xdf: {  	_ =	sfence.sel $0x180000  }
0xe0: {  	[bflag:$0x0] =	sbarrier.arrive $0xFFFF  }
0xe1: {  	_ =	strace $0x9000004D  }
0xe2: {  	s0 =	stileid.u32;
	[bflag:$0x2] =	sbarrier.arrive $0xFFFF  }
0xe3: {  	p0 =	sne.s32 s0, $0x0;
	s0 =	rddreg [dreg:$0x3]  }
0xe4: {  	s0 =	sadd.s32 @!p0 $0x100000, s0  }
0xe5: {  	[sflag:s0] =	ssyncadd.tile.s32 @!p0 $0x1;
	_ =	shalt  }
.Lfunc_end2:
_tile_overlayer_lowered:
.L_overlay_start_2:
0xe6: {  	(tag) =	ssettag $0x2  }
0xe7: {  	s0 =	rddreg [dreg:$0x0];
	s2 =	stileid.u32  }
0xe8: {  	s1 =	rddreg [dreg:$0x1];
	p0 =	sne.s32 s2, $0x0  }
0xe9: {  	s3 =	rddreg [dreg:$0x2];
	[bflag:$0x3] =	sbarrier.arrive $0xFFFF;
	s2 =	simm.s32 @!p0 $0x1C05  }
0xea: {  	[timem:s3], [sflag:s2] =	dma.local @!p0 [hbm:s0], s1  }
0xeb: {  	s0 =	simm.s32 @!p0 $0x5  }
0xec: {  	_ =	swait.ge @!p0 [sflag:s0], s1  }
0xed: {  	s1 =	ssub.s32 @!p0 $0x0, s1;
	[sflag:s0] =	ssyncset.done @!p0 $0x0  }
0xee: {  	[sflag:s0] =	ssyncadd.s32 @!p0 s1  }
0xef: {  	[bflag:$0x3] =	sbarrier.arrive $0xFFFF  }
0xf0: {  	_ =	shalt  }

// kernel: kernel.19.cloned.1.call-start
scs
__scs_entry_jumppad:
0x0: {  	(pc) =	sbr.rel $0x88, $3  }
0x1: {  	(tag) =	ssettag $0x0;
	lr =	simm.s32 $0x1  }
0x2: {  	[smem:$0x3F93] =	sst lr;
	_ =	strace $0xD0000000  }
0x3: {  	_ = 	snop  }
0x4: {  	_ = 	snop  }
0x5: {  	_ = 	snop  }
0x6: {  	_ = 	snop  }
0x7: {  	_ = 	snop  }
__scs_overlays_trampoline_lowered:
0x8: {  	[smem:$0x3FA2] =	sst s0  }
0x9: {  	[smem:$0x3FA3] =	sst s1  }
0xa: {  	[smem:$0x3FA4] =	sst s2  }
0xb: {  	[smem:$0x3FA5] =	sst s3  }
0xc: {  	[smem:$0x3FA6] =	sst s4  }
0xd: {  	[smem:$0x3FA7] =	sst s5  }
0xe: {  	[smem:$0x3FA8] =	sst s6  }
0xf: {  	[smem:$0x3FA9] =	sst s7  }
0x10: {  	[smem:$0x3FAA] =	sst s8  }
0x11: {  	[smem:$0x3FAB] =	sst s9;
	s0 =	simm.s32 @!p0 $0x0  }
0x12: {  	s1 =	sld [smem:$0x3F91];
	s0 =	simm.s32 @p0 $0x1  }
0x13: {  	[smem:$0x3FAC] =	sst s0;
	s0 =	simm.s32 @!p1 $0x0  }
0x14: {  	s2 =	sld [smem:$0x3F90];
	s0 =	simm.s32 @p1 $0x1  }
0x15: {  	[smem:$0x3FAD] =	sst s0;
	s0 =	simm.s32 @!p2 $0x0  }
0x16: {  	s3 =	sld [smem:$0x3FDB];
	s0 =	simm.s32 @p2 $0x1  }
0x17: {  	s4 =	simm.s32 $0x1BF5;
	[smem:$0x3FAF] =	sst s0  }
0x18: {  	s0 =	sld [smem:$0x3F92];
	_ =	swait.ge [sflag:s4], $0x0  }
0x19: {  	s7 =	sld [smem:$0x3F93]  }
0x1a: {  	s8 =	sadd.s32 $0xFFFFE003, lr  }
0x1b: {  	s9 =	sadd.s32 $0xFFFFFEF7, lr;
	s5 =	simm.s32 $0xFFFFFFFF;
	p2 =	slt.u32 s8, $0xFFFFF086  }
0x1c: {  	p1 =	slt.u32 s9, $0xF7A;
	s5 =	simm.s32 @!p2 $0x0  }
0x1d: {  	s5 =	simm.s32 @p1 $0x1;
	p0 =	seq.s32 s7, s2  }
0x1e: {  	s7 =	smul.u32 @!p0 $0xF7A, s2;
	p2 =	seq.s32 @!p0 s5, $0x0  }
0x1f: {  	s9 =	smul.u32 $0xF7A, s1;
	s8 =	simm.s32 @!p0 $0x1BF5;
	p2 =	por !p2, p0  }
0x20: {  	[sflag:s8] =	ssyncset.s32 @!p0 $0xFFFFF086;
	s6 =	sadd.s32 @!p0 s3, s7;
	s7 =	simm.s32 @!p0 $0x108  }
0x21: {  	s3 =	sadd.s32 s3, s9;
	s6 =	sadd.s32 @!p0 $0x88, s6;
	s7 =	simm.s32 @p2 $0x1082  }
0x22: {  	[simem:s7], [sflag:s8] =	dma.local @!p0 [hbm:s6], $0xF7A  }
0x23: {  	s9 =	sor.u32 $0xD0000000, s2;
	s6 =	simm.s32 $0x108;
	_ =	swait.ge @!p0 [sflag:s8], $0x0  }
0x24: {  	s3 =	sadd.s32 $0x88, s3;
	s6 =	simm.s32 @!p1 $0x1082;
	[sflag:s4] =	ssyncset.s32 $0xFFFFF086  }
0x25: {  	[simem:s6], [sflag:s4] =	dma.local [hbm:s3], $0xF7A  }
0x26: {  	[smem:$0x3F93] =	sst s1;
	(tag) =	ssettag s2;
	_ =	strace s9  }
0x27: {  	s1 =	sld [smem:$0x3FA3]  }
0x28: {  	s2 =	sld [smem:$0x3FA4]  }
0x29: {  	s4 =	sld [smem:$0x3FA6]  }
0x2a: {  	p0 =	seq.s32 s5, $0x0;
	s5 =	sld [smem:$0x3FA7]  }
0x2b: {  	s6 =	sld [smem:$0x3FA8]  }
0x2c: {  	s7 =	sld [smem:$0x3FA9]  }
0x2d: {  	s3 =	simm.s32 $0x108;
	s8 =	sld [smem:$0x3FAA]  }
0x2e: {  	s3 =	simm.s32 @!p0 $0x1082;
	s9 =	sld [smem:$0x3FAB]  }
0x2f: {  	lr =	sadd.s32 s0, s3;
	s0 =	sld [smem:$0x3FA2]  }
0x30: {  	s3 =	sld [smem:$0x3FA5]  }
0x31: {  	[smem:$0x3FAE] =	sst s10  }
0x32: {  	s10 =	sld [smem:$0x3FAC];
	_ =	sdelay $0x3  }
0x33: {  	p0 =	seq.s32 s10, $0x1;
	s10 =	sld [smem:$0x3FAE];
	_ =	sdelay $0x3  }
0x34: {  	[smem:$0x3FAE] =	sst s10  }
0x35: {  	s10 =	sld [smem:$0x3FAD];
	_ =	sdelay $0x3  }
0x36: {  	p1 =	seq.s32 s10, $0x1;
	s10 =	sld [smem:$0x3FAE];
	_ =	sdelay $0x3  }
0x37: {  	[smem:$0x3FAE] =	sst s10  }
0x38: {  	s10 =	sld [smem:$0x3FAF]  }
0x39: {  	_ = 	snop;
	(pc) =	sbr.ind lr, $3  }
0x3a: {  	_ = 	snop  }
0x3b: {  	_ = 	snop  }
0x3c: {  	p2 =	seq.s32 s10, $0x1;
	s10 =	sld [smem:$0x3FAE]  }
0x3d: {  	_ =	shalt  }
0x3e: {  	_ =	shalt  }
0x3f: {  	_ =	shalt  }
0x40: {  	_ =	shalt  }
0x41: {  	_ =	shalt  }
0x42: {  	_ =	shalt  }
0x43: {  	_ =	shalt  }
0x44: {  	_ =	shalt  }
0x45: {  	_ =	shalt  }
0x46: {  	_ =	shalt  }
0x47: {  	_ =	shalt  }
0x48: {  	_ =	shalt  }
0x49: {  	_ =	shalt  }
0x4a: {  	_ =	shalt  }
0x4b: {  	_ =	shalt  }
0x4c: {  	_ =	shalt  }
0x4d: {  	_ =	shalt  }
0x4e: {  	_ =	shalt  }
0x4f: {  	_ =	shalt  }
0x50: {  	_ =	shalt  }
0x51: {  	_ =	shalt  }
0x52: {  	_ =	shalt  }
0x53: {  	_ =	shalt  }
0x54: {  	_ =	shalt  }
0x55: {  	_ =	shalt  }
0x56: {  	_ =	shalt  }
0x57: {  	_ =	shalt  }
0x58: {  	_ =	shalt  }
0x59: {  	_ =	shalt  }
0x5a: {  	_ =	shalt  }
0x5b: {  	_ =	shalt  }
0x5c: {  	_ =	shalt  }
0x5d: {  	_ =	shalt  }
0x5e: {  	_ =	shalt  }
0x5f: {  	_ =	shalt  }
0x60: {  	_ =	shalt  }
0x61: {  	_ =	shalt  }
0x62: {  	_ =	shalt  }
0x63: {  	_ =	shalt  }
0x64: {  	_ =	shalt  }
0x65: {  	_ =	shalt  }
0x66: {  	_ =	shalt  }
0x67: {  	_ =	shalt  }
0x68: {  	_ =	shalt  }
0x69: {  	_ =	shalt  }
0x6a: {  	_ =	shalt  }
0x6b: {  	_ =	shalt  }
0x6c: {  	_ =	shalt  }
0x6d: {  	_ =	shalt  }
0x6e: {  	_ =	shalt  }
0x6f: {  	_ =	shalt  }
0x70: {  	_ =	shalt  }
0x71: {  	_ =	shalt  }
0x72: {  	_ =	shalt  }
0x73: {  	_ =	shalt  }
0x74: {  	_ =	shalt  }
0x75: {  	_ =	shalt  }
0x76: {  	_ =	shalt  }
0x77: {  	_ =	shalt  }
0x78: {  	_ =	shalt  }
0x79: {  	_ =	shalt  }
0x7a: {  	_ =	shalt  }
0x7b: {  	_ =	shalt  }
0x7c: {  	_ =	shalt  }
0x7d: {  	_ =	shalt  }
0x7e: {  	_ =	shalt  }
0x7f: {  	_ =	shalt  }
0x80: {  	_ =	shalt  }
0x81: {  	_ =	shalt  }
0x82: {  	_ =	shalt  }
0x83: {  	_ =	shalt  }
0x84: {  	_ =	shalt  }
0x85: {  	_ =	shalt  }
0x86: {  	_ =	shalt  }
0x87: {  	_ =	shalt  }
.Lfunc_end0:
.L_simem_size_0:
called_computation.3_lowered:
.L_overlay_start_0:
0x88: {  	s2 =	sld [smem:$0x3FD9]  }
0x89: {  	s3 =	sld [smem:$0x3FFE];
	_ =	sdelay $0x1  }
0x8a: {  	s1 =	srdreg.scid  }
0x8b: {  	s0 =	sand.u32 $0x1, s1  }
0x8c: {  	s17 =	sshll.u32 s0, $0xA;
	s2 =	sadd.s32 s3, s2  }
0x8d: {  	s2 =	sadd.s32 s2, s17  }
0x8e: {  	[smem:$0x3FBA] =	sst s2  }
0x8f: {  	_ = 	snop  }
0x90: {  	s2 =	sld [smem:$0x3FD0];
	(tm) =	ssettm $0x1  }
0x91: {  	s18 =	sld [smem:$0x3FFB];
	_ =	sdelay $0x3  }
0x92: {  	_ =	strace s18  }
0x93: {  	s3 =	sld [smem:$0x3FFC];
	_ =	sdelay $0x3  }
0x94: {  	_ =	strace s3  }
0x95: {  	s3 =	sld [smem:$0x3FFD];
	_ =	sdelay $0x3  }
0x96: {  	_ =	strace s3  }
0x97: {  	_ =	strace $0x8FFFFFFF  }
0x98: {  	s19 =	sld [smem:$0x3FDB];
	_ =	sdelay $0x1  }
0x99: {  	s4 =	simm.s32 $_scs_section_size  }
0x9a: {  	s5 =	simm.s32 $_size__tile_overlayer_lowered;
	s6 =	simm.s32 $_tile_overlayer_lowered  }
0x9b: {  	s22 =	simm.s32 $0x1BFF;
	s21 =	sshll.u32 s6, $0x1;
	s3 =	sadd.s32 s4, s19  }
0x9c: {  	s7 =	simm.s32 $0x0;
	s20 =	sshll.u32 s5, $0x1;
	s5 =	sadd.s32 s21, s3  }
0x9d: {  	[timem:s7], [sflag:s22] =	dma.local [hbm:s5], s20  }
0x9e: {  	_ =	swait.ge [sflag:s22], s20  }
0x9f: {  	s4 =	ssub.s32 $0x0, s20;
	[sflag:s22] =	ssyncset.done $0x0  }
0xa0: {  	[sflag:s22] =	ssyncadd.s32 s4;
	_ =	sdelay $0x1  }
0xa1: {  	s23 =	simm.s32 $0x1B8B  }
0xa2: {  	_ =	swait.ge [sflag:s23], $0x1  }
0xa3: {  	[sflag:s23] =	ssyncset.done $0x0  }
0xa4: {  	s25 =	simm.s32 $0x1B8E;
	s24 =	sld [smem:$0x3FFE];
	[sflag:s23] =	ssyncadd.s32 $0xFFFFFFFF  }
0xa5: {  	s26 =	simm.s32 $execute0_lowered;
	[smem:$0x3FD2] =	sst s25  }
0xa6: {  	s5 =	sshll.u32 s26, $0x1;
	_ =	strace $0x8000004F;
	[dreg:$0x1] =	wrdreg $0xFFFFFFFF  }
0xa7: {  	s28 =	simm.s32 $_size_execute0_lowered;
	s3 =	sadd.s32 s3, s5;
	[dreg:$0x0] =	wrdreg $0x0  }
0xa8: {  	s5 =	sshll.u32 s28, $0x1;
	[dreg:$0x2] =	wrdreg s3  }
0xa9: {  	[dreg:$0x3] =	wrdreg s5  }
0xaa: {  	[dreg:$0x4] =	wrdreg $0xC0  }
0xab: {  	_ =	task [dreg:s7], $0x5FFFF  }
0xac: {  	[dreg:$0x1] =	wrdreg $0xFFFFFFFF  }
0xad: {  	[dreg:$0x0] =	wrdreg $0x60  }
0xae: {  	[dreg:$0x2] =	wrdreg s2  }
0xaf: {  	[dreg:$0x3] =	wrdreg s24  }
0xb0: {  	[dreg:$0x4] =	wrdreg $0x98000  }
0xb1: {  	[dreg:$0x5] =	wrdreg $0x9  }
0xb2: {  	_ =	task.clear_ibuf [dreg:s7], $0x6FFFF;
	_ =	strace $0x9000004F  }
0xb3: {  	s29 =	simm.s32 $0x9;
	_ =	strace $0x80000051  }
0xb4: {  	_ =	swait.ge [sflag:s29], $0x1  }
0xb5: {  	[sflag:s29] =	ssyncadd.s32 $0xFFFFFFFF  }
0xb6: {  	_ =	strace $0x90000051  }
0xb7: {  	_ =	sfence  }
0xb8: {  	s30 =	sld [smem:$0x0];
	_ =	sdelay $0x2  }
0xb9: {  	s31 =	sshll.u32 s1, $0xD;
	s1 =	sshrl.u32 s1, $0x2  }
0xba: {  	s3 =	sand.u32 $0x4000, s31;
	s1 =	sadd.s32 s1, s30  }
0xbb: {  	s0 =	sor.u32 s3, s0;
	s1 =	sshll.u32 s1, $0x11  }
0xbc: {  	s0 =	sor.u32 s1, s0  }
0xbd: {  	s0 =	sadd.s32 $0x8F2B, s0  }
0xbe: {  	[sflag:s0] =	ssyncadd.remote.s32 $0x1  }
0xbf: {  	_ =	sfence.sel $0xFFFF  }
0xc0: {  	[dreg:$0x0] =	wrdreg $0xFFFFFFFF;
	(pc) =	sbr.abs _section_cstart, $3  }
0xc1: {  	[dreg:$0x1] =	wrdreg $0xFFFFFFFF  }
0xc2: {  	_ =	task.clear_ibuf [dreg:s7], $0x2FFFF;
	_ =	strace $0x9FFFFFFF  }
0xc3: {  	(tm) =	ssettm $0x7FFFFFFF  }
tec
execute0_lowered:
.L_overlay_start_1:
0x0: {  	(tag) =	ssettag $0x1  }
0x1: {  	s1 =	rddreg [dreg:$0x0]  }
0x2: {  	s0 =	rddreg [dreg:$0x1]  }
0x3: {  	s2 =	rddreg [dreg:$0x2];
	s4 =	simm.s32 $0x0;
	s3 =	srdreg.scid  }
0x4: {  	s11 =	stileid.u32;
	s29 =	simm.s32 $0x4;
	s12 =	simm.s32 $0xE00  }
0x5: {  	s13 =	simm.s32 $0x700;
	s28 =	simm.s32 $0x780;
	s30 =	simm.s32 $0xF00  }
0x6: {  	s31 =	simm.s32 $0xF80;
	[smem:$0x7FF] =	sst s4;
	s8 =	smul.u32 $0x14000, s11  }
0x7: {  	s3 =	sand.u32 $0x1, s3;
	s5 =	sadd.s32 $0xE000, s0;
	s9 =	smul.u32 $0x50000, s11  }
0x8: {  	s7 =	smul.u32 $0x140000, s3;
	_ =	strace $0x80000050;
	s6 =	sshll.u32 s3, $0x4  }
0x9: {  	s17 =	ssub.s32 $0x2, s3;
	s3 =	smul.u32 $0x28000, s3;
	s10 =	sor.u32 s11, s6  }
0xa: {  	s6 =	sadd.s32 $0x4000, s0;
	s18 =	sshrl.u32 s17, $0x1;
	s11 =	smul.u32 $0x2800, s11  }
0xb: {  	s19 =	sshrl.u32 s9, $0x2;
	s7 =	sadd.s32 s8, s7;
	s16 =	smul.u32 $0x2800, s10  }
0xc: {  	s10 =	ssub.s32 s17, s18;
	s17 =	simm.s32 $0x9000;
	s18 =	simm.s32 $0x5  }
0xd: {  	s7 =	sshrl.u32 s7, $0x3;
	s3 =	sadd.s32 s11, s3;
	s25 =	smax.u32 s10, $0x1  }
0xe: {  	s11 =	simm.s32 $0x680;
	s0 =	sadd.s32 s7, s0;
	s8 =	sshrl.u32 s16, $0x3  }
0xf: {  	s7 =	sadd.s32 s19, s2;
	s22 =	sadd.s32 $0xC00, s3;
	[dreg:$0x9] =	wrdreg s25  }
0x10: {  	s26 =	sadd.s32 $0x800, s3;
	s25 =	simm.s32 $0x5000;
	s19 =	simm.s32 $0x2  }
0x11: {  	s16 =	simm.s32 $0xE80;
	s3 =	simm.s32 $0x0;
	s20 =	sadd.s32 s5, s8  }
0x12: {  	s21 =	sadd.s32 s6, s8;
	s8 =	sor.u32 $0x80, s8;
	s24 =	sshrl.u32 s22, $0x3  }
0x13: {  	s0 =	sadd.s32 $0x18000, s0;
	[dreg:$0xa] =	wrdreg s26;
	s22 =	simm.s32 $0x1  }
.Ltmp0:
0x14: {  	s26 =	simm.s32 $0x3;
	[dreg:$0x4] =	wrdreg s20;
	(pc) =	sbr.rel .LBB2_1-.Ltmp0, $4  }
0x15: {  	[dreg:$0x5] =	wrdreg s21;
	s23 =	sadd.s32 s5, s8;
	s8 =	sadd.s32 s6, s8  }
0x16: {  	[dreg:$0x8] =	wrdreg s0;
	s14 =	sadd.s32 s24, s6;
	s15 =	sadd.s32 s24, s5  }
0x17: {  	s20 =	simm.s32 $0x400;
	s21 =	simm.s32 $0xC00;
	[dreg:$0x6] =	wrdreg s23  }
0x18: {  	v0 =	vimm.f32 $0.0e+00;
	s24 =	simm.s32 $0x1000;
	[dreg:$0x7] =	wrdreg s8;
	s23 =	simm.s32 $0x80  }
.LBB2_8:
0x19: {  	s0 =	stileid.u32  }
0x1a: {  	[bflag:$0x0] =	sbarrier.arrive $0xFFFF;
	s0 =	sshll.u32 s0, $0x6  }
0x1b: {  	s3 =	sshrl.u32 s7, $0x3;
	s8 =	rddreg [dreg:$0x8];
	s0 =	sor.u32 $0x1C05, s0  }
0x1c: {  	[hbm:s8], [sflag:s0] =	dma.local [spmem:s3], $0x2800  }
0x1d: {  	_ =	swait.ge [sflag:s18], $0x2800  }
0x1e: {  	s9 =	rddreg [dreg:$0xb]  }
0x1f: {  	s10 =	rddreg [dreg:$0x9];
	s3 =	sadd.s32 $0x1, s9  }
0x20: {  	p0 =	sne.s32 s3, s10  }
.Ltmp1:
0x21: {  	_ = 	snop;
	(pc) =	sbr.rel @!p0 .LBB2_9-.Ltmp1, $3  }
0x22: {  	_ =	sdelay $0x1  }
0x23: {  	[sflag:s18] =	ssyncset.done $0x0  }
0x24: {  	[sflag:s18] =	ssyncadd.s32 $0xFFFFD800  }
.LBB2_1:
0x25: {  	[dreg:$0xb] =	wrdreg s3;
	s0 =	simm.s32 $0x0;
	s3 =	simm.s32 $0x200  }
.LBB2_2:
0x26: {  	p0 =	sne.s32 s3, $0x1E00;
	[tilespmem:s0+$0x9070] =	vst v0  }
0x27: {  	[tilespmem:s0+$0x9000] =	vst v0  }
0x28: {  	[tilespmem:s0+$0x9010] =	vst v0  }
.Ltmp2:
0x29: {  	[tilespmem:s0+$0x9020] =	vst v0;
	(pc) =	sbr.rel @p0 .LBB2_2-.Ltmp2, $4  }
0x2a: {  	[tilespmem:s0+$0x9030] =	vst v0  }
0x2b: {  	[tilespmem:s0+$0x9040] =	vst v0  }
0x2c: {  	[tilespmem:s0+$0x9050] =	vst v0  }
0x2d: {  	[tilespmem:s0+$0x9060] =	vst v0;
	s0 =	sshra.s32 s3, $0x2;
	s3 =	sadd.s32 $0x200, s3  }
0x2e: {  	[tilespmem:s0+$0x9070] =	vst v0  }
0x2f: {  	[tilespmem:s0+$0x9000] =	vst v0  }
0x30: {  	[tilespmem:s0+$0x9010] =	vst v0  }
0x31: {  	[tilespmem:s0+$0x9020] =	vst v0  }
0x32: {  	[tilespmem:s0+$0x9030] =	vst v0  }
0x33: {  	[tilespmem:s0+$0x9040] =	vst v0  }
0x34: {  	[tilespmem:s0+$0x9050] =	vst v0  }
0x35: {  	[tilespmem:s0+$0x9060] =	vst v0;
	s10 =	sadd.s32 $0x0, s7  }
0x36: {  	[spmem:s10] =	stream.linear.scatter [tilespmem:s17], [sflag:$0x5], $0x800, $0x38;
	[tilespmem:$0x1D800] =	vst v63  }
0x37: {  	s0 =	simm.s32 $0x2000;
	_ =	swait.ge [sflag:s18], $0x800  }
.LBB2_4:
0x38: {  	s3 =	sshra.s32 s0, $0x2;
	[sflag:s18] =	ssyncset.done $0x0;
	p0 =	sne.s32 s0, $0x4E000  }
.Ltmp3:
0x39: {  	s3 =	sadd.s32 s3, s7;
	[sflag:s18] =	ssyncadd.s32 $0xFFFFF800;
	(pc) =	sbr.rel @p0 .LBB2_4-.Ltmp3, $3  }
0x3a: {  	[spmem:s3] =	stream.linear.scatter [tilespmem:s17], [sflag:$0x5], $0x800, $0x38;
	[tilespmem:$0x1D800] =	vst v63  }
0x3b: {  	s0 =	sadd.s32 $0x2000, s0;
	_ =	sdelay $0x1  }
0x3c: {  	_ =	swait.ge [sflag:s18], $0x800  }
0x3d: {  	[sflag:s18] =	ssyncset.done $0x0  }
0x3e: {  	[sflag:s18] =	ssyncadd.s32 $0xFFFFF800  }
0x3f: {  	[bflag:$0x0] =	sbarrier.arrive $0xFFFF  }
0x40: {  	s3 =	rddreg [dreg:$0x4]  }
0x41: {  	s0 =	simm.s32 $0x0;
	s10 =	rddreg [dreg:$0x5]  }
0x42: {  	[tilespmem:s0], [sflag:$0x1] =	stream.linear.gather [hbm4b:s3+s0], $0x400, $0x38;
	[tilespmem:$0x1D800] =	vst v63  }
0x43: {  	s8 =	simm.s32 $0x800;
	s9 =	rddreg [dreg:$0x6]  }
0x44: {  	[tilespmem:s8], [sflag:$0x1] =	stream.linear.gather [hbm4b:s10+s0], $0x400, $0x38;
	[tilespmem:$0x1D800] =	vst v63  }
0x45: {  	s3 =	rddreg [dreg:$0xa]  }
0x46: {  	[tilespmem:s20], [sflag:$0x2] =	stream.linear.gather [hbm4b:s9+s0], $0x400, $0x38;
	[tilespmem:$0x1D800] =	vst v63  }
0x47: {  	s10 =	rddreg [dreg:$0x7]  }
0x48: {  	[tilespmem:s21], [sflag:$0x2] =	stream.linear.gather [hbm4b:s10+s0], $0x400, $0x38;
	[tilespmem:$0x1D800] =	vst v63  }
.LBB2_6:
0x49: {  	_ =	swait.ge [sflag:s22], $0x400  }
0x4a: {  	[sflag:s22] =	ssyncset.done $0x0  }
0x4b: {  	[sflag:s22] =	ssyncadd.s32 $0xFFFFFC00  }
0x4c: {  	_ =	swait.ge [sflag:s22], $0x400  }
0x4d: {  	[sflag:s22] =	ssyncset.done $0x0  }
0x4e: {  	[sflag:s22] =	ssyncadd.s32 $0xFFFFFC00  }
0x4f: {  	[tilespmem:s24], [sflag:$0x3] =	stream.indirect.gather [hbm4b:s1+s23], $0x80, s4, s23, $0xb8;
	[tilespmem:$0x1D800] =	vst v63  }
0x50: {  	_ = 	snop  }
0x51: {  	[tilespmem:s25], [sflag:$0x4] =	stream.indirect.gather [hbm4b:s1+s23], $0x80, s23, s23, $0xb8;
	[tilespmem:$0x1D800] =	vst v63  }
0x52: {  	_ =	swait.ge [sflag:s26], $0x4000  }
0x53: {  	[sflag:s26] =	ssyncset.done $0x0  }
0x54: {  	s8 =	simm.s32 $0x800;
	[sflag:s26] =	ssyncadd.s32 $0xFFFFC000  }
0x55: {  	[spmem:s2] =	stream.indirect.scatter.add.f32 [tilespmem:s24], [sflag:$0x5], $0x80, s8, s23, $0xb8;
	[tilespmem:$0x1D800] =	vst v63  }
0x56: {  	_ =	swait.ge [sflag:s18], $0x4000  }
0x57: {  	[sflag:s18] =	ssyncset.done $0x0  }
0x58: {  	s9 =	simm.s32 $0x100;
	[sflag:s18] =	ssyncadd.s32 $0xFFFFC000  }
0x59: {  	[tilespmem:s24], [sflag:$0x3] =	stream.indirect.gather [hbm4b:s1+s23], $0x80, s9, s23, $0xb8;
	[tilespmem:$0x1D800] =	vst v63  }
0x5a: {  	_ =	swait.ge [sflag:s29], $0x4000  }
0x5b: {  	[sflag:s29] =	ssyncset.done $0x0  }
0x5c: {  	s10 =	simm.s32 $0x880;
	[sflag:s29] =	ssyncadd.s32 $0xFFFFC000  }
0x5d: {  	[spmem:s2] =	stream.indirect.scatter.add.f32 [tilespmem:s25], [sflag:$0x5], $0x80, s10, s23, $0xb8;
	[tilespmem:$0x1D800] =	vst v63  }
0x5e: {  	_ =	swait.ge [sflag:s18], $0x4000  }
0x5f: {  	[sflag:s18] =	ssyncset.done $0x0  }
0x60: {  	s9 =	simm.s32 $0x180;
	[sflag:s18] =	ssyncadd.s32 $0xFFFFC000  }
0x61: {  	[tilespmem:s25], [sflag:$0x4] =	stream.indirect.gather [hbm4b:s1+s23], $0x80, s9, s23, $0xb8;
	[tilespmem:$0x1D800] =	vst v63  }
0x62: {  	_ =	swait.ge [sflag:s26], $0x4000  }
0x63: {  	[sflag:s26] =	ssyncset.done $0x0  }
0x64: {  	s10 =	simm.s32 $0x900;
	[sflag:s26] =	ssyncadd.s32 $0xFFFFC000  }
0x65: {  	[spmem:s2] =	stream.indirect.scatter.add.f32 [tilespmem:s24], [sflag:$0x5], $0x80, s10, s23, $0xb8;
	[tilespmem:$0x1D800] =	vst v63  }
0x66: {  	_ =	swait.ge [sflag:s18], $0x4000  }
0x67: {  	[sflag:s18] =	ssyncset.done $0x0  }
0x68: {  	s9 =	simm.s32 $0x200;
	[sflag:s18] =	ssyncadd.s32 $0xFFFFC000  }
0x69: {  	[tilespmem:s24], [sflag:$0x3] =	stream.indirect.gather [hbm4b:s1+s23], $0x80, s9, s23, $0xb8;
	[tilespmem:$0x1D800] =	vst v63  }
0x6a: {  	_ =	swait.ge [sflag:s29], $0x4000  }
0x6b: {  	[sflag:s29] =	ssyncset.done $0x0  }
0x6c: {  	s10 =	simm.s32 $0x980;
	[sflag:s29] =	ssyncadd.s32 $0xFFFFC000  }
0x6d: {  	[spmem:s2] =	stream.indirect.scatter.add.f32 [tilespmem:s25], [sflag:$0x5], $0x80, s10, s23, $0xb8;
	[tilespmem:$0x1D800] =	vst v63  }
0x6e: {  	_ =	swait.ge [sflag:s18], $0x4000  }
0x6f: {  	[sflag:s18] =	ssyncset.done $0x0  }
0x70: {  	s9 =	simm.s32 $0x280;
	[sflag:s18] =	ssyncadd.s32 $0xFFFFC000  }
0x71: {  	[tilespmem:s25], [sflag:$0x4] =	stream.indirect.gather [hbm4b:s1+s23], $0x80, s9, s23, $0xb8;
	[tilespmem:$0x1D800] =	vst v63  }
0x72: {  	_ =	swait.ge [sflag:s26], $0x4000  }
0x73: {  	[sflag:s26] =	ssyncset.done $0x0  }
0x74: {  	s10 =	simm.s32 $0xA00;
	[sflag:s26] =	ssyncadd.s32 $0xFFFFC000  }
0x75: {  	[spmem:s2] =	stream.indirect.scatter.add.f32 [tilespmem:s24], [sflag:$0x5], $0x80, s10, s23, $0xb8;
	[tilespmem:$0x1D800] =	vst v63  }
0x76: {  	_ =	swait.ge [sflag:s18], $0x4000  }
0x77: {  	[sflag:s18] =	ssyncset.done $0x0  }
0x78: {  	s9 =	simm.s32 $0x300;
	[sflag:s18] =	ssyncadd.s32 $0xFFFFC000  }
0x79: {  	[tilespmem:s24], [sflag:$0x3] =	stream.indirect.gather [hbm4b:s1+s23], $0x80, s9, s23, $0xb8;
	[tilespmem:$0x1D800] =	vst v63  }
0x7a: {  	_ =	swait.ge [sflag:s29], $0x4000  }
0x7b: {  	[sflag:s29] =	ssyncset.done $0x0  }
0x7c: {  	s10 =	simm.s32 $0xA80;
	[sflag:s29] =	ssyncadd.s32 $0xFFFFC000  }
0x7d: {  	[spmem:s2] =	stream.indirect.scatter.add.f32 [tilespmem:s25], [sflag:$0x5], $0x80, s10, s23, $0xb8;
	[tilespmem:$0x1D800] =	vst v63  }
0x7e: {  	_ =	swait.ge [sflag:s18], $0x4000  }
0x7f: {  	[sflag:s18] =	ssyncset.done $0x0  }
0x80: {  	s9 =	simm.s32 $0x380;
	[sflag:s18] =	ssyncadd.s32 $0xFFFFC000  }
0x81: {  	[tilespmem:s25], [sflag:$0x4] =	stream.indirect.gather [hbm4b:s1+s23], $0x80, s9, s23, $0xb8;
	[tilespmem:$0x1D800] =	vst v63  }
0x82: {  	_ =	swait.ge [sflag:s26], $0x4000  }
0x83: {  	[sflag:s26] =	ssyncset.done $0x0  }
0x84: {  	s10 =	simm.s32 $0xB00;
	[sflag:s26] =	ssyncadd.s32 $0xFFFFC000  }
0x85: {  	[spmem:s2] =	stream.indirect.scatter.add.f32 [tilespmem:s24], [sflag:$0x5], $0x80, s10, s23, $0xb8;
	[tilespmem:$0x1D800] =	vst v63  }
0x86: {  	_ =	swait.ge [sflag:s18], $0x4000  }
0x87: {  	[sflag:s18] =	ssyncset.done $0x0  }
0x88: {  	[sflag:s18] =	ssyncadd.s32 $0xFFFFC000  }
0x89: {  	_ =	swait.ge [sflag:s29], $0x4000  }
0x8a: {  	[sflag:s29] =	ssyncset.done $0x0  }
0x8b: {  	s9 =	simm.s32 $0xB80;
	[sflag:s29] =	ssyncadd.s32 $0xFFFFC000  }
0x8c: {  	[spmem:s2] =	stream.indirect.scatter.add.f32 [tilespmem:s25], [sflag:$0x5], $0x80, s9, s23, $0xb8;
	[tilespmem:$0x1D800] =	vst v63  }
0x8d: {  	p0 =	seq.s32 s0, $0x400;
	_ =	swait.ge [sflag:s18], $0x4000  }
0x8e: {  	s8 =	sshrl.u32 @!p0 s3, $0x3;
	[sflag:s18] =	ssyncset.done $0x0  }
0x8f: {  	s10 =	simm.s32 @!p0 $0x0;
	s9 =	sadd.s32 @!p0 s5, s8;
	[sflag:s18] =	ssyncadd.s32 $0xFFFFC000  }
0x90: {  	[tilespmem:s10], [sflag:$0x1] =	stream.linear.gather @!p0 [hbm4b:s9+s10], $0x400, $0x38;
	[tilespmem:$0x1D800] =	vst v63  }
0x91: {  	s8 =	sadd.s32 @!p0 s6, s8;
	s9 =	simm.s32 @!p0 $0x800  }
0x92: {  	[tilespmem:s9], [sflag:$0x1] =	stream.linear.gather @!p0 [hbm4b:s8+s10], $0x400, $0x38;
	[tilespmem:$0x1D800] =	vst v63  }
0x93: {  	_ =	swait.ge [sflag:s19], $0x400  }
0x94: {  	[sflag:s19] =	ssyncset.done $0x0  }
0x95: {  	[sflag:s19] =	ssyncadd.s32 $0xFFFFFC00  }
0x96: {  	_ =	swait.ge [sflag:s19], $0x400  }
0x97: {  	[sflag:s19] =	ssyncset.done $0x0  }
0x98: {  	[sflag:s19] =	ssyncadd.s32 $0xFFFFFC00  }
0x99: {  	[tilespmem:s24], [sflag:$0x3] =	stream.indirect.gather [hbm4b:s1+s23], $0x80, s20, s23, $0xb8;
	[tilespmem:$0x1D800] =	vst v63  }
0x9a: {  	s10 =	simm.s32 $0x480  }
0x9b: {  	[tilespmem:s25], [sflag:$0x4] =	stream.indirect.gather [hbm4b:s1+s23], $0x80, s10, s23, $0xb8;
	[tilespmem:$0x1D800] =	vst v63  }
0x9c: {  	_ =	swait.ge [sflag:s26], $0x4000  }
0x9d: {  	[sflag:s26] =	ssyncset.done $0x0  }
0x9e: {  	[sflag:s26] =	ssyncadd.s32 $0xFFFFC000  }
0x9f: {  	[spmem:s2] =	stream.indirect.scatter.add.f32 [tilespmem:s24], [sflag:$0x5], $0x80, s21, s23, $0xb8;
	[tilespmem:$0x1D800] =	vst v63  }
0xa0: {  	_ =	swait.ge [sflag:s18], $0x4000  }
0xa1: {  	[sflag:s18] =	ssyncset.done $0x0  }
0xa2: {  	s9 =	simm.s32 $0x500;
	[sflag:s18] =	ssyncadd.s32 $0xFFFFC000  }
0xa3: {  	[tilespmem:s24], [sflag:$0x3] =	stream.indirect.gather [hbm4b:s1+s23], $0x80, s9, s23, $0xb8;
	[tilespmem:$0x1D800] =	vst v63  }
0xa4: {  	_ =	swait.ge [sflag:s29], $0x4000  }
0xa5: {  	[sflag:s29] =	ssyncset.done $0x0  }
0xa6: {  	s10 =	simm.s32 $0xC80;
	[sflag:s29] =	ssyncadd.s32 $0xFFFFC000  }
0xa7: {  	[spmem:s2] =	stream.indirect.scatter.add.f32 [tilespmem:s25], [sflag:$0x5], $0x80, s10, s23, $0xb8;
	[tilespmem:$0x1D800] =	vst v63  }
0xa8: {  	_ =	swait.ge [sflag:s18], $0x4000  }
0xa9: {  	[sflag:s18] =	ssyncset.done $0x0  }
0xaa: {  	s9 =	simm.s32 $0x580;
	[sflag:s18] =	ssyncadd.s32 $0xFFFFC000  }
0xab: {  	[tilespmem:s25], [sflag:$0x4] =	stream.indirect.gather [hbm4b:s1+s23], $0x80, s9, s23, $0xb8;
	[tilespmem:$0x1D800] =	vst v63  }
0xac: {  	_ =	swait.ge [sflag:s26], $0x4000  }
0xad: {  	[sflag:s26] =	ssyncset.done $0x0  }
0xae: {  	s10 =	simm.s32 $0xD00;
	[sflag:s26] =	ssyncadd.s32 $0xFFFFC000  }
0xaf: {  	[spmem:s2] =	stream.indirect.scatter.add.f32 [tilespmem:s24], [sflag:$0x5], $0x80, s10, s23, $0xb8;
	[tilespmem:$0x1D800] =	vst v63  }
0xb0: {  	_ =	swait.ge [sflag:s18], $0x4000  }
0xb1: {  	[sflag:s18] =	ssyncset.done $0x0  }
0xb2: {  	s9 =	simm.s32 $0x600;
	[sflag:s18] =	ssyncadd.s32 $0xFFFFC000  }
0xb3: {  	[tilespmem:s24], [sflag:$0x3] =	stream.indirect.gather [hbm4b:s1+s23], $0x80, s9, s23, $0xb8;
	[tilespmem:$0x1D800] =	vst v63  }
0xb4: {  	_ =	swait.ge [sflag:s29], $0x4000  }
0xb5: {  	[sflag:s29] =	ssyncset.done $0x0  }
0xb6: {  	s10 =	simm.s32 $0xD80;
	[sflag:s29] =	ssyncadd.s32 $0xFFFFC000  }
0xb7: {  	[spmem:s2] =	stream.indirect.scatter.add.f32 [tilespmem:s25], [sflag:$0x5], $0x80, s10, s23, $0xb8;
	[tilespmem:$0x1D800] =	vst v63  }
0xb8: {  	_ =	swait.ge [sflag:s18], $0x4000  }
0xb9: {  	[sflag:s18] =	ssyncset.done $0x0  }
0xba: {  	[sflag:s18] =	ssyncadd.s32 $0xFFFFC000  }
0xbb: {  	[tilespmem:s25], [sflag:$0x4] =	stream.indirect.gather [hbm4b:s1+s23], $0x80, s11, s23, $0xb8;
	[tilespmem:$0x1D800] =	vst v63  }
0xbc: {  	_ =	swait.ge [sflag:s26], $0x4000  }
0xbd: {  	[sflag:s26] =	ssyncset.done $0x0  }
0xbe: {  	[sflag:s26] =	ssyncadd.s32 $0xFFFFC000  }
0xbf: {  	[spmem:s2] =	stream.indirect.scatter.add.f32 [tilespmem:s24], [sflag:$0x5], $0x80, s12, s23, $0xb8;
	[tilespmem:$0x1D800] =	vst v63  }
0xc0: {  	_ =	swait.ge [sflag:s18], $0x4000  }
0xc1: {  	[sflag:s18] =	ssyncset.done $0x0  }
0xc2: {  	[sflag:s18] =	ssyncadd.s32 $0xFFFFC000  }
0xc3: {  	[tilespmem:s24], [sflag:$0x3] =	stream.indirect.gather [hbm4b:s1+s23], $0x80, s13, s23, $0xb8;
	[tilespmem:$0x1D800] =	vst v63  }
0xc4: {  	_ =	swait.ge [sflag:s29], $0x4000  }
0xc5: {  	[sflag:s29] =	ssyncset.done $0x0  }
0xc6: {  	[sflag:s29] =	ssyncadd.s32 $0xFFFFC000  }
0xc7: {  	[spmem:s2] =	stream.indirect.scatter.add.f32 [tilespmem:s25], [sflag:$0x5], $0x80, s16, s23, $0xb8;
	[tilespmem:$0x1D800] =	vst v63  }
0xc8: {  	_ =	swait.ge [sflag:s18], $0x4000  }
0xc9: {  	[sflag:s18] =	ssyncset.done $0x0  }
0xca: {  	[sflag:s18] =	ssyncadd.s32 $0xFFFFC000  }
0xcb: {  	[tilespmem:s25], [sflag:$0x4] =	stream.indirect.gather [hbm4b:s1+s23], $0x80, s28, s23, $0xb8;
	[tilespmem:$0x1D800] =	vst v63  }
0xcc: {  	_ =	swait.ge [sflag:s26], $0x4000  }
0xcd: {  	[sflag:s26] =	ssyncset.done $0x0  }
0xce: {  	[sflag:s26] =	ssyncadd.s32 $0xFFFFC000  }
0xcf: {  	[spmem:s2] =	stream.indirect.scatter.add.f32 [tilespmem:s24], [sflag:$0x5], $0x80, s30, s23, $0xb8;
	[tilespmem:$0x1D800] =	vst v63  }
0xd0: {  	_ =	swait.ge [sflag:s18], $0x4000  }
0xd1: {  	[sflag:s18] =	ssyncset.done $0x0  }
0xd2: {  	[sflag:s18] =	ssyncadd.s32 $0xFFFFC000  }
0xd3: {  	_ =	swait.ge [sflag:s29], $0x4000  }
0xd4: {  	[sflag:s29] =	ssyncset.done $0x0  }
.Ltmp4:
0xd5: {  	[sflag:s29] =	ssyncadd.s32 $0xFFFFC000;
	(pc) =	sbr.rel @p0 .LBB2_8-.Ltmp4, $4  }
0xd6: {  	[spmem:s2] =	stream.indirect.scatter.add.f32 [tilespmem:s25], [sflag:$0x5], $0x80, s31, s23, $0xb8;
	[tilespmem:$0x1D800] =	vst v63  }
0xd7: {  	_ =	swait.ge [sflag:s18], $0x4000  }
0xd8: {  	[sflag:s18] =	ssyncset.done $0x0  }
0xd9: {  	[sflag:s18] =	ssyncadd.s32 $0xFFFFC000  }
.Ltmp5:
0xda: {  	(pc) =	sbr.rel .LBB2_6-.Ltmp5, $4  }
0xdb: {  	s8 =	sadd.s32 s0, s15  }
0xdc: {  	[tilespmem:s20], [sflag:$0x2] =	stream.linear.gather [hbm4b:s8+s4], $0x400, $0x38;
	[tilespmem:$0x1D800] =	vst v63  }
0xdd: {  	s10 =	sadd.s32 s0, s14;
	s0 =	sadd.s32 $0x100, s0;
	s3 =	sadd.s32 $0x800, s3  }
0xde: {  	[tilespmem:s21], [sflag:$0x2] =	stream.linear.gather [hbm4b:s10+s4], $0x400, $0x38;
	[tilespmem:$0x1D800] =	vst v63  }
.LBB2_9:
0xdf: {  	_ =	sfence.sel $0x180000  }
0xe0: {  	[bflag:$0x0] =	sbarrier.arrive $0xFFFF  }
0xe1: {  	_ =	strace $0x90000050  }
0xe2: {  	s0 =	stileid.u32;
	[bflag:$0x2] =	sbarrier.arrive $0xFFFF  }
0xe3: {  	p0 =	sne.s32 s0, $0x0;
	s0 =	rddreg [dreg:$0x3]  }
0xe4: {  	s0 =	sadd.s32 @!p0 $0x100000, s0  }
0xe5: {  	[sflag:s0] =	ssyncadd.tile.s32 @!p0 $0x1;
	_ =	shalt  }
.Lfunc_end2:
_tile_overlayer_lowered:
.L_overlay_start_2:
0xe6: {  	(tag) =	ssettag $0x2  }
0xe7: {  	s0 =	rddreg [dreg:$0x0];
	s2 =	stileid.u32  }
0xe8: {  	s1 =	rddreg [dreg:$0x1];
	p0 =	sne.s32 s2, $0x0  }
0xe9: {  	s3 =	rddreg [dreg:$0x2];
	[bflag:$0x3] =	sbarrier.arrive $0xFFFF;
	s2 =	simm.s32 @!p0 $0x1C05  }
0xea: {  	[timem:s3], [sflag:s2] =	dma.local @!p0 [hbm:s0], s1  }
0xeb: {  	s0 =	simm.s32 @!p0 $0x5  }
0xec: {  	_ =	swait.ge @!p0 [sflag:s0], s1  }
0xed: {  	s1 =	ssub.s32 @!p0 $0x0, s1;
	[sflag:s0] =	ssyncset.done @!p0 $0x0  }
0xee: {  	[sflag:s0] =	ssyncadd.s32 @!p0 s1  }
0xef: {  	[bflag:$0x3] =	sbarrier.arrive $0xFFFF  }
0xf0: {  	_ =	shalt  }

</sc_bundles>
